<compile_context>
chip_gen: v7x
topology: tpu7x:2x2x1
jax: 0.10.2.dev20260603
libtpu: 0.0.44.dev20260713+nightly
codegen_flags: <defaults>
</compile_context>

<pallas_src>
import jax
import jax.numpy as jnp
from jax import lax
from jax.experimental import pallas as pl
from jax.experimental.pallas import tpu as pltpu
from jax.experimental.pallas import tpu_sc as plsc

N = 10000
D = 128
E = 320000
L = 200000
NC = 2
NS = 16
NW = NC * NS
RPA = 624
RPB = N - 15 * RPA
NPAD = N + 512

CH = 128
CPW = 80
EPAD = NW * CPW * CH
NB = 4

LNC = 56
LPW = LNC * CH
LPAD = LPW * NW

_F32 = jnp.float32
_I32 = jnp.int32


def _mesh():
    return plsc.VectorSubcoreMesh(
        core_axis_name="c", subcore_axis_name="s",
        num_cores=NC, num_subcores=NS)


def _wid():
    return lax.axis_index("s") * NC + lax.axis_index("c")


def _rows_copy(sid, copy_fn):
    @pl.when(sid != NS - 1)
    def _():
        copy_fn(sid * RPA, RPA)

    @pl.when(sid == NS - 1)
    def _():
        copy_fn((NS - 1) * RPA, RPB)


def _init_acc(cid, sid, self_hbm, zeros_hbm, acc):
    def _init(r0, nr):
        r0 = pl.multiple_of(r0, 8)

        @pl.when(cid == 0)
        def _():
            pltpu.sync_copy(self_hbm.at[pl.ds(r0, nr)], acc.at[pl.ds(r0, nr)])

        @pl.when(cid != 0)
        def _():
            pltpu.sync_copy(zeros_hbm.at[pl.ds(r0, nr)], acc.at[pl.ds(r0, nr)])

    _rows_copy(sid, _init)

    @pl.when(sid == 0)
    def _():
        pltpu.sync_copy(zeros_hbm.at[pl.ds(0, NPAD - N)], acc.at[pl.ds(N, NPAD - N)])


def _wb_acc(cid, sid, acc, out_hbm):
    def _wb(r0, nr):
        r0 = pl.multiple_of(r0, 8)
        o0 = pl.multiple_of(cid * N + r0, 8)
        pltpu.sync_copy(acc.at[pl.ds(r0, nr)], out_hbm.at[pl.ds(o0, nr)])

    _rows_copy(sid, _wb)


def _deg_body(dst2_hbm, zeros_hbm, ones_hbm, out_hbm,
              didx, ones_v, acc, s0, s1, s2, s3):
    sems = [s0, s1, s2, s3]
    cid = lax.axis_index("c")
    sid = lax.axis_index("s")
    wid = _wid()

    pltpu.sync_copy(dst2_hbm.at[pl.ds(wid * CPW, CPW)], didx)
    pltpu.sync_copy(ones_hbm, ones_v)
    _init_acc(cid, sid, zeros_hbm, zeros_hbm, acc)
    plsc.subcore_barrier()

    for b in range(NB):
        pltpu.async_copy(ones_v, acc.at[didx.at[b]], sems[b], add=True)

    @pl.loop(0, CPW // NB)
    def _outer(o):
        for b in range(NB):
            i = o * NB + b
            pltpu.make_async_copy(ones_v, acc.at[didx.at[i]], sems[b]).wait()

            @pl.when(o < CPW // NB - 1)
            def _():
                pltpu.async_copy(ones_v, acc.at[didx.at[i + NB]],
                                 sems[b], add=True)

    plsc.subcore_barrier()
    _wb_acc(cid, sid, acc, out_hbm)


def _msg_body(hs_hbm, src2_hbm, dst2_hbm, zeros_hbm, out_hbm,
              sidx, didx, r0b, r1b, acc, g0, g1, d0, d1):
    rows = [r0b, r1b]
    gsem = [g0, g1]
    dsem = [d0, d1]
    cid = lax.axis_index("c")
    sid = lax.axis_index("s")
    wid = _wid()
    cb = wid * CPW
    nblk = CPW // 8

    pltpu.sync_copy(src2_hbm.at[pl.ds(cb, CPW)], sidx)
    pltpu.sync_copy(dst2_hbm.at[pl.ds(cb, 8)], didx.at[0])
    pltpu.sync_copy(dst2_hbm.at[pl.ds(cb + 8, 8)], didx.at[1])
    for b in range(2):
        pltpu.async_copy(hs_hbm.at[sidx.at[b]], rows[b], gsem[b])

    _init_acc(cid, sid, hs_hbm, zeros_hbm, acc)
    plsc.subcore_barrier()

    @pl.loop(0, nblk // 2)
    def _outer(oo):
        for bb in range(2):
            g = oo * 2 + bb

            @pl.when(g >= 2)
            def _():
                pltpu.make_async_copy(dst2_hbm.at[pl.ds(cb + g * 8, 8)],
                                      didx.at[bb], dsem[bb]).wait()

            for s in range(8):
                i = g * 8 + s
                rb = s % 2
                pltpu.make_async_copy(hs_hbm.at[sidx.at[i]], rows[rb],
                                      gsem[rb]).wait()
                pltpu.async_copy(rows[rb], acc.at[didx.at[bb, s]],
                                 gsem[rb], add=True).wait()

                @pl.when(i + 2 < CPW)
                def _():
                    pltpu.async_copy(hs_hbm.at[sidx.at[i + 2]], rows[rb],
                                     gsem[rb])

            @pl.when(g + 2 < nblk)
            def _():
                pltpu.async_copy(dst2_hbm.at[pl.ds(cb + (g + 2) * 8, 8)],
                                 didx.at[bb], dsem[bb])

    plsc.subcore_barrier()
    _wb_acc(cid, sid, acc, out_hbm)


def _dec_body(z_hbm, srcl2_hbm, dstl2_hbm, out_hbm,
              aidx, bidx, ar0, ar1, br0, br1, p16_v, s0, s1):
    arows = [ar0, ar1]
    brows = [br0, br1]
    sems = [s0, s1]
    wid = _wid()
    cb = wid * LNC

    pltpu.sync_copy(srcl2_hbm.at[pl.ds(cb, LNC)], aidx)
    pltpu.sync_copy(dstl2_hbm.at[pl.ds(cb, LNC)], bidx)
    for b in range(2):
        pltpu.async_copy(z_hbm.at[aidx.at[b]], arows[b], sems[b])
        pltpu.async_copy(z_hbm.at[bidx.at[b]], brows[b], sems[b])

    @pl.loop(0, LNC // 2)
    def _outer(o):
        for b in range(2):
            i = o * 2 + b
            pltpu.make_async_copy(z_hbm.at[aidx.at[i]], arows[b],
                                  sems[b]).wait()
            pltpu.make_async_copy(z_hbm.at[bidx.at[i]], brows[b],
                                  sems[b]).wait()

            @pl.loop(0, CH)
            def _edge(e):
                p = arows[b][e, pl.ds(0, 16)] * brows[b][e, pl.ds(0, 16)]
                for j in range(1, 8):
                    p = p + (arows[b][e, pl.ds(16 * j, 16)]
                             * brows[b][e, pl.ds(16 * j, 16)])
                p16_v[e, :] = p

            pltpu.sync_copy(
                p16_v, out_hbm.at[pl.ds(pl.multiple_of((cb + i) * CH, 8), CH)])

            @pl.when(o < LNC // 2 - 1)
            def _():
                pltpu.async_copy(z_hbm.at[aidx.at[i + 2]], arows[b], sems[b])
                pltpu.async_copy(z_hbm.at[bidx.at[i + 2]], brows[b], sems[b])


def _ka1_body(x_ref, w_ref, o_ref):
    o_ref[:] = jnp.dot(x_ref[:], w_ref[:], preferred_element_type=_F32)


def _ka2_body(h_ref, d0_ref, d1_ref, o_ref):
    deg = d0_ref[:, 0:1] + d1_ref[:, 0:1] + 1.0
    o_ref[:] = h_ref[:] * lax.rsqrt(deg)


def _kb_body(a0_ref, a1_ref, d0_ref, d1_ref, b_ref, w_ref, o_ref):
    deg = d0_ref[:, 0:1] + d1_ref[:, 0:1] + 1.0
    dinv = lax.rsqrt(deg)
    h = jnp.maximum((a0_ref[:] + a1_ref[:]) * dinv + b_ref[:], 0.0)
    o_ref[:] = jnp.dot(h, w_ref[:], preferred_element_type=_F32) * dinv


def _kc_body(a0_ref, a1_ref, d0_ref, d1_ref, b_ref, o_ref):
    deg = d0_ref[:, 0:1] + d1_ref[:, 0:1] + 1.0
    dinv = lax.rsqrt(deg)
    o_ref[:] = (a0_ref[:] + a1_ref[:]) * dinv + b_ref[:]


def _kd_body(p_ref, o_ref):
    o_ref[:] = jnp.sum(p_ref[:], axis=1, keepdims=True)


_RB = 2000


_NBLK = N // _RB


def _tc_ka1(x, w1):
    return pl.pallas_call(
        _ka1_body,
        grid=(_NBLK,),
        in_specs=[
            pl.BlockSpec((_RB, D), lambda i: (i, 0)),
            pl.BlockSpec((D, D), lambda i: (0, 0)),
        ],
        out_specs=pl.BlockSpec((_RB, D), lambda i: (i, 0)),
        out_shape=jax.ShapeDtypeStruct((N, D), _F32),
    )(x, w1)


def _tc_ka2(h1, degp):
    return pl.pallas_call(
        _ka2_body,
        grid=(_NBLK,),
        in_specs=[
            pl.BlockSpec((_RB, D), lambda i: (i, 0)),
            pl.BlockSpec((_RB, D), lambda i: (i, 0)),
            pl.BlockSpec((_RB, D), lambda i: (i + _NBLK, 0)),
        ],
        out_specs=pl.BlockSpec((_RB, D), lambda i: (i, 0)),
        out_shape=jax.ShapeDtypeStruct((N, D), _F32),
    )(h1, degp, degp)


def _tc_kb(accp, degp, b2d, w2):
    return pl.pallas_call(
        _kb_body,
        grid=(_NBLK,),
        in_specs=[
            pl.BlockSpec((_RB, D), lambda i: (i, 0)),
            pl.BlockSpec((_RB, D), lambda i: (i + _NBLK, 0)),
            pl.BlockSpec((_RB, D), lambda i: (i, 0)),
            pl.BlockSpec((_RB, D), lambda i: (i + _NBLK, 0)),
            pl.BlockSpec((1, D), lambda i: (0, 0)),
            pl.BlockSpec((D, D), lambda i: (0, 0)),
        ],
        out_specs=pl.BlockSpec((_RB, D), lambda i: (i, 0)),
        out_shape=jax.ShapeDtypeStruct((N, D), _F32),
    )(accp, accp, degp, degp, b2d, w2)


def _tc_kc(accp, degp, b2d):
    return pl.pallas_call(
        _kc_body,
        grid=(_NBLK,),
        in_specs=[
            pl.BlockSpec((_RB, D), lambda i: (i, 0)),
            pl.BlockSpec((_RB, D), lambda i: (i + _NBLK, 0)),
            pl.BlockSpec((_RB, D), lambda i: (i, 0)),
            pl.BlockSpec((_RB, D), lambda i: (i + _NBLK, 0)),
            pl.BlockSpec((1, D), lambda i: (0, 0)),
        ],
        out_specs=pl.BlockSpec((_RB, D), lambda i: (i, 0)),
        out_shape=jax.ShapeDtypeStruct((N, D), _F32),
    )(accp, accp, degp, degp, b2d)


_LB = 7168


def _tc_kd(p16):
    return pl.pallas_call(
        _kd_body,
        grid=(LPAD // _LB,),
        in_specs=[pl.BlockSpec((_LB, 16), lambda i: (i, 0))],
        out_specs=pl.BlockSpec((_LB, 1), lambda i: (i, 0)),
        out_shape=jax.ShapeDtypeStruct((LPAD, 1), _F32),
    )(p16)


def kernel(x, edge_index, edge_label_index, W1, b1, W2, b2):
    ei = edge_index.astype(_I32)
    eli = edge_label_index.astype(_I32)
    epad = EPAD - E
    spread_e = jnp.arange(epad, dtype=_I32)
    src2 = jnp.concatenate([ei[0], spread_e % N]).reshape(-1, CH)
    dst2 = jnp.concatenate(
        [ei[1], N + (spread_e % (NPAD - N))]).reshape(-1, CH)
    lpad = LPAD - L
    spread_l = jnp.arange(lpad, dtype=_I32)
    srcl2 = jnp.concatenate([eli[0], spread_l % N]).reshape(-1, CH)
    dstl2 = jnp.concatenate(
        [eli[1], (spread_l * 127) % N]).reshape(-1, CH)

    zeros_nd = jnp.zeros((N, D), _F32)
    ones_ch = jnp.ones((CH, D), _F32)
    b1_2d = b1.reshape(1, D)
    b2_2d = b2.reshape(1, D)

    mesh = _mesh()
    dma = pltpu.SemaphoreType.DMA

    deg_call = pl.kernel(
        _deg_body,
        out_type=jax.ShapeDtypeStruct((2 * N, D), _F32),
        mesh=mesh,
        scratch_types=[
            pltpu.VMEM((CPW, CH), _I32),
            pltpu.VMEM((CH, D), _F32),
            pltpu.MemorySpace.VMEM_SHARED((NPAD, D), _F32),
            dma, dma, dma, dma,
        ],
    )
    h1 = _tc_ka1(x, W1)
    degp = deg_call(dst2, zeros_nd, ones_ch)

    msg_call = pl.kernel(
        _msg_body,
        out_type=jax.ShapeDtypeStruct((2 * N, D), _F32),
        mesh=mesh,
        scratch_types=[
            pltpu.VMEM((CPW, CH), _I32),
            pltpu.VMEM((2, 8, CH), _I32),
            pltpu.VMEM((CH, D), _F32),
            pltpu.VMEM((CH, D), _F32),
            pltpu.MemorySpace.VMEM_SHARED((NPAD, D), _F32),
            dma, dma, dma, dma,
        ],
    )

    hs1 = _tc_ka2(h1, degp)
    acc1 = msg_call(hs1, src2, dst2, zeros_nd)
    hs2 = _tc_kb(acc1, degp, b1_2d, W2)
    acc2 = msg_call(hs2, src2, dst2, zeros_nd)
    z = _tc_kc(acc2, degp, b2_2d)

    dec_call = pl.kernel(
        _dec_body,
        out_type=jax.ShapeDtypeStruct((LPAD, 16), _F32),
        mesh=mesh,
        scratch_types=[
            pltpu.VMEM((LNC, CH), _I32),
            pltpu.VMEM((LNC, CH), _I32),
            pltpu.VMEM((CH, D), _F32),
            pltpu.VMEM((CH, D), _F32),
            pltpu.VMEM((CH, D), _F32),
            pltpu.VMEM((CH, D), _F32),
            pltpu.VMEM((CH, 16), _F32),
            dma, dma,
        ],
    )
    p16 = dec_call(z, srcl2, dstl2)
    score = _tc_kd(p16)
    return score[:L, 0]

# --- scband reference (transcript-rebuilt; emitter-appended) ---
"""Pipeline reference for scband-gnnlink-predictor-41781441855493 (READ-ONLY COPY).

The authoritative reference and input builder live on the scoring server;
editing this copy changes nothing except your own understanding.
"""

import jax, jax.numpy as jnp
import numpy as np

N_NODES = 10000
D_IN = 128
HIDDEN = 128
N_EDGES = 320000
N_LABEL = 200000


def gcn_conv(x, edge_index, W, b, num_nodes):
    # PyG GCNConv: add self-loops, symmetric normalization D^-1/2 (A+I) D^-1/2,
    # then x' = A_hat @ (x W) + b
    src = edge_index[0]
    dst = edge_index[1]
    loop = jnp.arange(num_nodes, dtype=edge_index.dtype)
    src = jnp.concatenate([src, loop])
    dst = jnp.concatenate([dst, loop])
    h = x @ W
    deg = jnp.zeros((num_nodes,), dtype=x.dtype).at[dst].add(1.0)
    deg_inv_sqrt = jnp.where(deg > 0, 1.0 / jnp.sqrt(deg), 0.0)
    norm = deg_inv_sqrt[src] * deg_inv_sqrt[dst]
    msg = h[src] * norm[:, None]
    out = jnp.zeros((num_nodes, W.shape[1]), dtype=x.dtype).at[dst].add(msg)
    return out + b


def setup_inputs(seed: int = 0) -> dict:
    key = jax.random.key(seed)
    k1, k2, k3, k4, k5, k6, k7 = jax.random.split(key, 7)
    x = jax.random.normal(k1, (N_NODES, D_IN), dtype=jnp.float32)
    edge_index = jax.random.randint(k2, (2, N_EDGES), 0, N_NODES, dtype=jnp.int64)
    edge_label_index = jax.random.randint(k3, (2, N_LABEL), 0, N_NODES, dtype=jnp.int64)
    # Glorot-ish init for weights, zeros for bias (PyG GCNConv default)
    s1 = 1.0 / np.sqrt(D_IN)
    s2 = 1.0 / np.sqrt(HIDDEN)
    W1 = jax.random.uniform(k4, (D_IN, HIDDEN), minval=-s1, maxval=s1, dtype=jnp.float32)
    b1 = jnp.zeros((HIDDEN,), dtype=jnp.float32)
    W2 = jax.random.uniform(k5, (HIDDEN, HIDDEN), minval=-s2, maxval=s2, dtype=jnp.float32)
    b2 = jnp.zeros((HIDDEN,), dtype=jnp.float32)
    return {"x": x, "edge_index": edge_index, "edge_label_index": edge_label_index,
            "W1": W1, "b1": b1, "W2": W2, "b2": b2}


def reference(x, edge_index, edge_label_index, W1, b1, W2, b2):
    num_nodes = x.shape[0]
    h = gcn_conv(x, edge_index, W1, b1, num_nodes)
    h = jax.nn.relu(h)
    z = gcn_conv(h, edge_index, W2, b2, num_nodes)
    src = z[edge_label_index[0]]
    dst = z[edge_label_index[1]]
    score = (src * dst).sum(axis=1)
    return score

if __name__ == "__main__":
    import jax
    _d = setup_inputs()
    print(jax.jit(kernel)(*tuple(_d.values())))

</pallas_src>

<mosaic_0001>
#map = affine_map<(d0, d1) -> (0, 0)>
module attributes {stable_mosaic.version = 14 : i64} {
  func.func @_msg_body(%arg0: i32, %arg1: i32, %arg2: memref<10000x128xf32, #tpu.memory_space<hbm>>, %arg3: memref<2560x128xi32, #tpu.memory_space<hbm>>, %arg4: memref<2560x128xi32, #tpu.memory_space<hbm>>, %arg5: memref<10000x128xf32, #tpu.memory_space<hbm>>, %arg6: memref<20000x128xf32, #tpu.memory_space<hbm>>, %arg7: memref<80x128xi32, #tpu.memory_space<vmem>>, %arg8: memref<2x8x128xi32, #tpu.memory_space<vmem>>, %arg9: memref<128x128xf32, #tpu.memory_space<vmem>>, %arg10: memref<128x128xf32, #tpu.memory_space<vmem>>, %arg11: memref<10512x128xf32, #tpu.memory_space<vmem_shared>>, %arg12: memref<!tpu.dma_semaphore, #tpu.memory_space<semaphore_mem>>, %arg13: memref<!tpu.dma_semaphore, #tpu.memory_space<semaphore_mem>>, %arg14: memref<!tpu.dma_semaphore, #tpu.memory_space<semaphore_mem>>, %arg15: memref<!tpu.dma_semaphore, #tpu.memory_space<semaphore_mem>>) attributes {dimension_semantics = [#tpu.dimension_semantics<core_parallel>, #tpu.dimension_semantics<subcore_parallel>], iteration_bounds = array<i64: 2, 16>, scalar_prefetch = 0 : i64, scratch_operands = 9 : i64, tpu.core_type = #tpu.core_type<sc_vector_subcore>, window_params = [{transform_indices = #map}, {transform_indices = #map}, {transform_indices = #map}, {transform_indices = #map}, {transform_indices = #map}]} {
    %mul3A = arith.constant 2 : i32
    %mul3A_0 = arith.muli %arg1, %mul3A : i32
    %add3A = arith.addi %mul3A_0, %arg0 : i32
    %mul3A_1 = arith.constant 80 : i32
    %mul3A_2 = arith.muli %add3A, %mul3A_1 : i32
    "tpu.region"() ({
      %run_scoped3A_45 = tpu.sem_alloc : memref<!tpu.dma_semaphore, #tpu.memory_space<semaphore_mem>>
      %dma_start3A_46 = arith.constant 0 : i32
      %dma_start3A_47 = tpu.memref_slice %arg3[%mul3A_2, %dma_start3A_46] : memref<2560x128xi32, #tpu.memory_space<hbm>> -> memref<80x128xi32, #tpu.memory_space<hbm>>
      %dma_start3A_48 = arith.constant 0 : i32
      %dma_start3A_49 = tpu.memref_slice %arg3[%mul3A_2, %dma_start3A_48] : memref<2560x128xi32, #tpu.memory_space<hbm>> -> memref<80x128xi32, #tpu.memory_space<hbm>>
      tpu.enqueue_dma source(%dma_start3A_49 : memref<80x128xi32, #tpu.memory_space<hbm>>) target(%arg7 : memref<80x128xi32, #tpu.memory_space<vmem>>) target_semaphore(%run_scoped3A_45 : memref<!tpu.dma_semaphore, #tpu.memory_space<semaphore_mem>>)
      %dma_wait3A = arith.constant 0 : i32
      %dma_wait3A_50 = tpu.memref_slice %arg3[%mul3A_2, %dma_wait3A] : memref<2560x128xi32, #tpu.memory_space<hbm>> -> memref<80x128xi32, #tpu.memory_space<hbm>>
      %dma_wait3A_51 = arith.constant 0 : i32
      %dma_wait3A_52 = tpu.memref_slice %arg3[%mul3A_2, %dma_wait3A_51] : memref<2560x128xi32, #tpu.memory_space<hbm>> -> memref<80x128xi32, #tpu.memory_space<hbm>>
      tpu.wait_dma2 semaphore(%run_scoped3A_45 : memref<!tpu.dma_semaphore, #tpu.memory_space<semaphore_mem>>) src(%dma_wait3A_52 : memref<80x128xi32, #tpu.memory_space<hbm>>) dst(%arg7 : memref<80x128xi32, #tpu.memory_space<vmem>>)
      tpu.yield
    }) : () -> ()
    %run_scoped3A = arith.constant 0 : i32
    "tpu.region"() ({
      %run_scoped3A_45 = tpu.sem_alloc : memref<!tpu.dma_semaphore, #tpu.memory_space<semaphore_mem>>
      %dma_start3A_46 = arith.constant 0 : i32
      %dma_start3A_47 = arith.constant 0 : i32
      %dma_start3A_48 = tpu.memref_slice %arg8[%run_scoped3A, %dma_start3A_46, %dma_start3A_47] : memref<2x8x128xi32, #tpu.memory_space<vmem>> -> memref<1x8x128xi32, #tpu.memory_space<vmem>>
      %dma_start3A_49 = tpu.memref_squeeze %dma_start3A_48 : memref<1x8x128xi32, #tpu.memory_space<vmem>> -> memref<8x128xi32, #tpu.memory_space<vmem>>
      %dma_start3A_50 = arith.constant 0 : i32
      %dma_start3A_51 = tpu.memref_slice %arg4[%mul3A_2, %dma_start3A_50] : memref<2560x128xi32, #tpu.memory_space<hbm>> -> memref<8x128xi32, #tpu.memory_space<hbm>>
      %dma_start3A_52 = arith.constant 0 : i32
      %dma_start3A_53 = arith.constant 0 : i32
      %dma_start3A_54 = tpu.memref_slice %arg8[%run_scoped3A, %dma_start3A_52, %dma_start3A_53] : memref<2x8x128xi32, #tpu.memory_space<vmem>> -> memref<1x8x128xi32, #tpu.memory_space<vmem>>
      %dma_start3A_55 = tpu.memref_squeeze %dma_start3A_54 : memref<1x8x128xi32, #tpu.memory_space<vmem>> -> memref<8x128xi32, #tpu.memory_space<vmem>>
      %dma_start3A_56 = arith.constant 0 : i32
      %dma_start3A_57 = tpu.memref_slice %arg4[%mul3A_2, %dma_start3A_56] : memref<2560x128xi32, #tpu.memory_space<hbm>> -> memref<8x128xi32, #tpu.memory_space<hbm>>
      tpu.enqueue_dma source(%dma_start3A_57 : memref<8x128xi32, #tpu.memory_space<hbm>>) target(%dma_start3A_55 : memref<8x128xi32, #tpu.memory_space<vmem>>) target_semaphore(%run_scoped3A_45 : memref<!tpu.dma_semaphore, #tpu.memory_space<semaphore_mem>>)
      %dma_wait3A = arith.constant 0 : i32
      %dma_wait3A_58 = arith.constant 0 : i32
      %dma_wait3A_59 = tpu.memref_slice %arg8[%run_scoped3A, %dma_wait3A, %dma_wait3A_58] : memref<2x8x128xi32, #tpu.memory_space<vmem>> -> memref<1x8x128xi32, #tpu.memory_space<vmem>>
      %dma_wait3A_60 = tpu.memref_squeeze %dma_wait3A_59 : memref<1x8x128xi32, #tpu.memory_space<vmem>> -> memref<8x128xi32, #tpu.memory_space<vmem>>
      %dma_wait3A_61 = arith.constant 0 : i32
      %dma_wait3A_62 = tpu.memref_slice %arg4[%mul3A_2, %dma_wait3A_61] : memref<2560x128xi32, #tpu.memory_space<hbm>> -> memref<8x128xi32, #tpu.memory_space<hbm>>
      %dma_wait3A_63 = arith.constant 0 : i32
      %dma_wait3A_64 = arith.constant 0 : i32
      %dma_wait3A_65 = tpu.memref_slice %arg8[%run_scoped3A, %dma_wait3A_63, %dma_wait3A_64] : memref<2x8x128xi32, #tpu.memory_space<vmem>> -> memref<1x8x128xi32, #tpu.memory_space<vmem>>
      %dma_wait3A_66 = tpu.memref_squeeze %dma_wait3A_65 : memref<1x8x128xi32, #tpu.memory_space<vmem>> -> memref<8x128xi32, #tpu.memory_space<vmem>>
      %dma_wait3A_67 = arith.constant 0 : i32
      %dma_wait3A_68 = tpu.memref_slice %arg4[%mul3A_2, %dma_wait3A_67] : memref<2560x128xi32, #tpu.memory_space<hbm>> -> memref<8x128xi32, #tpu.memory_space<hbm>>
      tpu.wait_dma2 semaphore(%run_scoped3A_45 : memref<!tpu.dma_semaphore, #tpu.memory_space<semaphore_mem>>) src(%dma_wait3A_68 : memref<8x128xi32, #tpu.memory_space<hbm>>) dst(%dma_wait3A_66 : memref<8x128xi32, #tpu.memory_space<vmem>>)
      tpu.yield
    }) : () -> ()
    %add3A_3 = arith.constant 8 : i32
    %add3A_4 = arith.addi %mul3A_2, %add3A_3 : i32
    %run_scoped3A_5 = arith.constant 1 : i32
    "tpu.region"() ({
      %run_scoped3A_45 = tpu.sem_alloc : memref<!tpu.dma_semaphore, #tpu.memory_space<semaphore_mem>>
      %dma_start3A_46 = arith.constant 0 : i32
      %dma_start3A_47 = arith.constant 0 : i32
      %dma_start3A_48 = tpu.memref_slice %arg8[%run_scoped3A_5, %dma_start3A_46, %dma_start3A_47] : memref<2x8x128xi32, #tpu.memory_space<vmem>> -> memref<1x8x128xi32, #tpu.memory_space<vmem>>
      %dma_start3A_49 = tpu.memref_squeeze %dma_start3A_48 : memref<1x8x128xi32, #tpu.memory_space<vmem>> -> memref<8x128xi32, #tpu.memory_space<vmem>>
      %dma_start3A_50 = arith.constant 0 : i32
      %dma_start3A_51 = tpu.memref_slice %arg4[%add3A_4, %dma_start3A_50] : memref<2560x128xi32, #tpu.memory_space<hbm>> -> memref<8x128xi32, #tpu.memory_space<hbm>>
      %dma_start3A_52 = arith.constant 0 : i32
      %dma_start3A_53 = arith.constant 0 : i32
      %dma_start3A_54 = tpu.memref_slice %arg8[%run_scoped3A_5, %dma_start3A_52, %dma_start3A_53] : memref<2x8x128xi32, #tpu.memory_space<vmem>> -> memref<1x8x128xi32, #tpu.memory_space<vmem>>
      %dma_start3A_55 = tpu.memref_squeeze %dma_start3A_54 : memref<1x8x128xi32, #tpu.memory_space<vmem>> -> memref<8x128xi32, #tpu.memory_space<vmem>>
      %dma_start3A_56 = arith.constant 0 : i32
      %dma_start3A_57 = tpu.memref_slice %arg4[%add3A_4, %dma_start3A_56] : memref<2560x128xi32, #tpu.memory_space<hbm>> -> memref<8x128xi32, #tpu.memory_space<hbm>>
      tpu.enqueue_dma source(%dma_start3A_57 : memref<8x128xi32, #tpu.memory_space<hbm>>) target(%dma_start3A_55 : memref<8x128xi32, #tpu.memory_space<vmem>>) target_semaphore(%run_scoped3A_45 : memref<!tpu.dma_semaphore, #tpu.memory_space<semaphore_mem>>)
      %dma_wait3A = arith.constant 0 : i32
      %dma_wait3A_58 = arith.constant 0 : i32
      %dma_wait3A_59 = tpu.memref_slice %arg8[%run_scoped3A_5, %dma_wait3A, %dma_wait3A_58] : memref<2x8x128xi32, #tpu.memory_space<vmem>> -> memref<1x8x128xi32, #tpu.memory_space<vmem>>
      %dma_wait3A_60 = tpu.memref_squeeze %dma_wait3A_59 : memref<1x8x128xi32, #tpu.memory_space<vmem>> -> memref<8x128xi32, #tpu.memory_space<vmem>>
      %dma_wait3A_61 = arith.constant 0 : i32
      %dma_wait3A_62 = tpu.memref_slice %arg4[%add3A_4, %dma_wait3A_61] : memref<2560x128xi32, #tpu.memory_space<hbm>> -> memref<8x128xi32, #tpu.memory_space<hbm>>
      %dma_wait3A_63 = arith.constant 0 : i32
      %dma_wait3A_64 = arith.constant 0 : i32
      %dma_wait3A_65 = tpu.memref_slice %arg8[%run_scoped3A_5, %dma_wait3A_63, %dma_wait3A_64] : memref<2x8x128xi32, #tpu.memory_space<vmem>> -> memref<1x8x128xi32, #tpu.memory_space<vmem>>
      %dma_wait3A_66 = tpu.memref_squeeze %dma_wait3A_65 : memref<1x8x128xi32, #tpu.memory_space<vmem>> -> memref<8x128xi32, #tpu.memory_space<vmem>>
      %dma_wait3A_67 = arith.constant 0 : i32
      %dma_wait3A_68 = tpu.memref_slice %arg4[%add3A_4, %dma_wait3A_67] : memref<2560x128xi32, #tpu.memory_space<hbm>> -> memref<8x128xi32, #tpu.memory_space<hbm>>
      tpu.wait_dma2 semaphore(%run_scoped3A_45 : memref<!tpu.dma_semaphore, #tpu.memory_space<semaphore_mem>>) src(%dma_wait3A_68 : memref<8x128xi32, #tpu.memory_space<hbm>>) dst(%dma_wait3A_66 : memref<8x128xi32, #tpu.memory_space<vmem>>)
      tpu.yield
    }) : () -> ()
    %dma_start3A = arith.constant 0 : i32
    %dma_start3A_6 = arith.constant 0 : i32
    %dma_start3A_7 = tpu.memref_slice %arg7[%dma_start3A, %dma_start3A_6] : memref<80x128xi32, #tpu.memory_space<vmem>> -> memref<1x128xi32, #tpu.memory_space<vmem>>
    %dma_start3A_8 = tpu.memref_squeeze %dma_start3A_7 : memref<1x128xi32, #tpu.memory_space<vmem>> -> memref<128xi32, #tpu.memory_space<vmem>>
    %dma_start3A_9 = arith.constant 0 : i32
    %dma_start3A_10 = arith.constant 0 : i32
    %dma_start3A_11 = tpu.memref_slice %arg2[%dma_start3A_9, %dma_start3A_10] : memref<10000x128xf32, #tpu.memory_space<hbm>> -> memref<10000x128xf32, #tpu.memory_space<hbm>>
    tpu.enqueue_indirect_dma source(%dma_start3A_11 : memref<10000x128xf32, #tpu.memory_space<hbm>>) target(%arg9 : memref<128x128xf32, #tpu.memory_space<vmem>>) offsets(%dma_start3A_8 : memref<128xi32, #tpu.memory_space<vmem>>) semaphore(%arg12 : memref<!tpu.dma_semaphore, #tpu.memory_space<semaphore_mem>>)
    %dma_start3A_12 = arith.constant 1 : i32
    %dma_start3A_13 = arith.constant 0 : i32
    %dma_start3A_14 = tpu.memref_slice %arg7[%dma_start3A_12, %dma_start3A_13] : memref<80x128xi32, #tpu.memory_space<vmem>> -> memref<1x128xi32, #tpu.memory_space<vmem>>
    %dma_start3A_15 = tpu.memref_squeeze %dma_start3A_14 : memref<1x128xi32, #tpu.memory_space<vmem>> -> memref<128xi32, #tpu.memory_space<vmem>>
    %dma_start3A_16 = arith.constant 0 : i32
    %dma_start3A_17 = arith.constant 0 : i32
    %dma_start3A_18 = tpu.memref_slice %arg2[%dma_start3A_16, %dma_start3A_17] : memref<10000x128xf32, #tpu.memory_space<hbm>> -> memref<10000x128xf32, #tpu.memory_space<hbm>>
    tpu.enqueue_indirect_dma source(%dma_start3A_18 : memref<10000x128xf32, #tpu.memory_space<hbm>>) target(%arg10 : memref<128x128xf32, #tpu.memory_space<vmem>>) offsets(%dma_start3A_15 : memref<128xi32, #tpu.memory_space<vmem>>) semaphore(%arg13 : memref<!tpu.dma_semaphore, #tpu.memory_space<semaphore_mem>>)
    %ne3A = arith.constant 15 : i32
    %ne3A_19 = arith.cmpi ne, %arg1, %ne3A : i32
    %convert_element_type3A = arith.extui %ne3A_19 : i1 to i32
    %cond3A = arith.constant 0 : i32
    %cond3A_20 = arith.cmpi ne, %convert_element_type3A, %cond3A : i32
    scf.if %cond3A_20 {
      %mul3A_45 = arith.constant 624 : i32
      %mul3A_46 = arith.muli %arg1, %mul3A_45 : i32
      %multiple_of3A = tpu.assume_multiple %mul3A_46, 8 : i32
      %eq3A_47 = arith.constant 0 : i32
      %eq3A_48 = arith.cmpi eq, %arg0, %eq3A_47 : i32
      %convert_element_type3A_49 = arith.extui %eq3A_48 : i1 to i32
      %cond3A_50 = arith.constant 0 : i32
      %cond3A_51 = arith.cmpi ne, %convert_element_type3A_49, %cond3A_50 : i32
      scf.if %cond3A_51 {
        "tpu.region"() ({
          %run_scoped3A_57 = tpu.sem_alloc : memref<!tpu.dma_semaphore, #tpu.memory_space<semaphore_mem>>
          %dma_start3A_58 = arith.constant 0 : i32
          %dma_start3A_59 = tpu.memref_slice %arg11[%multiple_of3A, %dma_start3A_58] : memref<10512x128xf32, #tpu.memory_space<vmem_shared>> -> memref<624x128xf32, #tpu.memory_space<vmem_shared>>
          %dma_start3A_60 = arith.constant 0 : i32
          %dma_start3A_61 = tpu.memref_slice %arg2[%multiple_of3A, %dma_start3A_60] : memref<10000x128xf32, #tpu.memory_space<hbm>> -> memref<624x128xf32, #tpu.memory_space<hbm>>
          tpu.enqueue_dma source(%dma_start3A_61 : memref<624x128xf32, #tpu.memory_space<hbm>>) target(%dma_start3A_59 : memref<624x128xf32, #tpu.memory_space<vmem_shared>>) target_semaphore(%run_scoped3A_57 : memref<!tpu.dma_semaphore, #tpu.memory_space<semaphore_mem>>)
          %dma_wait3A = arith.constant 0 : i32
          %dma_wait3A_62 = tpu.memref_slice %arg11[%multiple_of3A, %dma_wait3A] : memref<10512x128xf32, #tpu.memory_space<vmem_shared>> -> memref<624x128xf32, #tpu.memory_space<vmem_shared>>
          %dma_wait3A_63 = arith.constant 0 : i32
          %dma_wait3A_64 = tpu.memref_slice %arg2[%multiple_of3A, %dma_wait3A_63] : memref<10000x128xf32, #tpu.memory_space<hbm>> -> memref<624x128xf32, #tpu.memory_space<hbm>>
          tpu.wait_dma2 semaphore(%run_scoped3A_57 : memref<!tpu.dma_semaphore, #tpu.memory_space<semaphore_mem>>) src(%dma_wait3A_64 : memref<624x128xf32, #tpu.memory_space<hbm>>) dst(%dma_wait3A_62 : memref<624x128xf32, #tpu.memory_space<vmem_shared>>)
          tpu.yield
        }) : () -> ()
      } else {
      }
      %ne3A_52 = arith.constant 0 : i32
      %ne3A_53 = arith.cmpi ne, %arg0, %ne3A_52 : i32
      %convert_element_type3A_54 = arith.extui %ne3A_53 : i1 to i32
      %cond3A_55 = arith.constant 0 : i32
      %cond3A_56 = arith.cmpi ne, %convert_element_type3A_54, %cond3A_55 : i32
      scf.if %cond3A_56 {
        "tpu.region"() ({
          %run_scoped3A_57 = tpu.sem_alloc : memref<!tpu.dma_semaphore, #tpu.memory_space<semaphore_mem>>
          %dma_start3A_58 = arith.constant 0 : i32
          %dma_start3A_59 = tpu.memref_slice %arg11[%multiple_of3A, %dma_start3A_58] : memref<10512x128xf32, #tpu.memory_space<vmem_shared>> -> memref<624x128xf32, #tpu.memory_space<vmem_shared>>
          %dma_start3A_60 = arith.constant 0 : i32
          %dma_start3A_61 = tpu.memref_slice %arg5[%multiple_of3A, %dma_start3A_60] : memref<10000x128xf32, #tpu.memory_space<hbm>> -> memref<624x128xf32, #tpu.memory_space<hbm>>
          tpu.enqueue_dma source(%dma_start3A_61 : memref<624x128xf32, #tpu.memory_space<hbm>>) target(%dma_start3A_59 : memref<624x128xf32, #tpu.memory_space<vmem_shared>>) target_semaphore(%run_scoped3A_57 : memref<!tpu.dma_semaphore, #tpu.memory_space<semaphore_mem>>)
          %dma_wait3A = arith.constant 0 : i32
          %dma_wait3A_62 = tpu.memref_slice %arg11[%multiple_of3A, %dma_wait3A] : memref<10512x128xf32, #tpu.memory_space<vmem_shared>> -> memref<624x128xf32, #tpu.memory_space<vmem_shared>>
          %dma_wait3A_63 = arith.constant 0 : i32
          %dma_wait3A_64 = tpu.memref_slice %arg5[%multiple_of3A, %dma_wait3A_63] : memref<10000x128xf32, #tpu.memory_space<hbm>> -> memref<624x128xf32, #tpu.memory_space<hbm>>
          tpu.wait_dma2 semaphore(%run_scoped3A_57 : memref<!tpu.dma_semaphore, #tpu.memory_space<semaphore_mem>>) src(%dma_wait3A_64 : memref<624x128xf32, #tpu.memory_space<hbm>>) dst(%dma_wait3A_62 : memref<624x128xf32, #tpu.memory_space<vmem_shared>>)
          tpu.yield
        }) : () -> ()
      } else {
      }
    } else {
    }
    %eq3A = arith.constant 15 : i32
    %eq3A_21 = arith.cmpi eq, %arg1, %eq3A : i32
    %convert_element_type3A_22 = arith.extui %eq3A_21 : i1 to i32
    %cond3A_23 = arith.constant 0 : i32
    %cond3A_24 = arith.cmpi ne, %convert_element_type3A_22, %cond3A_23 : i32
    scf.if %cond3A_24 {
      %multiple_of3A = arith.constant 9360 : i32
      %multiple_of3A_45 = tpu.assume_multiple %multiple_of3A, 8 : i32
      %eq3A_46 = arith.constant 0 : i32
      %eq3A_47 = arith.cmpi eq, %arg0, %eq3A_46 : i32
      %convert_element_type3A_48 = arith.extui %eq3A_47 : i1 to i32
      %cond3A_49 = arith.constant 0 : i32
      %cond3A_50 = arith.cmpi ne, %convert_element_type3A_48, %cond3A_49 : i32
      scf.if %cond3A_50 {
        "tpu.region"() ({
          %run_scoped3A_56 = tpu.sem_alloc : memref<!tpu.dma_semaphore, #tpu.memory_space<semaphore_mem>>
          %dma_start3A_57 = arith.constant 0 : i32
          %dma_start3A_58 = tpu.memref_slice %arg11[%multiple_of3A_45, %dma_start3A_57] : memref<10512x128xf32, #tpu.memory_space<vmem_shared>> -> memref<640x128xf32, #tpu.memory_space<vmem_shared>>
          %dma_start3A_59 = arith.constant 0 : i32
          %dma_start3A_60 = tpu.memref_slice %arg2[%multiple_of3A_45, %dma_start3A_59] : memref<10000x128xf32, #tpu.memory_space<hbm>> -> memref<640x128xf32, #tpu.memory_space<hbm>>
          tpu.enqueue_dma source(%dma_start3A_60 : memref<640x128xf32, #tpu.memory_space<hbm>>) target(%dma_start3A_58 : memref<640x128xf32, #tpu.memory_space<vmem_shared>>) target_semaphore(%run_scoped3A_56 : memref<!tpu.dma_semaphore, #tpu.memory_space<semaphore_mem>>)
          %dma_wait3A = arith.constant 0 : i32
          %dma_wait3A_61 = tpu.memref_slice %arg11[%multiple_of3A_45, %dma_wait3A] : memref<10512x128xf32, #tpu.memory_space<vmem_shared>> -> memref<640x128xf32, #tpu.memory_space<vmem_shared>>
          %dma_wait3A_62 = arith.constant 0 : i32
          %dma_wait3A_63 = tpu.memref_slice %arg2[%multiple_of3A_45, %dma_wait3A_62] : memref<10000x128xf32, #tpu.memory_space<hbm>> -> memref<640x128xf32, #tpu.memory_space<hbm>>
          tpu.wait_dma2 semaphore(%run_scoped3A_56 : memref<!tpu.dma_semaphore, #tpu.memory_space<semaphore_mem>>) src(%dma_wait3A_63 : memref<640x128xf32, #tpu.memory_space<hbm>>) dst(%dma_wait3A_61 : memref<640x128xf32, #tpu.memory_space<vmem_shared>>)
          tpu.yield
        }) : () -> ()
      } else {
      }
      %ne3A_51 = arith.constant 0 : i32
      %ne3A_52 = arith.cmpi ne, %arg0, %ne3A_51 : i32
      %convert_element_type3A_53 = arith.extui %ne3A_52 : i1 to i32
      %cond3A_54 = arith.constant 0 : i32
      %cond3A_55 = arith.cmpi ne, %convert_element_type3A_53, %cond3A_54 : i32
      scf.if %cond3A_55 {
        "tpu.region"() ({
          %run_scoped3A_56 = tpu.sem_alloc : memref<!tpu.dma_semaphore, #tpu.memory_space<semaphore_mem>>
          %dma_start3A_57 = arith.constant 0 : i32
          %dma_start3A_58 = tpu.memref_slice %arg11[%multiple_of3A_45, %dma_start3A_57] : memref<10512x128xf32, #tpu.memory_space<vmem_shared>> -> memref<640x128xf32, #tpu.memory_space<vmem_shared>>
          %dma_start3A_59 = arith.constant 0 : i32
          %dma_start3A_60 = tpu.memref_slice %arg5[%multiple_of3A_45, %dma_start3A_59] : memref<10000x128xf32, #tpu.memory_space<hbm>> -> memref<640x128xf32, #tpu.memory_space<hbm>>
          tpu.enqueue_dma source(%dma_start3A_60 : memref<640x128xf32, #tpu.memory_space<hbm>>) target(%dma_start3A_58 : memref<640x128xf32, #tpu.memory_space<vmem_shared>>) target_semaphore(%run_scoped3A_56 : memref<!tpu.dma_semaphore, #tpu.memory_space<semaphore_mem>>)
          %dma_wait3A = arith.constant 0 : i32
          %dma_wait3A_61 = tpu.memref_slice %arg11[%multiple_of3A_45, %dma_wait3A] : memref<10512x128xf32, #tpu.memory_space<vmem_shared>> -> memref<640x128xf32, #tpu.memory_space<vmem_shared>>
          %dma_wait3A_62 = arith.constant 0 : i32
          %dma_wait3A_63 = tpu.memref_slice %arg5[%multiple_of3A_45, %dma_wait3A_62] : memref<10000x128xf32, #tpu.memory_space<hbm>> -> memref<640x128xf32, #tpu.memory_space<hbm>>
          tpu.wait_dma2 semaphore(%run_scoped3A_56 : memref<!tpu.dma_semaphore, #tpu.memory_space<semaphore_mem>>) src(%dma_wait3A_63 : memref<640x128xf32, #tpu.memory_space<hbm>>) dst(%dma_wait3A_61 : memref<640x128xf32, #tpu.memory_space<vmem_shared>>)
          tpu.yield
        }) : () -> ()
      } else {
      }
    } else {
    }
    %eq3A_25 = arith.constant 0 : i32
    %eq3A_26 = arith.cmpi eq, %arg1, %eq3A_25 : i32
    %convert_element_type3A_27 = arith.extui %eq3A_26 : i1 to i32
    %cond3A_28 = arith.constant 0 : i32
    %cond3A_29 = arith.cmpi ne, %convert_element_type3A_27, %cond3A_28 : i32
    scf.if %cond3A_29 {
      "tpu.region"() ({
        %run_scoped3A_45 = tpu.sem_alloc : memref<!tpu.dma_semaphore, #tpu.memory_space<semaphore_mem>>
        %dma_start3A_46 = arith.constant 10000 : i32
        %dma_start3A_47 = arith.constant 0 : i32
        %dma_start3A_48 = tpu.memref_slice %arg11[%dma_start3A_46, %dma_start3A_47] : memref<10512x128xf32, #tpu.memory_space<vmem_shared>> -> memref<512x128xf32, #tpu.memory_space<vmem_shared>>
        %dma_start3A_49 = arith.constant 0 : i32
        %dma_start3A_50 = arith.constant 0 : i32
        %dma_start3A_51 = tpu.memref_slice %arg5[%dma_start3A_49, %dma_start3A_50] : memref<10000x128xf32, #tpu.memory_space<hbm>> -> memref<512x128xf32, #tpu.memory_space<hbm>>
        tpu.enqueue_dma source(%dma_start3A_51 : memref<512x128xf32, #tpu.memory_space<hbm>>) target(%dma_start3A_48 : memref<512x128xf32, #tpu.memory_space<vmem_shared>>) target_semaphore(%run_scoped3A_45 : memref<!tpu.dma_semaphore, #tpu.memory_space<semaphore_mem>>)
        %dma_wait3A = arith.constant 10000 : i32
        %dma_wait3A_52 = arith.constant 0 : i32
        %dma_wait3A_53 = tpu.memref_slice %arg11[%dma_wait3A, %dma_wait3A_52] : memref<10512x128xf32, #tpu.memory_space<vmem_shared>> -> memref<512x128xf32, #tpu.memory_space<vmem_shared>>
        %dma_wait3A_54 = arith.constant 0 : i32
        %dma_wait3A_55 = arith.constant 0 : i32
        %dma_wait3A_56 = tpu.memref_slice %arg5[%dma_wait3A_54, %dma_wait3A_55] : memref<10000x128xf32, #tpu.memory_space<hbm>> -> memref<512x128xf32, #tpu.memory_space<hbm>>
        tpu.wait_dma2 semaphore(%run_scoped3A_45 : memref<!tpu.dma_semaphore, #tpu.memory_space<semaphore_mem>>) src(%dma_wait3A_56 : memref<512x128xf32, #tpu.memory_space<hbm>>) dst(%dma_wait3A_53 : memref<512x128xf32, #tpu.memory_space<vmem_shared>>)
        tpu.yield
      }) : () -> ()
    } else {
    }
    %barrier3A = arith.constant 0 : index
    tpu.barrier barrier_id(%barrier3A)
    %scan3A = arith.constant 0 : i32
    %scan3A_30 = arith.constant 5 : i32
    %scan3A_31 = arith.addi %scan3A, %scan3A_30 : i32
    %scan3A_32 = arith.constant 1 : i32
    scf.for %scan3A_45 = %scan3A to %scan3A_31 step %scan3A_32  : i32 {
      %mul3A_46 = arith.constant 1 : i32
      %mul3A_47 = arith.muli %scan3A_45, %mul3A_46 : i32
      %add3A_48 = arith.constant 0 : i32
      %add3A_49 = arith.addi %add3A_48, %mul3A_47 : i32
      %mul3A_50 = arith.constant 2 : i32
      %mul3A_51 = arith.muli %add3A_49, %mul3A_50 : i32
      %add3A_52 = arith.constant 0 : i32
      %add3A_53 = arith.addi %mul3A_51, %add3A_52 : i32
      %ge3A = arith.constant 2 : i32
      %ge3A_54 = arith.cmpi sge, %add3A_53, %ge3A : i32
      %convert_element_type3A_55 = arith.extui %ge3A_54 : i1 to i32
      %cond3A_56 = arith.constant 0 : i32
      %cond3A_57 = arith.cmpi ne, %convert_element_type3A_55, %cond3A_56 : i32
      scf.if %cond3A_57 {
        %mul3A_607 = arith.constant 8 : i32
        %mul3A_608 = arith.muli %add3A_53, %mul3A_607 : i32
        %add3A_609 = arith.addi %mul3A_2, %mul3A_608 : i32
        %dma_wait3A_610 = arith.constant 0 : i32
        %dma_wait3A_611 = arith.constant 0 : i32
        %dma_wait3A_612 = arith.constant 0 : i32
        %dma_wait3A_613 = tpu.memref_slice %arg8[%dma_wait3A_610, %dma_wait3A_611, %dma_wait3A_612] : memref<2x8x128xi32, #tpu.memory_space<vmem>> -> memref<1x8x128xi32, #tpu.memory_space<vmem>>
        %dma_wait3A_614 = tpu.memref_squeeze %dma_wait3A_613 : memref<1x8x128xi32, #tpu.memory_space<vmem>> -> memref<8x128xi32, #tpu.memory_space<vmem>>
        %dma_wait3A_615 = arith.constant 0 : i32
        %dma_wait3A_616 = tpu.memref_slice %arg4[%add3A_609, %dma_wait3A_615] : memref<2560x128xi32, #tpu.memory_space<hbm>> -> memref<8x128xi32, #tpu.memory_space<hbm>>
        %dma_wait3A_617 = arith.constant 0 : i32
        %dma_wait3A_618 = arith.constant 0 : i32
        %dma_wait3A_619 = tpu.memref_slice %arg8[%dma_wait3A_610, %dma_wait3A_617, %dma_wait3A_618] : memref<2x8x128xi32, #tpu.memory_space<vmem>> -> memref<1x8x128xi32, #tpu.memory_space<vmem>>
        %dma_wait3A_620 = tpu.memref_squeeze %dma_wait3A_619 : memref<1x8x128xi32, #tpu.memory_space<vmem>> -> memref<8x128xi32, #tpu.memory_space<vmem>>
        %dma_wait3A_621 = arith.constant 0 : i32
        %dma_wait3A_622 = tpu.memref_slice %arg4[%add3A_609, %dma_wait3A_621] : memref<2560x128xi32, #tpu.memory_space<hbm>> -> memref<8x128xi32, #tpu.memory_space<hbm>>
        tpu.wait_dma2 semaphore(%arg14 : memref<!tpu.dma_semaphore, #tpu.memory_space<semaphore_mem>>) src(%dma_wait3A_622 : memref<8x128xi32, #tpu.memory_space<hbm>>) dst(%dma_wait3A_620 : memref<8x128xi32, #tpu.memory_space<vmem>>)
      } else {
      }
      %mul3A_58 = arith.constant 8 : i32
      %mul3A_59 = arith.muli %add3A_53, %mul3A_58 : i32
      %add3A_60 = arith.constant 0 : i32
      %add3A_61 = arith.addi %mul3A_59, %add3A_60 : i32
      %dma_wait3A = arith.constant 0 : i32
      %dma_wait3A_62 = tpu.memref_slice %arg7[%add3A_61, %dma_wait3A] : memref<80x128xi32, #tpu.memory_space<vmem>> -> memref<1x128xi32, #tpu.memory_space<vmem>>
      %dma_wait3A_63 = tpu.memref_squeeze %dma_wait3A_62 : memref<1x128xi32, #tpu.memory_space<vmem>> -> memref<128xi32, #tpu.memory_space<vmem>>
      %dma_wait3A_64 = arith.constant 0 : i32
      %dma_wait3A_65 = arith.constant 0 : i32
      %dma_wait3A_66 = tpu.memref_slice %arg2[%dma_wait3A_64, %dma_wait3A_65] : memref<10000x128xf32, #tpu.memory_space<hbm>> -> memref<10000x128xf32, #tpu.memory_space<hbm>>
      tpu.wait_indirect_dma semaphore(%arg12 : memref<!tpu.dma_semaphore, #tpu.memory_space<semaphore_mem>>) src(%dma_wait3A_66 : memref<10000x128xf32, #tpu.memory_space<hbm>>) dst(%arg9 : memref<128x128xf32, #tpu.memory_space<vmem>>)
      %dma_start3A_67 = arith.constant 0 : i32
      %dma_start3A_68 = arith.constant 0 : i32
      %dma_start3A_69 = arith.constant 0 : i32
      %dma_start3A_70 = tpu.memref_slice %arg8[%dma_start3A_67, %dma_start3A_68, %dma_start3A_69] : memref<2x8x128xi32, #tpu.memory_space<vmem>> -> memref<1x1x128xi32, #tpu.memory_space<vmem>>
      %dma_start3A_71 = tpu.memref_squeeze %dma_start3A_70 : memref<1x1x128xi32, #tpu.memory_space<vmem>> -> memref<128xi32, #tpu.memory_space<vmem>>
      %dma_start3A_72 = arith.constant 0 : i32
      %dma_start3A_73 = arith.constant 0 : i32
      %dma_start3A_74 = tpu.memref_slice %arg11[%dma_start3A_72, %dma_start3A_73] : memref<10512x128xf32, #tpu.memory_space<vmem_shared>> -> memref<10512x128xf32, #tpu.memory_space<vmem_shared>>
      tpu.enqueue_indirect_dma source(%arg9 : memref<128x128xf32, #tpu.memory_space<vmem>>) target(%dma_start3A_74 : memref<10512x128xf32, #tpu.memory_space<vmem_shared>>) offsets(%dma_start3A_71 : memref<128xi32, #tpu.memory_space<vmem>>) semaphore(%arg12 : memref<!tpu.dma_semaphore, #tpu.memory_space<semaphore_mem>>) {add = true}
      %dma_wait3A_75 = arith.constant 0 : i32
      %dma_wait3A_76 = arith.constant 0 : i32
      %dma_wait3A_77 = arith.constant 0 : i32
      %dma_wait3A_78 = tpu.memref_slice %arg8[%dma_wait3A_75, %dma_wait3A_76, %dma_wait3A_77] : memref<2x8x128xi32, #tpu.memory_space<vmem>> -> memref<1x1x128xi32, #tpu.memory_space<vmem>>
      %dma_wait3A_79 = tpu.memref_squeeze %dma_wait3A_78 : memref<1x1x128xi32, #tpu.memory_space<vmem>> -> memref<128xi32, #tpu.memory_space<vmem>>
      %dma_wait3A_80 = arith.constant 0 : i32
      %dma_wait3A_81 = arith.constant 0 : i32
      %dma_wait3A_82 = tpu.memref_slice %arg11[%dma_wait3A_80, %dma_wait3A_81] : memref<10512x128xf32, #tpu.memory_space<vmem_shared>> -> memref<10512x128xf32, #tpu.memory_space<vmem_shared>>
      tpu.wait_indirect_dma semaphore(%arg12 : memref<!tpu.dma_semaphore, #tpu.memory_space<semaphore_mem>>) src(%arg9 : memref<128x128xf32, #tpu.memory_space<vmem>>) dst(%dma_wait3A_82 : memref<10512x128xf32, #tpu.memory_space<vmem_shared>>)
      %add3A_83 = arith.constant 2 : i32
      %add3A_84 = arith.addi %add3A_61, %add3A_83 : i32
      %lt3A = arith.constant 80 : i32
      %lt3A_85 = arith.cmpi slt, %add3A_84, %lt3A : i32
      %convert_element_type3A_86 = arith.extui %lt3A_85 : i1 to i32
      %cond3A_87 = arith.constant 0 : i32
      %cond3A_88 = arith.cmpi ne, %convert_element_type3A_86, %cond3A_87 : i32
      scf.if %cond3A_88 {
        %add3A_607 = arith.constant 2 : i32
        %add3A_608 = arith.addi %add3A_61, %add3A_607 : i32
        %dma_start3A_609 = arith.constant 0 : i32
        %dma_start3A_610 = tpu.memref_slice %arg7[%add3A_608, %dma_start3A_609] : memref<80x128xi32, #tpu.memory_space<vmem>> -> memref<1x128xi32, #tpu.memory_space<vmem>>
        %dma_start3A_611 = tpu.memref_squeeze %dma_start3A_610 : memref<1x128xi32, #tpu.memory_space<vmem>> -> memref<128xi32, #tpu.memory_space<vmem>>
        %dma_start3A_612 = arith.constant 0 : i32
        %dma_start3A_613 = arith.constant 0 : i32
        %dma_start3A_614 = tpu.memref_slice %arg2[%dma_start3A_612, %dma_start3A_613] : memref<10000x128xf32, #tpu.memory_space<hbm>> -> memref<10000x128xf32, #tpu.memory_space<hbm>>
        tpu.enqueue_indirect_dma source(%dma_start3A_614 : memref<10000x128xf32, #tpu.memory_space<hbm>>) target(%arg9 : memref<128x128xf32, #tpu.memory_space<vmem>>) offsets(%dma_start3A_611 : memref<128xi32, #tpu.memory_space<vmem>>) semaphore(%arg12 : memref<!tpu.dma_semaphore, #tpu.memory_space<semaphore_mem>>)
      } else {
      }
      %mul3A_89 = arith.constant 8 : i32
      %mul3A_90 = arith.muli %add3A_53, %mul3A_89 : i32
      %add3A_91 = arith.constant 1 : i32
      %add3A_92 = arith.addi %mul3A_90, %add3A_91 : i32
      %dma_wait3A_93 = arith.constant 0 : i32
      %dma_wait3A_94 = tpu.memref_slice %arg7[%add3A_92, %dma_wait3A_93] : memref<80x128xi32, #tpu.memory_space<vmem>> -> memref<1x128xi32, #tpu.memory_space<vmem>>
      %dma_wait3A_95 = tpu.memref_squeeze %dma_wait3A_94 : memref<1x128xi32, #tpu.memory_space<vmem>> -> memref<128xi32, #tpu.memory_space<vmem>>
      %dma_wait3A_96 = arith.constant 0 : i32
      %dma_wait3A_97 = arith.constant 0 : i32
      %dma_wait3A_98 = tpu.memref_slice %arg2[%dma_wait3A_96, %dma_wait3A_97] : memref<10000x128xf32, #tpu.memory_space<hbm>> -> memref<10000x128xf32, #tpu.memory_space<hbm>>
      tpu.wait_indirect_dma semaphore(%arg13 : memref<!tpu.dma_semaphore, #tpu.memory_space<semaphore_mem>>) src(%dma_wait3A_98 : memref<10000x128xf32, #tpu.memory_space<hbm>>) dst(%arg10 : memref<128x128xf32, #tpu.memory_space<vmem>>)
      %dma_start3A_99 = arith.constant 0 : i32
      %dma_start3A_100 = arith.constant 1 : i32
      %dma_start3A_101 = arith.constant 0 : i32
      %dma_start3A_102 = tpu.memref_slice %arg8[%dma_start3A_99, %dma_start3A_100, %dma_start3A_101] : memref<2x8x128xi32, #tpu.memory_space<vmem>> -> memref<1x1x128xi32, #tpu.memory_space<vmem>>
      %dma_start3A_103 = tpu.memref_squeeze %dma_start3A_102 : memref<1x1x128xi32, #tpu.memory_space<vmem>> -> memref<128xi32, #tpu.memory_space<vmem>>
      %dma_start3A_104 = arith.constant 0 : i32
      %dma_start3A_105 = arith.constant 0 : i32
      %dma_start3A_106 = tpu.memref_slice %arg11[%dma_start3A_104, %dma_start3A_105] : memref<10512x128xf32, #tpu.memory_space<vmem_shared>> -> memref<10512x128xf32, #tpu.memory_space<vmem_shared>>
      tpu.enqueue_indirect_dma source(%arg10 : memref<128x128xf32, #tpu.memory_space<vmem>>) target(%dma_start3A_106 : memref<10512x128xf32, #tpu.memory_space<vmem_shared>>) offsets(%dma_start3A_103 : memref<128xi32, #tpu.memory_space<vmem>>) semaphore(%arg13 : memref<!tpu.dma_semaphore, #tpu.memory_space<semaphore_mem>>) {add = true}
      %dma_wait3A_107 = arith.constant 0 : i32
      %dma_wait3A_108 = arith.constant 1 : i32
      %dma_wait3A_109 = arith.constant 0 : i32
      %dma_wait3A_110 = tpu.memref_slice %arg8[%dma_wait3A_107, %dma_wait3A_108, %dma_wait3A_109] : memref<2x8x128xi32, #tpu.memory_space<vmem>> -> memref<1x1x128xi32, #tpu.memory_space<vmem>>
      %dma_wait3A_111 = tpu.memref_squeeze %dma_wait3A_110 : memref<1x1x128xi32, #tpu.memory_space<vmem>> -> memref<128xi32, #tpu.memory_space<vmem>>
      %dma_wait3A_112 = arith.constant 0 : i32
      %dma_wait3A_113 = arith.constant 0 : i32
      %dma_wait3A_114 = tpu.memref_slice %arg11[%dma_wait3A_112, %dma_wait3A_113] : memref<10512x128xf32, #tpu.memory_space<vmem_shared>> -> memref<10512x128xf32, #tpu.memory_space<vmem_shared>>
      tpu.wait_indirect_dma semaphore(%arg13 : memref<!tpu.dma_semaphore, #tpu.memory_space<semaphore_mem>>) src(%arg10 : memref<128x128xf32, #tpu.memory_space<vmem>>) dst(%dma_wait3A_114 : memref<10512x128xf32, #tpu.memory_space<vmem_shared>>)
      %add3A_115 = arith.constant 2 : i32
      %add3A_116 = arith.addi %add3A_92, %add3A_115 : i32
      %lt3A_117 = arith.constant 80 : i32
      %lt3A_118 = arith.cmpi slt, %add3A_116, %lt3A_117 : i32
      %convert_element_type3A_119 = arith.extui %lt3A_118 : i1 to i32
      %cond3A_120 = arith.constant 0 : i32
      %cond3A_121 = arith.cmpi ne, %convert_element_type3A_119, %cond3A_120 : i32
      scf.if %cond3A_121 {
        %add3A_607 = arith.constant 2 : i32
        %add3A_608 = arith.addi %add3A_92, %add3A_607 : i32
        %dma_start3A_609 = arith.constant 0 : i32
        %dma_start3A_610 = tpu.memref_slice %arg7[%add3A_608, %dma_start3A_609] : memref<80x128xi32, #tpu.memory_space<vmem>> -> memref<1x128xi32, #tpu.memory_space<vmem>>
        %dma_start3A_611 = tpu.memref_squeeze %dma_start3A_610 : memref<1x128xi32, #tpu.memory_space<vmem>> -> memref<128xi32, #tpu.memory_space<vmem>>
        %dma_start3A_612 = arith.constant 0 : i32
        %dma_start3A_613 = arith.constant 0 : i32
        %dma_start3A_614 = tpu.memref_slice %arg2[%dma_start3A_612, %dma_start3A_613] : memref<10000x128xf32, #tpu.memory_space<hbm>> -> memref<10000x128xf32, #tpu.memory_space<hbm>>
        tpu.enqueue_indirect_dma source(%dma_start3A_614 : memref<10000x128xf32, #tpu.memory_space<hbm>>) target(%arg10 : memref<128x128xf32, #tpu.memory_space<vmem>>) offsets(%dma_start3A_611 : memref<128xi32, #tpu.memory_space<vmem>>) semaphore(%arg13 : memref<!tpu.dma_semaphore, #tpu.memory_space<semaphore_mem>>)
      } else {
      }
      %mul3A_122 = arith.constant 8 : i32
      %mul3A_123 = arith.muli %add3A_53, %mul3A_122 : i32
      %add3A_124 = arith.constant 2 : i32
      %add3A_125 = arith.addi %mul3A_123, %add3A_124 : i32
      %dma_wait3A_126 = arith.constant 0 : i32
      %dma_wait3A_127 = tpu.memref_slice %arg7[%add3A_125, %dma_wait3A_126] : memref<80x128xi32, #tpu.memory_space<vmem>> -> memref<1x128xi32, #tpu.memory_space<vmem>>
      %dma_wait3A_128 = tpu.memref_squeeze %dma_wait3A_127 : memref<1x128xi32, #tpu.memory_space<vmem>> -> memref<128xi32, #tpu.memory_space<vmem>>
      %dma_wait3A_129 = arith.constant 0 : i32
      %dma_wait3A_130 = arith.constant 0 : i32
      %dma_wait3A_131 = tpu.memref_slice %arg2[%dma_wait3A_129, %dma_wait3A_130] : memref<10000x128xf32, #tpu.memory_space<hbm>> -> memref<10000x128xf32, #tpu.memory_space<hbm>>
      tpu.wait_indirect_dma semaphore(%arg12 : memref<!tpu.dma_semaphore, #tpu.memory_space<semaphore_mem>>) src(%dma_wait3A_131 : memref<10000x128xf32, #tpu.memory_space<hbm>>) dst(%arg9 : memref<128x128xf32, #tpu.memory_space<vmem>>)
      %dma_start3A_132 = arith.constant 0 : i32
      %dma_start3A_133 = arith.constant 2 : i32
      %dma_start3A_134 = arith.constant 0 : i32
      %dma_start3A_135 = tpu.memref_slice %arg8[%dma_start3A_132, %dma_start3A_133, %dma_start3A_134] : memref<2x8x128xi32, #tpu.memory_space<vmem>> -> memref<1x1x128xi32, #tpu.memory_space<vmem>>
      %dma_start3A_136 = tpu.memref_squeeze %dma_start3A_135 : memref<1x1x128xi32, #tpu.memory_space<vmem>> -> memref<128xi32, #tpu.memory_space<vmem>>
      %dma_start3A_137 = arith.constant 0 : i32
      %dma_start3A_138 = arith.constant 0 : i32
      %dma_start3A_139 = tpu.memref_slice %arg11[%dma_start3A_137, %dma_start3A_138] : memref<10512x128xf32, #tpu.memory_space<vmem_shared>> -> memref<10512x128xf32, #tpu.memory_space<vmem_shared>>
      tpu.enqueue_indirect_dma source(%arg9 : memref<128x128xf32, #tpu.memory_space<vmem>>) target(%dma_start3A_139 : memref<10512x128xf32, #tpu.memory_space<vmem_shared>>) offsets(%dma_start3A_136 : memref<128xi32, #tpu.memory_space<vmem>>) semaphore(%arg12 : memref<!tpu.dma_semaphore, #tpu.memory_space<semaphore_mem>>) {add = true}
      %dma_wait3A_140 = arith.constant 0 : i32
      %dma_wait3A_141 = arith.constant 2 : i32
      %dma_wait3A_142 = arith.constant 0 : i32
      %dma_wait3A_143 = tpu.memref_slice %arg8[%dma_wait3A_140, %dma_wait3A_141, %dma_wait3A_142] : memref<2x8x128xi32, #tpu.memory_space<vmem>> -> memref<1x1x128xi32, #tpu.memory_space<vmem>>
      %dma_wait3A_144 = tpu.memref_squeeze %dma_wait3A_143 : memref<1x1x128xi32, #tpu.memory_space<vmem>> -> memref<128xi32, #tpu.memory_space<vmem>>
      %dma_wait3A_145 = arith.constant 0 : i32
      %dma_wait3A_146 = arith.constant 0 : i32
      %dma_wait3A_147 = tpu.memref_slice %arg11[%dma_wait3A_145, %dma_wait3A_146] : memref<10512x128xf32, #tpu.memory_space<vmem_shared>> -> memref<10512x128xf32, #tpu.memory_space<vmem_shared>>
      tpu.wait_indirect_dma semaphore(%arg12 : memref<!tpu.dma_semaphore, #tpu.memory_space<semaphore_mem>>) src(%arg9 : memref<128x128xf32, #tpu.memory_space<vmem>>) dst(%dma_wait3A_147 : memref<10512x128xf32, #tpu.memory_space<vmem_shared>>)
      %add3A_148 = arith.constant 2 : i32
      %add3A_149 = arith.addi %add3A_125, %add3A_148 : i32
      %lt3A_150 = arith.constant 80 : i32
      %lt3A_151 = arith.cmpi slt, %add3A_149, %lt3A_150 : i32
      %convert_element_type3A_152 = arith.extui %lt3A_151 : i1 to i32
      %cond3A_153 = arith.constant 0 : i32
      %cond3A_154 = arith.cmpi ne, %convert_element_type3A_152, %cond3A_153 : i32
      scf.if %cond3A_154 {
        %add3A_607 = arith.constant 2 : i32
        %add3A_608 = arith.addi %add3A_125, %add3A_607 : i32
        %dma_start3A_609 = arith.constant 0 : i32
        %dma_start3A_610 = tpu.memref_slice %arg7[%add3A_608, %dma_start3A_609] : memref<80x128xi32, #tpu.memory_space<vmem>> -> memref<1x128xi32, #tpu.memory_space<vmem>>
        %dma_start3A_611 = tpu.memref_squeeze %dma_start3A_610 : memref<1x128xi32, #tpu.memory_space<vmem>> -> memref<128xi32, #tpu.memory_space<vmem>>
        %dma_start3A_612 = arith.constant 0 : i32
        %dma_start3A_613 = arith.constant 0 : i32
        %dma_start3A_614 = tpu.memref_slice %arg2[%dma_start3A_612, %dma_start3A_613] : memref<10000x128xf32, #tpu.memory_space<hbm>> -> memref<10000x128xf32, #tpu.memory_space<hbm>>
        tpu.enqueue_indirect_dma source(%dma_start3A_614 : memref<10000x128xf32, #tpu.memory_space<hbm>>) target(%arg9 : memref<128x128xf32, #tpu.memory_space<vmem>>) offsets(%dma_start3A_611 : memref<128xi32, #tpu.memory_space<vmem>>) semaphore(%arg12 : memref<!tpu.dma_semaphore, #tpu.memory_space<semaphore_mem>>)
      } else {
      }
      %mul3A_155 = arith.constant 8 : i32
      %mul3A_156 = arith.muli %add3A_53, %mul3A_155 : i32
      %add3A_157 = arith.constant 3 : i32
      %add3A_158 = arith.addi %mul3A_156, %add3A_157 : i32
      %dma_wait3A_159 = arith.constant 0 : i32
      %dma_wait3A_160 = tpu.memref_slice %arg7[%add3A_158, %dma_wait3A_159] : memref<80x128xi32, #tpu.memory_space<vmem>> -> memref<1x128xi32, #tpu.memory_space<vmem>>
      %dma_wait3A_161 = tpu.memref_squeeze %dma_wait3A_160 : memref<1x128xi32, #tpu.memory_space<vmem>> -> memref<128xi32, #tpu.memory_space<vmem>>
      %dma_wait3A_162 = arith.constant 0 : i32
      %dma_wait3A_163 = arith.constant 0 : i32
      %dma_wait3A_164 = tpu.memref_slice %arg2[%dma_wait3A_162, %dma_wait3A_163] : memref<10000x128xf32, #tpu.memory_space<hbm>> -> memref<10000x128xf32, #tpu.memory_space<hbm>>
      tpu.wait_indirect_dma semaphore(%arg13 : memref<!tpu.dma_semaphore, #tpu.memory_space<semaphore_mem>>) src(%dma_wait3A_164 : memref<10000x128xf32, #tpu.memory_space<hbm>>) dst(%arg10 : memref<128x128xf32, #tpu.memory_space<vmem>>)
      %dma_start3A_165 = arith.constant 0 : i32
      %dma_start3A_166 = arith.constant 3 : i32
      %dma_start3A_167 = arith.constant 0 : i32
      %dma_start3A_168 = tpu.memref_slice %arg8[%dma_start3A_165, %dma_start3A_166, %dma_start3A_167] : memref<2x8x128xi32, #tpu.memory_space<vmem>> -> memref<1x1x128xi32, #tpu.memory_space<vmem>>
      %dma_start3A_169 = tpu.memref_squeeze %dma_start3A_168 : memref<1x1x128xi32, #tpu.memory_space<vmem>> -> memref<128xi32, #tpu.memory_space<vmem>>
      %dma_start3A_170 = arith.constant 0 : i32
      %dma_start3A_171 = arith.constant 0 : i32
      %dma_start3A_172 = tpu.memref_slice %arg11[%dma_start3A_170, %dma_start3A_171] : memref<10512x128xf32, #tpu.memory_space<vmem_shared>> -> memref<10512x128xf32, #tpu.memory_space<vmem_shared>>
      tpu.enqueue_indirect_dma source(%arg10 : memref<128x128xf32, #tpu.memory_space<vmem>>) target(%dma_start3A_172 : memref<10512x128xf32, #tpu.memory_space<vmem_shared>>) offsets(%dma_start3A_169 : memref<128xi32, #tpu.memory_space<vmem>>) semaphore(%arg13 : memref<!tpu.dma_semaphore, #tpu.memory_space<semaphore_mem>>) {add = true}
      %dma_wait3A_173 = arith.constant 0 : i32
      %dma_wait3A_174 = arith.constant 3 : i32
      %dma_wait3A_175 = arith.constant 0 : i32
      %dma_wait3A_176 = tpu.memref_slice %arg8[%dma_wait3A_173, %dma_wait3A_174, %dma_wait3A_175] : memref<2x8x128xi32, #tpu.memory_space<vmem>> -> memref<1x1x128xi32, #tpu.memory_space<vmem>>
      %dma_wait3A_177 = tpu.memref_squeeze %dma_wait3A_176 : memref<1x1x128xi32, #tpu.memory_space<vmem>> -> memref<128xi32, #tpu.memory_space<vmem>>
      %dma_wait3A_178 = arith.constant 0 : i32
      %dma_wait3A_179 = arith.constant 0 : i32
      %dma_wait3A_180 = tpu.memref_slice %arg11[%dma_wait3A_178, %dma_wait3A_179] : memref<10512x128xf32, #tpu.memory_space<vmem_shared>> -> memref<10512x128xf32, #tpu.memory_space<vmem_shared>>
      tpu.wait_indirect_dma semaphore(%arg13 : memref<!tpu.dma_semaphore, #tpu.memory_space<semaphore_mem>>) src(%arg10 : memref<128x128xf32, #tpu.memory_space<vmem>>) dst(%dma_wait3A_180 : memref<10512x128xf32, #tpu.memory_space<vmem_shared>>)
      %add3A_181 = arith.constant 2 : i32
      %add3A_182 = arith.addi %add3A_158, %add3A_181 : i32
      %lt3A_183 = arith.constant 80 : i32
      %lt3A_184 = arith.cmpi slt, %add3A_182, %lt3A_183 : i32
      %convert_element_type3A_185 = arith.extui %lt3A_184 : i1 to i32
      %cond3A_186 = arith.constant 0 : i32
      %cond3A_187 = arith.cmpi ne, %convert_element_type3A_185, %cond3A_186 : i32
      scf.if %cond3A_187 {
        %add3A_607 = arith.constant 2 : i32
        %add3A_608 = arith.addi %add3A_158, %add3A_607 : i32
        %dma_start3A_609 = arith.constant 0 : i32
        %dma_start3A_610 = tpu.memref_slice %arg7[%add3A_608, %dma_start3A_609] : memref<80x128xi32, #tpu.memory_space<vmem>> -> memref<1x128xi32, #tpu.memory_space<vmem>>
        %dma_start3A_611 = tpu.memref_squeeze %dma_start3A_610 : memref<1x128xi32, #tpu.memory_space<vmem>> -> memref<128xi32, #tpu.memory_space<vmem>>
        %dma_start3A_612 = arith.constant 0 : i32
        %dma_start3A_613 = arith.constant 0 : i32
        %dma_start3A_614 = tpu.memref_slice %arg2[%dma_start3A_612, %dma_start3A_613] : memref<10000x128xf32, #tpu.memory_space<hbm>> -> memref<10000x128xf32, #tpu.memory_space<hbm>>
        tpu.enqueue_indirect_dma source(%dma_start3A_614 : memref<10000x128xf32, #tpu.memory_space<hbm>>) target(%arg10 : memref<128x128xf32, #tpu.memory_space<vmem>>) offsets(%dma_start3A_611 : memref<128xi32, #tpu.memory_space<vmem>>) semaphore(%arg13 : memref<!tpu.dma_semaphore, #tpu.memory_space<semaphore_mem>>)
      } else {
      }
      %mul3A_188 = arith.constant 8 : i32
      %mul3A_189 = arith.muli %add3A_53, %mul3A_188 : i32
      %add3A_190 = arith.constant 4 : i32
      %add3A_191 = arith.addi %mul3A_189, %add3A_190 : i32
      %dma_wait3A_192 = arith.constant 0 : i32
      %dma_wait3A_193 = tpu.memref_slice %arg7[%add3A_191, %dma_wait3A_192] : memref<80x128xi32, #tpu.memory_space<vmem>> -> memref<1x128xi32, #tpu.memory_space<vmem>>
      %dma_wait3A_194 = tpu.memref_squeeze %dma_wait3A_193 : memref<1x128xi32, #tpu.memory_space<vmem>> -> memref<128xi32, #tpu.memory_space<vmem>>
      %dma_wait3A_195 = arith.constant 0 : i32
      %dma_wait3A_196 = arith.constant 0 : i32
      %dma_wait3A_197 = tpu.memref_slice %arg2[%dma_wait3A_195, %dma_wait3A_196] : memref<10000x128xf32, #tpu.memory_space<hbm>> -> memref<10000x128xf32, #tpu.memory_space<hbm>>
      tpu.wait_indirect_dma semaphore(%arg12 : memref<!tpu.dma_semaphore, #tpu.memory_space<semaphore_mem>>) src(%dma_wait3A_197 : memref<10000x128xf32, #tpu.memory_space<hbm>>) dst(%arg9 : memref<128x128xf32, #tpu.memory_space<vmem>>)
      %dma_start3A_198 = arith.constant 0 : i32
      %dma_start3A_199 = arith.constant 4 : i32
      %dma_start3A_200 = arith.constant 0 : i32
      %dma_start3A_201 = tpu.memref_slice %arg8[%dma_start3A_198, %dma_start3A_199, %dma_start3A_200] : memref<2x8x128xi32, #tpu.memory_space<vmem>> -> memref<1x1x128xi32, #tpu.memory_space<vmem>>
      %dma_start3A_202 = tpu.memref_squeeze %dma_start3A_201 : memref<1x1x128xi32, #tpu.memory_space<vmem>> -> memref<128xi32, #tpu.memory_space<vmem>>
      %dma_start3A_203 = arith.constant 0 : i32
      %dma_start3A_204 = arith.constant 0 : i32
      %dma_start3A_205 = tpu.memref_slice %arg11[%dma_start3A_203, %dma_start3A_204] : memref<10512x128xf32, #tpu.memory_space<vmem_shared>> -> memref<10512x128xf32, #tpu.memory_space<vmem_shared>>
      tpu.enqueue_indirect_dma source(%arg9 : memref<128x128xf32, #tpu.memory_space<vmem>>) target(%dma_start3A_205 : memref<10512x128xf32, #tpu.memory_space<vmem_shared>>) offsets(%dma_start3A_202 : memref<128xi32, #tpu.memory_space<vmem>>) semaphore(%arg12 : memref<!tpu.dma_semaphore, #tpu.memory_space<semaphore_mem>>) {add = true}
      %dma_wait3A_206 = arith.constant 0 : i32
      %dma_wait3A_207 = arith.constant 4 : i32
      %dma_wait3A_208 = arith.constant 0 : i32
      %dma_wait3A_209 = tpu.memref_slice %arg8[%dma_wait3A_206, %dma_wait3A_207, %dma_wait3A_208] : memref<2x8x128xi32, #tpu.memory_space<vmem>> -> memref<1x1x128xi32, #tpu.memory_space<vmem>>
      %dma_wait3A_210 = tpu.memref_squeeze %dma_wait3A_209 : memref<1x1x128xi32, #tpu.memory_space<vmem>> -> memref<128xi32, #tpu.memory_space<vmem>>
      %dma_wait3A_211 = arith.constant 0 : i32
      %dma_wait3A_212 = arith.constant 0 : i32
      %dma_wait3A_213 = tpu.memref_slice %arg11[%dma_wait3A_211, %dma_wait3A_212] : memref<10512x128xf32, #tpu.memory_space<vmem_shared>> -> memref<10512x128xf32, #tpu.memory_space<vmem_shared>>
      tpu.wait_indirect_dma semaphore(%arg12 : memref<!tpu.dma_semaphore, #tpu.memory_space<semaphore_mem>>) src(%arg9 : memref<128x128xf32, #tpu.memory_space<vmem>>) dst(%dma_wait3A_213 : memref<10512x128xf32, #tpu.memory_space<vmem_shared>>)
      %add3A_214 = arith.constant 2 : i32
      %add3A_215 = arith.addi %add3A_191, %add3A_214 : i32
      %lt3A_216 = arith.constant 80 : i32
      %lt3A_217 = arith.cmpi slt, %add3A_215, %lt3A_216 : i32
      %convert_element_type3A_218 = arith.extui %lt3A_217 : i1 to i32
      %cond3A_219 = arith.constant 0 : i32
      %cond3A_220 = arith.cmpi ne, %convert_element_type3A_218, %cond3A_219 : i32
      scf.if %cond3A_220 {
        %add3A_607 = arith.constant 2 : i32
        %add3A_608 = arith.addi %add3A_191, %add3A_607 : i32
        %dma_start3A_609 = arith.constant 0 : i32
        %dma_start3A_610 = tpu.memref_slice %arg7[%add3A_608, %dma_start3A_609] : memref<80x128xi32, #tpu.memory_space<vmem>> -> memref<1x128xi32, #tpu.memory_space<vmem>>
        %dma_start3A_611 = tpu.memref_squeeze %dma_start3A_610 : memref<1x128xi32, #tpu.memory_space<vmem>> -> memref<128xi32, #tpu.memory_space<vmem>>
        %dma_start3A_612 = arith.constant 0 : i32
        %dma_start3A_613 = arith.constant 0 : i32
        %dma_start3A_614 = tpu.memref_slice %arg2[%dma_start3A_612, %dma_start3A_613] : memref<10000x128xf32, #tpu.memory_space<hbm>> -> memref<10000x128xf32, #tpu.memory_space<hbm>>
        tpu.enqueue_indirect_dma source(%dma_start3A_614 : memref<10000x128xf32, #tpu.memory_space<hbm>>) target(%arg9 : memref<128x128xf32, #tpu.memory_space<vmem>>) offsets(%dma_start3A_611 : memref<128xi32, #tpu.memory_space<vmem>>) semaphore(%arg12 : memref<!tpu.dma_semaphore, #tpu.memory_space<semaphore_mem>>)
      } else {
      }
      %mul3A_221 = arith.constant 8 : i32
      %mul3A_222 = arith.muli %add3A_53, %mul3A_221 : i32
      %add3A_223 = arith.constant 5 : i32
      %add3A_224 = arith.addi %mul3A_222, %add3A_223 : i32
      %dma_wait3A_225 = arith.constant 0 : i32
      %dma_wait3A_226 = tpu.memref_slice %arg7[%add3A_224, %dma_wait3A_225] : memref<80x128xi32, #tpu.memory_space<vmem>> -> memref<1x128xi32, #tpu.memory_space<vmem>>
      %dma_wait3A_227 = tpu.memref_squeeze %dma_wait3A_226 : memref<1x128xi32, #tpu.memory_space<vmem>> -> memref<128xi32, #tpu.memory_space<vmem>>
      %dma_wait3A_228 = arith.constant 0 : i32
      %dma_wait3A_229 = arith.constant 0 : i32
      %dma_wait3A_230 = tpu.memref_slice %arg2[%dma_wait3A_228, %dma_wait3A_229] : memref<10000x128xf32, #tpu.memory_space<hbm>> -> memref<10000x128xf32, #tpu.memory_space<hbm>>
      tpu.wait_indirect_dma semaphore(%arg13 : memref<!tpu.dma_semaphore, #tpu.memory_space<semaphore_mem>>) src(%dma_wait3A_230 : memref<10000x128xf32, #tpu.memory_space<hbm>>) dst(%arg10 : memref<128x128xf32, #tpu.memory_space<vmem>>)
      %dma_start3A_231 = arith.constant 0 : i32
      %dma_start3A_232 = arith.constant 5 : i32
      %dma_start3A_233 = arith.constant 0 : i32
      %dma_start3A_234 = tpu.memref_slice %arg8[%dma_start3A_231, %dma_start3A_232, %dma_start3A_233] : memref<2x8x128xi32, #tpu.memory_space<vmem>> -> memref<1x1x128xi32, #tpu.memory_space<vmem>>
      %dma_start3A_235 = tpu.memref_squeeze %dma_start3A_234 : memref<1x1x128xi32, #tpu.memory_space<vmem>> -> memref<128xi32, #tpu.memory_space<vmem>>
      %dma_start3A_236 = arith.constant 0 : i32
      %dma_start3A_237 = arith.constant 0 : i32
      %dma_start3A_238 = tpu.memref_slice %arg11[%dma_start3A_236, %dma_start3A_237] : memref<10512x128xf32, #tpu.memory_space<vmem_shared>> -> memref<10512x128xf32, #tpu.memory_space<vmem_shared>>
      tpu.enqueue_indirect_dma source(%arg10 : memref<128x128xf32, #tpu.memory_space<vmem>>) target(%dma_start3A_238 : memref<10512x128xf32, #tpu.memory_space<vmem_shared>>) offsets(%dma_start3A_235 : memref<128xi32, #tpu.memory_space<vmem>>) semaphore(%arg13 : memref<!tpu.dma_semaphore, #tpu.memory_space<semaphore_mem>>) {add = true}
      %dma_wait3A_239 = arith.constant 0 : i32
      %dma_wait3A_240 = arith.constant 5 : i32
      %dma_wait3A_241 = arith.constant 0 : i32
      %dma_wait3A_242 = tpu.memref_slice %arg8[%dma_wait3A_239, %dma_wait3A_240, %dma_wait3A_241] : memref<2x8x128xi32, #tpu.memory_space<vmem>> -> memref<1x1x128xi32, #tpu.memory_space<vmem>>
      %dma_wait3A_243 = tpu.memref_squeeze %dma_wait3A_242 : memref<1x1x128xi32, #tpu.memory_space<vmem>> -> memref<128xi32, #tpu.memory_space<vmem>>
      %dma_wait3A_244 = arith.constant 0 : i32
      %dma_wait3A_245 = arith.constant 0 : i32
      %dma_wait3A_246 = tpu.memref_slice %arg11[%dma_wait3A_244, %dma_wait3A_245] : memref<10512x128xf32, #tpu.memory_space<vmem_shared>> -> memref<10512x128xf32, #tpu.memory_space<vmem_shared>>
      tpu.wait_indirect_dma semaphore(%arg13 : memref<!tpu.dma_semaphore, #tpu.memory_space<semaphore_mem>>) src(%arg10 : memref<128x128xf32, #tpu.memory_space<vmem>>) dst(%dma_wait3A_246 : memref<10512x128xf32, #tpu.memory_space<vmem_shared>>)
      %add3A_247 = arith.constant 2 : i32
      %add3A_248 = arith.addi %add3A_224, %add3A_247 : i32
      %lt3A_249 = arith.constant 80 : i32
      %lt3A_250 = arith.cmpi slt, %add3A_248, %lt3A_249 : i32
      %convert_element_type3A_251 = arith.extui %lt3A_250 : i1 to i32
      %cond3A_252 = arith.constant 0 : i32
      %cond3A_253 = arith.cmpi ne, %convert_element_type3A_251, %cond3A_252 : i32
      scf.if %cond3A_253 {
        %add3A_607 = arith.constant 2 : i32
        %add3A_608 = arith.addi %add3A_224, %add3A_607 : i32
        %dma_start3A_609 = arith.constant 0 : i32
        %dma_start3A_610 = tpu.memref_slice %arg7[%add3A_608, %dma_start3A_609] : memref<80x128xi32, #tpu.memory_space<vmem>> -> memref<1x128xi32, #tpu.memory_space<vmem>>
        %dma_start3A_611 = tpu.memref_squeeze %dma_start3A_610 : memref<1x128xi32, #tpu.memory_space<vmem>> -> memref<128xi32, #tpu.memory_space<vmem>>
        %dma_start3A_612 = arith.constant 0 : i32
        %dma_start3A_613 = arith.constant 0 : i32
        %dma_start3A_614 = tpu.memref_slice %arg2[%dma_start3A_612, %dma_start3A_613] : memref<10000x128xf32, #tpu.memory_space<hbm>> -> memref<10000x128xf32, #tpu.memory_space<hbm>>
        tpu.enqueue_indirect_dma source(%dma_start3A_614 : memref<10000x128xf32, #tpu.memory_space<hbm>>) target(%arg10 : memref<128x128xf32, #tpu.memory_space<vmem>>) offsets(%dma_start3A_611 : memref<128xi32, #tpu.memory_space<vmem>>) semaphore(%arg13 : memref<!tpu.dma_semaphore, #tpu.memory_space<semaphore_mem>>)
      } else {
      }
      %mul3A_254 = arith.constant 8 : i32
      %mul3A_255 = arith.muli %add3A_53, %mul3A_254 : i32
      %add3A_256 = arith.constant 6 : i32
      %add3A_257 = arith.addi %mul3A_255, %add3A_256 : i32
      %dma_wait3A_258 = arith.constant 0 : i32
      %dma_wait3A_259 = tpu.memref_slice %arg7[%add3A_257, %dma_wait3A_258] : memref<80x128xi32, #tpu.memory_space<vmem>> -> memref<1x128xi32, #tpu.memory_space<vmem>>
      %dma_wait3A_260 = tpu.memref_squeeze %dma_wait3A_259 : memref<1x128xi32, #tpu.memory_space<vmem>> -> memref<128xi32, #tpu.memory_space<vmem>>
      %dma_wait3A_261 = arith.constant 0 : i32
      %dma_wait3A_262 = arith.constant 0 : i32
      %dma_wait3A_263 = tpu.memref_slice %arg2[%dma_wait3A_261, %dma_wait3A_262] : memref<10000x128xf32, #tpu.memory_space<hbm>> -> memref<10000x128xf32, #tpu.memory_space<hbm>>
      tpu.wait_indirect_dma semaphore(%arg12 : memref<!tpu.dma_semaphore, #tpu.memory_space<semaphore_mem>>) src(%dma_wait3A_263 : memref<10000x128xf32, #tpu.memory_space<hbm>>) dst(%arg9 : memref<128x128xf32, #tpu.memory_space<vmem>>)
      %dma_start3A_264 = arith.constant 0 : i32
      %dma_start3A_265 = arith.constant 6 : i32
      %dma_start3A_266 = arith.constant 0 : i32
      %dma_start3A_267 = tpu.memref_slice %arg8[%dma_start3A_264, %dma_start3A_265, %dma_start3A_266] : memref<2x8x128xi32, #tpu.memory_space<vmem>> -> memref<1x1x128xi32, #tpu.memory_space<vmem>>
      %dma_start3A_268 = tpu.memref_squeeze %dma_start3A_267 : memref<1x1x128xi32, #tpu.memory_space<vmem>> -> memref<128xi32, #tpu.memory_space<vmem>>
      %dma_start3A_269 = arith.constant 0 : i32
      %dma_start3A_270 = arith.constant 0 : i32
      %dma_start3A_271 = tpu.memref_slice %arg11[%dma_start3A_269, %dma_start3A_270] : memref<10512x128xf32, #tpu.memory_space<vmem_shared>> -> memref<10512x128xf32, #tpu.memory_space<vmem_shared>>
      tpu.enqueue_indirect_dma source(%arg9 : memref<128x128xf32, #tpu.memory_space<vmem>>) target(%dma_start3A_271 : memref<10512x128xf32, #tpu.memory_space<vmem_shared>>) offsets(%dma_start3A_268 : memref<128xi32, #tpu.memory_space<vmem>>) semaphore(%arg12 : memref<!tpu.dma_semaphore, #tpu.memory_space<semaphore_mem>>) {add = true}
      %dma_wait3A_272 = arith.constant 0 : i32
      %dma_wait3A_273 = arith.constant 6 : i32
      %dma_wait3A_274 = arith.constant 0 : i32
      %dma_wait3A_275 = tpu.memref_slice %arg8[%dma_wait3A_272, %dma_wait3A_273, %dma_wait3A_274] : memref<2x8x128xi32, #tpu.memory_space<vmem>> -> memref<1x1x128xi32, #tpu.memory_space<vmem>>
      %dma_wait3A_276 = tpu.memref_squeeze %dma_wait3A_275 : memref<1x1x128xi32, #tpu.memory_space<vmem>> -> memref<128xi32, #tpu.memory_space<vmem>>
      %dma_wait3A_277 = arith.constant 0 : i32
      %dma_wait3A_278 = arith.constant 0 : i32
      %dma_wait3A_279 = tpu.memref_slice %arg11[%dma_wait3A_277, %dma_wait3A_278] : memref<10512x128xf32, #tpu.memory_space<vmem_shared>> -> memref<10512x128xf32, #tpu.memory_space<vmem_shared>>
      tpu.wait_indirect_dma semaphore(%arg12 : memref<!tpu.dma_semaphore, #tpu.memory_space<semaphore_mem>>) src(%arg9 : memref<128x128xf32, #tpu.memory_space<vmem>>) dst(%dma_wait3A_279 : memref<10512x128xf32, #tpu.memory_space<vmem_shared>>)
      %add3A_280 = arith.constant 2 : i32
      %add3A_281 = arith.addi %add3A_257, %add3A_280 : i32
      %lt3A_282 = arith.constant 80 : i32
      %lt3A_283 = arith.cmpi slt, %add3A_281, %lt3A_282 : i32
      %convert_element_type3A_284 = arith.extui %lt3A_283 : i1 to i32
      %cond3A_285 = arith.constant 0 : i32
      %cond3A_286 = arith.cmpi ne, %convert_element_type3A_284, %cond3A_285 : i32
      scf.if %cond3A_286 {
        %add3A_607 = arith.constant 2 : i32
        %add3A_608 = arith.addi %add3A_257, %add3A_607 : i32
        %dma_start3A_609 = arith.constant 0 : i32
        %dma_start3A_610 = tpu.memref_slice %arg7[%add3A_608, %dma_start3A_609] : memref<80x128xi32, #tpu.memory_space<vmem>> -> memref<1x128xi32, #tpu.memory_space<vmem>>
        %dma_start3A_611 = tpu.memref_squeeze %dma_start3A_610 : memref<1x128xi32, #tpu.memory_space<vmem>> -> memref<128xi32, #tpu.memory_space<vmem>>
        %dma_start3A_612 = arith.constant 0 : i32
        %dma_start3A_613 = arith.constant 0 : i32
        %dma_start3A_614 = tpu.memref_slice %arg2[%dma_start3A_612, %dma_start3A_613] : memref<10000x128xf32, #tpu.memory_space<hbm>> -> memref<10000x128xf32, #tpu.memory_space<hbm>>
        tpu.enqueue_indirect_dma source(%dma_start3A_614 : memref<10000x128xf32, #tpu.memory_space<hbm>>) target(%arg9 : memref<128x128xf32, #tpu.memory_space<vmem>>) offsets(%dma_start3A_611 : memref<128xi32, #tpu.memory_space<vmem>>) semaphore(%arg12 : memref<!tpu.dma_semaphore, #tpu.memory_space<semaphore_mem>>)
      } else {
      }
      %mul3A_287 = arith.constant 8 : i32
      %mul3A_288 = arith.muli %add3A_53, %mul3A_287 : i32
      %add3A_289 = arith.constant 7 : i32
      %add3A_290 = arith.addi %mul3A_288, %add3A_289 : i32
      %dma_wait3A_291 = arith.constant 0 : i32
      %dma_wait3A_292 = tpu.memref_slice %arg7[%add3A_290, %dma_wait3A_291] : memref<80x128xi32, #tpu.memory_space<vmem>> -> memref<1x128xi32, #tpu.memory_space<vmem>>
      %dma_wait3A_293 = tpu.memref_squeeze %dma_wait3A_292 : memref<1x128xi32, #tpu.memory_space<vmem>> -> memref<128xi32, #tpu.memory_space<vmem>>
      %dma_wait3A_294 = arith.constant 0 : i32
      %dma_wait3A_295 = arith.constant 0 : i32
      %dma_wait3A_296 = tpu.memref_slice %arg2[%dma_wait3A_294, %dma_wait3A_295] : memref<10000x128xf32, #tpu.memory_space<hbm>> -> memref<10000x128xf32, #tpu.memory_space<hbm>>
      tpu.wait_indirect_dma semaphore(%arg13 : memref<!tpu.dma_semaphore, #tpu.memory_space<semaphore_mem>>) src(%dma_wait3A_296 : memref<10000x128xf32, #tpu.memory_space<hbm>>) dst(%arg10 : memref<128x128xf32, #tpu.memory_space<vmem>>)
      %dma_start3A_297 = arith.constant 0 : i32
      %dma_start3A_298 = arith.constant 7 : i32
      %dma_start3A_299 = arith.constant 0 : i32
      %dma_start3A_300 = tpu.memref_slice %arg8[%dma_start3A_297, %dma_start3A_298, %dma_start3A_299] : memref<2x8x128xi32, #tpu.memory_space<vmem>> -> memref<1x1x128xi32, #tpu.memory_space<vmem>>
      %dma_start3A_301 = tpu.memref_squeeze %dma_start3A_300 : memref<1x1x128xi32, #tpu.memory_space<vmem>> -> memref<128xi32, #tpu.memory_space<vmem>>
      %dma_start3A_302 = arith.constant 0 : i32
      %dma_start3A_303 = arith.constant 0 : i32
      %dma_start3A_304 = tpu.memref_slice %arg11[%dma_start3A_302, %dma_start3A_303] : memref<10512x128xf32, #tpu.memory_space<vmem_shared>> -> memref<10512x128xf32, #tpu.memory_space<vmem_shared>>
      tpu.enqueue_indirect_dma source(%arg10 : memref<128x128xf32, #tpu.memory_space<vmem>>) target(%dma_start3A_304 : memref<10512x128xf32, #tpu.memory_space<vmem_shared>>) offsets(%dma_start3A_301 : memref<128xi32, #tpu.memory_space<vmem>>) semaphore(%arg13 : memref<!tpu.dma_semaphore, #tpu.memory_space<semaphore_mem>>) {add = true}
      %dma_wait3A_305 = arith.constant 0 : i32
      %dma_wait3A_306 = arith.constant 7 : i32
      %dma_wait3A_307 = arith.constant 0 : i32
      %dma_wait3A_308 = tpu.memref_slice %arg8[%dma_wait3A_305, %dma_wait3A_306, %dma_wait3A_307] : memref<2x8x128xi32, #tpu.memory_space<vmem>> -> memref<1x1x128xi32, #tpu.memory_space<vmem>>
      %dma_wait3A_309 = tpu.memref_squeeze %dma_wait3A_308 : memref<1x1x128xi32, #tpu.memory_space<vmem>> -> memref<128xi32, #tpu.memory_space<vmem>>
      %dma_wait3A_310 = arith.constant 0 : i32
      %dma_wait3A_311 = arith.constant 0 : i32
      %dma_wait3A_312 = tpu.memref_slice %arg11[%dma_wait3A_310, %dma_wait3A_311] : memref<10512x128xf32, #tpu.memory_space<vmem_shared>> -> memref<10512x128xf32, #tpu.memory_space<vmem_shared>>
      tpu.wait_indirect_dma semaphore(%arg13 : memref<!tpu.dma_semaphore, #tpu.memory_space<semaphore_mem>>) src(%arg10 : memref<128x128xf32, #tpu.memory_space<vmem>>) dst(%dma_wait3A_312 : memref<10512x128xf32, #tpu.memory_space<vmem_shared>>)
      %add3A_313 = arith.constant 2 : i32
      %add3A_314 = arith.addi %add3A_290, %add3A_313 : i32
      %lt3A_315 = arith.constant 80 : i32
      %lt3A_316 = arith.cmpi slt, %add3A_314, %lt3A_315 : i32
      %convert_element_type3A_317 = arith.extui %lt3A_316 : i1 to i32
      %cond3A_318 = arith.constant 0 : i32
      %cond3A_319 = arith.cmpi ne, %convert_element_type3A_317, %cond3A_318 : i32
      scf.if %cond3A_319 {
        %add3A_607 = arith.constant 2 : i32
        %add3A_608 = arith.addi %add3A_290, %add3A_607 : i32
        %dma_start3A_609 = arith.constant 0 : i32
        %dma_start3A_610 = tpu.memref_slice %arg7[%add3A_608, %dma_start3A_609] : memref<80x128xi32, #tpu.memory_space<vmem>> -> memref<1x128xi32, #tpu.memory_space<vmem>>
        %dma_start3A_611 = tpu.memref_squeeze %dma_start3A_610 : memref<1x128xi32, #tpu.memory_space<vmem>> -> memref<128xi32, #tpu.memory_space<vmem>>
        %dma_start3A_612 = arith.constant 0 : i32
        %dma_start3A_613 = arith.constant 0 : i32
        %dma_start3A_614 = tpu.memref_slice %arg2[%dma_start3A_612, %dma_start3A_613] : memref<10000x128xf32, #tpu.memory_space<hbm>> -> memref<10000x128xf32, #tpu.memory_space<hbm>>
        tpu.enqueue_indirect_dma source(%dma_start3A_614 : memref<10000x128xf32, #tpu.memory_space<hbm>>) target(%arg10 : memref<128x128xf32, #tpu.memory_space<vmem>>) offsets(%dma_start3A_611 : memref<128xi32, #tpu.memory_space<vmem>>) semaphore(%arg13 : memref<!tpu.dma_semaphore, #tpu.memory_space<semaphore_mem>>)
      } else {
      }
      %add3A_320 = arith.constant 2 : i32
      %add3A_321 = arith.addi %add3A_53, %add3A_320 : i32
      %lt3A_322 = arith.constant 10 : i32
      %lt3A_323 = arith.cmpi slt, %add3A_321, %lt3A_322 : i32
      %convert_element_type3A_324 = arith.extui %lt3A_323 : i1 to i32
      %cond3A_325 = arith.constant 0 : i32
      %cond3A_326 = arith.cmpi ne, %convert_element_type3A_324, %cond3A_325 : i32
      scf.if %cond3A_326 {
        %add3A_607 = arith.constant 2 : i32
        %add3A_608 = arith.addi %add3A_53, %add3A_607 : i32
        %mul3A_609 = arith.constant 8 : i32
        %mul3A_610 = arith.muli %add3A_608, %mul3A_609 : i32
        %add3A_611 = arith.addi %mul3A_2, %mul3A_610 : i32
        %dma_start3A_612 = arith.constant 0 : i32
        %dma_start3A_613 = arith.constant 0 : i32
        %dma_start3A_614 = arith.constant 0 : i32
        %dma_start3A_615 = tpu.memref_slice %arg8[%dma_start3A_612, %dma_start3A_613, %dma_start3A_614] : memref<2x8x128xi32, #tpu.memory_space<vmem>> -> memref<1x8x128xi32, #tpu.memory_space<vmem>>
        %dma_start3A_616 = tpu.memref_squeeze %dma_start3A_615 : memref<1x8x128xi32, #tpu.memory_space<vmem>> -> memref<8x128xi32, #tpu.memory_space<vmem>>
        %dma_start3A_617 = arith.constant 0 : i32
        %dma_start3A_618 = tpu.memref_slice %arg4[%add3A_611, %dma_start3A_617] : memref<2560x128xi32, #tpu.memory_space<hbm>> -> memref<8x128xi32, #tpu.memory_space<hbm>>
        %dma_start3A_619 = arith.constant 0 : i32
        %dma_start3A_620 = arith.constant 0 : i32
        %dma_start3A_621 = tpu.memref_slice %arg8[%dma_start3A_612, %dma_start3A_619, %dma_start3A_620] : memref<2x8x128xi32, #tpu.memory_space<vmem>> -> memref<1x8x128xi32, #tpu.memory_space<vmem>>
        %dma_start3A_622 = tpu.memref_squeeze %dma_start3A_621 : memref<1x8x128xi32, #tpu.memory_space<vmem>> -> memref<8x128xi32, #tpu.memory_space<vmem>>
        %dma_start3A_623 = arith.constant 0 : i32
        %dma_start3A_624 = tpu.memref_slice %arg4[%add3A_611, %dma_start3A_623] : memref<2560x128xi32, #tpu.memory_space<hbm>> -> memref<8x128xi32, #tpu.memory_space<hbm>>
        tpu.enqueue_dma source(%dma_start3A_624 : memref<8x128xi32, #tpu.memory_space<hbm>>) target(%dma_start3A_622 : memref<8x128xi32, #tpu.memory_space<vmem>>) target_semaphore(%arg14 : memref<!tpu.dma_semaphore, #tpu.memory_space<semaphore_mem>>)
      } else {
      }
      %mul3A_327 = arith.constant 2 : i32
      %mul3A_328 = arith.muli %add3A_49, %mul3A_327 : i32
      %add3A_329 = arith.constant 1 : i32
      %add3A_330 = arith.addi %mul3A_328, %add3A_329 : i32
      %ge3A_331 = arith.constant 2 : i32
      %ge3A_332 = arith.cmpi sge, %add3A_330, %ge3A_331 : i32
      %convert_element_type3A_333 = arith.extui %ge3A_332 : i1 to i32
      %cond3A_334 = arith.constant 0 : i32
      %cond3A_335 = arith.cmpi ne, %convert_element_type3A_333, %cond3A_334 : i32
      scf.if %cond3A_335 {
        %mul3A_607 = arith.constant 8 : i32
        %mul3A_608 = arith.muli %add3A_330, %mul3A_607 : i32
        %add3A_609 = arith.addi %mul3A_2, %mul3A_608 : i32
        %dma_wait3A_610 = arith.constant 1 : i32
        %dma_wait3A_611 = arith.constant 0 : i32
        %dma_wait3A_612 = arith.constant 0 : i32
        %dma_wait3A_613 = tpu.memref_slice %arg8[%dma_wait3A_610, %dma_wait3A_611, %dma_wait3A_612] : memref<2x8x128xi32, #tpu.memory_space<vmem>> -> memref<1x8x128xi32, #tpu.memory_space<vmem>>
        %dma_wait3A_614 = tpu.memref_squeeze %dma_wait3A_613 : memref<1x8x128xi32, #tpu.memory_space<vmem>> -> memref<8x128xi32, #tpu.memory_space<vmem>>
        %dma_wait3A_615 = arith.constant 0 : i32
        %dma_wait3A_616 = tpu.memref_slice %arg4[%add3A_609, %dma_wait3A_615] : memref<2560x128xi32, #tpu.memory_space<hbm>> -> memref<8x128xi32, #tpu.memory_space<hbm>>
        %dma_wait3A_617 = arith.constant 0 : i32
        %dma_wait3A_618 = arith.constant 0 : i32
        %dma_wait3A_619 = tpu.memref_slice %arg8[%dma_wait3A_610, %dma_wait3A_617, %dma_wait3A_618] : memref<2x8x128xi32, #tpu.memory_space<vmem>> -> memref<1x8x128xi32, #tpu.memory_space<vmem>>
        %dma_wait3A_620 = tpu.memref_squeeze %dma_wait3A_619 : memref<1x8x128xi32, #tpu.memory_space<vmem>> -> memref<8x128xi32, #tpu.memory_space<vmem>>
        %dma_wait3A_621 = arith.constant 0 : i32
        %dma_wait3A_622 = tpu.memref_slice %arg4[%add3A_609, %dma_wait3A_621] : memref<2560x128xi32, #tpu.memory_space<hbm>> -> memref<8x128xi32, #tpu.memory_space<hbm>>
        tpu.wait_dma2 semaphore(%arg15 : memref<!tpu.dma_semaphore, #tpu.memory_space<semaphore_mem>>) src(%dma_wait3A_622 : memref<8x128xi32, #tpu.memory_space<hbm>>) dst(%dma_wait3A_620 : memref<8x128xi32, #tpu.memory_space<vmem>>)
      } else {
      }
      %mul3A_336 = arith.constant 8 : i32
      %mul3A_337 = arith.muli %add3A_330, %mul3A_336 : i32
      %add3A_338 = arith.constant 0 : i32
      %add3A_339 = arith.addi %mul3A_337, %add3A_338 : i32
      %dma_wait3A_340 = arith.constant 0 : i32
      %dma_wait3A_341 = tpu.memref_slice %arg7[%add3A_339, %dma_wait3A_340] : memref<80x128xi32, #tpu.memory_space<vmem>> -> memref<1x128xi32, #tpu.memory_space<vmem>>
      %dma_wait3A_342 = tpu.memref_squeeze %dma_wait3A_341 : memref<1x128xi32, #tpu.memory_space<vmem>> -> memref<128xi32, #tpu.memory_space<vmem>>
      %dma_wait3A_343 = arith.constant 0 : i32
      %dma_wait3A_344 = arith.constant 0 : i32
      %dma_wait3A_345 = tpu.memref_slice %arg2[%dma_wait3A_343, %dma_wait3A_344] : memref<10000x128xf32, #tpu.memory_space<hbm>> -> memref<10000x128xf32, #tpu.memory_space<hbm>>
      tpu.wait_indirect_dma semaphore(%arg12 : memref<!tpu.dma_semaphore, #tpu.memory_space<semaphore_mem>>) src(%dma_wait3A_345 : memref<10000x128xf32, #tpu.memory_space<hbm>>) dst(%arg9 : memref<128x128xf32, #tpu.memory_space<vmem>>)
      %dma_start3A_346 = arith.constant 1 : i32
      %dma_start3A_347 = arith.constant 0 : i32
      %dma_start3A_348 = arith.constant 0 : i32
      %dma_start3A_349 = tpu.memref_slice %arg8[%dma_start3A_346, %dma_start3A_347, %dma_start3A_348] : memref<2x8x128xi32, #tpu.memory_space<vmem>> -> memref<1x1x128xi32, #tpu.memory_space<vmem>>
      %dma_start3A_350 = tpu.memref_squeeze %dma_start3A_349 : memref<1x1x128xi32, #tpu.memory_space<vmem>> -> memref<128xi32, #tpu.memory_space<vmem>>
      %dma_start3A_351 = arith.constant 0 : i32
      %dma_start3A_352 = arith.constant 0 : i32
      %dma_start3A_353 = tpu.memref_slice %arg11[%dma_start3A_351, %dma_start3A_352] : memref<10512x128xf32, #tpu.memory_space<vmem_shared>> -> memref<10512x128xf32, #tpu.memory_space<vmem_shared>>
      tpu.enqueue_indirect_dma source(%arg9 : memref<128x128xf32, #tpu.memory_space<vmem>>) target(%dma_start3A_353 : memref<10512x128xf32, #tpu.memory_space<vmem_shared>>) offsets(%dma_start3A_350 : memref<128xi32, #tpu.memory_space<vmem>>) semaphore(%arg12 : memref<!tpu.dma_semaphore, #tpu.memory_space<semaphore_mem>>) {add = true}
      %dma_wait3A_354 = arith.constant 1 : i32
      %dma_wait3A_355 = arith.constant 0 : i32
      %dma_wait3A_356 = arith.constant 0 : i32
      %dma_wait3A_357 = tpu.memref_slice %arg8[%dma_wait3A_354, %dma_wait3A_355, %dma_wait3A_356] : memref<2x8x128xi32, #tpu.memory_space<vmem>> -> memref<1x1x128xi32, #tpu.memory_space<vmem>>
      %dma_wait3A_358 = tpu.memref_squeeze %dma_wait3A_357 : memref<1x1x128xi32, #tpu.memory_space<vmem>> -> memref<128xi32, #tpu.memory_space<vmem>>
      %dma_wait3A_359 = arith.constant 0 : i32
      %dma_wait3A_360 = arith.constant 0 : i32
      %dma_wait3A_361 = tpu.memref_slice %arg11[%dma_wait3A_359, %dma_wait3A_360] : memref<10512x128xf32, #tpu.memory_space<vmem_shared>> -> memref<10512x128xf32, #tpu.memory_space<vmem_shared>>
      tpu.wait_indirect_dma semaphore(%arg12 : memref<!tpu.dma_semaphore, #tpu.memory_space<semaphore_mem>>) src(%arg9 : memref<128x128xf32, #tpu.memory_space<vmem>>) dst(%dma_wait3A_361 : memref<10512x128xf32, #tpu.memory_space<vmem_shared>>)
      %add3A_362 = arith.constant 2 : i32
      %add3A_363 = arith.addi %add3A_339, %add3A_362 : i32
      %lt3A_364 = arith.constant 80 : i32
      %lt3A_365 = arith.cmpi slt, %add3A_363, %lt3A_364 : i32
      %convert_element_type3A_366 = arith.extui %lt3A_365 : i1 to i32
      %cond3A_367 = arith.constant 0 : i32
      %cond3A_368 = arith.cmpi ne, %convert_element_type3A_366, %cond3A_367 : i32
      scf.if %cond3A_368 {
        %add3A_607 = arith.constant 2 : i32
        %add3A_608 = arith.addi %add3A_339, %add3A_607 : i32
        %dma_start3A_609 = arith.constant 0 : i32
        %dma_start3A_610 = tpu.memref_slice %arg7[%add3A_608, %dma_start3A_609] : memref<80x128xi32, #tpu.memory_space<vmem>> -> memref<1x128xi32, #tpu.memory_space<vmem>>
        %dma_start3A_611 = tpu.memref_squeeze %dma_start3A_610 : memref<1x128xi32, #tpu.memory_space<vmem>> -> memref<128xi32, #tpu.memory_space<vmem>>
        %dma_start3A_612 = arith.constant 0 : i32
        %dma_start3A_613 = arith.constant 0 : i32
        %dma_start3A_614 = tpu.memref_slice %arg2[%dma_start3A_612, %dma_start3A_613] : memref<10000x128xf32, #tpu.memory_space<hbm>> -> memref<10000x128xf32, #tpu.memory_space<hbm>>
        tpu.enqueue_indirect_dma source(%dma_start3A_614 : memref<10000x128xf32, #tpu.memory_space<hbm>>) target(%arg9 : memref<128x128xf32, #tpu.memory_space<vmem>>) offsets(%dma_start3A_611 : memref<128xi32, #tpu.memory_space<vmem>>) semaphore(%arg12 : memref<!tpu.dma_semaphore, #tpu.memory_space<semaphore_mem>>)
      } else {
      }
      %mul3A_369 = arith.constant 8 : i32
      %mul3A_370 = arith.muli %add3A_330, %mul3A_369 : i32
      %add3A_371 = arith.constant 1 : i32
      %add3A_372 = arith.addi %mul3A_370, %add3A_371 : i32
      %dma_wait3A_373 = arith.constant 0 : i32
      %dma_wait3A_374 = tpu.memref_slice %arg7[%add3A_372, %dma_wait3A_373] : memref<80x128xi32, #tpu.memory_space<vmem>> -> memref<1x128xi32, #tpu.memory_space<vmem>>
      %dma_wait3A_375 = tpu.memref_squeeze %dma_wait3A_374 : memref<1x128xi32, #tpu.memory_space<vmem>> -> memref<128xi32, #tpu.memory_space<vmem>>
      %dma_wait3A_376 = arith.constant 0 : i32
      %dma_wait3A_377 = arith.constant 0 : i32
      %dma_wait3A_378 = tpu.memref_slice %arg2[%dma_wait3A_376, %dma_wait3A_377] : memref<10000x128xf32, #tpu.memory_space<hbm>> -> memref<10000x128xf32, #tpu.memory_space<hbm>>
      tpu.wait_indirect_dma semaphore(%arg13 : memref<!tpu.dma_semaphore, #tpu.memory_space<semaphore_mem>>) src(%dma_wait3A_378 : memref<10000x128xf32, #tpu.memory_space<hbm>>) dst(%arg10 : memref<128x128xf32, #tpu.memory_space<vmem>>)
      %dma_start3A_379 = arith.constant 1 : i32
      %dma_start3A_380 = arith.constant 1 : i32
      %dma_start3A_381 = arith.constant 0 : i32
      %dma_start3A_382 = tpu.memref_slice %arg8[%dma_start3A_379, %dma_start3A_380, %dma_start3A_381] : memref<2x8x128xi32, #tpu.memory_space<vmem>> -> memref<1x1x128xi32, #tpu.memory_space<vmem>>
      %dma_start3A_383 = tpu.memref_squeeze %dma_start3A_382 : memref<1x1x128xi32, #tpu.memory_space<vmem>> -> memref<128xi32, #tpu.memory_space<vmem>>
      %dma_start3A_384 = arith.constant 0 : i32
      %dma_start3A_385 = arith.constant 0 : i32
      %dma_start3A_386 = tpu.memref_slice %arg11[%dma_start3A_384, %dma_start3A_385] : memref<10512x128xf32, #tpu.memory_space<vmem_shared>> -> memref<10512x128xf32, #tpu.memory_space<vmem_shared>>
      tpu.enqueue_indirect_dma source(%arg10 : memref<128x128xf32, #tpu.memory_space<vmem>>) target(%dma_start3A_386 : memref<10512x128xf32, #tpu.memory_space<vmem_shared>>) offsets(%dma_start3A_383 : memref<128xi32, #tpu.memory_space<vmem>>) semaphore(%arg13 : memref<!tpu.dma_semaphore, #tpu.memory_space<semaphore_mem>>) {add = true}
      %dma_wait3A_387 = arith.constant 1 : i32
      %dma_wait3A_388 = arith.constant 1 : i32
      %dma_wait3A_389 = arith.constant 0 : i32
      %dma_wait3A_390 = tpu.memref_slice %arg8[%dma_wait3A_387, %dma_wait3A_388, %dma_wait3A_389] : memref<2x8x128xi32, #tpu.memory_space<vmem>> -> memref<1x1x128xi32, #tpu.memory_space<vmem>>
      %dma_wait3A_391 = tpu.memref_squeeze %dma_wait3A_390 : memref<1x1x128xi32, #tpu.memory_space<vmem>> -> memref<128xi32, #tpu.memory_space<vmem>>
      %dma_wait3A_392 = arith.constant 0 : i32
      %dma_wait3A_393 = arith.constant 0 : i32
      %dma_wait3A_394 = tpu.memref_slice %arg11[%dma_wait3A_392, %dma_wait3A_393] : memref<10512x128xf32, #tpu.memory_space<vmem_shared>> -> memref<10512x128xf32, #tpu.memory_space<vmem_shared>>
      tpu.wait_indirect_dma semaphore(%arg13 : memref<!tpu.dma_semaphore, #tpu.memory_space<semaphore_mem>>) src(%arg10 : memref<128x128xf32, #tpu.memory_space<vmem>>) dst(%dma_wait3A_394 : memref<10512x128xf32, #tpu.memory_space<vmem_shared>>)
      %add3A_395 = arith.constant 2 : i32
      %add3A_396 = arith.addi %add3A_372, %add3A_395 : i32
      %lt3A_397 = arith.constant 80 : i32
      %lt3A_398 = arith.cmpi slt, %add3A_396, %lt3A_397 : i32
      %convert_element_type3A_399 = arith.extui %lt3A_398 : i1 to i32
      %cond3A_400 = arith.constant 0 : i32
      %cond3A_401 = arith.cmpi ne, %convert_element_type3A_399, %cond3A_400 : i32
      scf.if %cond3A_401 {
        %add3A_607 = arith.constant 2 : i32
        %add3A_608 = arith.addi %add3A_372, %add3A_607 : i32
        %dma_start3A_609 = arith.constant 0 : i32
        %dma_start3A_610 = tpu.memref_slice %arg7[%add3A_608, %dma_start3A_609] : memref<80x128xi32, #tpu.memory_space<vmem>> -> memref<1x128xi32, #tpu.memory_space<vmem>>
        %dma_start3A_611 = tpu.memref_squeeze %dma_start3A_610 : memref<1x128xi32, #tpu.memory_space<vmem>> -> memref<128xi32, #tpu.memory_space<vmem>>
        %dma_start3A_612 = arith.constant 0 : i32
        %dma_start3A_613 = arith.constant 0 : i32
        %dma_start3A_614 = tpu.memref_slice %arg2[%dma_start3A_612, %dma_start3A_613] : memref<10000x128xf32, #tpu.memory_space<hbm>> -> memref<10000x128xf32, #tpu.memory_space<hbm>>
        tpu.enqueue_indirect_dma source(%dma_start3A_614 : memref<10000x128xf32, #tpu.memory_space<hbm>>) target(%arg10 : memref<128x128xf32, #tpu.memory_space<vmem>>) offsets(%dma_start3A_611 : memref<128xi32, #tpu.memory_space<vmem>>) semaphore(%arg13 : memref<!tpu.dma_semaphore, #tpu.memory_space<semaphore_mem>>)
      } else {
      }
      %mul3A_402 = arith.constant 8 : i32
      %mul3A_403 = arith.muli %add3A_330, %mul3A_402 : i32
      %add3A_404 = arith.constant 2 : i32
      %add3A_405 = arith.addi %mul3A_403, %add3A_404 : i32
      %dma_wait3A_406 = arith.constant 0 : i32
      %dma_wait3A_407 = tpu.memref_slice %arg7[%add3A_405, %dma_wait3A_406] : memref<80x128xi32, #tpu.memory_space<vmem>> -> memref<1x128xi32, #tpu.memory_space<vmem>>
      %dma_wait3A_408 = tpu.memref_squeeze %dma_wait3A_407 : memref<1x128xi32, #tpu.memory_space<vmem>> -> memref<128xi32, #tpu.memory_space<vmem>>
      %dma_wait3A_409 = arith.constant 0 : i32
      %dma_wait3A_410 = arith.constant 0 : i32
      %dma_wait3A_411 = tpu.memref_slice %arg2[%dma_wait3A_409, %dma_wait3A_410] : memref<10000x128xf32, #tpu.memory_space<hbm>> -> memref<10000x128xf32, #tpu.memory_space<hbm>>
      tpu.wait_indirect_dma semaphore(%arg12 : memref<!tpu.dma_semaphore, #tpu.memory_space<semaphore_mem>>) src(%dma_wait3A_411 : memref<10000x128xf32, #tpu.memory_space<hbm>>) dst(%arg9 : memref<128x128xf32, #tpu.memory_space<vmem>>)
      %dma_start3A_412 = arith.constant 1 : i32
      %dma_start3A_413 = arith.constant 2 : i32
      %dma_start3A_414 = arith.constant 0 : i32
      %dma_start3A_415 = tpu.memref_slice %arg8[%dma_start3A_412, %dma_start3A_413, %dma_start3A_414] : memref<2x8x128xi32, #tpu.memory_space<vmem>> -> memref<1x1x128xi32, #tpu.memory_space<vmem>>
      %dma_start3A_416 = tpu.memref_squeeze %dma_start3A_415 : memref<1x1x128xi32, #tpu.memory_space<vmem>> -> memref<128xi32, #tpu.memory_space<vmem>>
      %dma_start3A_417 = arith.constant 0 : i32
      %dma_start3A_418 = arith.constant 0 : i32
      %dma_start3A_419 = tpu.memref_slice %arg11[%dma_start3A_417, %dma_start3A_418] : memref<10512x128xf32, #tpu.memory_space<vmem_shared>> -> memref<10512x128xf32, #tpu.memory_space<vmem_shared>>
      tpu.enqueue_indirect_dma source(%arg9 : memref<128x128xf32, #tpu.memory_space<vmem>>) target(%dma_start3A_419 : memref<10512x128xf32, #tpu.memory_space<vmem_shared>>) offsets(%dma_start3A_416 : memref<128xi32, #tpu.memory_space<vmem>>) semaphore(%arg12 : memref<!tpu.dma_semaphore, #tpu.memory_space<semaphore_mem>>) {add = true}
      %dma_wait3A_420 = arith.constant 1 : i32
      %dma_wait3A_421 = arith.constant 2 : i32
      %dma_wait3A_422 = arith.constant 0 : i32
      %dma_wait3A_423 = tpu.memref_slice %arg8[%dma_wait3A_420, %dma_wait3A_421, %dma_wait3A_422] : memref<2x8x128xi32, #tpu.memory_space<vmem>> -> memref<1x1x128xi32, #tpu.memory_space<vmem>>
      %dma_wait3A_424 = tpu.memref_squeeze %dma_wait3A_423 : memref<1x1x128xi32, #tpu.memory_space<vmem>> -> memref<128xi32, #tpu.memory_space<vmem>>
      %dma_wait3A_425 = arith.constant 0 : i32
      %dma_wait3A_426 = arith.constant 0 : i32
      %dma_wait3A_427 = tpu.memref_slice %arg11[%dma_wait3A_425, %dma_wait3A_426] : memref<10512x128xf32, #tpu.memory_space<vmem_shared>> -> memref<10512x128xf32, #tpu.memory_space<vmem_shared>>
      tpu.wait_indirect_dma semaphore(%arg12 : memref<!tpu.dma_semaphore, #tpu.memory_space<semaphore_mem>>) src(%arg9 : memref<128x128xf32, #tpu.memory_space<vmem>>) dst(%dma_wait3A_427 : memref<10512x128xf32, #tpu.memory_space<vmem_shared>>)
      %add3A_428 = arith.constant 2 : i32
      %add3A_429 = arith.addi %add3A_405, %add3A_428 : i32
      %lt3A_430 = arith.constant 80 : i32
      %lt3A_431 = arith.cmpi slt, %add3A_429, %lt3A_430 : i32
      %convert_element_type3A_432 = arith.extui %lt3A_431 : i1 to i32
      %cond3A_433 = arith.constant 0 : i32
      %cond3A_434 = arith.cmpi ne, %convert_element_type3A_432, %cond3A_433 : i32
      scf.if %cond3A_434 {
        %add3A_607 = arith.constant 2 : i32
        %add3A_608 = arith.addi %add3A_405, %add3A_607 : i32
        %dma_start3A_609 = arith.constant 0 : i32
        %dma_start3A_610 = tpu.memref_slice %arg7[%add3A_608, %dma_start3A_609] : memref<80x128xi32, #tpu.memory_space<vmem>> -> memref<1x128xi32, #tpu.memory_space<vmem>>
        %dma_start3A_611 = tpu.memref_squeeze %dma_start3A_610 : memref<1x128xi32, #tpu.memory_space<vmem>> -> memref<128xi32, #tpu.memory_space<vmem>>
        %dma_start3A_612 = arith.constant 0 : i32
        %dma_start3A_613 = arith.constant 0 : i32
        %dma_start3A_614 = tpu.memref_slice %arg2[%dma_start3A_612, %dma_start3A_613] : memref<10000x128xf32, #tpu.memory_space<hbm>> -> memref<10000x128xf32, #tpu.memory_space<hbm>>
        tpu.enqueue_indirect_dma source(%dma_start3A_614 : memref<10000x128xf32, #tpu.memory_space<hbm>>) target(%arg9 : memref<128x128xf32, #tpu.memory_space<vmem>>) offsets(%dma_start3A_611 : memref<128xi32, #tpu.memory_space<vmem>>) semaphore(%arg12 : memref<!tpu.dma_semaphore, #tpu.memory_space<semaphore_mem>>)
      } else {
      }
      %mul3A_435 = arith.constant 8 : i32
      %mul3A_436 = arith.muli %add3A_330, %mul3A_435 : i32
      %add3A_437 = arith.constant 3 : i32
      %add3A_438 = arith.addi %mul3A_436, %add3A_437 : i32
      %dma_wait3A_439 = arith.constant 0 : i32
      %dma_wait3A_440 = tpu.memref_slice %arg7[%add3A_438, %dma_wait3A_439] : memref<80x128xi32, #tpu.memory_space<vmem>> -> memref<1x128xi32, #tpu.memory_space<vmem>>
      %dma_wait3A_441 = tpu.memref_squeeze %dma_wait3A_440 : memref<1x128xi32, #tpu.memory_space<vmem>> -> memref<128xi32, #tpu.memory_space<vmem>>
      %dma_wait3A_442 = arith.constant 0 : i32
      %dma_wait3A_443 = arith.constant 0 : i32
      %dma_wait3A_444 = tpu.memref_slice %arg2[%dma_wait3A_442, %dma_wait3A_443] : memref<10000x128xf32, #tpu.memory_space<hbm>> -> memref<10000x128xf32, #tpu.memory_space<hbm>>
      tpu.wait_indirect_dma semaphore(%arg13 : memref<!tpu.dma_semaphore, #tpu.memory_space<semaphore_mem>>) src(%dma_wait3A_444 : memref<10000x128xf32, #tpu.memory_space<hbm>>) dst(%arg10 : memref<128x128xf32, #tpu.memory_space<vmem>>)
      %dma_start3A_445 = arith.constant 1 : i32
      %dma_start3A_446 = arith.constant 3 : i32
      %dma_start3A_447 = arith.constant 0 : i32
      %dma_start3A_448 = tpu.memref_slice %arg8[%dma_start3A_445, %dma_start3A_446, %dma_start3A_447] : memref<2x8x128xi32, #tpu.memory_space<vmem>> -> memref<1x1x128xi32, #tpu.memory_space<vmem>>
      %dma_start3A_449 = tpu.memref_squeeze %dma_start3A_448 : memref<1x1x128xi32, #tpu.memory_space<vmem>> -> memref<128xi32, #tpu.memory_space<vmem>>
      %dma_start3A_450 = arith.constant 0 : i32
      %dma_start3A_451 = arith.constant 0 : i32
      %dma_start3A_452 = tpu.memref_slice %arg11[%dma_start3A_450, %dma_start3A_451] : memref<10512x128xf32, #tpu.memory_space<vmem_shared>> -> memref<10512x128xf32, #tpu.memory_space<vmem_shared>>
      tpu.enqueue_indirect_dma source(%arg10 : memref<128x128xf32, #tpu.memory_space<vmem>>) target(%dma_start3A_452 : memref<10512x128xf32, #tpu.memory_space<vmem_shared>>) offsets(%dma_start3A_449 : memref<128xi32, #tpu.memory_space<vmem>>) semaphore(%arg13 : memref<!tpu.dma_semaphore, #tpu.memory_space<semaphore_mem>>) {add = true}
      %dma_wait3A_453 = arith.constant 1 : i32
      %dma_wait3A_454 = arith.constant 3 : i32
      %dma_wait3A_455 = arith.constant 0 : i32
      %dma_wait3A_456 = tpu.memref_slice %arg8[%dma_wait3A_453, %dma_wait3A_454, %dma_wait3A_455] : memref<2x8x128xi32, #tpu.memory_space<vmem>> -> memref<1x1x128xi32, #tpu.memory_space<vmem>>
      %dma_wait3A_457 = tpu.memref_squeeze %dma_wait3A_456 : memref<1x1x128xi32, #tpu.memory_space<vmem>> -> memref<128xi32, #tpu.memory_space<vmem>>
      %dma_wait3A_458 = arith.constant 0 : i32
      %dma_wait3A_459 = arith.constant 0 : i32
      %dma_wait3A_460 = tpu.memref_slice %arg11[%dma_wait3A_458, %dma_wait3A_459] : memref<10512x128xf32, #tpu.memory_space<vmem_shared>> -> memref<10512x128xf32, #tpu.memory_space<vmem_shared>>
      tpu.wait_indirect_dma semaphore(%arg13 : memref<!tpu.dma_semaphore, #tpu.memory_space<semaphore_mem>>) src(%arg10 : memref<128x128xf32, #tpu.memory_space<vmem>>) dst(%dma_wait3A_460 : memref<10512x128xf32, #tpu.memory_space<vmem_shared>>)
      %add3A_461 = arith.constant 2 : i32
      %add3A_462 = arith.addi %add3A_438, %add3A_461 : i32
      %lt3A_463 = arith.constant 80 : i32
      %lt3A_464 = arith.cmpi slt, %add3A_462, %lt3A_463 : i32
      %convert_element_type3A_465 = arith.extui %lt3A_464 : i1 to i32
      %cond3A_466 = arith.constant 0 : i32
      %cond3A_467 = arith.cmpi ne, %convert_element_type3A_465, %cond3A_466 : i32
      scf.if %cond3A_467 {
        %add3A_607 = arith.constant 2 : i32
        %add3A_608 = arith.addi %add3A_438, %add3A_607 : i32
        %dma_start3A_609 = arith.constant 0 : i32
        %dma_start3A_610 = tpu.memref_slice %arg7[%add3A_608, %dma_start3A_609] : memref<80x128xi32, #tpu.memory_space<vmem>> -> memref<1x128xi32, #tpu.memory_space<vmem>>
        %dma_start3A_611 = tpu.memref_squeeze %dma_start3A_610 : memref<1x128xi32, #tpu.memory_space<vmem>> -> memref<128xi32, #tpu.memory_space<vmem>>
        %dma_start3A_612 = arith.constant 0 : i32
        %dma_start3A_613 = arith.constant 0 : i32
        %dma_start3A_614 = tpu.memref_slice %arg2[%dma_start3A_612, %dma_start3A_613] : memref<10000x128xf32, #tpu.memory_space<hbm>> -> memref<10000x128xf32, #tpu.memory_space<hbm>>
        tpu.enqueue_indirect_dma source(%dma_start3A_614 : memref<10000x128xf32, #tpu.memory_space<hbm>>) target(%arg10 : memref<128x128xf32, #tpu.memory_space<vmem>>) offsets(%dma_start3A_611 : memref<128xi32, #tpu.memory_space<vmem>>) semaphore(%arg13 : memref<!tpu.dma_semaphore, #tpu.memory_space<semaphore_mem>>)
      } else {
      }
      %mul3A_468 = arith.constant 8 : i32
      %mul3A_469 = arith.muli %add3A_330, %mul3A_468 : i32
      %add3A_470 = arith.constant 4 : i32
      %add3A_471 = arith.addi %mul3A_469, %add3A_470 : i32
      %dma_wait3A_472 = arith.constant 0 : i32
      %dma_wait3A_473 = tpu.memref_slice %arg7[%add3A_471, %dma_wait3A_472] : memref<80x128xi32, #tpu.memory_space<vmem>> -> memref<1x128xi32, #tpu.memory_space<vmem>>
      %dma_wait3A_474 = tpu.memref_squeeze %dma_wait3A_473 : memref<1x128xi32, #tpu.memory_space<vmem>> -> memref<128xi32, #tpu.memory_space<vmem>>
      %dma_wait3A_475 = arith.constant 0 : i32
      %dma_wait3A_476 = arith.constant 0 : i32
      %dma_wait3A_477 = tpu.memref_slice %arg2[%dma_wait3A_475, %dma_wait3A_476] : memref<10000x128xf32, #tpu.memory_space<hbm>> -> memref<10000x128xf32, #tpu.memory_space<hbm>>
      tpu.wait_indirect_dma semaphore(%arg12 : memref<!tpu.dma_semaphore, #tpu.memory_space<semaphore_mem>>) src(%dma_wait3A_477 : memref<10000x128xf32, #tpu.memory_space<hbm>>) dst(%arg9 : memref<128x128xf32, #tpu.memory_space<vmem>>)
      %dma_start3A_478 = arith.constant 1 : i32
      %dma_start3A_479 = arith.constant 4 : i32
      %dma_start3A_480 = arith.constant 0 : i32
      %dma_start3A_481 = tpu.memref_slice %arg8[%dma_start3A_478, %dma_start3A_479, %dma_start3A_480] : memref<2x8x128xi32, #tpu.memory_space<vmem>> -> memref<1x1x128xi32, #tpu.memory_space<vmem>>
      %dma_start3A_482 = tpu.memref_squeeze %dma_start3A_481 : memref<1x1x128xi32, #tpu.memory_space<vmem>> -> memref<128xi32, #tpu.memory_space<vmem>>
      %dma_start3A_483 = arith.constant 0 : i32
      %dma_start3A_484 = arith.constant 0 : i32
      %dma_start3A_485 = tpu.memref_slice %arg11[%dma_start3A_483, %dma_start3A_484] : memref<10512x128xf32, #tpu.memory_space<vmem_shared>> -> memref<10512x128xf32, #tpu.memory_space<vmem_shared>>
      tpu.enqueue_indirect_dma source(%arg9 : memref<128x128xf32, #tpu.memory_space<vmem>>) target(%dma_start3A_485 : memref<10512x128xf32, #tpu.memory_space<vmem_shared>>) offsets(%dma_start3A_482 : memref<128xi32, #tpu.memory_space<vmem>>) semaphore(%arg12 : memref<!tpu.dma_semaphore, #tpu.memory_space<semaphore_mem>>) {add = true}
      %dma_wait3A_486 = arith.constant 1 : i32
      %dma_wait3A_487 = arith.constant 4 : i32
      %dma_wait3A_488 = arith.constant 0 : i32
      %dma_wait3A_489 = tpu.memref_slice %arg8[%dma_wait3A_486, %dma_wait3A_487, %dma_wait3A_488] : memref<2x8x128xi32, #tpu.memory_space<vmem>> -> memref<1x1x128xi32, #tpu.memory_space<vmem>>
      %dma_wait3A_490 = tpu.memref_squeeze %dma_wait3A_489 : memref<1x1x128xi32, #tpu.memory_space<vmem>> -> memref<128xi32, #tpu.memory_space<vmem>>
      %dma_wait3A_491 = arith.constant 0 : i32
      %dma_wait3A_492 = arith.constant 0 : i32
      %dma_wait3A_493 = tpu.memref_slice %arg11[%dma_wait3A_491, %dma_wait3A_492] : memref<10512x128xf32, #tpu.memory_space<vmem_shared>> -> memref<10512x128xf32, #tpu.memory_space<vmem_shared>>
      tpu.wait_indirect_dma semaphore(%arg12 : memref<!tpu.dma_semaphore, #tpu.memory_space<semaphore_mem>>) src(%arg9 : memref<128x128xf32, #tpu.memory_space<vmem>>) dst(%dma_wait3A_493 : memref<10512x128xf32, #tpu.memory_space<vmem_shared>>)
      %add3A_494 = arith.constant 2 : i32
      %add3A_495 = arith.addi %add3A_471, %add3A_494 : i32
      %lt3A_496 = arith.constant 80 : i32
      %lt3A_497 = arith.cmpi slt, %add3A_495, %lt3A_496 : i32
      %convert_element_type3A_498 = arith.extui %lt3A_497 : i1 to i32
      %cond3A_499 = arith.constant 0 : i32
      %cond3A_500 = arith.cmpi ne, %convert_element_type3A_498, %cond3A_499 : i32
      scf.if %cond3A_500 {
        %add3A_607 = arith.constant 2 : i32
        %add3A_608 = arith.addi %add3A_471, %add3A_607 : i32
        %dma_start3A_609 = arith.constant 0 : i32
        %dma_start3A_610 = tpu.memref_slice %arg7[%add3A_608, %dma_start3A_609] : memref<80x128xi32, #tpu.memory_space<vmem>> -> memref<1x128xi32, #tpu.memory_space<vmem>>
        %dma_start3A_611 = tpu.memref_squeeze %dma_start3A_610 : memref<1x128xi32, #tpu.memory_space<vmem>> -> memref<128xi32, #tpu.memory_space<vmem>>
        %dma_start3A_612 = arith.constant 0 : i32
        %dma_start3A_613 = arith.constant 0 : i32
        %dma_start3A_614 = tpu.memref_slice %arg2[%dma_start3A_612, %dma_start3A_613] : memref<10000x128xf32, #tpu.memory_space<hbm>> -> memref<10000x128xf32, #tpu.memory_space<hbm>>
        tpu.enqueue_indirect_dma source(%dma_start3A_614 : memref<10000x128xf32, #tpu.memory_space<hbm>>) target(%arg9 : memref<128x128xf32, #tpu.memory_space<vmem>>) offsets(%dma_start3A_611 : memref<128xi32, #tpu.memory_space<vmem>>) semaphore(%arg12 : memref<!tpu.dma_semaphore, #tpu.memory_space<semaphore_mem>>)
      } else {
      }
      %mul3A_501 = arith.constant 8 : i32
      %mul3A_502 = arith.muli %add3A_330, %mul3A_501 : i32
      %add3A_503 = arith.constant 5 : i32
      %add3A_504 = arith.addi %mul3A_502, %add3A_503 : i32
      %dma_wait3A_505 = arith.constant 0 : i32
      %dma_wait3A_506 = tpu.memref_slice %arg7[%add3A_504, %dma_wait3A_505] : memref<80x128xi32, #tpu.memory_space<vmem>> -> memref<1x128xi32, #tpu.memory_space<vmem>>
      %dma_wait3A_507 = tpu.memref_squeeze %dma_wait3A_506 : memref<1x128xi32, #tpu.memory_space<vmem>> -> memref<128xi32, #tpu.memory_space<vmem>>
      %dma_wait3A_508 = arith.constant 0 : i32
      %dma_wait3A_509 = arith.constant 0 : i32
      %dma_wait3A_510 = tpu.memref_slice %arg2[%dma_wait3A_508, %dma_wait3A_509] : memref<10000x128xf32, #tpu.memory_space<hbm>> -> memref<10000x128xf32, #tpu.memory_space<hbm>>
      tpu.wait_indirect_dma semaphore(%arg13 : memref<!tpu.dma_semaphore, #tpu.memory_space<semaphore_mem>>) src(%dma_wait3A_510 : memref<10000x128xf32, #tpu.memory_space<hbm>>) dst(%arg10 : memref<128x128xf32, #tpu.memory_space<vmem>>)
      %dma_start3A_511 = arith.constant 1 : i32
      %dma_start3A_512 = arith.constant 5 : i32
      %dma_start3A_513 = arith.constant 0 : i32
      %dma_start3A_514 = tpu.memref_slice %arg8[%dma_start3A_511, %dma_start3A_512, %dma_start3A_513] : memref<2x8x128xi32, #tpu.memory_space<vmem>> -> memref<1x1x128xi32, #tpu.memory_space<vmem>>
      %dma_start3A_515 = tpu.memref_squeeze %dma_start3A_514 : memref<1x1x128xi32, #tpu.memory_space<vmem>> -> memref<128xi32, #tpu.memory_space<vmem>>
      %dma_start3A_516 = arith.constant 0 : i32
      %dma_start3A_517 = arith.constant 0 : i32
      %dma_start3A_518 = tpu.memref_slice %arg11[%dma_start3A_516, %dma_start3A_517] : memref<10512x128xf32, #tpu.memory_space<vmem_shared>> -> memref<10512x128xf32, #tpu.memory_space<vmem_shared>>
      tpu.enqueue_indirect_dma source(%arg10 : memref<128x128xf32, #tpu.memory_space<vmem>>) target(%dma_start3A_518 : memref<10512x128xf32, #tpu.memory_space<vmem_shared>>) offsets(%dma_start3A_515 : memref<128xi32, #tpu.memory_space<vmem>>) semaphore(%arg13 : memref<!tpu.dma_semaphore, #tpu.memory_space<semaphore_mem>>) {add = true}
      %dma_wait3A_519 = arith.constant 1 : i32
      %dma_wait3A_520 = arith.constant 5 : i32
      %dma_wait3A_521 = arith.constant 0 : i32
      %dma_wait3A_522 = tpu.memref_slice %arg8[%dma_wait3A_519, %dma_wait3A_520, %dma_wait3A_521] : memref<2x8x128xi32, #tpu.memory_space<vmem>> -> memref<1x1x128xi32, #tpu.memory_space<vmem>>
      %dma_wait3A_523 = tpu.memref_squeeze %dma_wait3A_522 : memref<1x1x128xi32, #tpu.memory_space<vmem>> -> memref<128xi32, #tpu.memory_space<vmem>>
      %dma_wait3A_524 = arith.constant 0 : i32
      %dma_wait3A_525 = arith.constant 0 : i32
      %dma_wait3A_526 = tpu.memref_slice %arg11[%dma_wait3A_524, %dma_wait3A_525] : memref<10512x128xf32, #tpu.memory_space<vmem_shared>> -> memref<10512x128xf32, #tpu.memory_space<vmem_shared>>
      tpu.wait_indirect_dma semaphore(%arg13 : memref<!tpu.dma_semaphore, #tpu.memory_space<semaphore_mem>>) src(%arg10 : memref<128x128xf32, #tpu.memory_space<vmem>>) dst(%dma_wait3A_526 : memref<10512x128xf32, #tpu.memory_space<vmem_shared>>)
      %add3A_527 = arith.constant 2 : i32
      %add3A_528 = arith.addi %add3A_504, %add3A_527 : i32
      %lt3A_529 = arith.constant 80 : i32
      %lt3A_530 = arith.cmpi slt, %add3A_528, %lt3A_529 : i32
      %convert_element_type3A_531 = arith.extui %lt3A_530 : i1 to i32
      %cond3A_532 = arith.constant 0 : i32
      %cond3A_533 = arith.cmpi ne, %convert_element_type3A_531, %cond3A_532 : i32
      scf.if %cond3A_533 {
        %add3A_607 = arith.constant 2 : i32
        %add3A_608 = arith.addi %add3A_504, %add3A_607 : i32
        %dma_start3A_609 = arith.constant 0 : i32
        %dma_start3A_610 = tpu.memref_slice %arg7[%add3A_608, %dma_start3A_609] : memref<80x128xi32, #tpu.memory_space<vmem>> -> memref<1x128xi32, #tpu.memory_space<vmem>>
        %dma_start3A_611 = tpu.memref_squeeze %dma_start3A_610 : memref<1x128xi32, #tpu.memory_space<vmem>> -> memref<128xi32, #tpu.memory_space<vmem>>
        %dma_start3A_612 = arith.constant 0 : i32
        %dma_start3A_613 = arith.constant 0 : i32
        %dma_start3A_614 = tpu.memref_slice %arg2[%dma_start3A_612, %dma_start3A_613] : memref<10000x128xf32, #tpu.memory_space<hbm>> -> memref<10000x128xf32, #tpu.memory_space<hbm>>
        tpu.enqueue_indirect_dma source(%dma_start3A_614 : memref<10000x128xf32, #tpu.memory_space<hbm>>) target(%arg10 : memref<128x128xf32, #tpu.memory_space<vmem>>) offsets(%dma_start3A_611 : memref<128xi32, #tpu.memory_space<vmem>>) semaphore(%arg13 : memref<!tpu.dma_semaphore, #tpu.memory_space<semaphore_mem>>)
      } else {
      }
      %mul3A_534 = arith.constant 8 : i32
      %mul3A_535 = arith.muli %add3A_330, %mul3A_534 : i32
      %add3A_536 = arith.constant 6 : i32
      %add3A_537 = arith.addi %mul3A_535, %add3A_536 : i32
      %dma_wait3A_538 = arith.constant 0 : i32
      %dma_wait3A_539 = tpu.memref_slice %arg7[%add3A_537, %dma_wait3A_538] : memref<80x128xi32, #tpu.memory_space<vmem>> -> memref<1x128xi32, #tpu.memory_space<vmem>>
      %dma_wait3A_540 = tpu.memref_squeeze %dma_wait3A_539 : memref<1x128xi32, #tpu.memory_space<vmem>> -> memref<128xi32, #tpu.memory_space<vmem>>
      %dma_wait3A_541 = arith.constant 0 : i32
      %dma_wait3A_542 = arith.constant 0 : i32
      %dma_wait3A_543 = tpu.memref_slice %arg2[%dma_wait3A_541, %dma_wait3A_542] : memref<10000x128xf32, #tpu.memory_space<hbm>> -> memref<10000x128xf32, #tpu.memory_space<hbm>>
      tpu.wait_indirect_dma semaphore(%arg12 : memref<!tpu.dma_semaphore, #tpu.memory_space<semaphore_mem>>) src(%dma_wait3A_543 : memref<10000x128xf32, #tpu.memory_space<hbm>>) dst(%arg9 : memref<128x128xf32, #tpu.memory_space<vmem>>)
      %dma_start3A_544 = arith.constant 1 : i32
      %dma_start3A_545 = arith.constant 6 : i32
      %dma_start3A_546 = arith.constant 0 : i32
      %dma_start3A_547 = tpu.memref_slice %arg8[%dma_start3A_544, %dma_start3A_545, %dma_start3A_546] : memref<2x8x128xi32, #tpu.memory_space<vmem>> -> memref<1x1x128xi32, #tpu.memory_space<vmem>>
      %dma_start3A_548 = tpu.memref_squeeze %dma_start3A_547 : memref<1x1x128xi32, #tpu.memory_space<vmem>> -> memref<128xi32, #tpu.memory_space<vmem>>
      %dma_start3A_549 = arith.constant 0 : i32
      %dma_start3A_550 = arith.constant 0 : i32
      %dma_start3A_551 = tpu.memref_slice %arg11[%dma_start3A_549, %dma_start3A_550] : memref<10512x128xf32, #tpu.memory_space<vmem_shared>> -> memref<10512x128xf32, #tpu.memory_space<vmem_shared>>
      tpu.enqueue_indirect_dma source(%arg9 : memref<128x128xf32, #tpu.memory_space<vmem>>) target(%dma_start3A_551 : memref<10512x128xf32, #tpu.memory_space<vmem_shared>>) offsets(%dma_start3A_548 : memref<128xi32, #tpu.memory_space<vmem>>) semaphore(%arg12 : memref<!tpu.dma_semaphore, #tpu.memory_space<semaphore_mem>>) {add = true}
      %dma_wait3A_552 = arith.constant 1 : i32
      %dma_wait3A_553 = arith.constant 6 : i32
      %dma_wait3A_554 = arith.constant 0 : i32
      %dma_wait3A_555 = tpu.memref_slice %arg8[%dma_wait3A_552, %dma_wait3A_553, %dma_wait3A_554] : memref<2x8x128xi32, #tpu.memory_space<vmem>> -> memref<1x1x128xi32, #tpu.memory_space<vmem>>
      %dma_wait3A_556 = tpu.memref_squeeze %dma_wait3A_555 : memref<1x1x128xi32, #tpu.memory_space<vmem>> -> memref<128xi32, #tpu.memory_space<vmem>>
      %dma_wait3A_557 = arith.constant 0 : i32
      %dma_wait3A_558 = arith.constant 0 : i32
      %dma_wait3A_559 = tpu.memref_slice %arg11[%dma_wait3A_557, %dma_wait3A_558] : memref<10512x128xf32, #tpu.memory_space<vmem_shared>> -> memref<10512x128xf32, #tpu.memory_space<vmem_shared>>
      tpu.wait_indirect_dma semaphore(%arg12 : memref<!tpu.dma_semaphore, #tpu.memory_space<semaphore_mem>>) src(%arg9 : memref<128x128xf32, #tpu.memory_space<vmem>>) dst(%dma_wait3A_559 : memref<10512x128xf32, #tpu.memory_space<vmem_shared>>)
      %add3A_560 = arith.constant 2 : i32
      %add3A_561 = arith.addi %add3A_537, %add3A_560 : i32
      %lt3A_562 = arith.constant 80 : i32
      %lt3A_563 = arith.cmpi slt, %add3A_561, %lt3A_562 : i32
      %convert_element_type3A_564 = arith.extui %lt3A_563 : i1 to i32
      %cond3A_565 = arith.constant 0 : i32
      %cond3A_566 = arith.cmpi ne, %convert_element_type3A_564, %cond3A_565 : i32
      scf.if %cond3A_566 {
        %add3A_607 = arith.constant 2 : i32
        %add3A_608 = arith.addi %add3A_537, %add3A_607 : i32
        %dma_start3A_609 = arith.constant 0 : i32
        %dma_start3A_610 = tpu.memref_slice %arg7[%add3A_608, %dma_start3A_609] : memref<80x128xi32, #tpu.memory_space<vmem>> -> memref<1x128xi32, #tpu.memory_space<vmem>>
        %dma_start3A_611 = tpu.memref_squeeze %dma_start3A_610 : memref<1x128xi32, #tpu.memory_space<vmem>> -> memref<128xi32, #tpu.memory_space<vmem>>
        %dma_start3A_612 = arith.constant 0 : i32
        %dma_start3A_613 = arith.constant 0 : i32
        %dma_start3A_614 = tpu.memref_slice %arg2[%dma_start3A_612, %dma_start3A_613] : memref<10000x128xf32, #tpu.memory_space<hbm>> -> memref<10000x128xf32, #tpu.memory_space<hbm>>
        tpu.enqueue_indirect_dma source(%dma_start3A_614 : memref<10000x128xf32, #tpu.memory_space<hbm>>) target(%arg9 : memref<128x128xf32, #tpu.memory_space<vmem>>) offsets(%dma_start3A_611 : memref<128xi32, #tpu.memory_space<vmem>>) semaphore(%arg12 : memref<!tpu.dma_semaphore, #tpu.memory_space<semaphore_mem>>)
      } else {
      }
      %mul3A_567 = arith.constant 8 : i32
      %mul3A_568 = arith.muli %add3A_330, %mul3A_567 : i32
      %add3A_569 = arith.constant 7 : i32
      %add3A_570 = arith.addi %mul3A_568, %add3A_569 : i32
      %dma_wait3A_571 = arith.constant 0 : i32
      %dma_wait3A_572 = tpu.memref_slice %arg7[%add3A_570, %dma_wait3A_571] : memref<80x128xi32, #tpu.memory_space<vmem>> -> memref<1x128xi32, #tpu.memory_space<vmem>>
      %dma_wait3A_573 = tpu.memref_squeeze %dma_wait3A_572 : memref<1x128xi32, #tpu.memory_space<vmem>> -> memref<128xi32, #tpu.memory_space<vmem>>
      %dma_wait3A_574 = arith.constant 0 : i32
      %dma_wait3A_575 = arith.constant 0 : i32
      %dma_wait3A_576 = tpu.memref_slice %arg2[%dma_wait3A_574, %dma_wait3A_575] : memref<10000x128xf32, #tpu.memory_space<hbm>> -> memref<10000x128xf32, #tpu.memory_space<hbm>>
      tpu.wait_indirect_dma semaphore(%arg13 : memref<!tpu.dma_semaphore, #tpu.memory_space<semaphore_mem>>) src(%dma_wait3A_576 : memref<10000x128xf32, #tpu.memory_space<hbm>>) dst(%arg10 : memref<128x128xf32, #tpu.memory_space<vmem>>)
      %dma_start3A_577 = arith.constant 1 : i32
      %dma_start3A_578 = arith.constant 7 : i32
      %dma_start3A_579 = arith.constant 0 : i32
      %dma_start3A_580 = tpu.memref_slice %arg8[%dma_start3A_577, %dma_start3A_578, %dma_start3A_579] : memref<2x8x128xi32, #tpu.memory_space<vmem>> -> memref<1x1x128xi32, #tpu.memory_space<vmem>>
      %dma_start3A_581 = tpu.memref_squeeze %dma_start3A_580 : memref<1x1x128xi32, #tpu.memory_space<vmem>> -> memref<128xi32, #tpu.memory_space<vmem>>
      %dma_start3A_582 = arith.constant 0 : i32
      %dma_start3A_583 = arith.constant 0 : i32
      %dma_start3A_584 = tpu.memref_slice %arg11[%dma_start3A_582, %dma_start3A_583] : memref<10512x128xf32, #tpu.memory_space<vmem_shared>> -> memref<10512x128xf32, #tpu.memory_space<vmem_shared>>
      tpu.enqueue_indirect_dma source(%arg10 : memref<128x128xf32, #tpu.memory_space<vmem>>) target(%dma_start3A_584 : memref<10512x128xf32, #tpu.memory_space<vmem_shared>>) offsets(%dma_start3A_581 : memref<128xi32, #tpu.memory_space<vmem>>) semaphore(%arg13 : memref<!tpu.dma_semaphore, #tpu.memory_space<semaphore_mem>>) {add = true}
      %dma_wait3A_585 = arith.constant 1 : i32
      %dma_wait3A_586 = arith.constant 7 : i32
      %dma_wait3A_587 = arith.constant 0 : i32
      %dma_wait3A_588 = tpu.memref_slice %arg8[%dma_wait3A_585, %dma_wait3A_586, %dma_wait3A_587] : memref<2x8x128xi32, #tpu.memory_space<vmem>> -> memref<1x1x128xi32, #tpu.memory_space<vmem>>
      %dma_wait3A_589 = tpu.memref_squeeze %dma_wait3A_588 : memref<1x1x128xi32, #tpu.memory_space<vmem>> -> memref<128xi32, #tpu.memory_space<vmem>>
      %dma_wait3A_590 = arith.constant 0 : i32
      %dma_wait3A_591 = arith.constant 0 : i32
      %dma_wait3A_592 = tpu.memref_slice %arg11[%dma_wait3A_590, %dma_wait3A_591] : memref<10512x128xf32, #tpu.memory_space<vmem_shared>> -> memref<10512x128xf32, #tpu.memory_space<vmem_shared>>
      tpu.wait_indirect_dma semaphore(%arg13 : memref<!tpu.dma_semaphore, #tpu.memory_space<semaphore_mem>>) src(%arg10 : memref<128x128xf32, #tpu.memory_space<vmem>>) dst(%dma_wait3A_592 : memref<10512x128xf32, #tpu.memory_space<vmem_shared>>)
      %add3A_593 = arith.constant 2 : i32
      %add3A_594 = arith.addi %add3A_570, %add3A_593 : i32
      %lt3A_595 = arith.constant 80 : i32
      %lt3A_596 = arith.cmpi slt, %add3A_594, %lt3A_595 : i32
      %convert_element_type3A_597 = arith.extui %lt3A_596 : i1 to i32
      %cond3A_598 = arith.constant 0 : i32
      %cond3A_599 = arith.cmpi ne, %convert_element_type3A_597, %cond3A_598 : i32
      scf.if %cond3A_599 {
        %add3A_607 = arith.constant 2 : i32
        %add3A_608 = arith.addi %add3A_570, %add3A_607 : i32
        %dma_start3A_609 = arith.constant 0 : i32
        %dma_start3A_610 = tpu.memref_slice %arg7[%add3A_608, %dma_start3A_609] : memref<80x128xi32, #tpu.memory_space<vmem>> -> memref<1x128xi32, #tpu.memory_space<vmem>>
        %dma_start3A_611 = tpu.memref_squeeze %dma_start3A_610 : memref<1x128xi32, #tpu.memory_space<vmem>> -> memref<128xi32, #tpu.memory_space<vmem>>
        %dma_start3A_612 = arith.constant 0 : i32
        %dma_start3A_613 = arith.constant 0 : i32
        %dma_start3A_614 = tpu.memref_slice %arg2[%dma_start3A_612, %dma_start3A_613] : memref<10000x128xf32, #tpu.memory_space<hbm>> -> memref<10000x128xf32, #tpu.memory_space<hbm>>
        tpu.enqueue_indirect_dma source(%dma_start3A_614 : memref<10000x128xf32, #tpu.memory_space<hbm>>) target(%arg10 : memref<128x128xf32, #tpu.memory_space<vmem>>) offsets(%dma_start3A_611 : memref<128xi32, #tpu.memory_space<vmem>>) semaphore(%arg13 : memref<!tpu.dma_semaphore, #tpu.memory_space<semaphore_mem>>)
      } else {
      }
      %add3A_600 = arith.constant 2 : i32
      %add3A_601 = arith.addi %add3A_330, %add3A_600 : i32
      %lt3A_602 = arith.constant 10 : i32
      %lt3A_603 = arith.cmpi slt, %add3A_601, %lt3A_602 : i32
      %convert_element_type3A_604 = arith.extui %lt3A_603 : i1 to i32
      %cond3A_605 = arith.constant 0 : i32
      %cond3A_606 = arith.cmpi ne, %convert_element_type3A_604, %cond3A_605 : i32
      scf.if %cond3A_606 {
        %add3A_607 = arith.constant 2 : i32
        %add3A_608 = arith.addi %add3A_330, %add3A_607 : i32
        %mul3A_609 = arith.constant 8 : i32
        %mul3A_610 = arith.muli %add3A_608, %mul3A_609 : i32
        %add3A_611 = arith.addi %mul3A_2, %mul3A_610 : i32
        %dma_start3A_612 = arith.constant 1 : i32
        %dma_start3A_613 = arith.constant 0 : i32
        %dma_start3A_614 = arith.constant 0 : i32
        %dma_start3A_615 = tpu.memref_slice %arg8[%dma_start3A_612, %dma_start3A_613, %dma_start3A_614] : memref<2x8x128xi32, #tpu.memory_space<vmem>> -> memref<1x8x128xi32, #tpu.memory_space<vmem>>
        %dma_start3A_616 = tpu.memref_squeeze %dma_start3A_615 : memref<1x8x128xi32, #tpu.memory_space<vmem>> -> memref<8x128xi32, #tpu.memory_space<vmem>>
        %dma_start3A_617 = arith.constant 0 : i32
        %dma_start3A_618 = tpu.memref_slice %arg4[%add3A_611, %dma_start3A_617] : memref<2560x128xi32, #tpu.memory_space<hbm>> -> memref<8x128xi32, #tpu.memory_space<hbm>>
        %dma_start3A_619 = arith.constant 0 : i32
        %dma_start3A_620 = arith.constant 0 : i32
        %dma_start3A_621 = tpu.memref_slice %arg8[%dma_start3A_612, %dma_start3A_619, %dma_start3A_620] : memref<2x8x128xi32, #tpu.memory_space<vmem>> -> memref<1x8x128xi32, #tpu.memory_space<vmem>>
        %dma_start3A_622 = tpu.memref_squeeze %dma_start3A_621 : memref<1x8x128xi32, #tpu.memory_space<vmem>> -> memref<8x128xi32, #tpu.memory_space<vmem>>
        %dma_start3A_623 = arith.constant 0 : i32
        %dma_start3A_624 = tpu.memref_slice %arg4[%add3A_611, %dma_start3A_623] : memref<2560x128xi32, #tpu.memory_space<hbm>> -> memref<8x128xi32, #tpu.memory_space<hbm>>
        tpu.enqueue_dma source(%dma_start3A_624 : memref<8x128xi32, #tpu.memory_space<hbm>>) target(%dma_start3A_622 : memref<8x128xi32, #tpu.memory_space<vmem>>) target_semaphore(%arg15 : memref<!tpu.dma_semaphore, #tpu.memory_space<semaphore_mem>>)
      } else {
      }
    }
    %scan3A_33 = arith.constant 5 : i32
    %barrier3A_34 = arith.constant 0 : index
    tpu.barrier barrier_id(%barrier3A_34)
    %ne3A_35 = arith.constant 15 : i32
    %ne3A_36 = arith.cmpi ne, %arg1, %ne3A_35 : i32
    %convert_element_type3A_37 = arith.extui %ne3A_36 : i1 to i32
    %cond3A_38 = arith.constant 0 : i32
    %cond3A_39 = arith.cmpi ne, %convert_element_type3A_37, %cond3A_38 : i32
    scf.if %cond3A_39 {
      %mul3A_45 = arith.constant 624 : i32
      %mul3A_46 = arith.muli %arg1, %mul3A_45 : i32
      %multiple_of3A = tpu.assume_multiple %mul3A_46, 8 : i32
      %mul3A_47 = arith.constant 10000 : i32
      %mul3A_48 = arith.muli %arg0, %mul3A_47 : i32
      %add3A_49 = arith.addi %mul3A_48, %multiple_of3A : i32
      %multiple_of3A_50 = tpu.assume_multiple %add3A_49, 8 : i32
      "tpu.region"() ({
        %run_scoped3A_51 = tpu.sem_alloc : memref<!tpu.dma_semaphore, #tpu.memory_space<semaphore_mem>>
        %dma_start3A_52 = arith.constant 0 : i32
        %dma_start3A_53 = tpu.memref_slice %arg6[%multiple_of3A_50, %dma_start3A_52] : memref<20000x128xf32, #tpu.memory_space<hbm>> -> memref<624x128xf32, #tpu.memory_space<hbm>>
        %dma_start3A_54 = arith.constant 0 : i32
        %dma_start3A_55 = tpu.memref_slice %arg11[%multiple_of3A, %dma_start3A_54] : memref<10512x128xf32, #tpu.memory_space<vmem_shared>> -> memref<624x128xf32, #tpu.memory_space<vmem_shared>>
        tpu.enqueue_dma source(%dma_start3A_55 : memref<624x128xf32, #tpu.memory_space<vmem_shared>>) target(%dma_start3A_53 : memref<624x128xf32, #tpu.memory_space<hbm>>) target_semaphore(%run_scoped3A_51 : memref<!tpu.dma_semaphore, #tpu.memory_space<semaphore_mem>>)
        %dma_wait3A = arith.constant 0 : i32
        %dma_wait3A_56 = tpu.memref_slice %arg6[%multiple_of3A_50, %dma_wait3A] : memref<20000x128xf32, #tpu.memory_space<hbm>> -> memref<624x128xf32, #tpu.memory_space<hbm>>
        %dma_wait3A_57 = arith.constant 0 : i32
        %dma_wait3A_58 = tpu.memref_slice %arg11[%multiple_of3A, %dma_wait3A_57] : memref<10512x128xf32, #tpu.memory_space<vmem_shared>> -> memref<624x128xf32, #tpu.memory_space<vmem_shared>>
        tpu.wait_dma2 semaphore(%run_scoped3A_51 : memref<!tpu.dma_semaphore, #tpu.memory_space<semaphore_mem>>) src(%dma_wait3A_58 : memref<624x128xf32, #tpu.memory_space<vmem_shared>>) dst(%dma_wait3A_56 : memref<624x128xf32, #tpu.memory_space<hbm>>)
        tpu.yield
      }) : () -> ()
    } else {
    }
    %eq3A_40 = arith.constant 15 : i32
    %eq3A_41 = arith.cmpi eq, %arg1, %eq3A_40 : i32
    %convert_element_type3A_42 = arith.extui %eq3A_41 : i1 to i32
    %cond3A_43 = arith.constant 0 : i32
    %cond3A_44 = arith.cmpi ne, %convert_element_type3A_42, %cond3A_43 : i32
    scf.if %cond3A_44 {
      %multiple_of3A = arith.constant 9360 : i32
      %multiple_of3A_45 = tpu.assume_multiple %multiple_of3A, 8 : i32
      %mul3A_46 = arith.constant 10000 : i32
      %mul3A_47 = arith.muli %arg0, %mul3A_46 : i32
      %add3A_48 = arith.addi %mul3A_47, %multiple_of3A_45 : i32
      %multiple_of3A_49 = tpu.assume_multiple %add3A_48, 8 : i32
      "tpu.region"() ({
        %run_scoped3A_50 = tpu.sem_alloc : memref<!tpu.dma_semaphore, #tpu.memory_space<semaphore_mem>>
        %dma_start3A_51 = arith.constant 0 : i32
        %dma_start3A_52 = tpu.memref_slice %arg6[%multiple_of3A_49, %dma_start3A_51] : memref<20000x128xf32, #tpu.memory_space<hbm>> -> memref<640x128xf32, #tpu.memory_space<hbm>>
        %dma_start3A_53 = arith.constant 0 : i32
        %dma_start3A_54 = tpu.memref_slice %arg11[%multiple_of3A_45, %dma_start3A_53] : memref<10512x128xf32, #tpu.memory_space<vmem_shared>> -> memref<640x128xf32, #tpu.memory_space<vmem_shared>>
        tpu.enqueue_dma source(%dma_start3A_54 : memref<640x128xf32, #tpu.memory_space<vmem_shared>>) target(%dma_start3A_52 : memref<640x128xf32, #tpu.memory_space<hbm>>) target_semaphore(%run_scoped3A_50 : memref<!tpu.dma_semaphore, #tpu.memory_space<semaphore_mem>>)
        %dma_wait3A = arith.constant 0 : i32
        %dma_wait3A_55 = tpu.memref_slice %arg6[%multiple_of3A_49, %dma_wait3A] : memref<20000x128xf32, #tpu.memory_space<hbm>> -> memref<640x128xf32, #tpu.memory_space<hbm>>
        %dma_wait3A_56 = arith.constant 0 : i32
        %dma_wait3A_57 = tpu.memref_slice %arg11[%multiple_of3A_45, %dma_wait3A_56] : memref<10512x128xf32, #tpu.memory_space<vmem_shared>> -> memref<640x128xf32, #tpu.memory_space<vmem_shared>>
        tpu.wait_dma2 semaphore(%run_scoped3A_50 : memref<!tpu.dma_semaphore, #tpu.memory_space<semaphore_mem>>) src(%dma_wait3A_57 : memref<640x128xf32, #tpu.memory_space<vmem_shared>>) dst(%dma_wait3A_55 : memref<640x128xf32, #tpu.memory_space<hbm>>)
        tpu.yield
      }) : () -> ()
    } else {
    }
    return
  }
}

#map = affine_map<(d0, d1) -> (0, 0)>
module attributes {stable_mosaic.version = 14 : i64} {
  func.func @_deg_body(%arg0: i32, %arg1: i32, %arg2: memref<2560x128xi32, #tpu.memory_space<hbm>>, %arg3: memref<10000x128xf32, #tpu.memory_space<hbm>>, %arg4: memref<128x128xf32, #tpu.memory_space<hbm>>, %arg5: memref<20000x128xf32, #tpu.memory_space<hbm>>, %arg6: memref<80x128xi32, #tpu.memory_space<vmem>>, %arg7: memref<128x128xf32, #tpu.memory_space<vmem>>, %arg8: memref<10512x128xf32, #tpu.memory_space<vmem_shared>>, %arg9: memref<!tpu.dma_semaphore, #tpu.memory_space<semaphore_mem>>, %arg10: memref<!tpu.dma_semaphore, #tpu.memory_space<semaphore_mem>>, %arg11: memref<!tpu.dma_semaphore, #tpu.memory_space<semaphore_mem>>, %arg12: memref<!tpu.dma_semaphore, #tpu.memory_space<semaphore_mem>>) attributes {dimension_semantics = [#tpu.dimension_semantics<core_parallel>, #tpu.dimension_semantics<subcore_parallel>], iteration_bounds = array<i64: 2, 16>, scalar_prefetch = 0 : i64, scratch_operands = 7 : i64, tpu.core_type = #tpu.core_type<sc_vector_subcore>, window_params = [{transform_indices = #map}, {transform_indices = #map}, {transform_indices = #map}, {transform_indices = #map}]} {
    %mul3A = arith.constant 2 : i32
    %mul3A_0 = arith.muli %arg1, %mul3A : i32
    %add3A = arith.addi %mul3A_0, %arg0 : i32
    %mul3A_1 = arith.constant 80 : i32
    %mul3A_2 = arith.muli %add3A, %mul3A_1 : i32
    "tpu.region"() ({
      %run_scoped3A = tpu.sem_alloc : memref<!tpu.dma_semaphore, #tpu.memory_space<semaphore_mem>>
      %dma_start3A_56 = arith.constant 0 : i32
      %dma_start3A_57 = tpu.memref_slice %arg2[%mul3A_2, %dma_start3A_56] : memref<2560x128xi32, #tpu.memory_space<hbm>> -> memref<80x128xi32, #tpu.memory_space<hbm>>
      %dma_start3A_58 = arith.constant 0 : i32
      %dma_start3A_59 = tpu.memref_slice %arg2[%mul3A_2, %dma_start3A_58] : memref<2560x128xi32, #tpu.memory_space<hbm>> -> memref<80x128xi32, #tpu.memory_space<hbm>>
      tpu.enqueue_dma source(%dma_start3A_59 : memref<80x128xi32, #tpu.memory_space<hbm>>) target(%arg6 : memref<80x128xi32, #tpu.memory_space<vmem>>) target_semaphore(%run_scoped3A : memref<!tpu.dma_semaphore, #tpu.memory_space<semaphore_mem>>)
      %dma_wait3A = arith.constant 0 : i32
      %dma_wait3A_60 = tpu.memref_slice %arg2[%mul3A_2, %dma_wait3A] : memref<2560x128xi32, #tpu.memory_space<hbm>> -> memref<80x128xi32, #tpu.memory_space<hbm>>
      %dma_wait3A_61 = arith.constant 0 : i32
      %dma_wait3A_62 = tpu.memref_slice %arg2[%mul3A_2, %dma_wait3A_61] : memref<2560x128xi32, #tpu.memory_space<hbm>> -> memref<80x128xi32, #tpu.memory_space<hbm>>
      tpu.wait_dma2 semaphore(%run_scoped3A : memref<!tpu.dma_semaphore, #tpu.memory_space<semaphore_mem>>) src(%dma_wait3A_62 : memref<80x128xi32, #tpu.memory_space<hbm>>) dst(%arg6 : memref<80x128xi32, #tpu.memory_space<vmem>>)
      tpu.yield
    }) : () -> ()
    "tpu.region"() ({
      %run_scoped3A = tpu.sem_alloc : memref<!tpu.dma_semaphore, #tpu.memory_space<semaphore_mem>>
      tpu.enqueue_dma source(%arg4 : memref<128x128xf32, #tpu.memory_space<hbm>>) target(%arg7 : memref<128x128xf32, #tpu.memory_space<vmem>>) target_semaphore(%run_scoped3A : memref<!tpu.dma_semaphore, #tpu.memory_space<semaphore_mem>>)
      tpu.wait_dma2 semaphore(%run_scoped3A : memref<!tpu.dma_semaphore, #tpu.memory_space<semaphore_mem>>) src(%arg4 : memref<128x128xf32, #tpu.memory_space<hbm>>) dst(%arg7 : memref<128x128xf32, #tpu.memory_space<vmem>>)
      tpu.yield
    }) : () -> ()
    %ne3A = arith.constant 15 : i32
    %ne3A_3 = arith.cmpi ne, %arg1, %ne3A : i32
    %convert_element_type3A = arith.extui %ne3A_3 : i1 to i32
    %cond3A = arith.constant 0 : i32
    %cond3A_4 = arith.cmpi ne, %convert_element_type3A, %cond3A : i32
    scf.if %cond3A_4 {
      %mul3A_56 = arith.constant 624 : i32
      %mul3A_57 = arith.muli %arg1, %mul3A_56 : i32
      %multiple_of3A = tpu.assume_multiple %mul3A_57, 8 : i32
      %eq3A_58 = arith.constant 0 : i32
      %eq3A_59 = arith.cmpi eq, %arg0, %eq3A_58 : i32
      %convert_element_type3A_60 = arith.extui %eq3A_59 : i1 to i32
      %cond3A_61 = arith.constant 0 : i32
      %cond3A_62 = arith.cmpi ne, %convert_element_type3A_60, %cond3A_61 : i32
      scf.if %cond3A_62 {
        "tpu.region"() ({
          %run_scoped3A = tpu.sem_alloc : memref<!tpu.dma_semaphore, #tpu.memory_space<semaphore_mem>>
          %dma_start3A_68 = arith.constant 0 : i32
          %dma_start3A_69 = tpu.memref_slice %arg8[%multiple_of3A, %dma_start3A_68] : memref<10512x128xf32, #tpu.memory_space<vmem_shared>> -> memref<624x128xf32, #tpu.memory_space<vmem_shared>>
          %dma_start3A_70 = arith.constant 0 : i32
          %dma_start3A_71 = tpu.memref_slice %arg3[%multiple_of3A, %dma_start3A_70] : memref<10000x128xf32, #tpu.memory_space<hbm>> -> memref<624x128xf32, #tpu.memory_space<hbm>>
          tpu.enqueue_dma source(%dma_start3A_71 : memref<624x128xf32, #tpu.memory_space<hbm>>) target(%dma_start3A_69 : memref<624x128xf32, #tpu.memory_space<vmem_shared>>) target_semaphore(%run_scoped3A : memref<!tpu.dma_semaphore, #tpu.memory_space<semaphore_mem>>)
          %dma_wait3A = arith.constant 0 : i32
          %dma_wait3A_72 = tpu.memref_slice %arg8[%multiple_of3A, %dma_wait3A] : memref<10512x128xf32, #tpu.memory_space<vmem_shared>> -> memref<624x128xf32, #tpu.memory_space<vmem_shared>>
          %dma_wait3A_73 = arith.constant 0 : i32
          %dma_wait3A_74 = tpu.memref_slice %arg3[%multiple_of3A, %dma_wait3A_73] : memref<10000x128xf32, #tpu.memory_space<hbm>> -> memref<624x128xf32, #tpu.memory_space<hbm>>
          tpu.wait_dma2 semaphore(%run_scoped3A : memref<!tpu.dma_semaphore, #tpu.memory_space<semaphore_mem>>) src(%dma_wait3A_74 : memref<624x128xf32, #tpu.memory_space<hbm>>) dst(%dma_wait3A_72 : memref<624x128xf32, #tpu.memory_space<vmem_shared>>)
          tpu.yield
        }) : () -> ()
      } else {
      }
      %ne3A_63 = arith.constant 0 : i32
      %ne3A_64 = arith.cmpi ne, %arg0, %ne3A_63 : i32
      %convert_element_type3A_65 = arith.extui %ne3A_64 : i1 to i32
      %cond3A_66 = arith.constant 0 : i32
      %cond3A_67 = arith.cmpi ne, %convert_element_type3A_65, %cond3A_66 : i32
      scf.if %cond3A_67 {
        "tpu.region"() ({
          %run_scoped3A = tpu.sem_alloc : memref<!tpu.dma_semaphore, #tpu.memory_space<semaphore_mem>>
          %dma_start3A_68 = arith.constant 0 : i32
          %dma_start3A_69 = tpu.memref_slice %arg8[%multiple_of3A, %dma_start3A_68] : memref<10512x128xf32, #tpu.memory_space<vmem_shared>> -> memref<624x128xf32, #tpu.memory_space<vmem_shared>>
          %dma_start3A_70 = arith.constant 0 : i32
          %dma_start3A_71 = tpu.memref_slice %arg3[%multiple_of3A, %dma_start3A_70] : memref<10000x128xf32, #tpu.memory_space<hbm>> -> memref<624x128xf32, #tpu.memory_space<hbm>>
          tpu.enqueue_dma source(%dma_start3A_71 : memref<624x128xf32, #tpu.memory_space<hbm>>) target(%dma_start3A_69 : memref<624x128xf32, #tpu.memory_space<vmem_shared>>) target_semaphore(%run_scoped3A : memref<!tpu.dma_semaphore, #tpu.memory_space<semaphore_mem>>)
          %dma_wait3A = arith.constant 0 : i32
          %dma_wait3A_72 = tpu.memref_slice %arg8[%multiple_of3A, %dma_wait3A] : memref<10512x128xf32, #tpu.memory_space<vmem_shared>> -> memref<624x128xf32, #tpu.memory_space<vmem_shared>>
          %dma_wait3A_73 = arith.constant 0 : i32
          %dma_wait3A_74 = tpu.memref_slice %arg3[%multiple_of3A, %dma_wait3A_73] : memref<10000x128xf32, #tpu.memory_space<hbm>> -> memref<624x128xf32, #tpu.memory_space<hbm>>
          tpu.wait_dma2 semaphore(%run_scoped3A : memref<!tpu.dma_semaphore, #tpu.memory_space<semaphore_mem>>) src(%dma_wait3A_74 : memref<624x128xf32, #tpu.memory_space<hbm>>) dst(%dma_wait3A_72 : memref<624x128xf32, #tpu.memory_space<vmem_shared>>)
          tpu.yield
        }) : () -> ()
      } else {
      }
    } else {
    }
    %eq3A = arith.constant 15 : i32
    %eq3A_5 = arith.cmpi eq, %arg1, %eq3A : i32
    %convert_element_type3A_6 = arith.extui %eq3A_5 : i1 to i32
    %cond3A_7 = arith.constant 0 : i32
    %cond3A_8 = arith.cmpi ne, %convert_element_type3A_6, %cond3A_7 : i32
    scf.if %cond3A_8 {
      %multiple_of3A = arith.constant 9360 : i32
      %multiple_of3A_56 = tpu.assume_multiple %multiple_of3A, 8 : i32
      %eq3A_57 = arith.constant 0 : i32
      %eq3A_58 = arith.cmpi eq, %arg0, %eq3A_57 : i32
      %convert_element_type3A_59 = arith.extui %eq3A_58 : i1 to i32
      %cond3A_60 = arith.constant 0 : i32
      %cond3A_61 = arith.cmpi ne, %convert_element_type3A_59, %cond3A_60 : i32
      scf.if %cond3A_61 {
        "tpu.region"() ({
          %run_scoped3A = tpu.sem_alloc : memref<!tpu.dma_semaphore, #tpu.memory_space<semaphore_mem>>
          %dma_start3A_67 = arith.constant 0 : i32
          %dma_start3A_68 = tpu.memref_slice %arg8[%multiple_of3A_56, %dma_start3A_67] : memref<10512x128xf32, #tpu.memory_space<vmem_shared>> -> memref<640x128xf32, #tpu.memory_space<vmem_shared>>
          %dma_start3A_69 = arith.constant 0 : i32
          %dma_start3A_70 = tpu.memref_slice %arg3[%multiple_of3A_56, %dma_start3A_69] : memref<10000x128xf32, #tpu.memory_space<hbm>> -> memref<640x128xf32, #tpu.memory_space<hbm>>
          tpu.enqueue_dma source(%dma_start3A_70 : memref<640x128xf32, #tpu.memory_space<hbm>>) target(%dma_start3A_68 : memref<640x128xf32, #tpu.memory_space<vmem_shared>>) target_semaphore(%run_scoped3A : memref<!tpu.dma_semaphore, #tpu.memory_space<semaphore_mem>>)
          %dma_wait3A = arith.constant 0 : i32
          %dma_wait3A_71 = tpu.memref_slice %arg8[%multiple_of3A_56, %dma_wait3A] : memref<10512x128xf32, #tpu.memory_space<vmem_shared>> -> memref<640x128xf32, #tpu.memory_space<vmem_shared>>
          %dma_wait3A_72 = arith.constant 0 : i32
          %dma_wait3A_73 = tpu.memref_slice %arg3[%multiple_of3A_56, %dma_wait3A_72] : memref<10000x128xf32, #tpu.memory_space<hbm>> -> memref<640x128xf32, #tpu.memory_space<hbm>>
          tpu.wait_dma2 semaphore(%run_scoped3A : memref<!tpu.dma_semaphore, #tpu.memory_space<semaphore_mem>>) src(%dma_wait3A_73 : memref<640x128xf32, #tpu.memory_space<hbm>>) dst(%dma_wait3A_71 : memref<640x128xf32, #tpu.memory_space<vmem_shared>>)
          tpu.yield
        }) : () -> ()
      } else {
      }
      %ne3A_62 = arith.constant 0 : i32
      %ne3A_63 = arith.cmpi ne, %arg0, %ne3A_62 : i32
      %convert_element_type3A_64 = arith.extui %ne3A_63 : i1 to i32
      %cond3A_65 = arith.constant 0 : i32
      %cond3A_66 = arith.cmpi ne, %convert_element_type3A_64, %cond3A_65 : i32
      scf.if %cond3A_66 {
        "tpu.region"() ({
          %run_scoped3A = tpu.sem_alloc : memref<!tpu.dma_semaphore, #tpu.memory_space<semaphore_mem>>
          %dma_start3A_67 = arith.constant 0 : i32
          %dma_start3A_68 = tpu.memref_slice %arg8[%multiple_of3A_56, %dma_start3A_67] : memref<10512x128xf32, #tpu.memory_space<vmem_shared>> -> memref<640x128xf32, #tpu.memory_space<vmem_shared>>
          %dma_start3A_69 = arith.constant 0 : i32
          %dma_start3A_70 = tpu.memref_slice %arg3[%multiple_of3A_56, %dma_start3A_69] : memref<10000x128xf32, #tpu.memory_space<hbm>> -> memref<640x128xf32, #tpu.memory_space<hbm>>
          tpu.enqueue_dma source(%dma_start3A_70 : memref<640x128xf32, #tpu.memory_space<hbm>>) target(%dma_start3A_68 : memref<640x128xf32, #tpu.memory_space<vmem_shared>>) target_semaphore(%run_scoped3A : memref<!tpu.dma_semaphore, #tpu.memory_space<semaphore_mem>>)
          %dma_wait3A = arith.constant 0 : i32
          %dma_wait3A_71 = tpu.memref_slice %arg8[%multiple_of3A_56, %dma_wait3A] : memref<10512x128xf32, #tpu.memory_space<vmem_shared>> -> memref<640x128xf32, #tpu.memory_space<vmem_shared>>
          %dma_wait3A_72 = arith.constant 0 : i32
          %dma_wait3A_73 = tpu.memref_slice %arg3[%multiple_of3A_56, %dma_wait3A_72] : memref<10000x128xf32, #tpu.memory_space<hbm>> -> memref<640x128xf32, #tpu.memory_space<hbm>>
          tpu.wait_dma2 semaphore(%run_scoped3A : memref<!tpu.dma_semaphore, #tpu.memory_space<semaphore_mem>>) src(%dma_wait3A_73 : memref<640x128xf32, #tpu.memory_space<hbm>>) dst(%dma_wait3A_71 : memref<640x128xf32, #tpu.memory_space<vmem_shared>>)
          tpu.yield
        }) : () -> ()
      } else {
      }
    } else {
    }
    %eq3A_9 = arith.constant 0 : i32
    %eq3A_10 = arith.cmpi eq, %arg1, %eq3A_9 : i32
    %convert_element_type3A_11 = arith.extui %eq3A_10 : i1 to i32
    %cond3A_12 = arith.constant 0 : i32
    %cond3A_13 = arith.cmpi ne, %convert_element_type3A_11, %cond3A_12 : i32
    scf.if %cond3A_13 {
      "tpu.region"() ({
        %run_scoped3A = tpu.sem_alloc : memref<!tpu.dma_semaphore, #tpu.memory_space<semaphore_mem>>
        %dma_start3A_56 = arith.constant 10000 : i32
        %dma_start3A_57 = arith.constant 0 : i32
        %dma_start3A_58 = tpu.memref_slice %arg8[%dma_start3A_56, %dma_start3A_57] : memref<10512x128xf32, #tpu.memory_space<vmem_shared>> -> memref<512x128xf32, #tpu.memory_space<vmem_shared>>
        %dma_start3A_59 = arith.constant 0 : i32
        %dma_start3A_60 = arith.constant 0 : i32
        %dma_start3A_61 = tpu.memref_slice %arg3[%dma_start3A_59, %dma_start3A_60] : memref<10000x128xf32, #tpu.memory_space<hbm>> -> memref<512x128xf32, #tpu.memory_space<hbm>>
        tpu.enqueue_dma source(%dma_start3A_61 : memref<512x128xf32, #tpu.memory_space<hbm>>) target(%dma_start3A_58 : memref<512x128xf32, #tpu.memory_space<vmem_shared>>) target_semaphore(%run_scoped3A : memref<!tpu.dma_semaphore, #tpu.memory_space<semaphore_mem>>)
        %dma_wait3A = arith.constant 10000 : i32
        %dma_wait3A_62 = arith.constant 0 : i32
        %dma_wait3A_63 = tpu.memref_slice %arg8[%dma_wait3A, %dma_wait3A_62] : memref<10512x128xf32, #tpu.memory_space<vmem_shared>> -> memref<512x128xf32, #tpu.memory_space<vmem_shared>>
        %dma_wait3A_64 = arith.constant 0 : i32
        %dma_wait3A_65 = arith.constant 0 : i32
        %dma_wait3A_66 = tpu.memref_slice %arg3[%dma_wait3A_64, %dma_wait3A_65] : memref<10000x128xf32, #tpu.memory_space<hbm>> -> memref<512x128xf32, #tpu.memory_space<hbm>>
        tpu.wait_dma2 semaphore(%run_scoped3A : memref<!tpu.dma_semaphore, #tpu.memory_space<semaphore_mem>>) src(%dma_wait3A_66 : memref<512x128xf32, #tpu.memory_space<hbm>>) dst(%dma_wait3A_63 : memref<512x128xf32, #tpu.memory_space<vmem_shared>>)
        tpu.yield
      }) : () -> ()
    } else {
    }
    %barrier3A = arith.constant 0 : index
    tpu.barrier barrier_id(%barrier3A)
    %dma_start3A = arith.constant 0 : i32
    %dma_start3A_14 = arith.constant 0 : i32
    %dma_start3A_15 = tpu.memref_slice %arg6[%dma_start3A, %dma_start3A_14] : memref<80x128xi32, #tpu.memory_space<vmem>> -> memref<1x128xi32, #tpu.memory_space<vmem>>
    %dma_start3A_16 = tpu.memref_squeeze %dma_start3A_15 : memref<1x128xi32, #tpu.memory_space<vmem>> -> memref<128xi32, #tpu.memory_space<vmem>>
    %dma_start3A_17 = arith.constant 0 : i32
    %dma_start3A_18 = arith.constant 0 : i32
    %dma_start3A_19 = tpu.memref_slice %arg8[%dma_start3A_17, %dma_start3A_18] : memref<10512x128xf32, #tpu.memory_space<vmem_shared>> -> memref<10512x128xf32, #tpu.memory_space<vmem_shared>>
    tpu.enqueue_indirect_dma source(%arg7 : memref<128x128xf32, #tpu.memory_space<vmem>>) target(%dma_start3A_19 : memref<10512x128xf32, #tpu.memory_space<vmem_shared>>) offsets(%dma_start3A_16 : memref<128xi32, #tpu.memory_space<vmem>>) semaphore(%arg9 : memref<!tpu.dma_semaphore, #tpu.memory_space<semaphore_mem>>) {add = true}
    %dma_start3A_20 = arith.constant 1 : i32
    %dma_start3A_21 = arith.constant 0 : i32
    %dma_start3A_22 = tpu.memref_slice %arg6[%dma_start3A_20, %dma_start3A_21] : memref<80x128xi32, #tpu.memory_space<vmem>> -> memref<1x128xi32, #tpu.memory_space<vmem>>
    %dma_start3A_23 = tpu.memref_squeeze %dma_start3A_22 : memref<1x128xi32, #tpu.memory_space<vmem>> -> memref<128xi32, #tpu.memory_space<vmem>>
    %dma_start3A_24 = arith.constant 0 : i32
    %dma_start3A_25 = arith.constant 0 : i32
    %dma_start3A_26 = tpu.memref_slice %arg8[%dma_start3A_24, %dma_start3A_25] : memref<10512x128xf32, #tpu.memory_space<vmem_shared>> -> memref<10512x128xf32, #tpu.memory_space<vmem_shared>>
    tpu.enqueue_indirect_dma source(%arg7 : memref<128x128xf32, #tpu.memory_space<vmem>>) target(%dma_start3A_26 : memref<10512x128xf32, #tpu.memory_space<vmem_shared>>) offsets(%dma_start3A_23 : memref<128xi32, #tpu.memory_space<vmem>>) semaphore(%arg10 : memref<!tpu.dma_semaphore, #tpu.memory_space<semaphore_mem>>) {add = true}
    %dma_start3A_27 = arith.constant 2 : i32
    %dma_start3A_28 = arith.constant 0 : i32
    %dma_start3A_29 = tpu.memref_slice %arg6[%dma_start3A_27, %dma_start3A_28] : memref<80x128xi32, #tpu.memory_space<vmem>> -> memref<1x128xi32, #tpu.memory_space<vmem>>
    %dma_start3A_30 = tpu.memref_squeeze %dma_start3A_29 : memref<1x128xi32, #tpu.memory_space<vmem>> -> memref<128xi32, #tpu.memory_space<vmem>>
    %dma_start3A_31 = arith.constant 0 : i32
    %dma_start3A_32 = arith.constant 0 : i32
    %dma_start3A_33 = tpu.memref_slice %arg8[%dma_start3A_31, %dma_start3A_32] : memref<10512x128xf32, #tpu.memory_space<vmem_shared>> -> memref<10512x128xf32, #tpu.memory_space<vmem_shared>>
    tpu.enqueue_indirect_dma source(%arg7 : memref<128x128xf32, #tpu.memory_space<vmem>>) target(%dma_start3A_33 : memref<10512x128xf32, #tpu.memory_space<vmem_shared>>) offsets(%dma_start3A_30 : memref<128xi32, #tpu.memory_space<vmem>>) semaphore(%arg11 : memref<!tpu.dma_semaphore, #tpu.memory_space<semaphore_mem>>) {add = true}
    %dma_start3A_34 = arith.constant 3 : i32
    %dma_start3A_35 = arith.constant 0 : i32
    %dma_start3A_36 = tpu.memref_slice %arg6[%dma_start3A_34, %dma_start3A_35] : memref<80x128xi32, #tpu.memory_space<vmem>> -> memref<1x128xi32, #tpu.memory_space<vmem>>
    %dma_start3A_37 = tpu.memref_squeeze %dma_start3A_36 : memref<1x128xi32, #tpu.memory_space<vmem>> -> memref<128xi32, #tpu.memory_space<vmem>>
    %dma_start3A_38 = arith.constant 0 : i32
    %dma_start3A_39 = arith.constant 0 : i32
    %dma_start3A_40 = tpu.memref_slice %arg8[%dma_start3A_38, %dma_start3A_39] : memref<10512x128xf32, #tpu.memory_space<vmem_shared>> -> memref<10512x128xf32, #tpu.memory_space<vmem_shared>>
    tpu.enqueue_indirect_dma source(%arg7 : memref<128x128xf32, #tpu.memory_space<vmem>>) target(%dma_start3A_40 : memref<10512x128xf32, #tpu.memory_space<vmem_shared>>) offsets(%dma_start3A_37 : memref<128xi32, #tpu.memory_space<vmem>>) semaphore(%arg12 : memref<!tpu.dma_semaphore, #tpu.memory_space<semaphore_mem>>) {add = true}
    %scan3A = arith.constant 0 : i32
    %scan3A_41 = arith.constant 20 : i32
    %scan3A_42 = arith.addi %scan3A, %scan3A_41 : i32
    %scan3A_43 = arith.constant 1 : i32
    scf.for %scan3A_56 = %scan3A to %scan3A_42 step %scan3A_43  : i32 {
      %mul3A_57 = arith.constant 1 : i32
      %mul3A_58 = arith.muli %scan3A_56, %mul3A_57 : i32
      %add3A_59 = arith.constant 0 : i32
      %add3A_60 = arith.addi %add3A_59, %mul3A_58 : i32
      %mul3A_61 = arith.constant 4 : i32
      %mul3A_62 = arith.muli %add3A_60, %mul3A_61 : i32
      %add3A_63 = arith.constant 0 : i32
      %add3A_64 = arith.addi %mul3A_62, %add3A_63 : i32
      %dma_wait3A = arith.constant 0 : i32
      %dma_wait3A_65 = tpu.memref_slice %arg6[%add3A_64, %dma_wait3A] : memref<80x128xi32, #tpu.memory_space<vmem>> -> memref<1x128xi32, #tpu.memory_space<vmem>>
      %dma_wait3A_66 = tpu.memref_squeeze %dma_wait3A_65 : memref<1x128xi32, #tpu.memory_space<vmem>> -> memref<128xi32, #tpu.memory_space<vmem>>
      %dma_wait3A_67 = arith.constant 0 : i32
      %dma_wait3A_68 = arith.constant 0 : i32
      %dma_wait3A_69 = tpu.memref_slice %arg8[%dma_wait3A_67, %dma_wait3A_68] : memref<10512x128xf32, #tpu.memory_space<vmem_shared>> -> memref<10512x128xf32, #tpu.memory_space<vmem_shared>>
      tpu.wait_indirect_dma semaphore(%arg9 : memref<!tpu.dma_semaphore, #tpu.memory_space<semaphore_mem>>) src(%arg7 : memref<128x128xf32, #tpu.memory_space<vmem>>) dst(%dma_wait3A_69 : memref<10512x128xf32, #tpu.memory_space<vmem_shared>>)
      %lt3A = arith.constant 19 : i32
      %lt3A_70 = arith.cmpi slt, %add3A_60, %lt3A : i32
      %convert_element_type3A_71 = arith.extui %lt3A_70 : i1 to i32
      %cond3A_72 = arith.constant 0 : i32
      %cond3A_73 = arith.cmpi ne, %convert_element_type3A_71, %cond3A_72 : i32
      scf.if %cond3A_73 {
        %add3A_119 = arith.constant 4 : i32
        %add3A_120 = arith.addi %add3A_64, %add3A_119 : i32
        %dma_start3A_121 = arith.constant 0 : i32
        %dma_start3A_122 = tpu.memref_slice %arg6[%add3A_120, %dma_start3A_121] : memref<80x128xi32, #tpu.memory_space<vmem>> -> memref<1x128xi32, #tpu.memory_space<vmem>>
        %dma_start3A_123 = tpu.memref_squeeze %dma_start3A_122 : memref<1x128xi32, #tpu.memory_space<vmem>> -> memref<128xi32, #tpu.memory_space<vmem>>
        %dma_start3A_124 = arith.constant 0 : i32
        %dma_start3A_125 = arith.constant 0 : i32
        %dma_start3A_126 = tpu.memref_slice %arg8[%dma_start3A_124, %dma_start3A_125] : memref<10512x128xf32, #tpu.memory_space<vmem_shared>> -> memref<10512x128xf32, #tpu.memory_space<vmem_shared>>
        tpu.enqueue_indirect_dma source(%arg7 : memref<128x128xf32, #tpu.memory_space<vmem>>) target(%dma_start3A_126 : memref<10512x128xf32, #tpu.memory_space<vmem_shared>>) offsets(%dma_start3A_123 : memref<128xi32, #tpu.memory_space<vmem>>) semaphore(%arg9 : memref<!tpu.dma_semaphore, #tpu.memory_space<semaphore_mem>>) {add = true}
      } else {
      }
      %mul3A_74 = arith.constant 4 : i32
      %mul3A_75 = arith.muli %add3A_60, %mul3A_74 : i32
      %add3A_76 = arith.constant 1 : i32
      %add3A_77 = arith.addi %mul3A_75, %add3A_76 : i32
      %dma_wait3A_78 = arith.constant 0 : i32
      %dma_wait3A_79 = tpu.memref_slice %arg6[%add3A_77, %dma_wait3A_78] : memref<80x128xi32, #tpu.memory_space<vmem>> -> memref<1x128xi32, #tpu.memory_space<vmem>>
      %dma_wait3A_80 = tpu.memref_squeeze %dma_wait3A_79 : memref<1x128xi32, #tpu.memory_space<vmem>> -> memref<128xi32, #tpu.memory_space<vmem>>
      %dma_wait3A_81 = arith.constant 0 : i32
      %dma_wait3A_82 = arith.constant 0 : i32
      %dma_wait3A_83 = tpu.memref_slice %arg8[%dma_wait3A_81, %dma_wait3A_82] : memref<10512x128xf32, #tpu.memory_space<vmem_shared>> -> memref<10512x128xf32, #tpu.memory_space<vmem_shared>>
      tpu.wait_indirect_dma semaphore(%arg10 : memref<!tpu.dma_semaphore, #tpu.memory_space<semaphore_mem>>) src(%arg7 : memref<128x128xf32, #tpu.memory_space<vmem>>) dst(%dma_wait3A_83 : memref<10512x128xf32, #tpu.memory_space<vmem_shared>>)
      %lt3A_84 = arith.constant 19 : i32
      %lt3A_85 = arith.cmpi slt, %add3A_60, %lt3A_84 : i32
      %convert_element_type3A_86 = arith.extui %lt3A_85 : i1 to i32
      %cond3A_87 = arith.constant 0 : i32
      %cond3A_88 = arith.cmpi ne, %convert_element_type3A_86, %cond3A_87 : i32
      scf.if %cond3A_88 {
        %add3A_119 = arith.constant 4 : i32
        %add3A_120 = arith.addi %add3A_77, %add3A_119 : i32
        %dma_start3A_121 = arith.constant 0 : i32
        %dma_start3A_122 = tpu.memref_slice %arg6[%add3A_120, %dma_start3A_121] : memref<80x128xi32, #tpu.memory_space<vmem>> -> memref<1x128xi32, #tpu.memory_space<vmem>>
        %dma_start3A_123 = tpu.memref_squeeze %dma_start3A_122 : memref<1x128xi32, #tpu.memory_space<vmem>> -> memref<128xi32, #tpu.memory_space<vmem>>
        %dma_start3A_124 = arith.constant 0 : i32
        %dma_start3A_125 = arith.constant 0 : i32
        %dma_start3A_126 = tpu.memref_slice %arg8[%dma_start3A_124, %dma_start3A_125] : memref<10512x128xf32, #tpu.memory_space<vmem_shared>> -> memref<10512x128xf32, #tpu.memory_space<vmem_shared>>
        tpu.enqueue_indirect_dma source(%arg7 : memref<128x128xf32, #tpu.memory_space<vmem>>) target(%dma_start3A_126 : memref<10512x128xf32, #tpu.memory_space<vmem_shared>>) offsets(%dma_start3A_123 : memref<128xi32, #tpu.memory_space<vmem>>) semaphore(%arg10 : memref<!tpu.dma_semaphore, #tpu.memory_space<semaphore_mem>>) {add = true}
      } else {
      }
      %mul3A_89 = arith.constant 4 : i32
      %mul3A_90 = arith.muli %add3A_60, %mul3A_89 : i32
      %add3A_91 = arith.constant 2 : i32
      %add3A_92 = arith.addi %mul3A_90, %add3A_91 : i32
      %dma_wait3A_93 = arith.constant 0 : i32
      %dma_wait3A_94 = tpu.memref_slice %arg6[%add3A_92, %dma_wait3A_93] : memref<80x128xi32, #tpu.memory_space<vmem>> -> memref<1x128xi32, #tpu.memory_space<vmem>>
      %dma_wait3A_95 = tpu.memref_squeeze %dma_wait3A_94 : memref<1x128xi32, #tpu.memory_space<vmem>> -> memref<128xi32, #tpu.memory_space<vmem>>
      %dma_wait3A_96 = arith.constant 0 : i32
      %dma_wait3A_97 = arith.constant 0 : i32
      %dma_wait3A_98 = tpu.memref_slice %arg8[%dma_wait3A_96, %dma_wait3A_97] : memref<10512x128xf32, #tpu.memory_space<vmem_shared>> -> memref<10512x128xf32, #tpu.memory_space<vmem_shared>>
      tpu.wait_indirect_dma semaphore(%arg11 : memref<!tpu.dma_semaphore, #tpu.memory_space<semaphore_mem>>) src(%arg7 : memref<128x128xf32, #tpu.memory_space<vmem>>) dst(%dma_wait3A_98 : memref<10512x128xf32, #tpu.memory_space<vmem_shared>>)
      %lt3A_99 = arith.constant 19 : i32
      %lt3A_100 = arith.cmpi slt, %add3A_60, %lt3A_99 : i32
      %convert_element_type3A_101 = arith.extui %lt3A_100 : i1 to i32
      %cond3A_102 = arith.constant 0 : i32
      %cond3A_103 = arith.cmpi ne, %convert_element_type3A_101, %cond3A_102 : i32
      scf.if %cond3A_103 {
        %add3A_119 = arith.constant 4 : i32
        %add3A_120 = arith.addi %add3A_92, %add3A_119 : i32
        %dma_start3A_121 = arith.constant 0 : i32
        %dma_start3A_122 = tpu.memref_slice %arg6[%add3A_120, %dma_start3A_121] : memref<80x128xi32, #tpu.memory_space<vmem>> -> memref<1x128xi32, #tpu.memory_space<vmem>>
        %dma_start3A_123 = tpu.memref_squeeze %dma_start3A_122 : memref<1x128xi32, #tpu.memory_space<vmem>> -> memref<128xi32, #tpu.memory_space<vmem>>
        %dma_start3A_124 = arith.constant 0 : i32
        %dma_start3A_125 = arith.constant 0 : i32
        %dma_start3A_126 = tpu.memref_slice %arg8[%dma_start3A_124, %dma_start3A_125] : memref<10512x128xf32, #tpu.memory_space<vmem_shared>> -> memref<10512x128xf32, #tpu.memory_space<vmem_shared>>
        tpu.enqueue_indirect_dma source(%arg7 : memref<128x128xf32, #tpu.memory_space<vmem>>) target(%dma_start3A_126 : memref<10512x128xf32, #tpu.memory_space<vmem_shared>>) offsets(%dma_start3A_123 : memref<128xi32, #tpu.memory_space<vmem>>) semaphore(%arg11 : memref<!tpu.dma_semaphore, #tpu.memory_space<semaphore_mem>>) {add = true}
      } else {
      }
      %mul3A_104 = arith.constant 4 : i32
      %mul3A_105 = arith.muli %add3A_60, %mul3A_104 : i32
      %add3A_106 = arith.constant 3 : i32
      %add3A_107 = arith.addi %mul3A_105, %add3A_106 : i32
      %dma_wait3A_108 = arith.constant 0 : i32
      %dma_wait3A_109 = tpu.memref_slice %arg6[%add3A_107, %dma_wait3A_108] : memref<80x128xi32, #tpu.memory_space<vmem>> -> memref<1x128xi32, #tpu.memory_space<vmem>>
      %dma_wait3A_110 = tpu.memref_squeeze %dma_wait3A_109 : memref<1x128xi32, #tpu.memory_space<vmem>> -> memref<128xi32, #tpu.memory_space<vmem>>
      %dma_wait3A_111 = arith.constant 0 : i32
      %dma_wait3A_112 = arith.constant 0 : i32
      %dma_wait3A_113 = tpu.memref_slice %arg8[%dma_wait3A_111, %dma_wait3A_112] : memref<10512x128xf32, #tpu.memory_space<vmem_shared>> -> memref<10512x128xf32, #tpu.memory_space<vmem_shared>>
      tpu.wait_indirect_dma semaphore(%arg12 : memref<!tpu.dma_semaphore, #tpu.memory_space<semaphore_mem>>) src(%arg7 : memref<128x128xf32, #tpu.memory_space<vmem>>) dst(%dma_wait3A_113 : memref<10512x128xf32, #tpu.memory_space<vmem_shared>>)
      %lt3A_114 = arith.constant 19 : i32
      %lt3A_115 = arith.cmpi slt, %add3A_60, %lt3A_114 : i32
      %convert_element_type3A_116 = arith.extui %lt3A_115 : i1 to i32
      %cond3A_117 = arith.constant 0 : i32
      %cond3A_118 = arith.cmpi ne, %convert_element_type3A_116, %cond3A_117 : i32
      scf.if %cond3A_118 {
        %add3A_119 = arith.constant 4 : i32
        %add3A_120 = arith.addi %add3A_107, %add3A_119 : i32
        %dma_start3A_121 = arith.constant 0 : i32
        %dma_start3A_122 = tpu.memref_slice %arg6[%add3A_120, %dma_start3A_121] : memref<80x128xi32, #tpu.memory_space<vmem>> -> memref<1x128xi32, #tpu.memory_space<vmem>>
        %dma_start3A_123 = tpu.memref_squeeze %dma_start3A_122 : memref<1x128xi32, #tpu.memory_space<vmem>> -> memref<128xi32, #tpu.memory_space<vmem>>
        %dma_start3A_124 = arith.constant 0 : i32
        %dma_start3A_125 = arith.constant 0 : i32
        %dma_start3A_126 = tpu.memref_slice %arg8[%dma_start3A_124, %dma_start3A_125] : memref<10512x128xf32, #tpu.memory_space<vmem_shared>> -> memref<10512x128xf32, #tpu.memory_space<vmem_shared>>
        tpu.enqueue_indirect_dma source(%arg7 : memref<128x128xf32, #tpu.memory_space<vmem>>) target(%dma_start3A_126 : memref<10512x128xf32, #tpu.memory_space<vmem_shared>>) offsets(%dma_start3A_123 : memref<128xi32, #tpu.memory_space<vmem>>) semaphore(%arg12 : memref<!tpu.dma_semaphore, #tpu.memory_space<semaphore_mem>>) {add = true}
      } else {
      }
    }
    %scan3A_44 = arith.constant 20 : i32
    %barrier3A_45 = arith.constant 0 : index
    tpu.barrier barrier_id(%barrier3A_45)
    %ne3A_46 = arith.constant 15 : i32
    %ne3A_47 = arith.cmpi ne, %arg1, %ne3A_46 : i32
    %convert_element_type3A_48 = arith.extui %ne3A_47 : i1 to i32
    %cond3A_49 = arith.constant 0 : i32
    %cond3A_50 = arith.cmpi ne, %convert_element_type3A_48, %cond3A_49 : i32
    scf.if %cond3A_50 {
      %mul3A_56 = arith.constant 624 : i32
      %mul3A_57 = arith.muli %arg1, %mul3A_56 : i32
      %multiple_of3A = tpu.assume_multiple %mul3A_57, 8 : i32
      %mul3A_58 = arith.constant 10000 : i32
      %mul3A_59 = arith.muli %arg0, %mul3A_58 : i32
      %add3A_60 = arith.addi %mul3A_59, %multiple_of3A : i32
      %multiple_of3A_61 = tpu.assume_multiple %add3A_60, 8 : i32
      "tpu.region"() ({
        %run_scoped3A = tpu.sem_alloc : memref<!tpu.dma_semaphore, #tpu.memory_space<semaphore_mem>>
        %dma_start3A_62 = arith.constant 0 : i32
        %dma_start3A_63 = tpu.memref_slice %arg5[%multiple_of3A_61, %dma_start3A_62] : memref<20000x128xf32, #tpu.memory_space<hbm>> -> memref<624x128xf32, #tpu.memory_space<hbm>>
        %dma_start3A_64 = arith.constant 0 : i32
        %dma_start3A_65 = tpu.memref_slice %arg8[%multiple_of3A, %dma_start3A_64] : memref<10512x128xf32, #tpu.memory_space<vmem_shared>> -> memref<624x128xf32, #tpu.memory_space<vmem_shared>>
        tpu.enqueue_dma source(%dma_start3A_65 : memref<624x128xf32, #tpu.memory_space<vmem_shared>>) target(%dma_start3A_63 : memref<624x128xf32, #tpu.memory_space<hbm>>) target_semaphore(%run_scoped3A : memref<!tpu.dma_semaphore, #tpu.memory_space<semaphore_mem>>)
        %dma_wait3A = arith.constant 0 : i32
        %dma_wait3A_66 = tpu.memref_slice %arg5[%multiple_of3A_61, %dma_wait3A] : memref<20000x128xf32, #tpu.memory_space<hbm>> -> memref<624x128xf32, #tpu.memory_space<hbm>>
        %dma_wait3A_67 = arith.constant 0 : i32
        %dma_wait3A_68 = tpu.memref_slice %arg8[%multiple_of3A, %dma_wait3A_67] : memref<10512x128xf32, #tpu.memory_space<vmem_shared>> -> memref<624x128xf32, #tpu.memory_space<vmem_shared>>
        tpu.wait_dma2 semaphore(%run_scoped3A : memref<!tpu.dma_semaphore, #tpu.memory_space<semaphore_mem>>) src(%dma_wait3A_68 : memref<624x128xf32, #tpu.memory_space<vmem_shared>>) dst(%dma_wait3A_66 : memref<624x128xf32, #tpu.memory_space<hbm>>)
        tpu.yield
      }) : () -> ()
    } else {
    }
    %eq3A_51 = arith.constant 15 : i32
    %eq3A_52 = arith.cmpi eq, %arg1, %eq3A_51 : i32
    %convert_element_type3A_53 = arith.extui %eq3A_52 : i1 to i32
    %cond3A_54 = arith.constant 0 : i32
    %cond3A_55 = arith.cmpi ne, %convert_element_type3A_53, %cond3A_54 : i32
    scf.if %cond3A_55 {
      %multiple_of3A = arith.constant 9360 : i32
      %multiple_of3A_56 = tpu.assume_multiple %multiple_of3A, 8 : i32
      %mul3A_57 = arith.constant 10000 : i32
      %mul3A_58 = arith.muli %arg0, %mul3A_57 : i32
      %add3A_59 = arith.addi %mul3A_58, %multiple_of3A_56 : i32
      %multiple_of3A_60 = tpu.assume_multiple %add3A_59, 8 : i32
      "tpu.region"() ({
        %run_scoped3A = tpu.sem_alloc : memref<!tpu.dma_semaphore, #tpu.memory_space<semaphore_mem>>
        %dma_start3A_61 = arith.constant 0 : i32
        %dma_start3A_62 = tpu.memref_slice %arg5[%multiple_of3A_60, %dma_start3A_61] : memref<20000x128xf32, #tpu.memory_space<hbm>> -> memref<640x128xf32, #tpu.memory_space<hbm>>
        %dma_start3A_63 = arith.constant 0 : i32
        %dma_start3A_64 = tpu.memref_slice %arg8[%multiple_of3A_56, %dma_start3A_63] : memref<10512x128xf32, #tpu.memory_space<vmem_shared>> -> memref<640x128xf32, #tpu.memory_space<vmem_shared>>
        tpu.enqueue_dma source(%dma_start3A_64 : memref<640x128xf32, #tpu.memory_space<vmem_shared>>) target(%dma_start3A_62 : memref<640x128xf32, #tpu.memory_space<hbm>>) target_semaphore(%run_scoped3A : memref<!tpu.dma_semaphore, #tpu.memory_space<semaphore_mem>>)
        %dma_wait3A = arith.constant 0 : i32
        %dma_wait3A_65 = tpu.memref_slice %arg5[%multiple_of3A_60, %dma_wait3A] : memref<20000x128xf32, #tpu.memory_space<hbm>> -> memref<640x128xf32, #tpu.memory_space<hbm>>
        %dma_wait3A_66 = arith.constant 0 : i32
        %dma_wait3A_67 = tpu.memref_slice %arg8[%multiple_of3A_56, %dma_wait3A_66] : memref<10512x128xf32, #tpu.memory_space<vmem_shared>> -> memref<640x128xf32, #tpu.memory_space<vmem_shared>>
        tpu.wait_dma2 semaphore(%run_scoped3A : memref<!tpu.dma_semaphore, #tpu.memory_space<semaphore_mem>>) src(%dma_wait3A_67 : memref<640x128xf32, #tpu.memory_space<vmem_shared>>) dst(%dma_wait3A_65 : memref<640x128xf32, #tpu.memory_space<hbm>>)
        tpu.yield
      }) : () -> ()
    } else {
    }
    return
  }
}

#map = affine_map<(d0, d1) -> (0, 0)>
module attributes {stable_mosaic.version = 14 : i64} {
  func.func @_msg_body(%arg0: i32, %arg1: i32, %arg2: memref<10000x128xf32, #tpu.memory_space<hbm>>, %arg3: memref<2560x128xi32, #tpu.memory_space<hbm>>, %arg4: memref<2560x128xi32, #tpu.memory_space<hbm>>, %arg5: memref<10000x128xf32, #tpu.memory_space<hbm>>, %arg6: memref<20000x128xf32, #tpu.memory_space<hbm>>, %arg7: memref<80x128xi32, #tpu.memory_space<vmem>>, %arg8: memref<2x8x128xi32, #tpu.memory_space<vmem>>, %arg9: memref<128x128xf32, #tpu.memory_space<vmem>>, %arg10: memref<128x128xf32, #tpu.memory_space<vmem>>, %arg11: memref<10512x128xf32, #tpu.memory_space<vmem_shared>>, %arg12: memref<!tpu.dma_semaphore, #tpu.memory_space<semaphore_mem>>, %arg13: memref<!tpu.dma_semaphore, #tpu.memory_space<semaphore_mem>>, %arg14: memref<!tpu.dma_semaphore, #tpu.memory_space<semaphore_mem>>, %arg15: memref<!tpu.dma_semaphore, #tpu.memory_space<semaphore_mem>>) attributes {dimension_semantics = [#tpu.dimension_semantics<core_parallel>, #tpu.dimension_semantics<subcore_parallel>], iteration_bounds = array<i64: 2, 16>, scalar_prefetch = 0 : i64, scratch_operands = 9 : i64, tpu.core_type = #tpu.core_type<sc_vector_subcore>, window_params = [{transform_indices = #map}, {transform_indices = #map}, {transform_indices = #map}, {transform_indices = #map}, {transform_indices = #map}]} {
    %mul3A = arith.constant 2 : i32
    %mul3A_0 = arith.muli %arg1, %mul3A : i32
    %add3A = arith.addi %mul3A_0, %arg0 : i32
    %mul3A_1 = arith.constant 80 : i32
    %mul3A_2 = arith.muli %add3A, %mul3A_1 : i32
    "tpu.region"() ({
      %run_scoped3A_45 = tpu.sem_alloc : memref<!tpu.dma_semaphore, #tpu.memory_space<semaphore_mem>>
      %dma_start3A_46 = arith.constant 0 : i32
      %dma_start3A_47 = tpu.memref_slice %arg3[%mul3A_2, %dma_start3A_46] : memref<2560x128xi32, #tpu.memory_space<hbm>> -> memref<80x128xi32, #tpu.memory_space<hbm>>
      %dma_start3A_48 = arith.constant 0 : i32
      %dma_start3A_49 = tpu.memref_slice %arg3[%mul3A_2, %dma_start3A_48] : memref<2560x128xi32, #tpu.memory_space<hbm>> -> memref<80x128xi32, #tpu.memory_space<hbm>>
      tpu.enqueue_dma source(%dma_start3A_49 : memref<80x128xi32, #tpu.memory_space<hbm>>) target(%arg7 : memref<80x128xi32, #tpu.memory_space<vmem>>) target_semaphore(%run_scoped3A_45 : memref<!tpu.dma_semaphore, #tpu.memory_space<semaphore_mem>>)
      %dma_wait3A = arith.constant 0 : i32
      %dma_wait3A_50 = tpu.memref_slice %arg3[%mul3A_2, %dma_wait3A] : memref<2560x128xi32, #tpu.memory_space<hbm>> -> memref<80x128xi32, #tpu.memory_space<hbm>>
      %dma_wait3A_51 = arith.constant 0 : i32
      %dma_wait3A_52 = tpu.memref_slice %arg3[%mul3A_2, %dma_wait3A_51] : memref<2560x128xi32, #tpu.memory_space<hbm>> -> memref<80x128xi32, #tpu.memory_space<hbm>>
      tpu.wait_dma2 semaphore(%run_scoped3A_45 : memref<!tpu.dma_semaphore, #tpu.memory_space<semaphore_mem>>) src(%dma_wait3A_52 : memref<80x128xi32, #tpu.memory_space<hbm>>) dst(%arg7 : memref<80x128xi32, #tpu.memory_space<vmem>>)
      tpu.yield
    }) : () -> ()
    %run_scoped3A = arith.constant 0 : i32
    "tpu.region"() ({
      %run_scoped3A_45 = tpu.sem_alloc : memref<!tpu.dma_semaphore, #tpu.memory_space<semaphore_mem>>
      %dma_start3A_46 = arith.constant 0 : i32
      %dma_start3A_47 = arith.constant 0 : i32
      %dma_start3A_48 = tpu.memref_slice %arg8[%run_scoped3A, %dma_start3A_46, %dma_start3A_47] : memref<2x8x128xi32, #tpu.memory_space<vmem>> -> memref<1x8x128xi32, #tpu.memory_space<vmem>>
      %dma_start3A_49 = tpu.memref_squeeze %dma_start3A_48 : memref<1x8x128xi32, #tpu.memory_space<vmem>> -> memref<8x128xi32, #tpu.memory_space<vmem>>
      %dma_start3A_50 = arith.constant 0 : i32
      %dma_start3A_51 = tpu.memref_slice %arg4[%mul3A_2, %dma_start3A_50] : memref<2560x128xi32, #tpu.memory_space<hbm>> -> memref<8x128xi32, #tpu.memory_space<hbm>>
      %dma_start3A_52 = arith.constant 0 : i32
      %dma_start3A_53 = arith.constant 0 : i32
      %dma_start3A_54 = tpu.memref_slice %arg8[%run_scoped3A, %dma_start3A_52, %dma_start3A_53] : memref<2x8x128xi32, #tpu.memory_space<vmem>> -> memref<1x8x128xi32, #tpu.memory_space<vmem>>
      %dma_start3A_55 = tpu.memref_squeeze %dma_start3A_54 : memref<1x8x128xi32, #tpu.memory_space<vmem>> -> memref<8x128xi32, #tpu.memory_space<vmem>>
      %dma_start3A_56 = arith.constant 0 : i32
      %dma_start3A_57 = tpu.memref_slice %arg4[%mul3A_2, %dma_start3A_56] : memref<2560x128xi32, #tpu.memory_space<hbm>> -> memref<8x128xi32, #tpu.memory_space<hbm>>
      tpu.enqueue_dma source(%dma_start3A_57 : memref<8x128xi32, #tpu.memory_space<hbm>>) target(%dma_start3A_55 : memref<8x128xi32, #tpu.memory_space<vmem>>) target_semaphore(%run_scoped3A_45 : memref<!tpu.dma_semaphore, #tpu.memory_space<semaphore_mem>>)
      %dma_wait3A = arith.constant 0 : i32
      %dma_wait3A_58 = arith.constant 0 : i32
      %dma_wait3A_59 = tpu.memref_slice %arg8[%run_scoped3A, %dma_wait3A, %dma_wait3A_58] : memref<2x8x128xi32, #tpu.memory_space<vmem>> -> memref<1x8x128xi32, #tpu.memory_space<vmem>>
      %dma_wait3A_60 = tpu.memref_squeeze %dma_wait3A_59 : memref<1x8x128xi32, #tpu.memory_space<vmem>> -> memref<8x128xi32, #tpu.memory_space<vmem>>
      %dma_wait3A_61 = arith.constant 0 : i32
      %dma_wait3A_62 = tpu.memref_slice %arg4[%mul3A_2, %dma_wait3A_61] : memref<2560x128xi32, #tpu.memory_space<hbm>> -> memref<8x128xi32, #tpu.memory_space<hbm>>
      %dma_wait3A_63 = arith.constant 0 : i32
      %dma_wait3A_64 = arith.constant 0 : i32
      %dma_wait3A_65 = tpu.memref_slice %arg8[%run_scoped3A, %dma_wait3A_63, %dma_wait3A_64] : memref<2x8x128xi32, #tpu.memory_space<vmem>> -> memref<1x8x128xi32, #tpu.memory_space<vmem>>
      %dma_wait3A_66 = tpu.memref_squeeze %dma_wait3A_65 : memref<1x8x128xi32, #tpu.memory_space<vmem>> -> memref<8x128xi32, #tpu.memory_space<vmem>>
      %dma_wait3A_67 = arith.constant 0 : i32
      %dma_wait3A_68 = tpu.memref_slice %arg4[%mul3A_2, %dma_wait3A_67] : memref<2560x128xi32, #tpu.memory_space<hbm>> -> memref<8x128xi32, #tpu.memory_space<hbm>>
      tpu.wait_dma2 semaphore(%run_scoped3A_45 : memref<!tpu.dma_semaphore, #tpu.memory_space<semaphore_mem>>) src(%dma_wait3A_68 : memref<8x128xi32, #tpu.memory_space<hbm>>) dst(%dma_wait3A_66 : memref<8x128xi32, #tpu.memory_space<vmem>>)
      tpu.yield
    }) : () -> ()
    %add3A_3 = arith.constant 8 : i32
    %add3A_4 = arith.addi %mul3A_2, %add3A_3 : i32
    %run_scoped3A_5 = arith.constant 1 : i32
    "tpu.region"() ({
      %run_scoped3A_45 = tpu.sem_alloc : memref<!tpu.dma_semaphore, #tpu.memory_space<semaphore_mem>>
      %dma_start3A_46 = arith.constant 0 : i32
      %dma_start3A_47 = arith.constant 0 : i32
      %dma_start3A_48 = tpu.memref_slice %arg8[%run_scoped3A_5, %dma_start3A_46, %dma_start3A_47] : memref<2x8x128xi32, #tpu.memory_space<vmem>> -> memref<1x8x128xi32, #tpu.memory_space<vmem>>
      %dma_start3A_49 = tpu.memref_squeeze %dma_start3A_48 : memref<1x8x128xi32, #tpu.memory_space<vmem>> -> memref<8x128xi32, #tpu.memory_space<vmem>>
      %dma_start3A_50 = arith.constant 0 : i32
      %dma_start3A_51 = tpu.memref_slice %arg4[%add3A_4, %dma_start3A_50] : memref<2560x128xi32, #tpu.memory_space<hbm>> -> memref<8x128xi32, #tpu.memory_space<hbm>>
      %dma_start3A_52 = arith.constant 0 : i32
      %dma_start3A_53 = arith.constant 0 : i32
      %dma_start3A_54 = tpu.memref_slice %arg8[%run_scoped3A_5, %dma_start3A_52, %dma_start3A_53] : memref<2x8x128xi32, #tpu.memory_space<vmem>> -> memref<1x8x128xi32, #tpu.memory_space<vmem>>
      %dma_start3A_55 = tpu.memref_squeeze %dma_start3A_54 : memref<1x8x128xi32, #tpu.memory_space<vmem>> -> memref<8x128xi32, #tpu.memory_space<vmem>>
      %dma_start3A_56 = arith.constant 0 : i32
      %dma_start3A_57 = tpu.memref_slice %arg4[%add3A_4, %dma_start3A_56] : memref<2560x128xi32, #tpu.memory_space<hbm>> -> memref<8x128xi32, #tpu.memory_space<hbm>>
      tpu.enqueue_dma source(%dma_start3A_57 : memref<8x128xi32, #tpu.memory_space<hbm>>) target(%dma_start3A_55 : memref<8x128xi32, #tpu.memory_space<vmem>>) target_semaphore(%run_scoped3A_45 : memref<!tpu.dma_semaphore, #tpu.memory_space<semaphore_mem>>)
      %dma_wait3A = arith.constant 0 : i32
      %dma_wait3A_58 = arith.constant 0 : i32
      %dma_wait3A_59 = tpu.memref_slice %arg8[%run_scoped3A_5, %dma_wait3A, %dma_wait3A_58] : memref<2x8x128xi32, #tpu.memory_space<vmem>> -> memref<1x8x128xi32, #tpu.memory_space<vmem>>
      %dma_wait3A_60 = tpu.memref_squeeze %dma_wait3A_59 : memref<1x8x128xi32, #tpu.memory_space<vmem>> -> memref<8x128xi32, #tpu.memory_space<vmem>>
      %dma_wait3A_61 = arith.constant 0 : i32
      %dma_wait3A_62 = tpu.memref_slice %arg4[%add3A_4, %dma_wait3A_61] : memref<2560x128xi32, #tpu.memory_space<hbm>> -> memref<8x128xi32, #tpu.memory_space<hbm>>
      %dma_wait3A_63 = arith.constant 0 : i32
      %dma_wait3A_64 = arith.constant 0 : i32
      %dma_wait3A_65 = tpu.memref_slice %arg8[%run_scoped3A_5, %dma_wait3A_63, %dma_wait3A_64] : memref<2x8x128xi32, #tpu.memory_space<vmem>> -> memref<1x8x128xi32, #tpu.memory_space<vmem>>
      %dma_wait3A_66 = tpu.memref_squeeze %dma_wait3A_65 : memref<1x8x128xi32, #tpu.memory_space<vmem>> -> memref<8x128xi32, #tpu.memory_space<vmem>>
      %dma_wait3A_67 = arith.constant 0 : i32
      %dma_wait3A_68 = tpu.memref_slice %arg4[%add3A_4, %dma_wait3A_67] : memref<2560x128xi32, #tpu.memory_space<hbm>> -> memref<8x128xi32, #tpu.memory_space<hbm>>
      tpu.wait_dma2 semaphore(%run_scoped3A_45 : memref<!tpu.dma_semaphore, #tpu.memory_space<semaphore_mem>>) src(%dma_wait3A_68 : memref<8x128xi32, #tpu.memory_space<hbm>>) dst(%dma_wait3A_66 : memref<8x128xi32, #tpu.memory_space<vmem>>)
      tpu.yield
    }) : () -> ()
    %dma_start3A = arith.constant 0 : i32
    %dma_start3A_6 = arith.constant 0 : i32
    %dma_start3A_7 = tpu.memref_slice %arg7[%dma_start3A, %dma_start3A_6] : memref<80x128xi32, #tpu.memory_space<vmem>> -> memref<1x128xi32, #tpu.memory_space<vmem>>
    %dma_start3A_8 = tpu.memref_squeeze %dma_start3A_7 : memref<1x128xi32, #tpu.memory_space<vmem>> -> memref<128xi32, #tpu.memory_space<vmem>>
    %dma_start3A_9 = arith.constant 0 : i32
    %dma_start3A_10 = arith.constant 0 : i32
    %dma_start3A_11 = tpu.memref_slice %arg2[%dma_start3A_9, %dma_start3A_10] : memref<10000x128xf32, #tpu.memory_space<hbm>> -> memref<10000x128xf32, #tpu.memory_space<hbm>>
    tpu.enqueue_indirect_dma source(%dma_start3A_11 : memref<10000x128xf32, #tpu.memory_space<hbm>>) target(%arg9 : memref<128x128xf32, #tpu.memory_space<vmem>>) offsets(%dma_start3A_8 : memref<128xi32, #tpu.memory_space<vmem>>) semaphore(%arg12 : memref<!tpu.dma_semaphore, #tpu.memory_space<semaphore_mem>>)
    %dma_start3A_12 = arith.constant 1 : i32
    %dma_start3A_13 = arith.constant 0 : i32
    %dma_start3A_14 = tpu.memref_slice %arg7[%dma_start3A_12, %dma_start3A_13] : memref<80x128xi32, #tpu.memory_space<vmem>> -> memref<1x128xi32, #tpu.memory_space<vmem>>
    %dma_start3A_15 = tpu.memref_squeeze %dma_start3A_14 : memref<1x128xi32, #tpu.memory_space<vmem>> -> memref<128xi32, #tpu.memory_space<vmem>>
    %dma_start3A_16 = arith.constant 0 : i32
    %dma_start3A_17 = arith.constant 0 : i32
    %dma_start3A_18 = tpu.memref_slice %arg2[%dma_start3A_16, %dma_start3A_17] : memref<10000x128xf32, #tpu.memory_space<hbm>> -> memref<10000x128xf32, #tpu.memory_space<hbm>>
    tpu.enqueue_indirect_dma source(%dma_start3A_18 : memref<10000x128xf32, #tpu.memory_space<hbm>>) target(%arg10 : memref<128x128xf32, #tpu.memory_space<vmem>>) offsets(%dma_start3A_15 : memref<128xi32, #tpu.memory_space<vmem>>) semaphore(%arg13 : memref<!tpu.dma_semaphore, #tpu.memory_space<semaphore_mem>>)
    %ne3A = arith.constant 15 : i32
    %ne3A_19 = arith.cmpi ne, %arg1, %ne3A : i32
    %convert_element_type3A = arith.extui %ne3A_19 : i1 to i32
    %cond3A = arith.constant 0 : i32
    %cond3A_20 = arith.cmpi ne, %convert_element_type3A, %cond3A : i32
    scf.if %cond3A_20 {
      %mul3A_45 = arith.constant 624 : i32
      %mul3A_46 = arith.muli %arg1, %mul3A_45 : i32
      %multiple_of3A = tpu.assume_multiple %mul3A_46, 8 : i32
      %eq3A_47 = arith.constant 0 : i32
      %eq3A_48 = arith.cmpi eq, %arg0, %eq3A_47 : i32
      %convert_element_type3A_49 = arith.extui %eq3A_48 : i1 to i32
      %cond3A_50 = arith.constant 0 : i32
      %cond3A_51 = arith.cmpi ne, %convert_element_type3A_49, %cond3A_50 : i32
      scf.if %cond3A_51 {
        "tpu.region"() ({
          %run_scoped3A_57 = tpu.sem_alloc : memref<!tpu.dma_semaphore, #tpu.memory_space<semaphore_mem>>
          %dma_start3A_58 = arith.constant 0 : i32
          %dma_start3A_59 = tpu.memref_slice %arg11[%multiple_of3A, %dma_start3A_58] : memref<10512x128xf32, #tpu.memory_space<vmem_shared>> -> memref<624x128xf32, #tpu.memory_space<vmem_shared>>
          %dma_start3A_60 = arith.constant 0 : i32
          %dma_start3A_61 = tpu.memref_slice %arg2[%multiple_of3A, %dma_start3A_60] : memref<10000x128xf32, #tpu.memory_space<hbm>> -> memref<624x128xf32, #tpu.memory_space<hbm>>
          tpu.enqueue_dma source(%dma_start3A_61 : memref<624x128xf32, #tpu.memory_space<hbm>>) target(%dma_start3A_59 : memref<624x128xf32, #tpu.memory_space<vmem_shared>>) target_semaphore(%run_scoped3A_57 : memref<!tpu.dma_semaphore, #tpu.memory_space<semaphore_mem>>)
          %dma_wait3A = arith.constant 0 : i32
          %dma_wait3A_62 = tpu.memref_slice %arg11[%multiple_of3A, %dma_wait3A] : memref<10512x128xf32, #tpu.memory_space<vmem_shared>> -> memref<624x128xf32, #tpu.memory_space<vmem_shared>>
          %dma_wait3A_63 = arith.constant 0 : i32
          %dma_wait3A_64 = tpu.memref_slice %arg2[%multiple_of3A, %dma_wait3A_63] : memref<10000x128xf32, #tpu.memory_space<hbm>> -> memref<624x128xf32, #tpu.memory_space<hbm>>
          tpu.wait_dma2 semaphore(%run_scoped3A_57 : memref<!tpu.dma_semaphore, #tpu.memory_space<semaphore_mem>>) src(%dma_wait3A_64 : memref<624x128xf32, #tpu.memory_space<hbm>>) dst(%dma_wait3A_62 : memref<624x128xf32, #tpu.memory_space<vmem_shared>>)
          tpu.yield
        }) : () -> ()
      } else {
      }
      %ne3A_52 = arith.constant 0 : i32
      %ne3A_53 = arith.cmpi ne, %arg0, %ne3A_52 : i32
      %convert_element_type3A_54 = arith.extui %ne3A_53 : i1 to i32
      %cond3A_55 = arith.constant 0 : i32
      %cond3A_56 = arith.cmpi ne, %convert_element_type3A_54, %cond3A_55 : i32
      scf.if %cond3A_56 {
        "tpu.region"() ({
          %run_scoped3A_57 = tpu.sem_alloc : memref<!tpu.dma_semaphore, #tpu.memory_space<semaphore_mem>>
          %dma_start3A_58 = arith.constant 0 : i32
          %dma_start3A_59 = tpu.memref_slice %arg11[%multiple_of3A, %dma_start3A_58] : memref<10512x128xf32, #tpu.memory_space<vmem_shared>> -> memref<624x128xf32, #tpu.memory_space<vmem_shared>>
          %dma_start3A_60 = arith.constant 0 : i32
          %dma_start3A_61 = tpu.memref_slice %arg5[%multiple_of3A, %dma_start3A_60] : memref<10000x128xf32, #tpu.memory_space<hbm>> -> memref<624x128xf32, #tpu.memory_space<hbm>>
          tpu.enqueue_dma source(%dma_start3A_61 : memref<624x128xf32, #tpu.memory_space<hbm>>) target(%dma_start3A_59 : memref<624x128xf32, #tpu.memory_space<vmem_shared>>) target_semaphore(%run_scoped3A_57 : memref<!tpu.dma_semaphore, #tpu.memory_space<semaphore_mem>>)
          %dma_wait3A = arith.constant 0 : i32
          %dma_wait3A_62 = tpu.memref_slice %arg11[%multiple_of3A, %dma_wait3A] : memref<10512x128xf32, #tpu.memory_space<vmem_shared>> -> memref<624x128xf32, #tpu.memory_space<vmem_shared>>
          %dma_wait3A_63 = arith.constant 0 : i32
          %dma_wait3A_64 = tpu.memref_slice %arg5[%multiple_of3A, %dma_wait3A_63] : memref<10000x128xf32, #tpu.memory_space<hbm>> -> memref<624x128xf32, #tpu.memory_space<hbm>>
          tpu.wait_dma2 semaphore(%run_scoped3A_57 : memref<!tpu.dma_semaphore, #tpu.memory_space<semaphore_mem>>) src(%dma_wait3A_64 : memref<624x128xf32, #tpu.memory_space<hbm>>) dst(%dma_wait3A_62 : memref<624x128xf32, #tpu.memory_space<vmem_shared>>)
          tpu.yield
        }) : () -> ()
      } else {
      }
    } else {
    }
    %eq3A = arith.constant 15 : i32
    %eq3A_21 = arith.cmpi eq, %arg1, %eq3A : i32
    %convert_element_type3A_22 = arith.extui %eq3A_21 : i1 to i32
    %cond3A_23 = arith.constant 0 : i32
    %cond3A_24 = arith.cmpi ne, %convert_element_type3A_22, %cond3A_23 : i32
    scf.if %cond3A_24 {
      %multiple_of3A = arith.constant 9360 : i32
      %multiple_of3A_45 = tpu.assume_multiple %multiple_of3A, 8 : i32
      %eq3A_46 = arith.constant 0 : i32
      %eq3A_47 = arith.cmpi eq, %arg0, %eq3A_46 : i32
      %convert_element_type3A_48 = arith.extui %eq3A_47 : i1 to i32
      %cond3A_49 = arith.constant 0 : i32
      %cond3A_50 = arith.cmpi ne, %convert_element_type3A_48, %cond3A_49 : i32
      scf.if %cond3A_50 {
        "tpu.region"() ({
          %run_scoped3A_56 = tpu.sem_alloc : memref<!tpu.dma_semaphore, #tpu.memory_space<semaphore_mem>>
          %dma_start3A_57 = arith.constant 0 : i32
          %dma_start3A_58 = tpu.memref_slice %arg11[%multiple_of3A_45, %dma_start3A_57] : memref<10512x128xf32, #tpu.memory_space<vmem_shared>> -> memref<640x128xf32, #tpu.memory_space<vmem_shared>>
          %dma_start3A_59 = arith.constant 0 : i32
          %dma_start3A_60 = tpu.memref_slice %arg2[%multiple_of3A_45, %dma_start3A_59] : memref<10000x128xf32, #tpu.memory_space<hbm>> -> memref<640x128xf32, #tpu.memory_space<hbm>>
          tpu.enqueue_dma source(%dma_start3A_60 : memref<640x128xf32, #tpu.memory_space<hbm>>) target(%dma_start3A_58 : memref<640x128xf32, #tpu.memory_space<vmem_shared>>) target_semaphore(%run_scoped3A_56 : memref<!tpu.dma_semaphore, #tpu.memory_space<semaphore_mem>>)
          %dma_wait3A = arith.constant 0 : i32
          %dma_wait3A_61 = tpu.memref_slice %arg11[%multiple_of3A_45, %dma_wait3A] : memref<10512x128xf32, #tpu.memory_space<vmem_shared>> -> memref<640x128xf32, #tpu.memory_space<vmem_shared>>
          %dma_wait3A_62 = arith.constant 0 : i32
          %dma_wait3A_63 = tpu.memref_slice %arg2[%multiple_of3A_45, %dma_wait3A_62] : memref<10000x128xf32, #tpu.memory_space<hbm>> -> memref<640x128xf32, #tpu.memory_space<hbm>>
          tpu.wait_dma2 semaphore(%run_scoped3A_56 : memref<!tpu.dma_semaphore, #tpu.memory_space<semaphore_mem>>) src(%dma_wait3A_63 : memref<640x128xf32, #tpu.memory_space<hbm>>) dst(%dma_wait3A_61 : memref<640x128xf32, #tpu.memory_space<vmem_shared>>)
          tpu.yield
        }) : () -> ()
      } else {
      }
      %ne3A_51 = arith.constant 0 : i32
      %ne3A_52 = arith.cmpi ne, %arg0, %ne3A_51 : i32
      %convert_element_type3A_53 = arith.extui %ne3A_52 : i1 to i32
      %cond3A_54 = arith.constant 0 : i32
      %cond3A_55 = arith.cmpi ne, %convert_element_type3A_53, %cond3A_54 : i32
      scf.if %cond3A_55 {
        "tpu.region"() ({
          %run_scoped3A_56 = tpu.sem_alloc : memref<!tpu.dma_semaphore, #tpu.memory_space<semaphore_mem>>
          %dma_start3A_57 = arith.constant 0 : i32
          %dma_start3A_58 = tpu.memref_slice %arg11[%multiple_of3A_45, %dma_start3A_57] : memref<10512x128xf32, #tpu.memory_space<vmem_shared>> -> memref<640x128xf32, #tpu.memory_space<vmem_shared>>
          %dma_start3A_59 = arith.constant 0 : i32
          %dma_start3A_60 = tpu.memref_slice %arg5[%multiple_of3A_45, %dma_start3A_59] : memref<10000x128xf32, #tpu.memory_space<hbm>> -> memref<640x128xf32, #tpu.memory_space<hbm>>
          tpu.enqueue_dma source(%dma_start3A_60 : memref<640x128xf32, #tpu.memory_space<hbm>>) target(%dma_start3A_58 : memref<640x128xf32, #tpu.memory_space<vmem_shared>>) target_semaphore(%run_scoped3A_56 : memref<!tpu.dma_semaphore, #tpu.memory_space<semaphore_mem>>)
          %dma_wait3A = arith.constant 0 : i32
          %dma_wait3A_61 = tpu.memref_slice %arg11[%multiple_of3A_45, %dma_wait3A] : memref<10512x128xf32, #tpu.memory_space<vmem_shared>> -> memref<640x128xf32, #tpu.memory_space<vmem_shared>>
          %dma_wait3A_62 = arith.constant 0 : i32
          %dma_wait3A_63 = tpu.memref_slice %arg5[%multiple_of3A_45, %dma_wait3A_62] : memref<10000x128xf32, #tpu.memory_space<hbm>> -> memref<640x128xf32, #tpu.memory_space<hbm>>
          tpu.wait_dma2 semaphore(%run_scoped3A_56 : memref<!tpu.dma_semaphore, #tpu.memory_space<semaphore_mem>>) src(%dma_wait3A_63 : memref<640x128xf32, #tpu.memory_space<hbm>>) dst(%dma_wait3A_61 : memref<640x128xf32, #tpu.memory_space<vmem_shared>>)
          tpu.yield
        }) : () -> ()
      } else {
      }
    } else {
    }
    %eq3A_25 = arith.constant 0 : i32
    %eq3A_26 = arith.cmpi eq, %arg1, %eq3A_25 : i32
    %convert_element_type3A_27 = arith.extui %eq3A_26 : i1 to i32
    %cond3A_28 = arith.constant 0 : i32
    %cond3A_29 = arith.cmpi ne, %convert_element_type3A_27, %cond3A_28 : i32
    scf.if %cond3A_29 {
      "tpu.region"() ({
        %run_scoped3A_45 = tpu.sem_alloc : memref<!tpu.dma_semaphore, #tpu.memory_space<semaphore_mem>>
        %dma_start3A_46 = arith.constant 10000 : i32
        %dma_start3A_47 = arith.constant 0 : i32
        %dma_start3A_48 = tpu.memref_slice %arg11[%dma_start3A_46, %dma_start3A_47] : memref<10512x128xf32, #tpu.memory_space<vmem_shared>> -> memref<512x128xf32, #tpu.memory_space<vmem_shared>>
        %dma_start3A_49 = arith.constant 0 : i32
        %dma_start3A_50 = arith.constant 0 : i32
        %dma_start3A_51 = tpu.memref_slice %arg5[%dma_start3A_49, %dma_start3A_50] : memref<10000x128xf32, #tpu.memory_space<hbm>> -> memref<512x128xf32, #tpu.memory_space<hbm>>
        tpu.enqueue_dma source(%dma_start3A_51 : memref<512x128xf32, #tpu.memory_space<hbm>>) target(%dma_start3A_48 : memref<512x128xf32, #tpu.memory_space<vmem_shared>>) target_semaphore(%run_scoped3A_45 : memref<!tpu.dma_semaphore, #tpu.memory_space<semaphore_mem>>)
        %dma_wait3A = arith.constant 10000 : i32
        %dma_wait3A_52 = arith.constant 0 : i32
        %dma_wait3A_53 = tpu.memref_slice %arg11[%dma_wait3A, %dma_wait3A_52] : memref<10512x128xf32, #tpu.memory_space<vmem_shared>> -> memref<512x128xf32, #tpu.memory_space<vmem_shared>>
        %dma_wait3A_54 = arith.constant 0 : i32
        %dma_wait3A_55 = arith.constant 0 : i32
        %dma_wait3A_56 = tpu.memref_slice %arg5[%dma_wait3A_54, %dma_wait3A_55] : memref<10000x128xf32, #tpu.memory_space<hbm>> -> memref<512x128xf32, #tpu.memory_space<hbm>>
        tpu.wait_dma2 semaphore(%run_scoped3A_45 : memref<!tpu.dma_semaphore, #tpu.memory_space<semaphore_mem>>) src(%dma_wait3A_56 : memref<512x128xf32, #tpu.memory_space<hbm>>) dst(%dma_wait3A_53 : memref<512x128xf32, #tpu.memory_space<vmem_shared>>)
        tpu.yield
      }) : () -> ()
    } else {
    }
    %barrier3A = arith.constant 0 : index
    tpu.barrier barrier_id(%barrier3A)
    %scan3A = arith.constant 0 : i32
    %scan3A_30 = arith.constant 5 : i32
    %scan3A_31 = arith.addi %scan3A, %scan3A_30 : i32
    %scan3A_32 = arith.constant 1 : i32
    scf.for %scan3A_45 = %scan3A to %scan3A_31 step %scan3A_32  : i32 {
      %mul3A_46 = arith.constant 1 : i32
      %mul3A_47 = arith.muli %scan3A_45, %mul3A_46 : i32
      %add3A_48 = arith.constant 0 : i32
      %add3A_49 = arith.addi %add3A_48, %mul3A_47 : i32
      %mul3A_50 = arith.constant 2 : i32
      %mul3A_51 = arith.muli %add3A_49, %mul3A_50 : i32
      %add3A_52 = arith.constant 0 : i32
      %add3A_53 = arith.addi %mul3A_51, %add3A_52 : i32
      %ge3A = arith.constant 2 : i32
      %ge3A_54 = arith.cmpi sge, %add3A_53, %ge3A : i32
      %convert_element_type3A_55 = arith.extui %ge3A_54 : i1 to i32
      %cond3A_56 = arith.constant 0 : i32
      %cond3A_57 = arith.cmpi ne, %convert_element_type3A_55, %cond3A_56 : i32
      scf.if %cond3A_57 {
        %mul3A_607 = arith.constant 8 : i32
        %mul3A_608 = arith.muli %add3A_53, %mul3A_607 : i32
        %add3A_609 = arith.addi %mul3A_2, %mul3A_608 : i32
        %dma_wait3A_610 = arith.constant 0 : i32
        %dma_wait3A_611 = arith.constant 0 : i32
        %dma_wait3A_612 = arith.constant 0 : i32
        %dma_wait3A_613 = tpu.memref_slice %arg8[%dma_wait3A_610, %dma_wait3A_611, %dma_wait3A_612] : memref<2x8x128xi32, #tpu.memory_space<vmem>> -> memref<1x8x128xi32, #tpu.memory_space<vmem>>
        %dma_wait3A_614 = tpu.memref_squeeze %dma_wait3A_613 : memref<1x8x128xi32, #tpu.memory_space<vmem>> -> memref<8x128xi32, #tpu.memory_space<vmem>>
        %dma_wait3A_615 = arith.constant 0 : i32
        %dma_wait3A_616 = tpu.memref_slice %arg4[%add3A_609, %dma_wait3A_615] : memref<2560x128xi32, #tpu.memory_space<hbm>> -> memref<8x128xi32, #tpu.memory_space<hbm>>
        %dma_wait3A_617 = arith.constant 0 : i32
        %dma_wait3A_618 = arith.constant 0 : i32
        %dma_wait3A_619 = tpu.memref_slice %arg8[%dma_wait3A_610, %dma_wait3A_617, %dma_wait3A_618] : memref<2x8x128xi32, #tpu.memory_space<vmem>> -> memref<1x8x128xi32, #tpu.memory_space<vmem>>
        %dma_wait3A_620 = tpu.memref_squeeze %dma_wait3A_619 : memref<1x8x128xi32, #tpu.memory_space<vmem>> -> memref<8x128xi32, #tpu.memory_space<vmem>>
        %dma_wait3A_621 = arith.constant 0 : i32
        %dma_wait3A_622 = tpu.memref_slice %arg4[%add3A_609, %dma_wait3A_621] : memref<2560x128xi32, #tpu.memory_space<hbm>> -> memref<8x128xi32, #tpu.memory_space<hbm>>
        tpu.wait_dma2 semaphore(%arg14 : memref<!tpu.dma_semaphore, #tpu.memory_space<semaphore_mem>>) src(%dma_wait3A_622 : memref<8x128xi32, #tpu.memory_space<hbm>>) dst(%dma_wait3A_620 : memref<8x128xi32, #tpu.memory_space<vmem>>)
      } else {
      }
      %mul3A_58 = arith.constant 8 : i32
      %mul3A_59 = arith.muli %add3A_53, %mul3A_58 : i32
      %add3A_60 = arith.constant 0 : i32
      %add3A_61 = arith.addi %mul3A_59, %add3A_60 : i32
      %dma_wait3A = arith.constant 0 : i32
      %dma_wait3A_62 = tpu.memref_slice %arg7[%add3A_61, %dma_wait3A] : memref<80x128xi32, #tpu.memory_space<vmem>> -> memref<1x128xi32, #tpu.memory_space<vmem>>
      %dma_wait3A_63 = tpu.memref_squeeze %dma_wait3A_62 : memref<1x128xi32, #tpu.memory_space<vmem>> -> memref<128xi32, #tpu.memory_space<vmem>>
      %dma_wait3A_64 = arith.constant 0 : i32
      %dma_wait3A_65 = arith.constant 0 : i32
      %dma_wait3A_66 = tpu.memref_slice %arg2[%dma_wait3A_64, %dma_wait3A_65] : memref<10000x128xf32, #tpu.memory_space<hbm>> -> memref<10000x128xf32, #tpu.memory_space<hbm>>
      tpu.wait_indirect_dma semaphore(%arg12 : memref<!tpu.dma_semaphore, #tpu.memory_space<semaphore_mem>>) src(%dma_wait3A_66 : memref<10000x128xf32, #tpu.memory_space<hbm>>) dst(%arg9 : memref<128x128xf32, #tpu.memory_space<vmem>>)
      %dma_start3A_67 = arith.constant 0 : i32
      %dma_start3A_68 = arith.constant 0 : i32
      %dma_start3A_69 = arith.constant 0 : i32
      %dma_start3A_70 = tpu.memref_slice %arg8[%dma_start3A_67, %dma_start3A_68, %dma_start3A_69] : memref<2x8x128xi32, #tpu.memory_space<vmem>> -> memref<1x1x128xi32, #tpu.memory_space<vmem>>
      %dma_start3A_71 = tpu.memref_squeeze %dma_start3A_70 : memref<1x1x128xi32, #tpu.memory_space<vmem>> -> memref<128xi32, #tpu.memory_space<vmem>>
      %dma_start3A_72 = arith.constant 0 : i32
      %dma_start3A_73 = arith.constant 0 : i32
      %dma_start3A_74 = tpu.memref_slice %arg11[%dma_start3A_72, %dma_start3A_73] : memref<10512x128xf32, #tpu.memory_space<vmem_shared>> -> memref<10512x128xf32, #tpu.memory_space<vmem_shared>>
      tpu.enqueue_indirect_dma source(%arg9 : memref<128x128xf32, #tpu.memory_space<vmem>>) target(%dma_start3A_74 : memref<10512x128xf32, #tpu.memory_space<vmem_shared>>) offsets(%dma_start3A_71 : memref<128xi32, #tpu.memory_space<vmem>>) semaphore(%arg12 : memref<!tpu.dma_semaphore, #tpu.memory_space<semaphore_mem>>) {add = true}
      %dma_wait3A_75 = arith.constant 0 : i32
      %dma_wait3A_76 = arith.constant 0 : i32
      %dma_wait3A_77 = arith.constant 0 : i32
      %dma_wait3A_78 = tpu.memref_slice %arg8[%dma_wait3A_75, %dma_wait3A_76, %dma_wait3A_77] : memref<2x8x128xi32, #tpu.memory_space<vmem>> -> memref<1x1x128xi32, #tpu.memory_space<vmem>>
      %dma_wait3A_79 = tpu.memref_squeeze %dma_wait3A_78 : memref<1x1x128xi32, #tpu.memory_space<vmem>> -> memref<128xi32, #tpu.memory_space<vmem>>
      %dma_wait3A_80 = arith.constant 0 : i32
      %dma_wait3A_81 = arith.constant 0 : i32
      %dma_wait3A_82 = tpu.memref_slice %arg11[%dma_wait3A_80, %dma_wait3A_81] : memref<10512x128xf32, #tpu.memory_space<vmem_shared>> -> memref<10512x128xf32, #tpu.memory_space<vmem_shared>>
      tpu.wait_indirect_dma semaphore(%arg12 : memref<!tpu.dma_semaphore, #tpu.memory_space<semaphore_mem>>) src(%arg9 : memref<128x128xf32, #tpu.memory_space<vmem>>) dst(%dma_wait3A_82 : memref<10512x128xf32, #tpu.memory_space<vmem_shared>>)
      %add3A_83 = arith.constant 2 : i32
      %add3A_84 = arith.addi %add3A_61, %add3A_83 : i32
      %lt3A = arith.constant 80 : i32
      %lt3A_85 = arith.cmpi slt, %add3A_84, %lt3A : i32
      %convert_element_type3A_86 = arith.extui %lt3A_85 : i1 to i32
      %cond3A_87 = arith.constant 0 : i32
      %cond3A_88 = arith.cmpi ne, %convert_element_type3A_86, %cond3A_87 : i32
      scf.if %cond3A_88 {
        %add3A_607 = arith.constant 2 : i32
        %add3A_608 = arith.addi %add3A_61, %add3A_607 : i32
        %dma_start3A_609 = arith.constant 0 : i32
        %dma_start3A_610 = tpu.memref_slice %arg7[%add3A_608, %dma_start3A_609] : memref<80x128xi32, #tpu.memory_space<vmem>> -> memref<1x128xi32, #tpu.memory_space<vmem>>
        %dma_start3A_611 = tpu.memref_squeeze %dma_start3A_610 : memref<1x128xi32, #tpu.memory_space<vmem>> -> memref<128xi32, #tpu.memory_space<vmem>>
        %dma_start3A_612 = arith.constant 0 : i32
        %dma_start3A_613 = arith.constant 0 : i32
        %dma_start3A_614 = tpu.memref_slice %arg2[%dma_start3A_612, %dma_start3A_613] : memref<10000x128xf32, #tpu.memory_space<hbm>> -> memref<10000x128xf32, #tpu.memory_space<hbm>>
        tpu.enqueue_indirect_dma source(%dma_start3A_614 : memref<10000x128xf32, #tpu.memory_space<hbm>>) target(%arg9 : memref<128x128xf32, #tpu.memory_space<vmem>>) offsets(%dma_start3A_611 : memref<128xi32, #tpu.memory_space<vmem>>) semaphore(%arg12 : memref<!tpu.dma_semaphore, #tpu.memory_space<semaphore_mem>>)
      } else {
      }
      %mul3A_89 = arith.constant 8 : i32
      %mul3A_90 = arith.muli %add3A_53, %mul3A_89 : i32
      %add3A_91 = arith.constant 1 : i32
      %add3A_92 = arith.addi %mul3A_90, %add3A_91 : i32
      %dma_wait3A_93 = arith.constant 0 : i32
      %dma_wait3A_94 = tpu.memref_slice %arg7[%add3A_92, %dma_wait3A_93] : memref<80x128xi32, #tpu.memory_space<vmem>> -> memref<1x128xi32, #tpu.memory_space<vmem>>
      %dma_wait3A_95 = tpu.memref_squeeze %dma_wait3A_94 : memref<1x128xi32, #tpu.memory_space<vmem>> -> memref<128xi32, #tpu.memory_space<vmem>>
      %dma_wait3A_96 = arith.constant 0 : i32
      %dma_wait3A_97 = arith.constant 0 : i32
      %dma_wait3A_98 = tpu.memref_slice %arg2[%dma_wait3A_96, %dma_wait3A_97] : memref<10000x128xf32, #tpu.memory_space<hbm>> -> memref<10000x128xf32, #tpu.memory_space<hbm>>
      tpu.wait_indirect_dma semaphore(%arg13 : memref<!tpu.dma_semaphore, #tpu.memory_space<semaphore_mem>>) src(%dma_wait3A_98 : memref<10000x128xf32, #tpu.memory_space<hbm>>) dst(%arg10 : memref<128x128xf32, #tpu.memory_space<vmem>>)
      %dma_start3A_99 = arith.constant 0 : i32
      %dma_start3A_100 = arith.constant 1 : i32
      %dma_start3A_101 = arith.constant 0 : i32
      %dma_start3A_102 = tpu.memref_slice %arg8[%dma_start3A_99, %dma_start3A_100, %dma_start3A_101] : memref<2x8x128xi32, #tpu.memory_space<vmem>> -> memref<1x1x128xi32, #tpu.memory_space<vmem>>
      %dma_start3A_103 = tpu.memref_squeeze %dma_start3A_102 : memref<1x1x128xi32, #tpu.memory_space<vmem>> -> memref<128xi32, #tpu.memory_space<vmem>>
      %dma_start3A_104 = arith.constant 0 : i32
      %dma_start3A_105 = arith.constant 0 : i32
      %dma_start3A_106 = tpu.memref_slice %arg11[%dma_start3A_104, %dma_start3A_105] : memref<10512x128xf32, #tpu.memory_space<vmem_shared>> -> memref<10512x128xf32, #tpu.memory_space<vmem_shared>>
      tpu.enqueue_indirect_dma source(%arg10 : memref<128x128xf32, #tpu.memory_space<vmem>>) target(%dma_start3A_106 : memref<10512x128xf32, #tpu.memory_space<vmem_shared>>) offsets(%dma_start3A_103 : memref<128xi32, #tpu.memory_space<vmem>>) semaphore(%arg13 : memref<!tpu.dma_semaphore, #tpu.memory_space<semaphore_mem>>) {add = true}
      %dma_wait3A_107 = arith.constant 0 : i32
      %dma_wait3A_108 = arith.constant 1 : i32
      %dma_wait3A_109 = arith.constant 0 : i32
      %dma_wait3A_110 = tpu.memref_slice %arg8[%dma_wait3A_107, %dma_wait3A_108, %dma_wait3A_109] : memref<2x8x128xi32, #tpu.memory_space<vmem>> -> memref<1x1x128xi32, #tpu.memory_space<vmem>>
      %dma_wait3A_111 = tpu.memref_squeeze %dma_wait3A_110 : memref<1x1x128xi32, #tpu.memory_space<vmem>> -> memref<128xi32, #tpu.memory_space<vmem>>
      %dma_wait3A_112 = arith.constant 0 : i32
      %dma_wait3A_113 = arith.constant 0 : i32
      %dma_wait3A_114 = tpu.memref_slice %arg11[%dma_wait3A_112, %dma_wait3A_113] : memref<10512x128xf32, #tpu.memory_space<vmem_shared>> -> memref<10512x128xf32, #tpu.memory_space<vmem_shared>>
      tpu.wait_indirect_dma semaphore(%arg13 : memref<!tpu.dma_semaphore, #tpu.memory_space<semaphore_mem>>) src(%arg10 : memref<128x128xf32, #tpu.memory_space<vmem>>) dst(%dma_wait3A_114 : memref<10512x128xf32, #tpu.memory_space<vmem_shared>>)
      %add3A_115 = arith.constant 2 : i32
      %add3A_116 = arith.addi %add3A_92, %add3A_115 : i32
      %lt3A_117 = arith.constant 80 : i32
      %lt3A_118 = arith.cmpi slt, %add3A_116, %lt3A_117 : i32
      %convert_element_type3A_119 = arith.extui %lt3A_118 : i1 to i32
      %cond3A_120 = arith.constant 0 : i32
      %cond3A_121 = arith.cmpi ne, %convert_element_type3A_119, %cond3A_120 : i32
      scf.if %cond3A_121 {
        %add3A_607 = arith.constant 2 : i32
        %add3A_608 = arith.addi %add3A_92, %add3A_607 : i32
        %dma_start3A_609 = arith.constant 0 : i32
        %dma_start3A_610 = tpu.memref_slice %arg7[%add3A_608, %dma_start3A_609] : memref<80x128xi32, #tpu.memory_space<vmem>> -> memref<1x128xi32, #tpu.memory_space<vmem>>
        %dma_start3A_611 = tpu.memref_squeeze %dma_start3A_610 : memref<1x128xi32, #tpu.memory_space<vmem>> -> memref<128xi32, #tpu.memory_space<vmem>>
        %dma_start3A_612 = arith.constant 0 : i32
        %dma_start3A_613 = arith.constant 0 : i32
        %dma_start3A_614 = tpu.memref_slice %arg2[%dma_start3A_612, %dma_start3A_613] : memref<10000x128xf32, #tpu.memory_space<hbm>> -> memref<10000x128xf32, #tpu.memory_space<hbm>>
        tpu.enqueue_indirect_dma source(%dma_start3A_614 : memref<10000x128xf32, #tpu.memory_space<hbm>>) target(%arg10 : memref<128x128xf32, #tpu.memory_space<vmem>>) offsets(%dma_start3A_611 : memref<128xi32, #tpu.memory_space<vmem>>) semaphore(%arg13 : memref<!tpu.dma_semaphore, #tpu.memory_space<semaphore_mem>>)
      } else {
      }
      %mul3A_122 = arith.constant 8 : i32
      %mul3A_123 = arith.muli %add3A_53, %mul3A_122 : i32
      %add3A_124 = arith.constant 2 : i32
      %add3A_125 = arith.addi %mul3A_123, %add3A_124 : i32
      %dma_wait3A_126 = arith.constant 0 : i32
      %dma_wait3A_127 = tpu.memref_slice %arg7[%add3A_125, %dma_wait3A_126] : memref<80x128xi32, #tpu.memory_space<vmem>> -> memref<1x128xi32, #tpu.memory_space<vmem>>
      %dma_wait3A_128 = tpu.memref_squeeze %dma_wait3A_127 : memref<1x128xi32, #tpu.memory_space<vmem>> -> memref<128xi32, #tpu.memory_space<vmem>>
      %dma_wait3A_129 = arith.constant 0 : i32
      %dma_wait3A_130 = arith.constant 0 : i32
      %dma_wait3A_131 = tpu.memref_slice %arg2[%dma_wait3A_129, %dma_wait3A_130] : memref<10000x128xf32, #tpu.memory_space<hbm>> -> memref<10000x128xf32, #tpu.memory_space<hbm>>
      tpu.wait_indirect_dma semaphore(%arg12 : memref<!tpu.dma_semaphore, #tpu.memory_space<semaphore_mem>>) src(%dma_wait3A_131 : memref<10000x128xf32, #tpu.memory_space<hbm>>) dst(%arg9 : memref<128x128xf32, #tpu.memory_space<vmem>>)
      %dma_start3A_132 = arith.constant 0 : i32
      %dma_start3A_133 = arith.constant 2 : i32
      %dma_start3A_134 = arith.constant 0 : i32
      %dma_start3A_135 = tpu.memref_slice %arg8[%dma_start3A_132, %dma_start3A_133, %dma_start3A_134] : memref<2x8x128xi32, #tpu.memory_space<vmem>> -> memref<1x1x128xi32, #tpu.memory_space<vmem>>
      %dma_start3A_136 = tpu.memref_squeeze %dma_start3A_135 : memref<1x1x128xi32, #tpu.memory_space<vmem>> -> memref<128xi32, #tpu.memory_space<vmem>>
      %dma_start3A_137 = arith.constant 0 : i32
      %dma_start3A_138 = arith.constant 0 : i32
      %dma_start3A_139 = tpu.memref_slice %arg11[%dma_start3A_137, %dma_start3A_138] : memref<10512x128xf32, #tpu.memory_space<vmem_shared>> -> memref<10512x128xf32, #tpu.memory_space<vmem_shared>>
      tpu.enqueue_indirect_dma source(%arg9 : memref<128x128xf32, #tpu.memory_space<vmem>>) target(%dma_start3A_139 : memref<10512x128xf32, #tpu.memory_space<vmem_shared>>) offsets(%dma_start3A_136 : memref<128xi32, #tpu.memory_space<vmem>>) semaphore(%arg12 : memref<!tpu.dma_semaphore, #tpu.memory_space<semaphore_mem>>) {add = true}
      %dma_wait3A_140 = arith.constant 0 : i32
      %dma_wait3A_141 = arith.constant 2 : i32
      %dma_wait3A_142 = arith.constant 0 : i32
      %dma_wait3A_143 = tpu.memref_slice %arg8[%dma_wait3A_140, %dma_wait3A_141, %dma_wait3A_142] : memref<2x8x128xi32, #tpu.memory_space<vmem>> -> memref<1x1x128xi32, #tpu.memory_space<vmem>>
      %dma_wait3A_144 = tpu.memref_squeeze %dma_wait3A_143 : memref<1x1x128xi32, #tpu.memory_space<vmem>> -> memref<128xi32, #tpu.memory_space<vmem>>
      %dma_wait3A_145 = arith.constant 0 : i32
      %dma_wait3A_146 = arith.constant 0 : i32
      %dma_wait3A_147 = tpu.memref_slice %arg11[%dma_wait3A_145, %dma_wait3A_146] : memref<10512x128xf32, #tpu.memory_space<vmem_shared>> -> memref<10512x128xf32, #tpu.memory_space<vmem_shared>>
      tpu.wait_indirect_dma semaphore(%arg12 : memref<!tpu.dma_semaphore, #tpu.memory_space<semaphore_mem>>) src(%arg9 : memref<128x128xf32, #tpu.memory_space<vmem>>) dst(%dma_wait3A_147 : memref<10512x128xf32, #tpu.memory_space<vmem_shared>>)
      %add3A_148 = arith.constant 2 : i32
      %add3A_149 = arith.addi %add3A_125, %add3A_148 : i32
      %lt3A_150 = arith.constant 80 : i32
      %lt3A_151 = arith.cmpi slt, %add3A_149, %lt3A_150 : i32
      %convert_element_type3A_152 = arith.extui %lt3A_151 : i1 to i32
      %cond3A_153 = arith.constant 0 : i32
      %cond3A_154 = arith.cmpi ne, %convert_element_type3A_152, %cond3A_153 : i32
      scf.if %cond3A_154 {
        %add3A_607 = arith.constant 2 : i32
        %add3A_608 = arith.addi %add3A_125, %add3A_607 : i32
        %dma_start3A_609 = arith.constant 0 : i32
        %dma_start3A_610 = tpu.memref_slice %arg7[%add3A_608, %dma_start3A_609] : memref<80x128xi32, #tpu.memory_space<vmem>> -> memref<1x128xi32, #tpu.memory_space<vmem>>
        %dma_start3A_611 = tpu.memref_squeeze %dma_start3A_610 : memref<1x128xi32, #tpu.memory_space<vmem>> -> memref<128xi32, #tpu.memory_space<vmem>>
        %dma_start3A_612 = arith.constant 0 : i32
        %dma_start3A_613 = arith.constant 0 : i32
        %dma_start3A_614 = tpu.memref_slice %arg2[%dma_start3A_612, %dma_start3A_613] : memref<10000x128xf32, #tpu.memory_space<hbm>> -> memref<10000x128xf32, #tpu.memory_space<hbm>>
        tpu.enqueue_indirect_dma source(%dma_start3A_614 : memref<10000x128xf32, #tpu.memory_space<hbm>>) target(%arg9 : memref<128x128xf32, #tpu.memory_space<vmem>>) offsets(%dma_start3A_611 : memref<128xi32, #tpu.memory_space<vmem>>) semaphore(%arg12 : memref<!tpu.dma_semaphore, #tpu.memory_space<semaphore_mem>>)
      } else {
      }
      %mul3A_155 = arith.constant 8 : i32
      %mul3A_156 = arith.muli %add3A_53, %mul3A_155 : i32
      %add3A_157 = arith.constant 3 : i32
      %add3A_158 = arith.addi %mul3A_156, %add3A_157 : i32
      %dma_wait3A_159 = arith.constant 0 : i32
      %dma_wait3A_160 = tpu.memref_slice %arg7[%add3A_158, %dma_wait3A_159] : memref<80x128xi32, #tpu.memory_space<vmem>> -> memref<1x128xi32, #tpu.memory_space<vmem>>
      %dma_wait3A_161 = tpu.memref_squeeze %dma_wait3A_160 : memref<1x128xi32, #tpu.memory_space<vmem>> -> memref<128xi32, #tpu.memory_space<vmem>>
      %dma_wait3A_162 = arith.constant 0 : i32
      %dma_wait3A_163 = arith.constant 0 : i32
      %dma_wait3A_164 = tpu.memref_slice %arg2[%dma_wait3A_162, %dma_wait3A_163] : memref<10000x128xf32, #tpu.memory_space<hbm>> -> memref<10000x128xf32, #tpu.memory_space<hbm>>
      tpu.wait_indirect_dma semaphore(%arg13 : memref<!tpu.dma_semaphore, #tpu.memory_space<semaphore_mem>>) src(%dma_wait3A_164 : memref<10000x128xf32, #tpu.memory_space<hbm>>) dst(%arg10 : memref<128x128xf32, #tpu.memory_space<vmem>>)
      %dma_start3A_165 = arith.constant 0 : i32
      %dma_start3A_166 = arith.constant 3 : i32
      %dma_start3A_167 = arith.constant 0 : i32
      %dma_start3A_168 = tpu.memref_slice %arg8[%dma_start3A_165, %dma_start3A_166, %dma_start3A_167] : memref<2x8x128xi32, #tpu.memory_space<vmem>> -> memref<1x1x128xi32, #tpu.memory_space<vmem>>
      %dma_start3A_169 = tpu.memref_squeeze %dma_start3A_168 : memref<1x1x128xi32, #tpu.memory_space<vmem>> -> memref<128xi32, #tpu.memory_space<vmem>>
      %dma_start3A_170 = arith.constant 0 : i32
      %dma_start3A_171 = arith.constant 0 : i32
      %dma_start3A_172 = tpu.memref_slice %arg11[%dma_start3A_170, %dma_start3A_171] : memref<10512x128xf32, #tpu.memory_space<vmem_shared>> -> memref<10512x128xf32, #tpu.memory_space<vmem_shared>>
      tpu.enqueue_indirect_dma source(%arg10 : memref<128x128xf32, #tpu.memory_space<vmem>>) target(%dma_start3A_172 : memref<10512x128xf32, #tpu.memory_space<vmem_shared>>) offsets(%dma_start3A_169 : memref<128xi32, #tpu.memory_space<vmem>>) semaphore(%arg13 : memref<!tpu.dma_semaphore, #tpu.memory_space<semaphore_mem>>) {add = true}
      %dma_wait3A_173 = arith.constant 0 : i32
      %dma_wait3A_174 = arith.constant 3 : i32
      %dma_wait3A_175 = arith.constant 0 : i32
      %dma_wait3A_176 = tpu.memref_slice %arg8[%dma_wait3A_173, %dma_wait3A_174, %dma_wait3A_175] : memref<2x8x128xi32, #tpu.memory_space<vmem>> -> memref<1x1x128xi32, #tpu.memory_space<vmem>>
      %dma_wait3A_177 = tpu.memref_squeeze %dma_wait3A_176 : memref<1x1x128xi32, #tpu.memory_space<vmem>> -> memref<128xi32, #tpu.memory_space<vmem>>
      %dma_wait3A_178 = arith.constant 0 : i32
      %dma_wait3A_179 = arith.constant 0 : i32
      %dma_wait3A_180 = tpu.memref_slice %arg11[%dma_wait3A_178, %dma_wait3A_179] : memref<10512x128xf32, #tpu.memory_space<vmem_shared>> -> memref<10512x128xf32, #tpu.memory_space<vmem_shared>>
      tpu.wait_indirect_dma semaphore(%arg13 : memref<!tpu.dma_semaphore, #tpu.memory_space<semaphore_mem>>) src(%arg10 : memref<128x128xf32, #tpu.memory_space<vmem>>) dst(%dma_wait3A_180 : memref<10512x128xf32, #tpu.memory_space<vmem_shared>>)
      %add3A_181 = arith.constant 2 : i32
      %add3A_182 = arith.addi %add3A_158, %add3A_181 : i32
      %lt3A_183 = arith.constant 80 : i32
      %lt3A_184 = arith.cmpi slt, %add3A_182, %lt3A_183 : i32
      %convert_element_type3A_185 = arith.extui %lt3A_184 : i1 to i32
      %cond3A_186 = arith.constant 0 : i32
      %cond3A_187 = arith.cmpi ne, %convert_element_type3A_185, %cond3A_186 : i32
      scf.if %cond3A_187 {
        %add3A_607 = arith.constant 2 : i32
        %add3A_608 = arith.addi %add3A_158, %add3A_607 : i32
        %dma_start3A_609 = arith.constant 0 : i32
        %dma_start3A_610 = tpu.memref_slice %arg7[%add3A_608, %dma_start3A_609] : memref<80x128xi32, #tpu.memory_space<vmem>> -> memref<1x128xi32, #tpu.memory_space<vmem>>
        %dma_start3A_611 = tpu.memref_squeeze %dma_start3A_610 : memref<1x128xi32, #tpu.memory_space<vmem>> -> memref<128xi32, #tpu.memory_space<vmem>>
        %dma_start3A_612 = arith.constant 0 : i32
        %dma_start3A_613 = arith.constant 0 : i32
        %dma_start3A_614 = tpu.memref_slice %arg2[%dma_start3A_612, %dma_start3A_613] : memref<10000x128xf32, #tpu.memory_space<hbm>> -> memref<10000x128xf32, #tpu.memory_space<hbm>>
        tpu.enqueue_indirect_dma source(%dma_start3A_614 : memref<10000x128xf32, #tpu.memory_space<hbm>>) target(%arg10 : memref<128x128xf32, #tpu.memory_space<vmem>>) offsets(%dma_start3A_611 : memref<128xi32, #tpu.memory_space<vmem>>) semaphore(%arg13 : memref<!tpu.dma_semaphore, #tpu.memory_space<semaphore_mem>>)
      } else {
      }
      %mul3A_188 = arith.constant 8 : i32
      %mul3A_189 = arith.muli %add3A_53, %mul3A_188 : i32
      %add3A_190 = arith.constant 4 : i32
      %add3A_191 = arith.addi %mul3A_189, %add3A_190 : i32
      %dma_wait3A_192 = arith.constant 0 : i32
      %dma_wait3A_193 = tpu.memref_slice %arg7[%add3A_191, %dma_wait3A_192] : memref<80x128xi32, #tpu.memory_space<vmem>> -> memref<1x128xi32, #tpu.memory_space<vmem>>
      %dma_wait3A_194 = tpu.memref_squeeze %dma_wait3A_193 : memref<1x128xi32, #tpu.memory_space<vmem>> -> memref<128xi32, #tpu.memory_space<vmem>>
      %dma_wait3A_195 = arith.constant 0 : i32
      %dma_wait3A_196 = arith.constant 0 : i32
      %dma_wait3A_197 = tpu.memref_slice %arg2[%dma_wait3A_195, %dma_wait3A_196] : memref<10000x128xf32, #tpu.memory_space<hbm>> -> memref<10000x128xf32, #tpu.memory_space<hbm>>
      tpu.wait_indirect_dma semaphore(%arg12 : memref<!tpu.dma_semaphore, #tpu.memory_space<semaphore_mem>>) src(%dma_wait3A_197 : memref<10000x128xf32, #tpu.memory_space<hbm>>) dst(%arg9 : memref<128x128xf32, #tpu.memory_space<vmem>>)
      %dma_start3A_198 = arith.constant 0 : i32
      %dma_start3A_199 = arith.constant 4 : i32
      %dma_start3A_200 = arith.constant 0 : i32
      %dma_start3A_201 = tpu.memref_slice %arg8[%dma_start3A_198, %dma_start3A_199, %dma_start3A_200] : memref<2x8x128xi32, #tpu.memory_space<vmem>> -> memref<1x1x128xi32, #tpu.memory_space<vmem>>
      %dma_start3A_202 = tpu.memref_squeeze %dma_start3A_201 : memref<1x1x128xi32, #tpu.memory_space<vmem>> -> memref<128xi32, #tpu.memory_space<vmem>>
      %dma_start3A_203 = arith.constant 0 : i32
      %dma_start3A_204 = arith.constant 0 : i32
      %dma_start3A_205 = tpu.memref_slice %arg11[%dma_start3A_203, %dma_start3A_204] : memref<10512x128xf32, #tpu.memory_space<vmem_shared>> -> memref<10512x128xf32, #tpu.memory_space<vmem_shared>>
      tpu.enqueue_indirect_dma source(%arg9 : memref<128x128xf32, #tpu.memory_space<vmem>>) target(%dma_start3A_205 : memref<10512x128xf32, #tpu.memory_space<vmem_shared>>) offsets(%dma_start3A_202 : memref<128xi32, #tpu.memory_space<vmem>>) semaphore(%arg12 : memref<!tpu.dma_semaphore, #tpu.memory_space<semaphore_mem>>) {add = true}
      %dma_wait3A_206 = arith.constant 0 : i32
      %dma_wait3A_207 = arith.constant 4 : i32
      %dma_wait3A_208 = arith.constant 0 : i32
      %dma_wait3A_209 = tpu.memref_slice %arg8[%dma_wait3A_206, %dma_wait3A_207, %dma_wait3A_208] : memref<2x8x128xi32, #tpu.memory_space<vmem>> -> memref<1x1x128xi32, #tpu.memory_space<vmem>>
      %dma_wait3A_210 = tpu.memref_squeeze %dma_wait3A_209 : memref<1x1x128xi32, #tpu.memory_space<vmem>> -> memref<128xi32, #tpu.memory_space<vmem>>
      %dma_wait3A_211 = arith.constant 0 : i32
      %dma_wait3A_212 = arith.constant 0 : i32
      %dma_wait3A_213 = tpu.memref_slice %arg11[%dma_wait3A_211, %dma_wait3A_212] : memref<10512x128xf32, #tpu.memory_space<vmem_shared>> -> memref<10512x128xf32, #tpu.memory_space<vmem_shared>>
      tpu.wait_indirect_dma semaphore(%arg12 : memref<!tpu.dma_semaphore, #tpu.memory_space<semaphore_mem>>) src(%arg9 : memref<128x128xf32, #tpu.memory_space<vmem>>) dst(%dma_wait3A_213 : memref<10512x128xf32, #tpu.memory_space<vmem_shared>>)
      %add3A_214 = arith.constant 2 : i32
      %add3A_215 = arith.addi %add3A_191, %add3A_214 : i32
      %lt3A_216 = arith.constant 80 : i32
      %lt3A_217 = arith.cmpi slt, %add3A_215, %lt3A_216 : i32
      %convert_element_type3A_218 = arith.extui %lt3A_217 : i1 to i32
      %cond3A_219 = arith.constant 0 : i32
      %cond3A_220 = arith.cmpi ne, %convert_element_type3A_218, %cond3A_219 : i32
      scf.if %cond3A_220 {
        %add3A_607 = arith.constant 2 : i32
        %add3A_608 = arith.addi %add3A_191, %add3A_607 : i32
        %dma_start3A_609 = arith.constant 0 : i32
        %dma_start3A_610 = tpu.memref_slice %arg7[%add3A_608, %dma_start3A_609] : memref<80x128xi32, #tpu.memory_space<vmem>> -> memref<1x128xi32, #tpu.memory_space<vmem>>
        %dma_start3A_611 = tpu.memref_squeeze %dma_start3A_610 : memref<1x128xi32, #tpu.memory_space<vmem>> -> memref<128xi32, #tpu.memory_space<vmem>>
        %dma_start3A_612 = arith.constant 0 : i32
        %dma_start3A_613 = arith.constant 0 : i32
        %dma_start3A_614 = tpu.memref_slice %arg2[%dma_start3A_612, %dma_start3A_613] : memref<10000x128xf32, #tpu.memory_space<hbm>> -> memref<10000x128xf32, #tpu.memory_space<hbm>>
        tpu.enqueue_indirect_dma source(%dma_start3A_614 : memref<10000x128xf32, #tpu.memory_space<hbm>>) target(%arg9 : memref<128x128xf32, #tpu.memory_space<vmem>>) offsets(%dma_start3A_611 : memref<128xi32, #tpu.memory_space<vmem>>) semaphore(%arg12 : memref<!tpu.dma_semaphore, #tpu.memory_space<semaphore_mem>>)
      } else {
      }
      %mul3A_221 = arith.constant 8 : i32
      %mul3A_222 = arith.muli %add3A_53, %mul3A_221 : i32
      %add3A_223 = arith.constant 5 : i32
      %add3A_224 = arith.addi %mul3A_222, %add3A_223 : i32
      %dma_wait3A_225 = arith.constant 0 : i32
      %dma_wait3A_226 = tpu.memref_slice %arg7[%add3A_224, %dma_wait3A_225] : memref<80x128xi32, #tpu.memory_space<vmem>> -> memref<1x128xi32, #tpu.memory_space<vmem>>
      %dma_wait3A_227 = tpu.memref_squeeze %dma_wait3A_226 : memref<1x128xi32, #tpu.memory_space<vmem>> -> memref<128xi32, #tpu.memory_space<vmem>>
      %dma_wait3A_228 = arith.constant 0 : i32
      %dma_wait3A_229 = arith.constant 0 : i32
      %dma_wait3A_230 = tpu.memref_slice %arg2[%dma_wait3A_228, %dma_wait3A_229] : memref<10000x128xf32, #tpu.memory_space<hbm>> -> memref<10000x128xf32, #tpu.memory_space<hbm>>
      tpu.wait_indirect_dma semaphore(%arg13 : memref<!tpu.dma_semaphore, #tpu.memory_space<semaphore_mem>>) src(%dma_wait3A_230 : memref<10000x128xf32, #tpu.memory_space<hbm>>) dst(%arg10 : memref<128x128xf32, #tpu.memory_space<vmem>>)
      %dma_start3A_231 = arith.constant 0 : i32
      %dma_start3A_232 = arith.constant 5 : i32
      %dma_start3A_233 = arith.constant 0 : i32
      %dma_start3A_234 = tpu.memref_slice %arg8[%dma_start3A_231, %dma_start3A_232, %dma_start3A_233] : memref<2x8x128xi32, #tpu.memory_space<vmem>> -> memref<1x1x128xi32, #tpu.memory_space<vmem>>
      %dma_start3A_235 = tpu.memref_squeeze %dma_start3A_234 : memref<1x1x128xi32, #tpu.memory_space<vmem>> -> memref<128xi32, #tpu.memory_space<vmem>>
      %dma_start3A_236 = arith.constant 0 : i32
      %dma_start3A_237 = arith.constant 0 : i32
      %dma_start3A_238 = tpu.memref_slice %arg11[%dma_start3A_236, %dma_start3A_237] : memref<10512x128xf32, #tpu.memory_space<vmem_shared>> -> memref<10512x128xf32, #tpu.memory_space<vmem_shared>>
      tpu.enqueue_indirect_dma source(%arg10 : memref<128x128xf32, #tpu.memory_space<vmem>>) target(%dma_start3A_238 : memref<10512x128xf32, #tpu.memory_space<vmem_shared>>) offsets(%dma_start3A_235 : memref<128xi32, #tpu.memory_space<vmem>>) semaphore(%arg13 : memref<!tpu.dma_semaphore, #tpu.memory_space<semaphore_mem>>) {add = true}
      %dma_wait3A_239 = arith.constant 0 : i32
      %dma_wait3A_240 = arith.constant 5 : i32
      %dma_wait3A_241 = arith.constant 0 : i32
      %dma_wait3A_242 = tpu.memref_slice %arg8[%dma_wait3A_239, %dma_wait3A_240, %dma_wait3A_241] : memref<2x8x128xi32, #tpu.memory_space<vmem>> -> memref<1x1x128xi32, #tpu.memory_space<vmem>>
      %dma_wait3A_243 = tpu.memref_squeeze %dma_wait3A_242 : memref<1x1x128xi32, #tpu.memory_space<vmem>> -> memref<128xi32, #tpu.memory_space<vmem>>
      %dma_wait3A_244 = arith.constant 0 : i32
      %dma_wait3A_245 = arith.constant 0 : i32
      %dma_wait3A_246 = tpu.memref_slice %arg11[%dma_wait3A_244, %dma_wait3A_245] : memref<10512x128xf32, #tpu.memory_space<vmem_shared>> -> memref<10512x128xf32, #tpu.memory_space<vmem_shared>>
      tpu.wait_indirect_dma semaphore(%arg13 : memref<!tpu.dma_semaphore, #tpu.memory_space<semaphore_mem>>) src(%arg10 : memref<128x128xf32, #tpu.memory_space<vmem>>) dst(%dma_wait3A_246 : memref<10512x128xf32, #tpu.memory_space<vmem_shared>>)
      %add3A_247 = arith.constant 2 : i32
      %add3A_248 = arith.addi %add3A_224, %add3A_247 : i32
      %lt3A_249 = arith.constant 80 : i32
      %lt3A_250 = arith.cmpi slt, %add3A_248, %lt3A_249 : i32
      %convert_element_type3A_251 = arith.extui %lt3A_250 : i1 to i32
      %cond3A_252 = arith.constant 0 : i32
      %cond3A_253 = arith.cmpi ne, %convert_element_type3A_251, %cond3A_252 : i32
      scf.if %cond3A_253 {
        %add3A_607 = arith.constant 2 : i32
        %add3A_608 = arith.addi %add3A_224, %add3A_607 : i32
        %dma_start3A_609 = arith.constant 0 : i32
        %dma_start3A_610 = tpu.memref_slice %arg7[%add3A_608, %dma_start3A_609] : memref<80x128xi32, #tpu.memory_space<vmem>> -> memref<1x128xi32, #tpu.memory_space<vmem>>
        %dma_start3A_611 = tpu.memref_squeeze %dma_start3A_610 : memref<1x128xi32, #tpu.memory_space<vmem>> -> memref<128xi32, #tpu.memory_space<vmem>>
        %dma_start3A_612 = arith.constant 0 : i32
        %dma_start3A_613 = arith.constant 0 : i32
        %dma_start3A_614 = tpu.memref_slice %arg2[%dma_start3A_612, %dma_start3A_613] : memref<10000x128xf32, #tpu.memory_space<hbm>> -> memref<10000x128xf32, #tpu.memory_space<hbm>>
        tpu.enqueue_indirect_dma source(%dma_start3A_614 : memref<10000x128xf32, #tpu.memory_space<hbm>>) target(%arg10 : memref<128x128xf32, #tpu.memory_space<vmem>>) offsets(%dma_start3A_611 : memref<128xi32, #tpu.memory_space<vmem>>) semaphore(%arg13 : memref<!tpu.dma_semaphore, #tpu.memory_space<semaphore_mem>>)
      } else {
      }
      %mul3A_254 = arith.constant 8 : i32
      %mul3A_255 = arith.muli %add3A_53, %mul3A_254 : i32
      %add3A_256 = arith.constant 6 : i32
      %add3A_257 = arith.addi %mul3A_255, %add3A_256 : i32
      %dma_wait3A_258 = arith.constant 0 : i32
      %dma_wait3A_259 = tpu.memref_slice %arg7[%add3A_257, %dma_wait3A_258] : memref<80x128xi32, #tpu.memory_space<vmem>> -> memref<1x128xi32, #tpu.memory_space<vmem>>
      %dma_wait3A_260 = tpu.memref_squeeze %dma_wait3A_259 : memref<1x128xi32, #tpu.memory_space<vmem>> -> memref<128xi32, #tpu.memory_space<vmem>>
      %dma_wait3A_261 = arith.constant 0 : i32
      %dma_wait3A_262 = arith.constant 0 : i32
      %dma_wait3A_263 = tpu.memref_slice %arg2[%dma_wait3A_261, %dma_wait3A_262] : memref<10000x128xf32, #tpu.memory_space<hbm>> -> memref<10000x128xf32, #tpu.memory_space<hbm>>
      tpu.wait_indirect_dma semaphore(%arg12 : memref<!tpu.dma_semaphore, #tpu.memory_space<semaphore_mem>>) src(%dma_wait3A_263 : memref<10000x128xf32, #tpu.memory_space<hbm>>) dst(%arg9 : memref<128x128xf32, #tpu.memory_space<vmem>>)
      %dma_start3A_264 = arith.constant 0 : i32
      %dma_start3A_265 = arith.constant 6 : i32
      %dma_start3A_266 = arith.constant 0 : i32
      %dma_start3A_267 = tpu.memref_slice %arg8[%dma_start3A_264, %dma_start3A_265, %dma_start3A_266] : memref<2x8x128xi32, #tpu.memory_space<vmem>> -> memref<1x1x128xi32, #tpu.memory_space<vmem>>
      %dma_start3A_268 = tpu.memref_squeeze %dma_start3A_267 : memref<1x1x128xi32, #tpu.memory_space<vmem>> -> memref<128xi32, #tpu.memory_space<vmem>>
      %dma_start3A_269 = arith.constant 0 : i32
      %dma_start3A_270 = arith.constant 0 : i32
      %dma_start3A_271 = tpu.memref_slice %arg11[%dma_start3A_269, %dma_start3A_270] : memref<10512x128xf32, #tpu.memory_space<vmem_shared>> -> memref<10512x128xf32, #tpu.memory_space<vmem_shared>>
      tpu.enqueue_indirect_dma source(%arg9 : memref<128x128xf32, #tpu.memory_space<vmem>>) target(%dma_start3A_271 : memref<10512x128xf32, #tpu.memory_space<vmem_shared>>) offsets(%dma_start3A_268 : memref<128xi32, #tpu.memory_space<vmem>>) semaphore(%arg12 : memref<!tpu.dma_semaphore, #tpu.memory_space<semaphore_mem>>) {add = true}
      %dma_wait3A_272 = arith.constant 0 : i32
      %dma_wait3A_273 = arith.constant 6 : i32
      %dma_wait3A_274 = arith.constant 0 : i32
      %dma_wait3A_275 = tpu.memref_slice %arg8[%dma_wait3A_272, %dma_wait3A_273, %dma_wait3A_274] : memref<2x8x128xi32, #tpu.memory_space<vmem>> -> memref<1x1x128xi32, #tpu.memory_space<vmem>>
      %dma_wait3A_276 = tpu.memref_squeeze %dma_wait3A_275 : memref<1x1x128xi32, #tpu.memory_space<vmem>> -> memref<128xi32, #tpu.memory_space<vmem>>
      %dma_wait3A_277 = arith.constant 0 : i32
      %dma_wait3A_278 = arith.constant 0 : i32
      %dma_wait3A_279 = tpu.memref_slice %arg11[%dma_wait3A_277, %dma_wait3A_278] : memref<10512x128xf32, #tpu.memory_space<vmem_shared>> -> memref<10512x128xf32, #tpu.memory_space<vmem_shared>>
      tpu.wait_indirect_dma semaphore(%arg12 : memref<!tpu.dma_semaphore, #tpu.memory_space<semaphore_mem>>) src(%arg9 : memref<128x128xf32, #tpu.memory_space<vmem>>) dst(%dma_wait3A_279 : memref<10512x128xf32, #tpu.memory_space<vmem_shared>>)
      %add3A_280 = arith.constant 2 : i32
      %add3A_281 = arith.addi %add3A_257, %add3A_280 : i32
      %lt3A_282 = arith.constant 80 : i32
      %lt3A_283 = arith.cmpi slt, %add3A_281, %lt3A_282 : i32
      %convert_element_type3A_284 = arith.extui %lt3A_283 : i1 to i32
      %cond3A_285 = arith.constant 0 : i32
      %cond3A_286 = arith.cmpi ne, %convert_element_type3A_284, %cond3A_285 : i32
      scf.if %cond3A_286 {
        %add3A_607 = arith.constant 2 : i32
        %add3A_608 = arith.addi %add3A_257, %add3A_607 : i32
        %dma_start3A_609 = arith.constant 0 : i32
        %dma_start3A_610 = tpu.memref_slice %arg7[%add3A_608, %dma_start3A_609] : memref<80x128xi32, #tpu.memory_space<vmem>> -> memref<1x128xi32, #tpu.memory_space<vmem>>
        %dma_start3A_611 = tpu.memref_squeeze %dma_start3A_610 : memref<1x128xi32, #tpu.memory_space<vmem>> -> memref<128xi32, #tpu.memory_space<vmem>>
        %dma_start3A_612 = arith.constant 0 : i32
        %dma_start3A_613 = arith.constant 0 : i32
        %dma_start3A_614 = tpu.memref_slice %arg2[%dma_start3A_612, %dma_start3A_613] : memref<10000x128xf32, #tpu.memory_space<hbm>> -> memref<10000x128xf32, #tpu.memory_space<hbm>>
        tpu.enqueue_indirect_dma source(%dma_start3A_614 : memref<10000x128xf32, #tpu.memory_space<hbm>>) target(%arg9 : memref<128x128xf32, #tpu.memory_space<vmem>>) offsets(%dma_start3A_611 : memref<128xi32, #tpu.memory_space<vmem>>) semaphore(%arg12 : memref<!tpu.dma_semaphore, #tpu.memory_space<semaphore_mem>>)
      } else {
      }
      %mul3A_287 = arith.constant 8 : i32
      %mul3A_288 = arith.muli %add3A_53, %mul3A_287 : i32
      %add3A_289 = arith.constant 7 : i32
      %add3A_290 = arith.addi %mul3A_288, %add3A_289 : i32
      %dma_wait3A_291 = arith.constant 0 : i32
      %dma_wait3A_292 = tpu.memref_slice %arg7[%add3A_290, %dma_wait3A_291] : memref<80x128xi32, #tpu.memory_space<vmem>> -> memref<1x128xi32, #tpu.memory_space<vmem>>
      %dma_wait3A_293 = tpu.memref_squeeze %dma_wait3A_292 : memref<1x128xi32, #tpu.memory_space<vmem>> -> memref<128xi32, #tpu.memory_space<vmem>>
      %dma_wait3A_294 = arith.constant 0 : i32
      %dma_wait3A_295 = arith.constant 0 : i32
      %dma_wait3A_296 = tpu.memref_slice %arg2[%dma_wait3A_294, %dma_wait3A_295] : memref<10000x128xf32, #tpu.memory_space<hbm>> -> memref<10000x128xf32, #tpu.memory_space<hbm>>
      tpu.wait_indirect_dma semaphore(%arg13 : memref<!tpu.dma_semaphore, #tpu.memory_space<semaphore_mem>>) src(%dma_wait3A_296 : memref<10000x128xf32, #tpu.memory_space<hbm>>) dst(%arg10 : memref<128x128xf32, #tpu.memory_space<vmem>>)
      %dma_start3A_297 = arith.constant 0 : i32
      %dma_start3A_298 = arith.constant 7 : i32
      %dma_start3A_299 = arith.constant 0 : i32
      %dma_start3A_300 = tpu.memref_slice %arg8[%dma_start3A_297, %dma_start3A_298, %dma_start3A_299] : memref<2x8x128xi32, #tpu.memory_space<vmem>> -> memref<1x1x128xi32, #tpu.memory_space<vmem>>
      %dma_start3A_301 = tpu.memref_squeeze %dma_start3A_300 : memref<1x1x128xi32, #tpu.memory_space<vmem>> -> memref<128xi32, #tpu.memory_space<vmem>>
      %dma_start3A_302 = arith.constant 0 : i32
      %dma_start3A_303 = arith.constant 0 : i32
      %dma_start3A_304 = tpu.memref_slice %arg11[%dma_start3A_302, %dma_start3A_303] : memref<10512x128xf32, #tpu.memory_space<vmem_shared>> -> memref<10512x128xf32, #tpu.memory_space<vmem_shared>>
      tpu.enqueue_indirect_dma source(%arg10 : memref<128x128xf32, #tpu.memory_space<vmem>>) target(%dma_start3A_304 : memref<10512x128xf32, #tpu.memory_space<vmem_shared>>) offsets(%dma_start3A_301 : memref<128xi32, #tpu.memory_space<vmem>>) semaphore(%arg13 : memref<!tpu.dma_semaphore, #tpu.memory_space<semaphore_mem>>) {add = true}
      %dma_wait3A_305 = arith.constant 0 : i32
      %dma_wait3A_306 = arith.constant 7 : i32
      %dma_wait3A_307 = arith.constant 0 : i32
      %dma_wait3A_308 = tpu.memref_slice %arg8[%dma_wait3A_305, %dma_wait3A_306, %dma_wait3A_307] : memref<2x8x128xi32, #tpu.memory_space<vmem>> -> memref<1x1x128xi32, #tpu.memory_space<vmem>>
      %dma_wait3A_309 = tpu.memref_squeeze %dma_wait3A_308 : memref<1x1x128xi32, #tpu.memory_space<vmem>> -> memref<128xi32, #tpu.memory_space<vmem>>
      %dma_wait3A_310 = arith.constant 0 : i32
      %dma_wait3A_311 = arith.constant 0 : i32
      %dma_wait3A_312 = tpu.memref_slice %arg11[%dma_wait3A_310, %dma_wait3A_311] : memref<10512x128xf32, #tpu.memory_space<vmem_shared>> -> memref<10512x128xf32, #tpu.memory_space<vmem_shared>>
      tpu.wait_indirect_dma semaphore(%arg13 : memref<!tpu.dma_semaphore, #tpu.memory_space<semaphore_mem>>) src(%arg10 : memref<128x128xf32, #tpu.memory_space<vmem>>) dst(%dma_wait3A_312 : memref<10512x128xf32, #tpu.memory_space<vmem_shared>>)
      %add3A_313 = arith.constant 2 : i32
      %add3A_314 = arith.addi %add3A_290, %add3A_313 : i32
      %lt3A_315 = arith.constant 80 : i32
      %lt3A_316 = arith.cmpi slt, %add3A_314, %lt3A_315 : i32
      %convert_element_type3A_317 = arith.extui %lt3A_316 : i1 to i32
      %cond3A_318 = arith.constant 0 : i32
      %cond3A_319 = arith.cmpi ne, %convert_element_type3A_317, %cond3A_318 : i32
      scf.if %cond3A_319 {
        %add3A_607 = arith.constant 2 : i32
        %add3A_608 = arith.addi %add3A_290, %add3A_607 : i32
        %dma_start3A_609 = arith.constant 0 : i32
        %dma_start3A_610 = tpu.memref_slice %arg7[%add3A_608, %dma_start3A_609] : memref<80x128xi32, #tpu.memory_space<vmem>> -> memref<1x128xi32, #tpu.memory_space<vmem>>
        %dma_start3A_611 = tpu.memref_squeeze %dma_start3A_610 : memref<1x128xi32, #tpu.memory_space<vmem>> -> memref<128xi32, #tpu.memory_space<vmem>>
        %dma_start3A_612 = arith.constant 0 : i32
        %dma_start3A_613 = arith.constant 0 : i32
        %dma_start3A_614 = tpu.memref_slice %arg2[%dma_start3A_612, %dma_start3A_613] : memref<10000x128xf32, #tpu.memory_space<hbm>> -> memref<10000x128xf32, #tpu.memory_space<hbm>>
        tpu.enqueue_indirect_dma source(%dma_start3A_614 : memref<10000x128xf32, #tpu.memory_space<hbm>>) target(%arg10 : memref<128x128xf32, #tpu.memory_space<vmem>>) offsets(%dma_start3A_611 : memref<128xi32, #tpu.memory_space<vmem>>) semaphore(%arg13 : memref<!tpu.dma_semaphore, #tpu.memory_space<semaphore_mem>>)
      } else {
      }
      %add3A_320 = arith.constant 2 : i32
      %add3A_321 = arith.addi %add3A_53, %add3A_320 : i32
      %lt3A_322 = arith.constant 10 : i32
      %lt3A_323 = arith.cmpi slt, %add3A_321, %lt3A_322 : i32
      %convert_element_type3A_324 = arith.extui %lt3A_323 : i1 to i32
      %cond3A_325 = arith.constant 0 : i32
      %cond3A_326 = arith.cmpi ne, %convert_element_type3A_324, %cond3A_325 : i32
      scf.if %cond3A_326 {
        %add3A_607 = arith.constant 2 : i32
        %add3A_608 = arith.addi %add3A_53, %add3A_607 : i32
        %mul3A_609 = arith.constant 8 : i32
        %mul3A_610 = arith.muli %add3A_608, %mul3A_609 : i32
        %add3A_611 = arith.addi %mul3A_2, %mul3A_610 : i32
        %dma_start3A_612 = arith.constant 0 : i32
        %dma_start3A_613 = arith.constant 0 : i32
        %dma_start3A_614 = arith.constant 0 : i32
        %dma_start3A_615 = tpu.memref_slice %arg8[%dma_start3A_612, %dma_start3A_613, %dma_start3A_614] : memref<2x8x128xi32, #tpu.memory_space<vmem>> -> memref<1x8x128xi32, #tpu.memory_space<vmem>>
        %dma_start3A_616 = tpu.memref_squeeze %dma_start3A_615 : memref<1x8x128xi32, #tpu.memory_space<vmem>> -> memref<8x128xi32, #tpu.memory_space<vmem>>
        %dma_start3A_617 = arith.constant 0 : i32
        %dma_start3A_618 = tpu.memref_slice %arg4[%add3A_611, %dma_start3A_617] : memref<2560x128xi32, #tpu.memory_space<hbm>> -> memref<8x128xi32, #tpu.memory_space<hbm>>
        %dma_start3A_619 = arith.constant 0 : i32
        %dma_start3A_620 = arith.constant 0 : i32
        %dma_start3A_621 = tpu.memref_slice %arg8[%dma_start3A_612, %dma_start3A_619, %dma_start3A_620] : memref<2x8x128xi32, #tpu.memory_space<vmem>> -> memref<1x8x128xi32, #tpu.memory_space<vmem>>
        %dma_start3A_622 = tpu.memref_squeeze %dma_start3A_621 : memref<1x8x128xi32, #tpu.memory_space<vmem>> -> memref<8x128xi32, #tpu.memory_space<vmem>>
        %dma_start3A_623 = arith.constant 0 : i32
        %dma_start3A_624 = tpu.memref_slice %arg4[%add3A_611, %dma_start3A_623] : memref<2560x128xi32, #tpu.memory_space<hbm>> -> memref<8x128xi32, #tpu.memory_space<hbm>>
        tpu.enqueue_dma source(%dma_start3A_624 : memref<8x128xi32, #tpu.memory_space<hbm>>) target(%dma_start3A_622 : memref<8x128xi32, #tpu.memory_space<vmem>>) target_semaphore(%arg14 : memref<!tpu.dma_semaphore, #tpu.memory_space<semaphore_mem>>)
      } else {
      }
      %mul3A_327 = arith.constant 2 : i32
      %mul3A_328 = arith.muli %add3A_49, %mul3A_327 : i32
      %add3A_329 = arith.constant 1 : i32
      %add3A_330 = arith.addi %mul3A_328, %add3A_329 : i32
      %ge3A_331 = arith.constant 2 : i32
      %ge3A_332 = arith.cmpi sge, %add3A_330, %ge3A_331 : i32
      %convert_element_type3A_333 = arith.extui %ge3A_332 : i1 to i32
      %cond3A_334 = arith.constant 0 : i32
      %cond3A_335 = arith.cmpi ne, %convert_element_type3A_333, %cond3A_334 : i32
      scf.if %cond3A_335 {
        %mul3A_607 = arith.constant 8 : i32
        %mul3A_608 = arith.muli %add3A_330, %mul3A_607 : i32
        %add3A_609 = arith.addi %mul3A_2, %mul3A_608 : i32
        %dma_wait3A_610 = arith.constant 1 : i32
        %dma_wait3A_611 = arith.constant 0 : i32
        %dma_wait3A_612 = arith.constant 0 : i32
        %dma_wait3A_613 = tpu.memref_slice %arg8[%dma_wait3A_610, %dma_wait3A_611, %dma_wait3A_612] : memref<2x8x128xi32, #tpu.memory_space<vmem>> -> memref<1x8x128xi32, #tpu.memory_space<vmem>>
        %dma_wait3A_614 = tpu.memref_squeeze %dma_wait3A_613 : memref<1x8x128xi32, #tpu.memory_space<vmem>> -> memref<8x128xi32, #tpu.memory_space<vmem>>
        %dma_wait3A_615 = arith.constant 0 : i32
        %dma_wait3A_616 = tpu.memref_slice %arg4[%add3A_609, %dma_wait3A_615] : memref<2560x128xi32, #tpu.memory_space<hbm>> -> memref<8x128xi32, #tpu.memory_space<hbm>>
        %dma_wait3A_617 = arith.constant 0 : i32
        %dma_wait3A_618 = arith.constant 0 : i32
        %dma_wait3A_619 = tpu.memref_slice %arg8[%dma_wait3A_610, %dma_wait3A_617, %dma_wait3A_618] : memref<2x8x128xi32, #tpu.memory_space<vmem>> -> memref<1x8x128xi32, #tpu.memory_space<vmem>>
        %dma_wait3A_620 = tpu.memref_squeeze %dma_wait3A_619 : memref<1x8x128xi32, #tpu.memory_space<vmem>> -> memref<8x128xi32, #tpu.memory_space<vmem>>
        %dma_wait3A_621 = arith.constant 0 : i32
        %dma_wait3A_622 = tpu.memref_slice %arg4[%add3A_609, %dma_wait3A_621] : memref<2560x128xi32, #tpu.memory_space<hbm>> -> memref<8x128xi32, #tpu.memory_space<hbm>>
        tpu.wait_dma2 semaphore(%arg15 : memref<!tpu.dma_semaphore, #tpu.memory_space<semaphore_mem>>) src(%dma_wait3A_622 : memref<8x128xi32, #tpu.memory_space<hbm>>) dst(%dma_wait3A_620 : memref<8x128xi32, #tpu.memory_space<vmem>>)
      } else {
      }
      %mul3A_336 = arith.constant 8 : i32
      %mul3A_337 = arith.muli %add3A_330, %mul3A_336 : i32
      %add3A_338 = arith.constant 0 : i32
      %add3A_339 = arith.addi %mul3A_337, %add3A_338 : i32
      %dma_wait3A_340 = arith.constant 0 : i32
      %dma_wait3A_341 = tpu.memref_slice %arg7[%add3A_339, %dma_wait3A_340] : memref<80x128xi32, #tpu.memory_space<vmem>> -> memref<1x128xi32, #tpu.memory_space<vmem>>
      %dma_wait3A_342 = tpu.memref_squeeze %dma_wait3A_341 : memref<1x128xi32, #tpu.memory_space<vmem>> -> memref<128xi32, #tpu.memory_space<vmem>>
      %dma_wait3A_343 = arith.constant 0 : i32
      %dma_wait3A_344 = arith.constant 0 : i32
      %dma_wait3A_345 = tpu.memref_slice %arg2[%dma_wait3A_343, %dma_wait3A_344] : memref<10000x128xf32, #tpu.memory_space<hbm>> -> memref<10000x128xf32, #tpu.memory_space<hbm>>
      tpu.wait_indirect_dma semaphore(%arg12 : memref<!tpu.dma_semaphore, #tpu.memory_space<semaphore_mem>>) src(%dma_wait3A_345 : memref<10000x128xf32, #tpu.memory_space<hbm>>) dst(%arg9 : memref<128x128xf32, #tpu.memory_space<vmem>>)
      %dma_start3A_346 = arith.constant 1 : i32
      %dma_start3A_347 = arith.constant 0 : i32
      %dma_start3A_348 = arith.constant 0 : i32
      %dma_start3A_349 = tpu.memref_slice %arg8[%dma_start3A_346, %dma_start3A_347, %dma_start3A_348] : memref<2x8x128xi32, #tpu.memory_space<vmem>> -> memref<1x1x128xi32, #tpu.memory_space<vmem>>
      %dma_start3A_350 = tpu.memref_squeeze %dma_start3A_349 : memref<1x1x128xi32, #tpu.memory_space<vmem>> -> memref<128xi32, #tpu.memory_space<vmem>>
      %dma_start3A_351 = arith.constant 0 : i32
      %dma_start3A_352 = arith.constant 0 : i32
      %dma_start3A_353 = tpu.memref_slice %arg11[%dma_start3A_351, %dma_start3A_352] : memref<10512x128xf32, #tpu.memory_space<vmem_shared>> -> memref<10512x128xf32, #tpu.memory_space<vmem_shared>>
      tpu.enqueue_indirect_dma source(%arg9 : memref<128x128xf32, #tpu.memory_space<vmem>>) target(%dma_start3A_353 : memref<10512x128xf32, #tpu.memory_space<vmem_shared>>) offsets(%dma_start3A_350 : memref<128xi32, #tpu.memory_space<vmem>>) semaphore(%arg12 : memref<!tpu.dma_semaphore, #tpu.memory_space<semaphore_mem>>) {add = true}
      %dma_wait3A_354 = arith.constant 1 : i32
      %dma_wait3A_355 = arith.constant 0 : i32
      %dma_wait3A_356 = arith.constant 0 : i32
      %dma_wait3A_357 = tpu.memref_slice %arg8[%dma_wait3A_354, %dma_wait3A_355, %dma_wait3A_356] : memref<2x8x128xi32, #tpu.memory_space<vmem>> -> memref<1x1x128xi32, #tpu.memory_space<vmem>>
      %dma_wait3A_358 = tpu.memref_squeeze %dma_wait3A_357 : memref<1x1x128xi32, #tpu.memory_space<vmem>> -> memref<128xi32, #tpu.memory_space<vmem>>
      %dma_wait3A_359 = arith.constant 0 : i32
      %dma_wait3A_360 = arith.constant 0 : i32
      %dma_wait3A_361 = tpu.memref_slice %arg11[%dma_wait3A_359, %dma_wait3A_360] : memref<10512x128xf32, #tpu.memory_space<vmem_shared>> -> memref<10512x128xf32, #tpu.memory_space<vmem_shared>>
      tpu.wait_indirect_dma semaphore(%arg12 : memref<!tpu.dma_semaphore, #tpu.memory_space<semaphore_mem>>) src(%arg9 : memref<128x128xf32, #tpu.memory_space<vmem>>) dst(%dma_wait3A_361 : memref<10512x128xf32, #tpu.memory_space<vmem_shared>>)
      %add3A_362 = arith.constant 2 : i32
      %add3A_363 = arith.addi %add3A_339, %add3A_362 : i32
      %lt3A_364 = arith.constant 80 : i32
      %lt3A_365 = arith.cmpi slt, %add3A_363, %lt3A_364 : i32
      %convert_element_type3A_366 = arith.extui %lt3A_365 : i1 to i32
      %cond3A_367 = arith.constant 0 : i32
      %cond3A_368 = arith.cmpi ne, %convert_element_type3A_366, %cond3A_367 : i32
      scf.if %cond3A_368 {
        %add3A_607 = arith.constant 2 : i32
        %add3A_608 = arith.addi %add3A_339, %add3A_607 : i32
        %dma_start3A_609 = arith.constant 0 : i32
        %dma_start3A_610 = tpu.memref_slice %arg7[%add3A_608, %dma_start3A_609] : memref<80x128xi32, #tpu.memory_space<vmem>> -> memref<1x128xi32, #tpu.memory_space<vmem>>
        %dma_start3A_611 = tpu.memref_squeeze %dma_start3A_610 : memref<1x128xi32, #tpu.memory_space<vmem>> -> memref<128xi32, #tpu.memory_space<vmem>>
        %dma_start3A_612 = arith.constant 0 : i32
        %dma_start3A_613 = arith.constant 0 : i32
        %dma_start3A_614 = tpu.memref_slice %arg2[%dma_start3A_612, %dma_start3A_613] : memref<10000x128xf32, #tpu.memory_space<hbm>> -> memref<10000x128xf32, #tpu.memory_space<hbm>>
        tpu.enqueue_indirect_dma source(%dma_start3A_614 : memref<10000x128xf32, #tpu.memory_space<hbm>>) target(%arg9 : memref<128x128xf32, #tpu.memory_space<vmem>>) offsets(%dma_start3A_611 : memref<128xi32, #tpu.memory_space<vmem>>) semaphore(%arg12 : memref<!tpu.dma_semaphore, #tpu.memory_space<semaphore_mem>>)
      } else {
      }
      %mul3A_369 = arith.constant 8 : i32
      %mul3A_370 = arith.muli %add3A_330, %mul3A_369 : i32
      %add3A_371 = arith.constant 1 : i32
      %add3A_372 = arith.addi %mul3A_370, %add3A_371 : i32
      %dma_wait3A_373 = arith.constant 0 : i32
      %dma_wait3A_374 = tpu.memref_slice %arg7[%add3A_372, %dma_wait3A_373] : memref<80x128xi32, #tpu.memory_space<vmem>> -> memref<1x128xi32, #tpu.memory_space<vmem>>
      %dma_wait3A_375 = tpu.memref_squeeze %dma_wait3A_374 : memref<1x128xi32, #tpu.memory_space<vmem>> -> memref<128xi32, #tpu.memory_space<vmem>>
      %dma_wait3A_376 = arith.constant 0 : i32
      %dma_wait3A_377 = arith.constant 0 : i32
      %dma_wait3A_378 = tpu.memref_slice %arg2[%dma_wait3A_376, %dma_wait3A_377] : memref<10000x128xf32, #tpu.memory_space<hbm>> -> memref<10000x128xf32, #tpu.memory_space<hbm>>
      tpu.wait_indirect_dma semaphore(%arg13 : memref<!tpu.dma_semaphore, #tpu.memory_space<semaphore_mem>>) src(%dma_wait3A_378 : memref<10000x128xf32, #tpu.memory_space<hbm>>) dst(%arg10 : memref<128x128xf32, #tpu.memory_space<vmem>>)
      %dma_start3A_379 = arith.constant 1 : i32
      %dma_start3A_380 = arith.constant 1 : i32
      %dma_start3A_381 = arith.constant 0 : i32
      %dma_start3A_382 = tpu.memref_slice %arg8[%dma_start3A_379, %dma_start3A_380, %dma_start3A_381] : memref<2x8x128xi32, #tpu.memory_space<vmem>> -> memref<1x1x128xi32, #tpu.memory_space<vmem>>
      %dma_start3A_383 = tpu.memref_squeeze %dma_start3A_382 : memref<1x1x128xi32, #tpu.memory_space<vmem>> -> memref<128xi32, #tpu.memory_space<vmem>>
      %dma_start3A_384 = arith.constant 0 : i32
      %dma_start3A_385 = arith.constant 0 : i32
      %dma_start3A_386 = tpu.memref_slice %arg11[%dma_start3A_384, %dma_start3A_385] : memref<10512x128xf32, #tpu.memory_space<vmem_shared>> -> memref<10512x128xf32, #tpu.memory_space<vmem_shared>>
      tpu.enqueue_indirect_dma source(%arg10 : memref<128x128xf32, #tpu.memory_space<vmem>>) target(%dma_start3A_386 : memref<10512x128xf32, #tpu.memory_space<vmem_shared>>) offsets(%dma_start3A_383 : memref<128xi32, #tpu.memory_space<vmem>>) semaphore(%arg13 : memref<!tpu.dma_semaphore, #tpu.memory_space<semaphore_mem>>) {add = true}
      %dma_wait3A_387 = arith.constant 1 : i32
      %dma_wait3A_388 = arith.constant 1 : i32
      %dma_wait3A_389 = arith.constant 0 : i32
      %dma_wait3A_390 = tpu.memref_slice %arg8[%dma_wait3A_387, %dma_wait3A_388, %dma_wait3A_389] : memref<2x8x128xi32, #tpu.memory_space<vmem>> -> memref<1x1x128xi32, #tpu.memory_space<vmem>>
      %dma_wait3A_391 = tpu.memref_squeeze %dma_wait3A_390 : memref<1x1x128xi32, #tpu.memory_space<vmem>> -> memref<128xi32, #tpu.memory_space<vmem>>
      %dma_wait3A_392 = arith.constant 0 : i32
      %dma_wait3A_393 = arith.constant 0 : i32
      %dma_wait3A_394 = tpu.memref_slice %arg11[%dma_wait3A_392, %dma_wait3A_393] : memref<10512x128xf32, #tpu.memory_space<vmem_shared>> -> memref<10512x128xf32, #tpu.memory_space<vmem_shared>>
      tpu.wait_indirect_dma semaphore(%arg13 : memref<!tpu.dma_semaphore, #tpu.memory_space<semaphore_mem>>) src(%arg10 : memref<128x128xf32, #tpu.memory_space<vmem>>) dst(%dma_wait3A_394 : memref<10512x128xf32, #tpu.memory_space<vmem_shared>>)
      %add3A_395 = arith.constant 2 : i32
      %add3A_396 = arith.addi %add3A_372, %add3A_395 : i32
      %lt3A_397 = arith.constant 80 : i32
      %lt3A_398 = arith.cmpi slt, %add3A_396, %lt3A_397 : i32
      %convert_element_type3A_399 = arith.extui %lt3A_398 : i1 to i32
      %cond3A_400 = arith.constant 0 : i32
      %cond3A_401 = arith.cmpi ne, %convert_element_type3A_399, %cond3A_400 : i32
      scf.if %cond3A_401 {
        %add3A_607 = arith.constant 2 : i32
        %add3A_608 = arith.addi %add3A_372, %add3A_607 : i32
        %dma_start3A_609 = arith.constant 0 : i32
        %dma_start3A_610 = tpu.memref_slice %arg7[%add3A_608, %dma_start3A_609] : memref<80x128xi32, #tpu.memory_space<vmem>> -> memref<1x128xi32, #tpu.memory_space<vmem>>
        %dma_start3A_611 = tpu.memref_squeeze %dma_start3A_610 : memref<1x128xi32, #tpu.memory_space<vmem>> -> memref<128xi32, #tpu.memory_space<vmem>>
        %dma_start3A_612 = arith.constant 0 : i32
        %dma_start3A_613 = arith.constant 0 : i32
        %dma_start3A_614 = tpu.memref_slice %arg2[%dma_start3A_612, %dma_start3A_613] : memref<10000x128xf32, #tpu.memory_space<hbm>> -> memref<10000x128xf32, #tpu.memory_space<hbm>>
        tpu.enqueue_indirect_dma source(%dma_start3A_614 : memref<10000x128xf32, #tpu.memory_space<hbm>>) target(%arg10 : memref<128x128xf32, #tpu.memory_space<vmem>>) offsets(%dma_start3A_611 : memref<128xi32, #tpu.memory_space<vmem>>) semaphore(%arg13 : memref<!tpu.dma_semaphore, #tpu.memory_space<semaphore_mem>>)
      } else {
      }
      %mul3A_402 = arith.constant 8 : i32
      %mul3A_403 = arith.muli %add3A_330, %mul3A_402 : i32
      %add3A_404 = arith.constant 2 : i32
      %add3A_405 = arith.addi %mul3A_403, %add3A_404 : i32
      %dma_wait3A_406 = arith.constant 0 : i32
      %dma_wait3A_407 = tpu.memref_slice %arg7[%add3A_405, %dma_wait3A_406] : memref<80x128xi32, #tpu.memory_space<vmem>> -> memref<1x128xi32, #tpu.memory_space<vmem>>
      %dma_wait3A_408 = tpu.memref_squeeze %dma_wait3A_407 : memref<1x128xi32, #tpu.memory_space<vmem>> -> memref<128xi32, #tpu.memory_space<vmem>>
      %dma_wait3A_409 = arith.constant 0 : i32
      %dma_wait3A_410 = arith.constant 0 : i32
      %dma_wait3A_411 = tpu.memref_slice %arg2[%dma_wait3A_409, %dma_wait3A_410] : memref<10000x128xf32, #tpu.memory_space<hbm>> -> memref<10000x128xf32, #tpu.memory_space<hbm>>
      tpu.wait_indirect_dma semaphore(%arg12 : memref<!tpu.dma_semaphore, #tpu.memory_space<semaphore_mem>>) src(%dma_wait3A_411 : memref<10000x128xf32, #tpu.memory_space<hbm>>) dst(%arg9 : memref<128x128xf32, #tpu.memory_space<vmem>>)
      %dma_start3A_412 = arith.constant 1 : i32
      %dma_start3A_413 = arith.constant 2 : i32
      %dma_start3A_414 = arith.constant 0 : i32
      %dma_start3A_415 = tpu.memref_slice %arg8[%dma_start3A_412, %dma_start3A_413, %dma_start3A_414] : memref<2x8x128xi32, #tpu.memory_space<vmem>> -> memref<1x1x128xi32, #tpu.memory_space<vmem>>
      %dma_start3A_416 = tpu.memref_squeeze %dma_start3A_415 : memref<1x1x128xi32, #tpu.memory_space<vmem>> -> memref<128xi32, #tpu.memory_space<vmem>>
      %dma_start3A_417 = arith.constant 0 : i32
      %dma_start3A_418 = arith.constant 0 : i32
      %dma_start3A_419 = tpu.memref_slice %arg11[%dma_start3A_417, %dma_start3A_418] : memref<10512x128xf32, #tpu.memory_space<vmem_shared>> -> memref<10512x128xf32, #tpu.memory_space<vmem_shared>>
      tpu.enqueue_indirect_dma source(%arg9 : memref<128x128xf32, #tpu.memory_space<vmem>>) target(%dma_start3A_419 : memref<10512x128xf32, #tpu.memory_space<vmem_shared>>) offsets(%dma_start3A_416 : memref<128xi32, #tpu.memory_space<vmem>>) semaphore(%arg12 : memref<!tpu.dma_semaphore, #tpu.memory_space<semaphore_mem>>) {add = true}
      %dma_wait3A_420 = arith.constant 1 : i32
      %dma_wait3A_421 = arith.constant 2 : i32
      %dma_wait3A_422 = arith.constant 0 : i32
      %dma_wait3A_423 = tpu.memref_slice %arg8[%dma_wait3A_420, %dma_wait3A_421, %dma_wait3A_422] : memref<2x8x128xi32, #tpu.memory_space<vmem>> -> memref<1x1x128xi32, #tpu.memory_space<vmem>>
      %dma_wait3A_424 = tpu.memref_squeeze %dma_wait3A_423 : memref<1x1x128xi32, #tpu.memory_space<vmem>> -> memref<128xi32, #tpu.memory_space<vmem>>
      %dma_wait3A_425 = arith.constant 0 : i32
      %dma_wait3A_426 = arith.constant 0 : i32
      %dma_wait3A_427 = tpu.memref_slice %arg11[%dma_wait3A_425, %dma_wait3A_426] : memref<10512x128xf32, #tpu.memory_space<vmem_shared>> -> memref<10512x128xf32, #tpu.memory_space<vmem_shared>>
      tpu.wait_indirect_dma semaphore(%arg12 : memref<!tpu.dma_semaphore, #tpu.memory_space<semaphore_mem>>) src(%arg9 : memref<128x128xf32, #tpu.memory_space<vmem>>) dst(%dma_wait3A_427 : memref<10512x128xf32, #tpu.memory_space<vmem_shared>>)
      %add3A_428 = arith.constant 2 : i32
      %add3A_429 = arith.addi %add3A_405, %add3A_428 : i32
      %lt3A_430 = arith.constant 80 : i32
      %lt3A_431 = arith.cmpi slt, %add3A_429, %lt3A_430 : i32
      %convert_element_type3A_432 = arith.extui %lt3A_431 : i1 to i32
      %cond3A_433 = arith.constant 0 : i32
      %cond3A_434 = arith.cmpi ne, %convert_element_type3A_432, %cond3A_433 : i32
      scf.if %cond3A_434 {
        %add3A_607 = arith.constant 2 : i32
        %add3A_608 = arith.addi %add3A_405, %add3A_607 : i32
        %dma_start3A_609 = arith.constant 0 : i32
        %dma_start3A_610 = tpu.memref_slice %arg7[%add3A_608, %dma_start3A_609] : memref<80x128xi32, #tpu.memory_space<vmem>> -> memref<1x128xi32, #tpu.memory_space<vmem>>
        %dma_start3A_611 = tpu.memref_squeeze %dma_start3A_610 : memref<1x128xi32, #tpu.memory_space<vmem>> -> memref<128xi32, #tpu.memory_space<vmem>>
        %dma_start3A_612 = arith.constant 0 : i32
        %dma_start3A_613 = arith.constant 0 : i32
        %dma_start3A_614 = tpu.memref_slice %arg2[%dma_start3A_612, %dma_start3A_613] : memref<10000x128xf32, #tpu.memory_space<hbm>> -> memref<10000x128xf32, #tpu.memory_space<hbm>>
        tpu.enqueue_indirect_dma source(%dma_start3A_614 : memref<10000x128xf32, #tpu.memory_space<hbm>>) target(%arg9 : memref<128x128xf32, #tpu.memory_space<vmem>>) offsets(%dma_start3A_611 : memref<128xi32, #tpu.memory_space<vmem>>) semaphore(%arg12 : memref<!tpu.dma_semaphore, #tpu.memory_space<semaphore_mem>>)
      } else {
      }
      %mul3A_435 = arith.constant 8 : i32
      %mul3A_436 = arith.muli %add3A_330, %mul3A_435 : i32
      %add3A_437 = arith.constant 3 : i32
      %add3A_438 = arith.addi %mul3A_436, %add3A_437 : i32
      %dma_wait3A_439 = arith.constant 0 : i32
      %dma_wait3A_440 = tpu.memref_slice %arg7[%add3A_438, %dma_wait3A_439] : memref<80x128xi32, #tpu.memory_space<vmem>> -> memref<1x128xi32, #tpu.memory_space<vmem>>
      %dma_wait3A_441 = tpu.memref_squeeze %dma_wait3A_440 : memref<1x128xi32, #tpu.memory_space<vmem>> -> memref<128xi32, #tpu.memory_space<vmem>>
      %dma_wait3A_442 = arith.constant 0 : i32
      %dma_wait3A_443 = arith.constant 0 : i32
      %dma_wait3A_444 = tpu.memref_slice %arg2[%dma_wait3A_442, %dma_wait3A_443] : memref<10000x128xf32, #tpu.memory_space<hbm>> -> memref<10000x128xf32, #tpu.memory_space<hbm>>
      tpu.wait_indirect_dma semaphore(%arg13 : memref<!tpu.dma_semaphore, #tpu.memory_space<semaphore_mem>>) src(%dma_wait3A_444 : memref<10000x128xf32, #tpu.memory_space<hbm>>) dst(%arg10 : memref<128x128xf32, #tpu.memory_space<vmem>>)
      %dma_start3A_445 = arith.constant 1 : i32
      %dma_start3A_446 = arith.constant 3 : i32
      %dma_start3A_447 = arith.constant 0 : i32
      %dma_start3A_448 = tpu.memref_slice %arg8[%dma_start3A_445, %dma_start3A_446, %dma_start3A_447] : memref<2x8x128xi32, #tpu.memory_space<vmem>> -> memref<1x1x128xi32, #tpu.memory_space<vmem>>
      %dma_start3A_449 = tpu.memref_squeeze %dma_start3A_448 : memref<1x1x128xi32, #tpu.memory_space<vmem>> -> memref<128xi32, #tpu.memory_space<vmem>>
      %dma_start3A_450 = arith.constant 0 : i32
      %dma_start3A_451 = arith.constant 0 : i32
      %dma_start3A_452 = tpu.memref_slice %arg11[%dma_start3A_450, %dma_start3A_451] : memref<10512x128xf32, #tpu.memory_space<vmem_shared>> -> memref<10512x128xf32, #tpu.memory_space<vmem_shared>>
      tpu.enqueue_indirect_dma source(%arg10 : memref<128x128xf32, #tpu.memory_space<vmem>>) target(%dma_start3A_452 : memref<10512x128xf32, #tpu.memory_space<vmem_shared>>) offsets(%dma_start3A_449 : memref<128xi32, #tpu.memory_space<vmem>>) semaphore(%arg13 : memref<!tpu.dma_semaphore, #tpu.memory_space<semaphore_mem>>) {add = true}
      %dma_wait3A_453 = arith.constant 1 : i32
      %dma_wait3A_454 = arith.constant 3 : i32
      %dma_wait3A_455 = arith.constant 0 : i32
      %dma_wait3A_456 = tpu.memref_slice %arg8[%dma_wait3A_453, %dma_wait3A_454, %dma_wait3A_455] : memref<2x8x128xi32, #tpu.memory_space<vmem>> -> memref<1x1x128xi32, #tpu.memory_space<vmem>>
      %dma_wait3A_457 = tpu.memref_squeeze %dma_wait3A_456 : memref<1x1x128xi32, #tpu.memory_space<vmem>> -> memref<128xi32, #tpu.memory_space<vmem>>
      %dma_wait3A_458 = arith.constant 0 : i32
      %dma_wait3A_459 = arith.constant 0 : i32
      %dma_wait3A_460 = tpu.memref_slice %arg11[%dma_wait3A_458, %dma_wait3A_459] : memref<10512x128xf32, #tpu.memory_space<vmem_shared>> -> memref<10512x128xf32, #tpu.memory_space<vmem_shared>>
      tpu.wait_indirect_dma semaphore(%arg13 : memref<!tpu.dma_semaphore, #tpu.memory_space<semaphore_mem>>) src(%arg10 : memref<128x128xf32, #tpu.memory_space<vmem>>) dst(%dma_wait3A_460 : memref<10512x128xf32, #tpu.memory_space<vmem_shared>>)
      %add3A_461 = arith.constant 2 : i32
      %add3A_462 = arith.addi %add3A_438, %add3A_461 : i32
      %lt3A_463 = arith.constant 80 : i32
      %lt3A_464 = arith.cmpi slt, %add3A_462, %lt3A_463 : i32
      %convert_element_type3A_465 = arith.extui %lt3A_464 : i1 to i32
      %cond3A_466 = arith.constant 0 : i32
      %cond3A_467 = arith.cmpi ne, %convert_element_type3A_465, %cond3A_466 : i32
      scf.if %cond3A_467 {
        %add3A_607 = arith.constant 2 : i32
        %add3A_608 = arith.addi %add3A_438, %add3A_607 : i32
        %dma_start3A_609 = arith.constant 0 : i32
        %dma_start3A_610 = tpu.memref_slice %arg7[%add3A_608, %dma_start3A_609] : memref<80x128xi32, #tpu.memory_space<vmem>> -> memref<1x128xi32, #tpu.memory_space<vmem>>
        %dma_start3A_611 = tpu.memref_squeeze %dma_start3A_610 : memref<1x128xi32, #tpu.memory_space<vmem>> -> memref<128xi32, #tpu.memory_space<vmem>>
        %dma_start3A_612 = arith.constant 0 : i32
        %dma_start3A_613 = arith.constant 0 : i32
        %dma_start3A_614 = tpu.memref_slice %arg2[%dma_start3A_612, %dma_start3A_613] : memref<10000x128xf32, #tpu.memory_space<hbm>> -> memref<10000x128xf32, #tpu.memory_space<hbm>>
        tpu.enqueue_indirect_dma source(%dma_start3A_614 : memref<10000x128xf32, #tpu.memory_space<hbm>>) target(%arg10 : memref<128x128xf32, #tpu.memory_space<vmem>>) offsets(%dma_start3A_611 : memref<128xi32, #tpu.memory_space<vmem>>) semaphore(%arg13 : memref<!tpu.dma_semaphore, #tpu.memory_space<semaphore_mem>>)
      } else {
      }
      %mul3A_468 = arith.constant 8 : i32
      %mul3A_469 = arith.muli %add3A_330, %mul3A_468 : i32
      %add3A_470 = arith.constant 4 : i32
      %add3A_471 = arith.addi %mul3A_469, %add3A_470 : i32
      %dma_wait3A_472 = arith.constant 0 : i32
      %dma_wait3A_473 = tpu.memref_slice %arg7[%add3A_471, %dma_wait3A_472] : memref<80x128xi32, #tpu.memory_space<vmem>> -> memref<1x128xi32, #tpu.memory_space<vmem>>
      %dma_wait3A_474 = tpu.memref_squeeze %dma_wait3A_473 : memref<1x128xi32, #tpu.memory_space<vmem>> -> memref<128xi32, #tpu.memory_space<vmem>>
      %dma_wait3A_475 = arith.constant 0 : i32
      %dma_wait3A_476 = arith.constant 0 : i32
      %dma_wait3A_477 = tpu.memref_slice %arg2[%dma_wait3A_475, %dma_wait3A_476] : memref<10000x128xf32, #tpu.memory_space<hbm>> -> memref<10000x128xf32, #tpu.memory_space<hbm>>
      tpu.wait_indirect_dma semaphore(%arg12 : memref<!tpu.dma_semaphore, #tpu.memory_space<semaphore_mem>>) src(%dma_wait3A_477 : memref<10000x128xf32, #tpu.memory_space<hbm>>) dst(%arg9 : memref<128x128xf32, #tpu.memory_space<vmem>>)
      %dma_start3A_478 = arith.constant 1 : i32
      %dma_start3A_479 = arith.constant 4 : i32
      %dma_start3A_480 = arith.constant 0 : i32
      %dma_start3A_481 = tpu.memref_slice %arg8[%dma_start3A_478, %dma_start3A_479, %dma_start3A_480] : memref<2x8x128xi32, #tpu.memory_space<vmem>> -> memref<1x1x128xi32, #tpu.memory_space<vmem>>
      %dma_start3A_482 = tpu.memref_squeeze %dma_start3A_481 : memref<1x1x128xi32, #tpu.memory_space<vmem>> -> memref<128xi32, #tpu.memory_space<vmem>>
      %dma_start3A_483 = arith.constant 0 : i32
      %dma_start3A_484 = arith.constant 0 : i32
      %dma_start3A_485 = tpu.memref_slice %arg11[%dma_start3A_483, %dma_start3A_484] : memref<10512x128xf32, #tpu.memory_space<vmem_shared>> -> memref<10512x128xf32, #tpu.memory_space<vmem_shared>>
      tpu.enqueue_indirect_dma source(%arg9 : memref<128x128xf32, #tpu.memory_space<vmem>>) target(%dma_start3A_485 : memref<10512x128xf32, #tpu.memory_space<vmem_shared>>) offsets(%dma_start3A_482 : memref<128xi32, #tpu.memory_space<vmem>>) semaphore(%arg12 : memref<!tpu.dma_semaphore, #tpu.memory_space<semaphore_mem>>) {add = true}
      %dma_wait3A_486 = arith.constant 1 : i32
      %dma_wait3A_487 = arith.constant 4 : i32
      %dma_wait3A_488 = arith.constant 0 : i32
      %dma_wait3A_489 = tpu.memref_slice %arg8[%dma_wait3A_486, %dma_wait3A_487, %dma_wait3A_488] : memref<2x8x128xi32, #tpu.memory_space<vmem>> -> memref<1x1x128xi32, #tpu.memory_space<vmem>>
      %dma_wait3A_490 = tpu.memref_squeeze %dma_wait3A_489 : memref<1x1x128xi32, #tpu.memory_space<vmem>> -> memref<128xi32, #tpu.memory_space<vmem>>
      %dma_wait3A_491 = arith.constant 0 : i32
      %dma_wait3A_492 = arith.constant 0 : i32
      %dma_wait3A_493 = tpu.memref_slice %arg11[%dma_wait3A_491, %dma_wait3A_492] : memref<10512x128xf32, #tpu.memory_space<vmem_shared>> -> memref<10512x128xf32, #tpu.memory_space<vmem_shared>>
      tpu.wait_indirect_dma semaphore(%arg12 : memref<!tpu.dma_semaphore, #tpu.memory_space<semaphore_mem>>) src(%arg9 : memref<128x128xf32, #tpu.memory_space<vmem>>) dst(%dma_wait3A_493 : memref<10512x128xf32, #tpu.memory_space<vmem_shared>>)
      %add3A_494 = arith.constant 2 : i32
      %add3A_495 = arith.addi %add3A_471, %add3A_494 : i32
      %lt3A_496 = arith.constant 80 : i32
      %lt3A_497 = arith.cmpi slt, %add3A_495, %lt3A_496 : i32
      %convert_element_type3A_498 = arith.extui %lt3A_497 : i1 to i32
      %cond3A_499 = arith.constant 0 : i32
      %cond3A_500 = arith.cmpi ne, %convert_element_type3A_498, %cond3A_499 : i32
      scf.if %cond3A_500 {
        %add3A_607 = arith.constant 2 : i32
        %add3A_608 = arith.addi %add3A_471, %add3A_607 : i32
        %dma_start3A_609 = arith.constant 0 : i32
        %dma_start3A_610 = tpu.memref_slice %arg7[%add3A_608, %dma_start3A_609] : memref<80x128xi32, #tpu.memory_space<vmem>> -> memref<1x128xi32, #tpu.memory_space<vmem>>
        %dma_start3A_611 = tpu.memref_squeeze %dma_start3A_610 : memref<1x128xi32, #tpu.memory_space<vmem>> -> memref<128xi32, #tpu.memory_space<vmem>>
        %dma_start3A_612 = arith.constant 0 : i32
        %dma_start3A_613 = arith.constant 0 : i32
        %dma_start3A_614 = tpu.memref_slice %arg2[%dma_start3A_612, %dma_start3A_613] : memref<10000x128xf32, #tpu.memory_space<hbm>> -> memref<10000x128xf32, #tpu.memory_space<hbm>>
        tpu.enqueue_indirect_dma source(%dma_start3A_614 : memref<10000x128xf32, #tpu.memory_space<hbm>>) target(%arg9 : memref<128x128xf32, #tpu.memory_space<vmem>>) offsets(%dma_start3A_611 : memref<128xi32, #tpu.memory_space<vmem>>) semaphore(%arg12 : memref<!tpu.dma_semaphore, #tpu.memory_space<semaphore_mem>>)
      } else {
      }
      %mul3A_501 = arith.constant 8 : i32
      %mul3A_502 = arith.muli %add3A_330, %mul3A_501 : i32
      %add3A_503 = arith.constant 5 : i32
      %add3A_504 = arith.addi %mul3A_502, %add3A_503 : i32
      %dma_wait3A_505 = arith.constant 0 : i32
      %dma_wait3A_506 = tpu.memref_slice %arg7[%add3A_504, %dma_wait3A_505] : memref<80x128xi32, #tpu.memory_space<vmem>> -> memref<1x128xi32, #tpu.memory_space<vmem>>
      %dma_wait3A_507 = tpu.memref_squeeze %dma_wait3A_506 : memref<1x128xi32, #tpu.memory_space<vmem>> -> memref<128xi32, #tpu.memory_space<vmem>>
      %dma_wait3A_508 = arith.constant 0 : i32
      %dma_wait3A_509 = arith.constant 0 : i32
      %dma_wait3A_510 = tpu.memref_slice %arg2[%dma_wait3A_508, %dma_wait3A_509] : memref<10000x128xf32, #tpu.memory_space<hbm>> -> memref<10000x128xf32, #tpu.memory_space<hbm>>
      tpu.wait_indirect_dma semaphore(%arg13 : memref<!tpu.dma_semaphore, #tpu.memory_space<semaphore_mem>>) src(%dma_wait3A_510 : memref<10000x128xf32, #tpu.memory_space<hbm>>) dst(%arg10 : memref<128x128xf32, #tpu.memory_space<vmem>>)
      %dma_start3A_511 = arith.constant 1 : i32
      %dma_start3A_512 = arith.constant 5 : i32
      %dma_start3A_513 = arith.constant 0 : i32
      %dma_start3A_514 = tpu.memref_slice %arg8[%dma_start3A_511, %dma_start3A_512, %dma_start3A_513] : memref<2x8x128xi32, #tpu.memory_space<vmem>> -> memref<1x1x128xi32, #tpu.memory_space<vmem>>
      %dma_start3A_515 = tpu.memref_squeeze %dma_start3A_514 : memref<1x1x128xi32, #tpu.memory_space<vmem>> -> memref<128xi32, #tpu.memory_space<vmem>>
      %dma_start3A_516 = arith.constant 0 : i32
      %dma_start3A_517 = arith.constant 0 : i32
      %dma_start3A_518 = tpu.memref_slice %arg11[%dma_start3A_516, %dma_start3A_517] : memref<10512x128xf32, #tpu.memory_space<vmem_shared>> -> memref<10512x128xf32, #tpu.memory_space<vmem_shared>>
      tpu.enqueue_indirect_dma source(%arg10 : memref<128x128xf32, #tpu.memory_space<vmem>>) target(%dma_start3A_518 : memref<10512x128xf32, #tpu.memory_space<vmem_shared>>) offsets(%dma_start3A_515 : memref<128xi32, #tpu.memory_space<vmem>>) semaphore(%arg13 : memref<!tpu.dma_semaphore, #tpu.memory_space<semaphore_mem>>) {add = true}
      %dma_wait3A_519 = arith.constant 1 : i32
      %dma_wait3A_520 = arith.constant 5 : i32
      %dma_wait3A_521 = arith.constant 0 : i32
      %dma_wait3A_522 = tpu.memref_slice %arg8[%dma_wait3A_519, %dma_wait3A_520, %dma_wait3A_521] : memref<2x8x128xi32, #tpu.memory_space<vmem>> -> memref<1x1x128xi32, #tpu.memory_space<vmem>>
      %dma_wait3A_523 = tpu.memref_squeeze %dma_wait3A_522 : memref<1x1x128xi32, #tpu.memory_space<vmem>> -> memref<128xi32, #tpu.memory_space<vmem>>
      %dma_wait3A_524 = arith.constant 0 : i32
      %dma_wait3A_525 = arith.constant 0 : i32
      %dma_wait3A_526 = tpu.memref_slice %arg11[%dma_wait3A_524, %dma_wait3A_525] : memref<10512x128xf32, #tpu.memory_space<vmem_shared>> -> memref<10512x128xf32, #tpu.memory_space<vmem_shared>>
      tpu.wait_indirect_dma semaphore(%arg13 : memref<!tpu.dma_semaphore, #tpu.memory_space<semaphore_mem>>) src(%arg10 : memref<128x128xf32, #tpu.memory_space<vmem>>) dst(%dma_wait3A_526 : memref<10512x128xf32, #tpu.memory_space<vmem_shared>>)
      %add3A_527 = arith.constant 2 : i32
      %add3A_528 = arith.addi %add3A_504, %add3A_527 : i32
      %lt3A_529 = arith.constant 80 : i32
      %lt3A_530 = arith.cmpi slt, %add3A_528, %lt3A_529 : i32
      %convert_element_type3A_531 = arith.extui %lt3A_530 : i1 to i32
      %cond3A_532 = arith.constant 0 : i32
      %cond3A_533 = arith.cmpi ne, %convert_element_type3A_531, %cond3A_532 : i32
      scf.if %cond3A_533 {
        %add3A_607 = arith.constant 2 : i32
        %add3A_608 = arith.addi %add3A_504, %add3A_607 : i32
        %dma_start3A_609 = arith.constant 0 : i32
        %dma_start3A_610 = tpu.memref_slice %arg7[%add3A_608, %dma_start3A_609] : memref<80x128xi32, #tpu.memory_space<vmem>> -> memref<1x128xi32, #tpu.memory_space<vmem>>
        %dma_start3A_611 = tpu.memref_squeeze %dma_start3A_610 : memref<1x128xi32, #tpu.memory_space<vmem>> -> memref<128xi32, #tpu.memory_space<vmem>>
        %dma_start3A_612 = arith.constant 0 : i32
        %dma_start3A_613 = arith.constant 0 : i32
        %dma_start3A_614 = tpu.memref_slice %arg2[%dma_start3A_612, %dma_start3A_613] : memref<10000x128xf32, #tpu.memory_space<hbm>> -> memref<10000x128xf32, #tpu.memory_space<hbm>>
        tpu.enqueue_indirect_dma source(%dma_start3A_614 : memref<10000x128xf32, #tpu.memory_space<hbm>>) target(%arg10 : memref<128x128xf32, #tpu.memory_space<vmem>>) offsets(%dma_start3A_611 : memref<128xi32, #tpu.memory_space<vmem>>) semaphore(%arg13 : memref<!tpu.dma_semaphore, #tpu.memory_space<semaphore_mem>>)
      } else {
      }
      %mul3A_534 = arith.constant 8 : i32
      %mul3A_535 = arith.muli %add3A_330, %mul3A_534 : i32
      %add3A_536 = arith.constant 6 : i32
      %add3A_537 = arith.addi %mul3A_535, %add3A_536 : i32
      %dma_wait3A_538 = arith.constant 0 : i32
      %dma_wait3A_539 = tpu.memref_slice %arg7[%add3A_537, %dma_wait3A_538] : memref<80x128xi32, #tpu.memory_space<vmem>> -> memref<1x128xi32, #tpu.memory_space<vmem>>
      %dma_wait3A_540 = tpu.memref_squeeze %dma_wait3A_539 : memref<1x128xi32, #tpu.memory_space<vmem>> -> memref<128xi32, #tpu.memory_space<vmem>>
      %dma_wait3A_541 = arith.constant 0 : i32
      %dma_wait3A_542 = arith.constant 0 : i32
      %dma_wait3A_543 = tpu.memref_slice %arg2[%dma_wait3A_541, %dma_wait3A_542] : memref<10000x128xf32, #tpu.memory_space<hbm>> -> memref<10000x128xf32, #tpu.memory_space<hbm>>
      tpu.wait_indirect_dma semaphore(%arg12 : memref<!tpu.dma_semaphore, #tpu.memory_space<semaphore_mem>>) src(%dma_wait3A_543 : memref<10000x128xf32, #tpu.memory_space<hbm>>) dst(%arg9 : memref<128x128xf32, #tpu.memory_space<vmem>>)
      %dma_start3A_544 = arith.constant 1 : i32
      %dma_start3A_545 = arith.constant 6 : i32
      %dma_start3A_546 = arith.constant 0 : i32
      %dma_start3A_547 = tpu.memref_slice %arg8[%dma_start3A_544, %dma_start3A_545, %dma_start3A_546] : memref<2x8x128xi32, #tpu.memory_space<vmem>> -> memref<1x1x128xi32, #tpu.memory_space<vmem>>
      %dma_start3A_548 = tpu.memref_squeeze %dma_start3A_547 : memref<1x1x128xi32, #tpu.memory_space<vmem>> -> memref<128xi32, #tpu.memory_space<vmem>>
      %dma_start3A_549 = arith.constant 0 : i32
      %dma_start3A_550 = arith.constant 0 : i32
      %dma_start3A_551 = tpu.memref_slice %arg11[%dma_start3A_549, %dma_start3A_550] : memref<10512x128xf32, #tpu.memory_space<vmem_shared>> -> memref<10512x128xf32, #tpu.memory_space<vmem_shared>>
      tpu.enqueue_indirect_dma source(%arg9 : memref<128x128xf32, #tpu.memory_space<vmem>>) target(%dma_start3A_551 : memref<10512x128xf32, #tpu.memory_space<vmem_shared>>) offsets(%dma_start3A_548 : memref<128xi32, #tpu.memory_space<vmem>>) semaphore(%arg12 : memref<!tpu.dma_semaphore, #tpu.memory_space<semaphore_mem>>) {add = true}
      %dma_wait3A_552 = arith.constant 1 : i32
      %dma_wait3A_553 = arith.constant 6 : i32
      %dma_wait3A_554 = arith.constant 0 : i32
      %dma_wait3A_555 = tpu.memref_slice %arg8[%dma_wait3A_552, %dma_wait3A_553, %dma_wait3A_554] : memref<2x8x128xi32, #tpu.memory_space<vmem>> -> memref<1x1x128xi32, #tpu.memory_space<vmem>>
      %dma_wait3A_556 = tpu.memref_squeeze %dma_wait3A_555 : memref<1x1x128xi32, #tpu.memory_space<vmem>> -> memref<128xi32, #tpu.memory_space<vmem>>
      %dma_wait3A_557 = arith.constant 0 : i32
      %dma_wait3A_558 = arith.constant 0 : i32
      %dma_wait3A_559 = tpu.memref_slice %arg11[%dma_wait3A_557, %dma_wait3A_558] : memref<10512x128xf32, #tpu.memory_space<vmem_shared>> -> memref<10512x128xf32, #tpu.memory_space<vmem_shared>>
      tpu.wait_indirect_dma semaphore(%arg12 : memref<!tpu.dma_semaphore, #tpu.memory_space<semaphore_mem>>) src(%arg9 : memref<128x128xf32, #tpu.memory_space<vmem>>) dst(%dma_wait3A_559 : memref<10512x128xf32, #tpu.memory_space<vmem_shared>>)
      %add3A_560 = arith.constant 2 : i32
      %add3A_561 = arith.addi %add3A_537, %add3A_560 : i32
      %lt3A_562 = arith.constant 80 : i32
      %lt3A_563 = arith.cmpi slt, %add3A_561, %lt3A_562 : i32
      %convert_element_type3A_564 = arith.extui %lt3A_563 : i1 to i32
      %cond3A_565 = arith.constant 0 : i32
      %cond3A_566 = arith.cmpi ne, %convert_element_type3A_564, %cond3A_565 : i32
      scf.if %cond3A_566 {
        %add3A_607 = arith.constant 2 : i32
        %add3A_608 = arith.addi %add3A_537, %add3A_607 : i32
        %dma_start3A_609 = arith.constant 0 : i32
        %dma_start3A_610 = tpu.memref_slice %arg7[%add3A_608, %dma_start3A_609] : memref<80x128xi32, #tpu.memory_space<vmem>> -> memref<1x128xi32, #tpu.memory_space<vmem>>
        %dma_start3A_611 = tpu.memref_squeeze %dma_start3A_610 : memref<1x128xi32, #tpu.memory_space<vmem>> -> memref<128xi32, #tpu.memory_space<vmem>>
        %dma_start3A_612 = arith.constant 0 : i32
        %dma_start3A_613 = arith.constant 0 : i32
        %dma_start3A_614 = tpu.memref_slice %arg2[%dma_start3A_612, %dma_start3A_613] : memref<10000x128xf32, #tpu.memory_space<hbm>> -> memref<10000x128xf32, #tpu.memory_space<hbm>>
        tpu.enqueue_indirect_dma source(%dma_start3A_614 : memref<10000x128xf32, #tpu.memory_space<hbm>>) target(%arg9 : memref<128x128xf32, #tpu.memory_space<vmem>>) offsets(%dma_start3A_611 : memref<128xi32, #tpu.memory_space<vmem>>) semaphore(%arg12 : memref<!tpu.dma_semaphore, #tpu.memory_space<semaphore_mem>>)
      } else {
      }
      %mul3A_567 = arith.constant 8 : i32
      %mul3A_568 = arith.muli %add3A_330, %mul3A_567 : i32
      %add3A_569 = arith.constant 7 : i32
      %add3A_570 = arith.addi %mul3A_568, %add3A_569 : i32
      %dma_wait3A_571 = arith.constant 0 : i32
      %dma_wait3A_572 = tpu.memref_slice %arg7[%add3A_570, %dma_wait3A_571] : memref<80x128xi32, #tpu.memory_space<vmem>> -> memref<1x128xi32, #tpu.memory_space<vmem>>
      %dma_wait3A_573 = tpu.memref_squeeze %dma_wait3A_572 : memref<1x128xi32, #tpu.memory_space<vmem>> -> memref<128xi32, #tpu.memory_space<vmem>>
      %dma_wait3A_574 = arith.constant 0 : i32
      %dma_wait3A_575 = arith.constant 0 : i32
      %dma_wait3A_576 = tpu.memref_slice %arg2[%dma_wait3A_574, %dma_wait3A_575] : memref<10000x128xf32, #tpu.memory_space<hbm>> -> memref<10000x128xf32, #tpu.memory_space<hbm>>
      tpu.wait_indirect_dma semaphore(%arg13 : memref<!tpu.dma_semaphore, #tpu.memory_space<semaphore_mem>>) src(%dma_wait3A_576 : memref<10000x128xf32, #tpu.memory_space<hbm>>) dst(%arg10 : memref<128x128xf32, #tpu.memory_space<vmem>>)
      %dma_start3A_577 = arith.constant 1 : i32
      %dma_start3A_578 = arith.constant 7 : i32
      %dma_start3A_579 = arith.constant 0 : i32
      %dma_start3A_580 = tpu.memref_slice %arg8[%dma_start3A_577, %dma_start3A_578, %dma_start3A_579] : memref<2x8x128xi32, #tpu.memory_space<vmem>> -> memref<1x1x128xi32, #tpu.memory_space<vmem>>
      %dma_start3A_581 = tpu.memref_squeeze %dma_start3A_580 : memref<1x1x128xi32, #tpu.memory_space<vmem>> -> memref<128xi32, #tpu.memory_space<vmem>>
      %dma_start3A_582 = arith.constant 0 : i32
      %dma_start3A_583 = arith.constant 0 : i32
      %dma_start3A_584 = tpu.memref_slice %arg11[%dma_start3A_582, %dma_start3A_583] : memref<10512x128xf32, #tpu.memory_space<vmem_shared>> -> memref<10512x128xf32, #tpu.memory_space<vmem_shared>>
      tpu.enqueue_indirect_dma source(%arg10 : memref<128x128xf32, #tpu.memory_space<vmem>>) target(%dma_start3A_584 : memref<10512x128xf32, #tpu.memory_space<vmem_shared>>) offsets(%dma_start3A_581 : memref<128xi32, #tpu.memory_space<vmem>>) semaphore(%arg13 : memref<!tpu.dma_semaphore, #tpu.memory_space<semaphore_mem>>) {add = true}
      %dma_wait3A_585 = arith.constant 1 : i32
      %dma_wait3A_586 = arith.constant 7 : i32
      %dma_wait3A_587 = arith.constant 0 : i32
      %dma_wait3A_588 = tpu.memref_slice %arg8[%dma_wait3A_585, %dma_wait3A_586, %dma_wait3A_587] : memref<2x8x128xi32, #tpu.memory_space<vmem>> -> memref<1x1x128xi32, #tpu.memory_space<vmem>>
      %dma_wait3A_589 = tpu.memref_squeeze %dma_wait3A_588 : memref<1x1x128xi32, #tpu.memory_space<vmem>> -> memref<128xi32, #tpu.memory_space<vmem>>
      %dma_wait3A_590 = arith.constant 0 : i32
      %dma_wait3A_591 = arith.constant 0 : i32
      %dma_wait3A_592 = tpu.memref_slice %arg11[%dma_wait3A_590, %dma_wait3A_591] : memref<10512x128xf32, #tpu.memory_space<vmem_shared>> -> memref<10512x128xf32, #tpu.memory_space<vmem_shared>>
      tpu.wait_indirect_dma semaphore(%arg13 : memref<!tpu.dma_semaphore, #tpu.memory_space<semaphore_mem>>) src(%arg10 : memref<128x128xf32, #tpu.memory_space<vmem>>) dst(%dma_wait3A_592 : memref<10512x128xf32, #tpu.memory_space<vmem_shared>>)
      %add3A_593 = arith.constant 2 : i32
      %add3A_594 = arith.addi %add3A_570, %add3A_593 : i32
      %lt3A_595 = arith.constant 80 : i32
      %lt3A_596 = arith.cmpi slt, %add3A_594, %lt3A_595 : i32
      %convert_element_type3A_597 = arith.extui %lt3A_596 : i1 to i32
      %cond3A_598 = arith.constant 0 : i32
      %cond3A_599 = arith.cmpi ne, %convert_element_type3A_597, %cond3A_598 : i32
      scf.if %cond3A_599 {
        %add3A_607 = arith.constant 2 : i32
        %add3A_608 = arith.addi %add3A_570, %add3A_607 : i32
        %dma_start3A_609 = arith.constant 0 : i32
        %dma_start3A_610 = tpu.memref_slice %arg7[%add3A_608, %dma_start3A_609] : memref<80x128xi32, #tpu.memory_space<vmem>> -> memref<1x128xi32, #tpu.memory_space<vmem>>
        %dma_start3A_611 = tpu.memref_squeeze %dma_start3A_610 : memref<1x128xi32, #tpu.memory_space<vmem>> -> memref<128xi32, #tpu.memory_space<vmem>>
        %dma_start3A_612 = arith.constant 0 : i32
        %dma_start3A_613 = arith.constant 0 : i32
        %dma_start3A_614 = tpu.memref_slice %arg2[%dma_start3A_612, %dma_start3A_613] : memref<10000x128xf32, #tpu.memory_space<hbm>> -> memref<10000x128xf32, #tpu.memory_space<hbm>>
        tpu.enqueue_indirect_dma source(%dma_start3A_614 : memref<10000x128xf32, #tpu.memory_space<hbm>>) target(%arg10 : memref<128x128xf32, #tpu.memory_space<vmem>>) offsets(%dma_start3A_611 : memref<128xi32, #tpu.memory_space<vmem>>) semaphore(%arg13 : memref<!tpu.dma_semaphore, #tpu.memory_space<semaphore_mem>>)
      } else {
      }
      %add3A_600 = arith.constant 2 : i32
      %add3A_601 = arith.addi %add3A_330, %add3A_600 : i32
      %lt3A_602 = arith.constant 10 : i32
      %lt3A_603 = arith.cmpi slt, %add3A_601, %lt3A_602 : i32
      %convert_element_type3A_604 = arith.extui %lt3A_603 : i1 to i32
      %cond3A_605 = arith.constant 0 : i32
      %cond3A_606 = arith.cmpi ne, %convert_element_type3A_604, %cond3A_605 : i32
      scf.if %cond3A_606 {
        %add3A_607 = arith.constant 2 : i32
        %add3A_608 = arith.addi %add3A_330, %add3A_607 : i32
        %mul3A_609 = arith.constant 8 : i32
        %mul3A_610 = arith.muli %add3A_608, %mul3A_609 : i32
        %add3A_611 = arith.addi %mul3A_2, %mul3A_610 : i32
        %dma_start3A_612 = arith.constant 1 : i32
        %dma_start3A_613 = arith.constant 0 : i32
        %dma_start3A_614 = arith.constant 0 : i32
        %dma_start3A_615 = tpu.memref_slice %arg8[%dma_start3A_612, %dma_start3A_613, %dma_start3A_614] : memref<2x8x128xi32, #tpu.memory_space<vmem>> -> memref<1x8x128xi32, #tpu.memory_space<vmem>>
        %dma_start3A_616 = tpu.memref_squeeze %dma_start3A_615 : memref<1x8x128xi32, #tpu.memory_space<vmem>> -> memref<8x128xi32, #tpu.memory_space<vmem>>
        %dma_start3A_617 = arith.constant 0 : i32
        %dma_start3A_618 = tpu.memref_slice %arg4[%add3A_611, %dma_start3A_617] : memref<2560x128xi32, #tpu.memory_space<hbm>> -> memref<8x128xi32, #tpu.memory_space<hbm>>
        %dma_start3A_619 = arith.constant 0 : i32
        %dma_start3A_620 = arith.constant 0 : i32
        %dma_start3A_621 = tpu.memref_slice %arg8[%dma_start3A_612, %dma_start3A_619, %dma_start3A_620] : memref<2x8x128xi32, #tpu.memory_space<vmem>> -> memref<1x8x128xi32, #tpu.memory_space<vmem>>
        %dma_start3A_622 = tpu.memref_squeeze %dma_start3A_621 : memref<1x8x128xi32, #tpu.memory_space<vmem>> -> memref<8x128xi32, #tpu.memory_space<vmem>>
        %dma_start3A_623 = arith.constant 0 : i32
        %dma_start3A_624 = tpu.memref_slice %arg4[%add3A_611, %dma_start3A_623] : memref<2560x128xi32, #tpu.memory_space<hbm>> -> memref<8x128xi32, #tpu.memory_space<hbm>>
        tpu.enqueue_dma source(%dma_start3A_624 : memref<8x128xi32, #tpu.memory_space<hbm>>) target(%dma_start3A_622 : memref<8x128xi32, #tpu.memory_space<vmem>>) target_semaphore(%arg15 : memref<!tpu.dma_semaphore, #tpu.memory_space<semaphore_mem>>)
      } else {
      }
    }
    %scan3A_33 = arith.constant 5 : i32
    %barrier3A_34 = arith.constant 0 : index
    tpu.barrier barrier_id(%barrier3A_34)
    %ne3A_35 = arith.constant 15 : i32
    %ne3A_36 = arith.cmpi ne, %arg1, %ne3A_35 : i32
    %convert_element_type3A_37 = arith.extui %ne3A_36 : i1 to i32
    %cond3A_38 = arith.constant 0 : i32
    %cond3A_39 = arith.cmpi ne, %convert_element_type3A_37, %cond3A_38 : i32
    scf.if %cond3A_39 {
      %mul3A_45 = arith.constant 624 : i32
      %mul3A_46 = arith.muli %arg1, %mul3A_45 : i32
      %multiple_of3A = tpu.assume_multiple %mul3A_46, 8 : i32
      %mul3A_47 = arith.constant 10000 : i32
      %mul3A_48 = arith.muli %arg0, %mul3A_47 : i32
      %add3A_49 = arith.addi %mul3A_48, %multiple_of3A : i32
      %multiple_of3A_50 = tpu.assume_multiple %add3A_49, 8 : i32
      "tpu.region"() ({
        %run_scoped3A_51 = tpu.sem_alloc : memref<!tpu.dma_semaphore, #tpu.memory_space<semaphore_mem>>
        %dma_start3A_52 = arith.constant 0 : i32
        %dma_start3A_53 = tpu.memref_slice %arg6[%multiple_of3A_50, %dma_start3A_52] : memref<20000x128xf32, #tpu.memory_space<hbm>> -> memref<624x128xf32, #tpu.memory_space<hbm>>
        %dma_start3A_54 = arith.constant 0 : i32
        %dma_start3A_55 = tpu.memref_slice %arg11[%multiple_of3A, %dma_start3A_54] : memref<10512x128xf32, #tpu.memory_space<vmem_shared>> -> memref<624x128xf32, #tpu.memory_space<vmem_shared>>
        tpu.enqueue_dma source(%dma_start3A_55 : memref<624x128xf32, #tpu.memory_space<vmem_shared>>) target(%dma_start3A_53 : memref<624x128xf32, #tpu.memory_space<hbm>>) target_semaphore(%run_scoped3A_51 : memref<!tpu.dma_semaphore, #tpu.memory_space<semaphore_mem>>)
        %dma_wait3A = arith.constant 0 : i32
        %dma_wait3A_56 = tpu.memref_slice %arg6[%multiple_of3A_50, %dma_wait3A] : memref<20000x128xf32, #tpu.memory_space<hbm>> -> memref<624x128xf32, #tpu.memory_space<hbm>>
        %dma_wait3A_57 = arith.constant 0 : i32
        %dma_wait3A_58 = tpu.memref_slice %arg11[%multiple_of3A, %dma_wait3A_57] : memref<10512x128xf32, #tpu.memory_space<vmem_shared>> -> memref<624x128xf32, #tpu.memory_space<vmem_shared>>
        tpu.wait_dma2 semaphore(%run_scoped3A_51 : memref<!tpu.dma_semaphore, #tpu.memory_space<semaphore_mem>>) src(%dma_wait3A_58 : memref<624x128xf32, #tpu.memory_space<vmem_shared>>) dst(%dma_wait3A_56 : memref<624x128xf32, #tpu.memory_space<hbm>>)
        tpu.yield
      }) : () -> ()
    } else {
    }
    %eq3A_40 = arith.constant 15 : i32
    %eq3A_41 = arith.cmpi eq, %arg1, %eq3A_40 : i32
    %convert_element_type3A_42 = arith.extui %eq3A_41 : i1 to i32
    %cond3A_43 = arith.constant 0 : i32
    %cond3A_44 = arith.cmpi ne, %convert_element_type3A_42, %cond3A_43 : i32
    scf.if %cond3A_44 {
      %multiple_of3A = arith.constant 9360 : i32
      %multiple_of3A_45 = tpu.assume_multiple %multiple_of3A, 8 : i32
      %mul3A_46 = arith.constant 10000 : i32
      %mul3A_47 = arith.muli %arg0, %mul3A_46 : i32
      %add3A_48 = arith.addi %mul3A_47, %multiple_of3A_45 : i32
      %multiple_of3A_49 = tpu.assume_multiple %add3A_48, 8 : i32
      "tpu.region"() ({
        %run_scoped3A_50 = tpu.sem_alloc : memref<!tpu.dma_semaphore, #tpu.memory_space<semaphore_mem>>
        %dma_start3A_51 = arith.constant 0 : i32
        %dma_start3A_52 = tpu.memref_slice %arg6[%multiple_of3A_49, %dma_start3A_51] : memref<20000x128xf32, #tpu.memory_space<hbm>> -> memref<640x128xf32, #tpu.memory_space<hbm>>
        %dma_start3A_53 = arith.constant 0 : i32
        %dma_start3A_54 = tpu.memref_slice %arg11[%multiple_of3A_45, %dma_start3A_53] : memref<10512x128xf32, #tpu.memory_space<vmem_shared>> -> memref<640x128xf32, #tpu.memory_space<vmem_shared>>
        tpu.enqueue_dma source(%dma_start3A_54 : memref<640x128xf32, #tpu.memory_space<vmem_shared>>) target(%dma_start3A_52 : memref<640x128xf32, #tpu.memory_space<hbm>>) target_semaphore(%run_scoped3A_50 : memref<!tpu.dma_semaphore, #tpu.memory_space<semaphore_mem>>)
        %dma_wait3A = arith.constant 0 : i32
        %dma_wait3A_55 = tpu.memref_slice %arg6[%multiple_of3A_49, %dma_wait3A] : memref<20000x128xf32, #tpu.memory_space<hbm>> -> memref<640x128xf32, #tpu.memory_space<hbm>>
        %dma_wait3A_56 = arith.constant 0 : i32
        %dma_wait3A_57 = tpu.memref_slice %arg11[%multiple_of3A_45, %dma_wait3A_56] : memref<10512x128xf32, #tpu.memory_space<vmem_shared>> -> memref<640x128xf32, #tpu.memory_space<vmem_shared>>
        tpu.wait_dma2 semaphore(%run_scoped3A_50 : memref<!tpu.dma_semaphore, #tpu.memory_space<semaphore_mem>>) src(%dma_wait3A_57 : memref<640x128xf32, #tpu.memory_space<vmem_shared>>) dst(%dma_wait3A_55 : memref<640x128xf32, #tpu.memory_space<hbm>>)
        tpu.yield
      }) : () -> ()
    } else {
    }
    return
  }
}

#map = affine_map<(d0, d1) -> (0, 0)>
module attributes {stable_mosaic.version = 14 : i64} {
  func.func @_dec_body(%arg0: i32, %arg1: i32, %arg2: memref<10000x128xf32, #tpu.memory_space<hbm>>, %arg3: memref<1792x128xi32, #tpu.memory_space<hbm>>, %arg4: memref<1792x128xi32, #tpu.memory_space<hbm>>, %arg5: memref<229376x16xf32, #tpu.memory_space<hbm>>, %arg6: memref<56x128xi32, #tpu.memory_space<vmem>>, %arg7: memref<56x128xi32, #tpu.memory_space<vmem>>, %arg8: memref<128x128xf32, #tpu.memory_space<vmem>>, %arg9: memref<128x128xf32, #tpu.memory_space<vmem>>, %arg10: memref<128x128xf32, #tpu.memory_space<vmem>>, %arg11: memref<128x128xf32, #tpu.memory_space<vmem>>, %arg12: memref<128x16xf32, #tpu.memory_space<vmem>>, %arg13: memref<!tpu.dma_semaphore, #tpu.memory_space<semaphore_mem>>, %arg14: memref<!tpu.dma_semaphore, #tpu.memory_space<semaphore_mem>>) attributes {dimension_semantics = [#tpu.dimension_semantics<core_parallel>, #tpu.dimension_semantics<subcore_parallel>], iteration_bounds = array<i64: 2, 16>, scalar_prefetch = 0 : i64, scratch_operands = 9 : i64, tpu.core_type = #tpu.core_type<sc_vector_subcore>, window_params = [{transform_indices = #map}, {transform_indices = #map}, {transform_indices = #map}, {transform_indices = #map}]} {
    %mul3A = arith.constant 2 : i32
    %mul3A_0 = arith.muli %arg1, %mul3A : i32
    %add3A = arith.addi %mul3A_0, %arg0 : i32
    %mul3A_1 = arith.constant 56 : i32
    %mul3A_2 = arith.muli %add3A, %mul3A_1 : i32
    "tpu.region"() ({
      %run_scoped3A = tpu.sem_alloc : memref<!tpu.dma_semaphore, #tpu.memory_space<semaphore_mem>>
      %dma_start3A_34 = arith.constant 0 : i32
      %dma_start3A_35 = tpu.memref_slice %arg3[%mul3A_2, %dma_start3A_34] : memref<1792x128xi32, #tpu.memory_space<hbm>> -> memref<56x128xi32, #tpu.memory_space<hbm>>
      %dma_start3A_36 = arith.constant 0 : i32
      %dma_start3A_37 = tpu.memref_slice %arg3[%mul3A_2, %dma_start3A_36] : memref<1792x128xi32, #tpu.memory_space<hbm>> -> memref<56x128xi32, #tpu.memory_space<hbm>>
      tpu.enqueue_dma source(%dma_start3A_37 : memref<56x128xi32, #tpu.memory_space<hbm>>) target(%arg6 : memref<56x128xi32, #tpu.memory_space<vmem>>) target_semaphore(%run_scoped3A : memref<!tpu.dma_semaphore, #tpu.memory_space<semaphore_mem>>)
      %dma_wait3A = arith.constant 0 : i32
      %dma_wait3A_38 = tpu.memref_slice %arg3[%mul3A_2, %dma_wait3A] : memref<1792x128xi32, #tpu.memory_space<hbm>> -> memref<56x128xi32, #tpu.memory_space<hbm>>
      %dma_wait3A_39 = arith.constant 0 : i32
      %dma_wait3A_40 = tpu.memref_slice %arg3[%mul3A_2, %dma_wait3A_39] : memref<1792x128xi32, #tpu.memory_space<hbm>> -> memref<56x128xi32, #tpu.memory_space<hbm>>
      tpu.wait_dma2 semaphore(%run_scoped3A : memref<!tpu.dma_semaphore, #tpu.memory_space<semaphore_mem>>) src(%dma_wait3A_40 : memref<56x128xi32, #tpu.memory_space<hbm>>) dst(%arg6 : memref<56x128xi32, #tpu.memory_space<vmem>>)
      tpu.yield
    }) : () -> ()
    "tpu.region"() ({
      %run_scoped3A = tpu.sem_alloc : memref<!tpu.dma_semaphore, #tpu.memory_space<semaphore_mem>>
      %dma_start3A_34 = arith.constant 0 : i32
      %dma_start3A_35 = tpu.memref_slice %arg4[%mul3A_2, %dma_start3A_34] : memref<1792x128xi32, #tpu.memory_space<hbm>> -> memref<56x128xi32, #tpu.memory_space<hbm>>
      %dma_start3A_36 = arith.constant 0 : i32
      %dma_start3A_37 = tpu.memref_slice %arg4[%mul3A_2, %dma_start3A_36] : memref<1792x128xi32, #tpu.memory_space<hbm>> -> memref<56x128xi32, #tpu.memory_space<hbm>>
      tpu.enqueue_dma source(%dma_start3A_37 : memref<56x128xi32, #tpu.memory_space<hbm>>) target(%arg7 : memref<56x128xi32, #tpu.memory_space<vmem>>) target_semaphore(%run_scoped3A : memref<!tpu.dma_semaphore, #tpu.memory_space<semaphore_mem>>)
      %dma_wait3A = arith.constant 0 : i32
      %dma_wait3A_38 = tpu.memref_slice %arg4[%mul3A_2, %dma_wait3A] : memref<1792x128xi32, #tpu.memory_space<hbm>> -> memref<56x128xi32, #tpu.memory_space<hbm>>
      %dma_wait3A_39 = arith.constant 0 : i32
      %dma_wait3A_40 = tpu.memref_slice %arg4[%mul3A_2, %dma_wait3A_39] : memref<1792x128xi32, #tpu.memory_space<hbm>> -> memref<56x128xi32, #tpu.memory_space<hbm>>
      tpu.wait_dma2 semaphore(%run_scoped3A : memref<!tpu.dma_semaphore, #tpu.memory_space<semaphore_mem>>) src(%dma_wait3A_40 : memref<56x128xi32, #tpu.memory_space<hbm>>) dst(%arg7 : memref<56x128xi32, #tpu.memory_space<vmem>>)
      tpu.yield
    }) : () -> ()
    %dma_start3A = arith.constant 0 : i32
    %dma_start3A_3 = arith.constant 0 : i32
    %dma_start3A_4 = tpu.memref_slice %arg6[%dma_start3A, %dma_start3A_3] : memref<56x128xi32, #tpu.memory_space<vmem>> -> memref<1x128xi32, #tpu.memory_space<vmem>>
    %dma_start3A_5 = tpu.memref_squeeze %dma_start3A_4 : memref<1x128xi32, #tpu.memory_space<vmem>> -> memref<128xi32, #tpu.memory_space<vmem>>
    %dma_start3A_6 = arith.constant 0 : i32
    %dma_start3A_7 = arith.constant 0 : i32
    %dma_start3A_8 = tpu.memref_slice %arg2[%dma_start3A_6, %dma_start3A_7] : memref<10000x128xf32, #tpu.memory_space<hbm>> -> memref<10000x128xf32, #tpu.memory_space<hbm>>
    tpu.enqueue_indirect_dma source(%dma_start3A_8 : memref<10000x128xf32, #tpu.memory_space<hbm>>) target(%arg8 : memref<128x128xf32, #tpu.memory_space<vmem>>) offsets(%dma_start3A_5 : memref<128xi32, #tpu.memory_space<vmem>>) semaphore(%arg13 : memref<!tpu.dma_semaphore, #tpu.memory_space<semaphore_mem>>)
    %dma_start3A_9 = arith.constant 0 : i32
    %dma_start3A_10 = arith.constant 0 : i32
    %dma_start3A_11 = tpu.memref_slice %arg7[%dma_start3A_9, %dma_start3A_10] : memref<56x128xi32, #tpu.memory_space<vmem>> -> memref<1x128xi32, #tpu.memory_space<vmem>>
    %dma_start3A_12 = tpu.memref_squeeze %dma_start3A_11 : memref<1x128xi32, #tpu.memory_space<vmem>> -> memref<128xi32, #tpu.memory_space<vmem>>
    %dma_start3A_13 = arith.constant 0 : i32
    %dma_start3A_14 = arith.constant 0 : i32
    %dma_start3A_15 = tpu.memref_slice %arg2[%dma_start3A_13, %dma_start3A_14] : memref<10000x128xf32, #tpu.memory_space<hbm>> -> memref<10000x128xf32, #tpu.memory_space<hbm>>
    tpu.enqueue_indirect_dma source(%dma_start3A_15 : memref<10000x128xf32, #tpu.memory_space<hbm>>) target(%arg10 : memref<128x128xf32, #tpu.memory_space<vmem>>) offsets(%dma_start3A_12 : memref<128xi32, #tpu.memory_space<vmem>>) semaphore(%arg13 : memref<!tpu.dma_semaphore, #tpu.memory_space<semaphore_mem>>)
    %dma_start3A_16 = arith.constant 1 : i32
    %dma_start3A_17 = arith.constant 0 : i32
    %dma_start3A_18 = tpu.memref_slice %arg6[%dma_start3A_16, %dma_start3A_17] : memref<56x128xi32, #tpu.memory_space<vmem>> -> memref<1x128xi32, #tpu.memory_space<vmem>>
    %dma_start3A_19 = tpu.memref_squeeze %dma_start3A_18 : memref<1x128xi32, #tpu.memory_space<vmem>> -> memref<128xi32, #tpu.memory_space<vmem>>
    %dma_start3A_20 = arith.constant 0 : i32
    %dma_start3A_21 = arith.constant 0 : i32
    %dma_start3A_22 = tpu.memref_slice %arg2[%dma_start3A_20, %dma_start3A_21] : memref<10000x128xf32, #tpu.memory_space<hbm>> -> memref<10000x128xf32, #tpu.memory_space<hbm>>
    tpu.enqueue_indirect_dma source(%dma_start3A_22 : memref<10000x128xf32, #tpu.memory_space<hbm>>) target(%arg9 : memref<128x128xf32, #tpu.memory_space<vmem>>) offsets(%dma_start3A_19 : memref<128xi32, #tpu.memory_space<vmem>>) semaphore(%arg14 : memref<!tpu.dma_semaphore, #tpu.memory_space<semaphore_mem>>)
    %dma_start3A_23 = arith.constant 1 : i32
    %dma_start3A_24 = arith.constant 0 : i32
    %dma_start3A_25 = tpu.memref_slice %arg7[%dma_start3A_23, %dma_start3A_24] : memref<56x128xi32, #tpu.memory_space<vmem>> -> memref<1x128xi32, #tpu.memory_space<vmem>>
    %dma_start3A_26 = tpu.memref_squeeze %dma_start3A_25 : memref<1x128xi32, #tpu.memory_space<vmem>> -> memref<128xi32, #tpu.memory_space<vmem>>
    %dma_start3A_27 = arith.constant 0 : i32
    %dma_start3A_28 = arith.constant 0 : i32
    %dma_start3A_29 = tpu.memref_slice %arg2[%dma_start3A_27, %dma_start3A_28] : memref<10000x128xf32, #tpu.memory_space<hbm>> -> memref<10000x128xf32, #tpu.memory_space<hbm>>
    tpu.enqueue_indirect_dma source(%dma_start3A_29 : memref<10000x128xf32, #tpu.memory_space<hbm>>) target(%arg11 : memref<128x128xf32, #tpu.memory_space<vmem>>) offsets(%dma_start3A_26 : memref<128xi32, #tpu.memory_space<vmem>>) semaphore(%arg14 : memref<!tpu.dma_semaphore, #tpu.memory_space<semaphore_mem>>)
    %scan3A = arith.constant 0 : i32
    %scan3A_30 = arith.constant 28 : i32
    %scan3A_31 = arith.addi %scan3A, %scan3A_30 : i32
    %scan3A_32 = arith.constant 1 : i32
    scf.for %scan3A_34 = %scan3A to %scan3A_31 step %scan3A_32  : i32 {
      %mul3A_35 = arith.constant 1 : i32
      %mul3A_36 = arith.muli %scan3A_34, %mul3A_35 : i32
      %add3A_37 = arith.constant 0 : i32
      %add3A_38 = arith.addi %add3A_37, %mul3A_36 : i32
      %mul3A_39 = arith.constant 2 : i32
      %mul3A_40 = arith.muli %add3A_38, %mul3A_39 : i32
      %add3A_41 = arith.constant 0 : i32
      %add3A_42 = arith.addi %mul3A_40, %add3A_41 : i32
      %dma_wait3A = arith.constant 0 : i32
      %dma_wait3A_43 = tpu.memref_slice %arg6[%add3A_42, %dma_wait3A] : memref<56x128xi32, #tpu.memory_space<vmem>> -> memref<1x128xi32, #tpu.memory_space<vmem>>
      %dma_wait3A_44 = tpu.memref_squeeze %dma_wait3A_43 : memref<1x128xi32, #tpu.memory_space<vmem>> -> memref<128xi32, #tpu.memory_space<vmem>>
      %dma_wait3A_45 = arith.constant 0 : i32
      %dma_wait3A_46 = arith.constant 0 : i32
      %dma_wait3A_47 = tpu.memref_slice %arg2[%dma_wait3A_45, %dma_wait3A_46] : memref<10000x128xf32, #tpu.memory_space<hbm>> -> memref<10000x128xf32, #tpu.memory_space<hbm>>
      tpu.wait_indirect_dma semaphore(%arg13 : memref<!tpu.dma_semaphore, #tpu.memory_space<semaphore_mem>>) src(%dma_wait3A_47 : memref<10000x128xf32, #tpu.memory_space<hbm>>) dst(%arg8 : memref<128x128xf32, #tpu.memory_space<vmem>>)
      %dma_wait3A_48 = arith.constant 0 : i32
      %dma_wait3A_49 = tpu.memref_slice %arg7[%add3A_42, %dma_wait3A_48] : memref<56x128xi32, #tpu.memory_space<vmem>> -> memref<1x128xi32, #tpu.memory_space<vmem>>
      %dma_wait3A_50 = tpu.memref_squeeze %dma_wait3A_49 : memref<1x128xi32, #tpu.memory_space<vmem>> -> memref<128xi32, #tpu.memory_space<vmem>>
      %dma_wait3A_51 = arith.constant 0 : i32
      %dma_wait3A_52 = arith.constant 0 : i32
      %dma_wait3A_53 = tpu.memref_slice %arg2[%dma_wait3A_51, %dma_wait3A_52] : memref<10000x128xf32, #tpu.memory_space<hbm>> -> memref<10000x128xf32, #tpu.memory_space<hbm>>
      tpu.wait_indirect_dma semaphore(%arg13 : memref<!tpu.dma_semaphore, #tpu.memory_space<semaphore_mem>>) src(%dma_wait3A_53 : memref<10000x128xf32, #tpu.memory_space<hbm>>) dst(%arg10 : memref<128x128xf32, #tpu.memory_space<vmem>>)
      %scan3A_54 = arith.constant 0 : i32
      %scan3A_55 = arith.constant 128 : i32
      %scan3A_56 = arith.addi %scan3A_54, %scan3A_55 : i32
      %scan3A_57 = arith.constant 1 : i32
      scf.for %scan3A_94 = %scan3A_54 to %scan3A_56 step %scan3A_57  : i32 {
        %mul3A_95 = arith.constant 1 : i32
        %mul3A_96 = arith.muli %scan3A_94, %mul3A_95 : i32
        %add3A_97 = arith.constant 0 : i32
        %add3A_98 = arith.addi %add3A_97, %mul3A_96 : i32
        %get3A = arith.index_cast %add3A_98 : i32 to index
        %get3A_99 = arith.constant 0 : index
        %get3A_100 = tpu.vector_load %arg8[%get3A, %get3A_99] {strides = array<i32>} : memref<128x128xf32, #tpu.memory_space<vmem>>, vector<1x16xf32>,
        %get3A_101 = vector.shape_cast %get3A_100 : vector<1x16xf32> to vector<16xf32>
        %get3A_102 = arith.index_cast %add3A_98 : i32 to index
        %get3A_103 = arith.constant 0 : index
        %get3A_104 = tpu.vector_load %arg10[%get3A_102, %get3A_103] {strides = array<i32>} : memref<128x128xf32, #tpu.memory_space<vmem>>, vector<1x16xf32>,
        %get3A_105 = vector.shape_cast %get3A_104 : vector<1x16xf32> to vector<16xf32>
        %mul3A_106 = arith.mulf %get3A_101, %get3A_105 : vector<16xf32>
        %get3A_107 = arith.index_cast %add3A_98 : i32 to index
        %get3A_108 = arith.constant 16 : index
        %get3A_109 = tpu.vector_load %arg8[%get3A_107, %get3A_108] {strides = array<i32>} : memref<128x128xf32, #tpu.memory_space<vmem>>, vector<1x16xf32>,
        %get3A_110 = vector.shape_cast %get3A_109 : vector<1x16xf32> to vector<16xf32>
        %get3A_111 = arith.index_cast %add3A_98 : i32 to index
        %get3A_112 = arith.constant 16 : index
        %get3A_113 = tpu.vector_load %arg10[%get3A_111, %get3A_112] {strides = array<i32>} : memref<128x128xf32, #tpu.memory_space<vmem>>, vector<1x16xf32>,
        %get3A_114 = vector.shape_cast %get3A_113 : vector<1x16xf32> to vector<16xf32>
        %mul3A_115 = arith.mulf %get3A_110, %get3A_114 : vector<16xf32>
        %add3A_116 = arith.addf %mul3A_106, %mul3A_115 : vector<16xf32>
        %get3A_117 = arith.index_cast %add3A_98 : i32 to index
        %get3A_118 = arith.constant 32 : index
        %get3A_119 = tpu.vector_load %arg8[%get3A_117, %get3A_118] {strides = array<i32>} : memref<128x128xf32, #tpu.memory_space<vmem>>, vector<1x16xf32>,
        %get3A_120 = vector.shape_cast %get3A_119 : vector<1x16xf32> to vector<16xf32>
        %get3A_121 = arith.index_cast %add3A_98 : i32 to index
        %get3A_122 = arith.constant 32 : index
        %get3A_123 = tpu.vector_load %arg10[%get3A_121, %get3A_122] {strides = array<i32>} : memref<128x128xf32, #tpu.memory_space<vmem>>, vector<1x16xf32>,
        %get3A_124 = vector.shape_cast %get3A_123 : vector<1x16xf32> to vector<16xf32>
        %mul3A_125 = arith.mulf %get3A_120, %get3A_124 : vector<16xf32>
        %add3A_126 = arith.addf %add3A_116, %mul3A_125 : vector<16xf32>
        %get3A_127 = arith.index_cast %add3A_98 : i32 to index
        %get3A_128 = arith.constant 48 : index
        %get3A_129 = tpu.vector_load %arg8[%get3A_127, %get3A_128] {strides = array<i32>} : memref<128x128xf32, #tpu.memory_space<vmem>>, vector<1x16xf32>,
        %get3A_130 = vector.shape_cast %get3A_129 : vector<1x16xf32> to vector<16xf32>
        %get3A_131 = arith.index_cast %add3A_98 : i32 to index
        %get3A_132 = arith.constant 48 : index
        %get3A_133 = tpu.vector_load %arg10[%get3A_131, %get3A_132] {strides = array<i32>} : memref<128x128xf32, #tpu.memory_space<vmem>>, vector<1x16xf32>,
        %get3A_134 = vector.shape_cast %get3A_133 : vector<1x16xf32> to vector<16xf32>
        %mul3A_135 = arith.mulf %get3A_130, %get3A_134 : vector<16xf32>
        %add3A_136 = arith.addf %add3A_126, %mul3A_135 : vector<16xf32>
        %get3A_137 = arith.index_cast %add3A_98 : i32 to index
        %get3A_138 = arith.constant 64 : index
        %get3A_139 = tpu.vector_load %arg8[%get3A_137, %get3A_138] {strides = array<i32>} : memref<128x128xf32, #tpu.memory_space<vmem>>, vector<1x16xf32>,
        %get3A_140 = vector.shape_cast %get3A_139 : vector<1x16xf32> to vector<16xf32>
        %get3A_141 = arith.index_cast %add3A_98 : i32 to index
        %get3A_142 = arith.constant 64 : index
        %get3A_143 = tpu.vector_load %arg10[%get3A_141, %get3A_142] {strides = array<i32>} : memref<128x128xf32, #tpu.memory_space<vmem>>, vector<1x16xf32>,
        %get3A_144 = vector.shape_cast %get3A_143 : vector<1x16xf32> to vector<16xf32>
        %mul3A_145 = arith.mulf %get3A_140, %get3A_144 : vector<16xf32>
        %add3A_146 = arith.addf %add3A_136, %mul3A_145 : vector<16xf32>
        %get3A_147 = arith.index_cast %add3A_98 : i32 to index
        %get3A_148 = arith.constant 80 : index
        %get3A_149 = tpu.vector_load %arg8[%get3A_147, %get3A_148] {strides = array<i32>} : memref<128x128xf32, #tpu.memory_space<vmem>>, vector<1x16xf32>,
        %get3A_150 = vector.shape_cast %get3A_149 : vector<1x16xf32> to vector<16xf32>
        %get3A_151 = arith.index_cast %add3A_98 : i32 to index
        %get3A_152 = arith.constant 80 : index
        %get3A_153 = tpu.vector_load %arg10[%get3A_151, %get3A_152] {strides = array<i32>} : memref<128x128xf32, #tpu.memory_space<vmem>>, vector<1x16xf32>,
        %get3A_154 = vector.shape_cast %get3A_153 : vector<1x16xf32> to vector<16xf32>
        %mul3A_155 = arith.mulf %get3A_150, %get3A_154 : vector<16xf32>
        %add3A_156 = arith.addf %add3A_146, %mul3A_155 : vector<16xf32>
        %get3A_157 = arith.index_cast %add3A_98 : i32 to index
        %get3A_158 = arith.constant 96 : index
        %get3A_159 = tpu.vector_load %arg8[%get3A_157, %get3A_158] {strides = array<i32>} : memref<128x128xf32, #tpu.memory_space<vmem>>, vector<1x16xf32>,
        %get3A_160 = vector.shape_cast %get3A_159 : vector<1x16xf32> to vector<16xf32>
        %get3A_161 = arith.index_cast %add3A_98 : i32 to index
        %get3A_162 = arith.constant 96 : index
        %get3A_163 = tpu.vector_load %arg10[%get3A_161, %get3A_162] {strides = array<i32>} : memref<128x128xf32, #tpu.memory_space<vmem>>, vector<1x16xf32>,
        %get3A_164 = vector.shape_cast %get3A_163 : vector<1x16xf32> to vector<16xf32>
        %mul3A_165 = arith.mulf %get3A_160, %get3A_164 : vector<16xf32>
        %add3A_166 = arith.addf %add3A_156, %mul3A_165 : vector<16xf32>
        %get3A_167 = arith.index_cast %add3A_98 : i32 to index
        %get3A_168 = arith.constant 112 : index
        %get3A_169 = tpu.vector_load %arg8[%get3A_167, %get3A_168] {strides = array<i32>} : memref<128x128xf32, #tpu.memory_space<vmem>>, vector<1x16xf32>,
        %get3A_170 = vector.shape_cast %get3A_169 : vector<1x16xf32> to vector<16xf32>
        %get3A_171 = arith.index_cast %add3A_98 : i32 to index
        %get3A_172 = arith.constant 112 : index
        %get3A_173 = tpu.vector_load %arg10[%get3A_171, %get3A_172] {strides = array<i32>} : memref<128x128xf32, #tpu.memory_space<vmem>>, vector<1x16xf32>,
        %get3A_174 = vector.shape_cast %get3A_173 : vector<1x16xf32> to vector<16xf32>
        %mul3A_175 = arith.mulf %get3A_170, %get3A_174 : vector<16xf32>
        %add3A_176 = arith.addf %add3A_166, %mul3A_175 : vector<16xf32>
        %swap3A = arith.index_cast %add3A_98 : i32 to index
        %swap3A_177 = arith.constant 0 : index
        %swap3A_178 = tpu.vector_load %arg12[%swap3A, %swap3A_177] {strides = array<i32>} : memref<128x16xf32, #tpu.memory_space<vmem>>, vector<1x16xf32>,
        %swap3A_179 = vector.shape_cast %swap3A_178 : vector<1x16xf32> to vector<16xf32>
        %swap3A_180 = vector.shape_cast %add3A_176 : vector<16xf32> to vector<1x16xf32>
        tpu.vector_store %arg12[%swap3A, %swap3A_177], %swap3A_180 {strides = array<i32>} : memref<128x16xf32, #tpu.memory_space<vmem>>, vector<1x16xf32>,
      }
      %scan3A_58 = arith.constant 128 : i32
      %add3A_59 = arith.addi %mul3A_2, %add3A_42 : i32
      %mul3A_60 = arith.constant 128 : i32
      %mul3A_61 = arith.muli %add3A_59, %mul3A_60 : i32
      %multiple_of3A = tpu.assume_multiple %mul3A_61, 8 : i32
      "tpu.region"() ({
        %run_scoped3A = tpu.sem_alloc : memref<!tpu.dma_semaphore, #tpu.memory_space<semaphore_mem>>
        %dma_start3A_94 = arith.constant 0 : i32
        %dma_start3A_95 = tpu.memref_slice %arg5[%multiple_of3A, %dma_start3A_94] : memref<229376x16xf32, #tpu.memory_space<hbm>> -> memref<128x16xf32, #tpu.memory_space<hbm>>
        %dma_start3A_96 = arith.constant 0 : i32
        %dma_start3A_97 = tpu.memref_slice %arg5[%multiple_of3A, %dma_start3A_96] : memref<229376x16xf32, #tpu.memory_space<hbm>> -> memref<128x16xf32, #tpu.memory_space<hbm>>
        tpu.enqueue_dma source(%arg12 : memref<128x16xf32, #tpu.memory_space<vmem>>) target(%dma_start3A_97 : memref<128x16xf32, #tpu.memory_space<hbm>>) target_semaphore(%run_scoped3A : memref<!tpu.dma_semaphore, #tpu.memory_space<semaphore_mem>>)
        %dma_wait3A_98 = arith.constant 0 : i32
        %dma_wait3A_99 = tpu.memref_slice %arg5[%multiple_of3A, %dma_wait3A_98] : memref<229376x16xf32, #tpu.memory_space<hbm>> -> memref<128x16xf32, #tpu.memory_space<hbm>>
        %dma_wait3A_100 = arith.constant 0 : i32
        %dma_wait3A_101 = tpu.memref_slice %arg5[%multiple_of3A, %dma_wait3A_100] : memref<229376x16xf32, #tpu.memory_space<hbm>> -> memref<128x16xf32, #tpu.memory_space<hbm>>
        tpu.wait_dma2 semaphore(%run_scoped3A : memref<!tpu.dma_semaphore, #tpu.memory_space<semaphore_mem>>) src(%arg12 : memref<128x16xf32, #tpu.memory_space<vmem>>) dst(%dma_wait3A_101 : memref<128x16xf32, #tpu.memory_space<hbm>>)
        tpu.yield
      }) : () -> ()
      %lt3A = arith.constant 27 : i32
      %lt3A_62 = arith.cmpi slt, %add3A_38, %lt3A : i32
      %convert_element_type3A = arith.extui %lt3A_62 : i1 to i32
      %cond3A = arith.constant 0 : i32
      %cond3A_63 = arith.cmpi ne, %convert_element_type3A, %cond3A : i32
      scf.if %cond3A_63 {
        %add3A_94 = arith.constant 2 : i32
        %add3A_95 = arith.addi %add3A_42, %add3A_94 : i32
        %dma_start3A_96 = arith.constant 0 : i32
        %dma_start3A_97 = tpu.memref_slice %arg6[%add3A_95, %dma_start3A_96] : memref<56x128xi32, #tpu.memory_space<vmem>> -> memref<1x128xi32, #tpu.memory_space<vmem>>
        %dma_start3A_98 = tpu.memref_squeeze %dma_start3A_97 : memref<1x128xi32, #tpu.memory_space<vmem>> -> memref<128xi32, #tpu.memory_space<vmem>>
        %dma_start3A_99 = arith.constant 0 : i32
        %dma_start3A_100 = arith.constant 0 : i32
        %dma_start3A_101 = tpu.memref_slice %arg2[%dma_start3A_99, %dma_start3A_100] : memref<10000x128xf32, #tpu.memory_space<hbm>> -> memref<10000x128xf32, #tpu.memory_space<hbm>>
        tpu.enqueue_indirect_dma source(%dma_start3A_101 : memref<10000x128xf32, #tpu.memory_space<hbm>>) target(%arg8 : memref<128x128xf32, #tpu.memory_space<vmem>>) offsets(%dma_start3A_98 : memref<128xi32, #tpu.memory_space<vmem>>) semaphore(%arg13 : memref<!tpu.dma_semaphore, #tpu.memory_space<semaphore_mem>>)
        %add3A_102 = arith.constant 2 : i32
        %add3A_103 = arith.addi %add3A_42, %add3A_102 : i32
        %dma_start3A_104 = arith.constant 0 : i32
        %dma_start3A_105 = tpu.memref_slice %arg7[%add3A_103, %dma_start3A_104] : memref<56x128xi32, #tpu.memory_space<vmem>> -> memref<1x128xi32, #tpu.memory_space<vmem>>
        %dma_start3A_106 = tpu.memref_squeeze %dma_start3A_105 : memref<1x128xi32, #tpu.memory_space<vmem>> -> memref<128xi32, #tpu.memory_space<vmem>>
        %dma_start3A_107 = arith.constant 0 : i32
        %dma_start3A_108 = arith.constant 0 : i32
        %dma_start3A_109 = tpu.memref_slice %arg2[%dma_start3A_107, %dma_start3A_108] : memref<10000x128xf32, #tpu.memory_space<hbm>> -> memref<10000x128xf32, #tpu.memory_space<hbm>>
        tpu.enqueue_indirect_dma source(%dma_start3A_109 : memref<10000x128xf32, #tpu.memory_space<hbm>>) target(%arg10 : memref<128x128xf32, #tpu.memory_space<vmem>>) offsets(%dma_start3A_106 : memref<128xi32, #tpu.memory_space<vmem>>) semaphore(%arg13 : memref<!tpu.dma_semaphore, #tpu.memory_space<semaphore_mem>>)
      } else {
      }
      %mul3A_64 = arith.constant 2 : i32
      %mul3A_65 = arith.muli %add3A_38, %mul3A_64 : i32
      %add3A_66 = arith.constant 1 : i32
      %add3A_67 = arith.addi %mul3A_65, %add3A_66 : i32
      %dma_wait3A_68 = arith.constant 0 : i32
      %dma_wait3A_69 = tpu.memref_slice %arg6[%add3A_67, %dma_wait3A_68] : memref<56x128xi32, #tpu.memory_space<vmem>> -> memref<1x128xi32, #tpu.memory_space<vmem>>
      %dma_wait3A_70 = tpu.memref_squeeze %dma_wait3A_69 : memref<1x128xi32, #tpu.memory_space<vmem>> -> memref<128xi32, #tpu.memory_space<vmem>>
      %dma_wait3A_71 = arith.constant 0 : i32
      %dma_wait3A_72 = arith.constant 0 : i32
      %dma_wait3A_73 = tpu.memref_slice %arg2[%dma_wait3A_71, %dma_wait3A_72] : memref<10000x128xf32, #tpu.memory_space<hbm>> -> memref<10000x128xf32, #tpu.memory_space<hbm>>
      tpu.wait_indirect_dma semaphore(%arg14 : memref<!tpu.dma_semaphore, #tpu.memory_space<semaphore_mem>>) src(%dma_wait3A_73 : memref<10000x128xf32, #tpu.memory_space<hbm>>) dst(%arg9 : memref<128x128xf32, #tpu.memory_space<vmem>>)
      %dma_wait3A_74 = arith.constant 0 : i32
      %dma_wait3A_75 = tpu.memref_slice %arg7[%add3A_67, %dma_wait3A_74] : memref<56x128xi32, #tpu.memory_space<vmem>> -> memref<1x128xi32, #tpu.memory_space<vmem>>
      %dma_wait3A_76 = tpu.memref_squeeze %dma_wait3A_75 : memref<1x128xi32, #tpu.memory_space<vmem>> -> memref<128xi32, #tpu.memory_space<vmem>>
      %dma_wait3A_77 = arith.constant 0 : i32
      %dma_wait3A_78 = arith.constant 0 : i32
      %dma_wait3A_79 = tpu.memref_slice %arg2[%dma_wait3A_77, %dma_wait3A_78] : memref<10000x128xf32, #tpu.memory_space<hbm>> -> memref<10000x128xf32, #tpu.memory_space<hbm>>
      tpu.wait_indirect_dma semaphore(%arg14 : memref<!tpu.dma_semaphore, #tpu.memory_space<semaphore_mem>>) src(%dma_wait3A_79 : memref<10000x128xf32, #tpu.memory_space<hbm>>) dst(%arg11 : memref<128x128xf32, #tpu.memory_space<vmem>>)
      %scan3A_80 = arith.constant 0 : i32
      %scan3A_81 = arith.constant 128 : i32
      %scan3A_82 = arith.addi %scan3A_80, %scan3A_81 : i32
      %scan3A_83 = arith.constant 1 : i32
      scf.for %scan3A_94 = %scan3A_80 to %scan3A_82 step %scan3A_83  : i32 {
        %mul3A_95 = arith.constant 1 : i32
        %mul3A_96 = arith.muli %scan3A_94, %mul3A_95 : i32
        %add3A_97 = arith.constant 0 : i32
        %add3A_98 = arith.addi %add3A_97, %mul3A_96 : i32
        %get3A = arith.index_cast %add3A_98 : i32 to index
        %get3A_99 = arith.constant 0 : index
        %get3A_100 = tpu.vector_load %arg9[%get3A, %get3A_99] {strides = array<i32>} : memref<128x128xf32, #tpu.memory_space<vmem>>, vector<1x16xf32>,
        %get3A_101 = vector.shape_cast %get3A_100 : vector<1x16xf32> to vector<16xf32>
        %get3A_102 = arith.index_cast %add3A_98 : i32 to index
        %get3A_103 = arith.constant 0 : index
        %get3A_104 = tpu.vector_load %arg11[%get3A_102, %get3A_103] {strides = array<i32>} : memref<128x128xf32, #tpu.memory_space<vmem>>, vector<1x16xf32>,
        %get3A_105 = vector.shape_cast %get3A_104 : vector<1x16xf32> to vector<16xf32>
        %mul3A_106 = arith.mulf %get3A_101, %get3A_105 : vector<16xf32>
        %get3A_107 = arith.index_cast %add3A_98 : i32 to index
        %get3A_108 = arith.constant 16 : index
        %get3A_109 = tpu.vector_load %arg9[%get3A_107, %get3A_108] {strides = array<i32>} : memref<128x128xf32, #tpu.memory_space<vmem>>, vector<1x16xf32>,
        %get3A_110 = vector.shape_cast %get3A_109 : vector<1x16xf32> to vector<16xf32>
        %get3A_111 = arith.index_cast %add3A_98 : i32 to index
        %get3A_112 = arith.constant 16 : index
        %get3A_113 = tpu.vector_load %arg11[%get3A_111, %get3A_112] {strides = array<i32>} : memref<128x128xf32, #tpu.memory_space<vmem>>, vector<1x16xf32>,
        %get3A_114 = vector.shape_cast %get3A_113 : vector<1x16xf32> to vector<16xf32>
        %mul3A_115 = arith.mulf %get3A_110, %get3A_114 : vector<16xf32>
        %add3A_116 = arith.addf %mul3A_106, %mul3A_115 : vector<16xf32>
        %get3A_117 = arith.index_cast %add3A_98 : i32 to index
        %get3A_118 = arith.constant 32 : index
        %get3A_119 = tpu.vector_load %arg9[%get3A_117, %get3A_118] {strides = array<i32>} : memref<128x128xf32, #tpu.memory_space<vmem>>, vector<1x16xf32>,
        %get3A_120 = vector.shape_cast %get3A_119 : vector<1x16xf32> to vector<16xf32>
        %get3A_121 = arith.index_cast %add3A_98 : i32 to index
        %get3A_122 = arith.constant 32 : index
        %get3A_123 = tpu.vector_load %arg11[%get3A_121, %get3A_122] {strides = array<i32>} : memref<128x128xf32, #tpu.memory_space<vmem>>, vector<1x16xf32>,
        %get3A_124 = vector.shape_cast %get3A_123 : vector<1x16xf32> to vector<16xf32>
        %mul3A_125 = arith.mulf %get3A_120, %get3A_124 : vector<16xf32>
        %add3A_126 = arith.addf %add3A_116, %mul3A_125 : vector<16xf32>
        %get3A_127 = arith.index_cast %add3A_98 : i32 to index
        %get3A_128 = arith.constant 48 : index
        %get3A_129 = tpu.vector_load %arg9[%get3A_127, %get3A_128] {strides = array<i32>} : memref<128x128xf32, #tpu.memory_space<vmem>>, vector<1x16xf32>,
        %get3A_130 = vector.shape_cast %get3A_129 : vector<1x16xf32> to vector<16xf32>
        %get3A_131 = arith.index_cast %add3A_98 : i32 to index
        %get3A_132 = arith.constant 48 : index
        %get3A_133 = tpu.vector_load %arg11[%get3A_131, %get3A_132] {strides = array<i32>} : memref<128x128xf32, #tpu.memory_space<vmem>>, vector<1x16xf32>,
        %get3A_134 = vector.shape_cast %get3A_133 : vector<1x16xf32> to vector<16xf32>
        %mul3A_135 = arith.mulf %get3A_130, %get3A_134 : vector<16xf32>
        %add3A_136 = arith.addf %add3A_126, %mul3A_135 : vector<16xf32>
        %get3A_137 = arith.index_cast %add3A_98 : i32 to index
        %get3A_138 = arith.constant 64 : index
        %get3A_139 = tpu.vector_load %arg9[%get3A_137, %get3A_138] {strides = array<i32>} : memref<128x128xf32, #tpu.memory_space<vmem>>, vector<1x16xf32>,
        %get3A_140 = vector.shape_cast %get3A_139 : vector<1x16xf32> to vector<16xf32>
        %get3A_141 = arith.index_cast %add3A_98 : i32 to index
        %get3A_142 = arith.constant 64 : index
        %get3A_143 = tpu.vector_load %arg11[%get3A_141, %get3A_142] {strides = array<i32>} : memref<128x128xf32, #tpu.memory_space<vmem>>, vector<1x16xf32>,
        %get3A_144 = vector.shape_cast %get3A_143 : vector<1x16xf32> to vector<16xf32>
        %mul3A_145 = arith.mulf %get3A_140, %get3A_144 : vector<16xf32>
        %add3A_146 = arith.addf %add3A_136, %mul3A_145 : vector<16xf32>
        %get3A_147 = arith.index_cast %add3A_98 : i32 to index
        %get3A_148 = arith.constant 80 : index
        %get3A_149 = tpu.vector_load %arg9[%get3A_147, %get3A_148] {strides = array<i32>} : memref<128x128xf32, #tpu.memory_space<vmem>>, vector<1x16xf32>,
        %get3A_150 = vector.shape_cast %get3A_149 : vector<1x16xf32> to vector<16xf32>
        %get3A_151 = arith.index_cast %add3A_98 : i32 to index
        %get3A_152 = arith.constant 80 : index
        %get3A_153 = tpu.vector_load %arg11[%get3A_151, %get3A_152] {strides = array<i32>} : memref<128x128xf32, #tpu.memory_space<vmem>>, vector<1x16xf32>,
        %get3A_154 = vector.shape_cast %get3A_153 : vector<1x16xf32> to vector<16xf32>
        %mul3A_155 = arith.mulf %get3A_150, %get3A_154 : vector<16xf32>
        %add3A_156 = arith.addf %add3A_146, %mul3A_155 : vector<16xf32>
        %get3A_157 = arith.index_cast %add3A_98 : i32 to index
        %get3A_158 = arith.constant 96 : index
        %get3A_159 = tpu.vector_load %arg9[%get3A_157, %get3A_158] {strides = array<i32>} : memref<128x128xf32, #tpu.memory_space<vmem>>, vector<1x16xf32>,
        %get3A_160 = vector.shape_cast %get3A_159 : vector<1x16xf32> to vector<16xf32>
        %get3A_161 = arith.index_cast %add3A_98 : i32 to index
        %get3A_162 = arith.constant 96 : index
        %get3A_163 = tpu.vector_load %arg11[%get3A_161, %get3A_162] {strides = array<i32>} : memref<128x128xf32, #tpu.memory_space<vmem>>, vector<1x16xf32>,
        %get3A_164 = vector.shape_cast %get3A_163 : vector<1x16xf32> to vector<16xf32>
        %mul3A_165 = arith.mulf %get3A_160, %get3A_164 : vector<16xf32>
        %add3A_166 = arith.addf %add3A_156, %mul3A_165 : vector<16xf32>
        %get3A_167 = arith.index_cast %add3A_98 : i32 to index
        %get3A_168 = arith.constant 112 : index
        %get3A_169 = tpu.vector_load %arg9[%get3A_167, %get3A_168] {strides = array<i32>} : memref<128x128xf32, #tpu.memory_space<vmem>>, vector<1x16xf32>,
        %get3A_170 = vector.shape_cast %get3A_169 : vector<1x16xf32> to vector<16xf32>
        %get3A_171 = arith.index_cast %add3A_98 : i32 to index
        %get3A_172 = arith.constant 112 : index
        %get3A_173 = tpu.vector_load %arg11[%get3A_171, %get3A_172] {strides = array<i32>} : memref<128x128xf32, #tpu.memory_space<vmem>>, vector<1x16xf32>,
        %get3A_174 = vector.shape_cast %get3A_173 : vector<1x16xf32> to vector<16xf32>
        %mul3A_175 = arith.mulf %get3A_170, %get3A_174 : vector<16xf32>
        %add3A_176 = arith.addf %add3A_166, %mul3A_175 : vector<16xf32>
        %swap3A = arith.index_cast %add3A_98 : i32 to index
        %swap3A_177 = arith.constant 0 : index
        %swap3A_178 = tpu.vector_load %arg12[%swap3A, %swap3A_177] {strides = array<i32>} : memref<128x16xf32, #tpu.memory_space<vmem>>, vector<1x16xf32>,
        %swap3A_179 = vector.shape_cast %swap3A_178 : vector<1x16xf32> to vector<16xf32>
        %swap3A_180 = vector.shape_cast %add3A_176 : vector<16xf32> to vector<1x16xf32>
        tpu.vector_store %arg12[%swap3A, %swap3A_177], %swap3A_180 {strides = array<i32>} : memref<128x16xf32, #tpu.memory_space<vmem>>, vector<1x16xf32>,
      }
      %scan3A_84 = arith.constant 128 : i32
      %add3A_85 = arith.addi %mul3A_2, %add3A_67 : i32
      %mul3A_86 = arith.constant 128 : i32
      %mul3A_87 = arith.muli %add3A_85, %mul3A_86 : i32
      %multiple_of3A_88 = tpu.assume_multiple %mul3A_87, 8 : i32
      "tpu.region"() ({
        %run_scoped3A = tpu.sem_alloc : memref<!tpu.dma_semaphore, #tpu.memory_space<semaphore_mem>>
        %dma_start3A_94 = arith.constant 0 : i32
        %dma_start3A_95 = tpu.memref_slice %arg5[%multiple_of3A_88, %dma_start3A_94] : memref<229376x16xf32, #tpu.memory_space<hbm>> -> memref<128x16xf32, #tpu.memory_space<hbm>>
        %dma_start3A_96 = arith.constant 0 : i32
        %dma_start3A_97 = tpu.memref_slice %arg5[%multiple_of3A_88, %dma_start3A_96] : memref<229376x16xf32, #tpu.memory_space<hbm>> -> memref<128x16xf32, #tpu.memory_space<hbm>>
        tpu.enqueue_dma source(%arg12 : memref<128x16xf32, #tpu.memory_space<vmem>>) target(%dma_start3A_97 : memref<128x16xf32, #tpu.memory_space<hbm>>) target_semaphore(%run_scoped3A : memref<!tpu.dma_semaphore, #tpu.memory_space<semaphore_mem>>)
        %dma_wait3A_98 = arith.constant 0 : i32
        %dma_wait3A_99 = tpu.memref_slice %arg5[%multiple_of3A_88, %dma_wait3A_98] : memref<229376x16xf32, #tpu.memory_space<hbm>> -> memref<128x16xf32, #tpu.memory_space<hbm>>
        %dma_wait3A_100 = arith.constant 0 : i32
        %dma_wait3A_101 = tpu.memref_slice %arg5[%multiple_of3A_88, %dma_wait3A_100] : memref<229376x16xf32, #tpu.memory_space<hbm>> -> memref<128x16xf32, #tpu.memory_space<hbm>>
        tpu.wait_dma2 semaphore(%run_scoped3A : memref<!tpu.dma_semaphore, #tpu.memory_space<semaphore_mem>>) src(%arg12 : memref<128x16xf32, #tpu.memory_space<vmem>>) dst(%dma_wait3A_101 : memref<128x16xf32, #tpu.memory_space<hbm>>)
        tpu.yield
      }) : () -> ()
      %lt3A_89 = arith.constant 27 : i32
      %lt3A_90 = arith.cmpi slt, %add3A_38, %lt3A_89 : i32
      %convert_element_type3A_91 = arith.extui %lt3A_90 : i1 to i32
      %cond3A_92 = arith.constant 0 : i32
      %cond3A_93 = arith.cmpi ne, %convert_element_type3A_91, %cond3A_92 : i32
      scf.if %cond3A_93 {
        %add3A_94 = arith.constant 2 : i32
        %add3A_95 = arith.addi %add3A_67, %add3A_94 : i32
        %dma_start3A_96 = arith.constant 0 : i32
        %dma_start3A_97 = tpu.memref_slice %arg6[%add3A_95, %dma_start3A_96] : memref<56x128xi32, #tpu.memory_space<vmem>> -> memref<1x128xi32, #tpu.memory_space<vmem>>
        %dma_start3A_98 = tpu.memref_squeeze %dma_start3A_97 : memref<1x128xi32, #tpu.memory_space<vmem>> -> memref<128xi32, #tpu.memory_space<vmem>>
        %dma_start3A_99 = arith.constant 0 : i32
        %dma_start3A_100 = arith.constant 0 : i32
        %dma_start3A_101 = tpu.memref_slice %arg2[%dma_start3A_99, %dma_start3A_100] : memref<10000x128xf32, #tpu.memory_space<hbm>> -> memref<10000x128xf32, #tpu.memory_space<hbm>>
        tpu.enqueue_indirect_dma source(%dma_start3A_101 : memref<10000x128xf32, #tpu.memory_space<hbm>>) target(%arg9 : memref<128x128xf32, #tpu.memory_space<vmem>>) offsets(%dma_start3A_98 : memref<128xi32, #tpu.memory_space<vmem>>) semaphore(%arg14 : memref<!tpu.dma_semaphore, #tpu.memory_space<semaphore_mem>>)
        %add3A_102 = arith.constant 2 : i32
        %add3A_103 = arith.addi %add3A_67, %add3A_102 : i32
        %dma_start3A_104 = arith.constant 0 : i32
        %dma_start3A_105 = tpu.memref_slice %arg7[%add3A_103, %dma_start3A_104] : memref<56x128xi32, #tpu.memory_space<vmem>> -> memref<1x128xi32, #tpu.memory_space<vmem>>
        %dma_start3A_106 = tpu.memref_squeeze %dma_start3A_105 : memref<1x128xi32, #tpu.memory_space<vmem>> -> memref<128xi32, #tpu.memory_space<vmem>>
        %dma_start3A_107 = arith.constant 0 : i32
        %dma_start3A_108 = arith.constant 0 : i32
        %dma_start3A_109 = tpu.memref_slice %arg2[%dma_start3A_107, %dma_start3A_108] : memref<10000x128xf32, #tpu.memory_space<hbm>> -> memref<10000x128xf32, #tpu.memory_space<hbm>>
        tpu.enqueue_indirect_dma source(%dma_start3A_109 : memref<10000x128xf32, #tpu.memory_space<hbm>>) target(%arg11 : memref<128x128xf32, #tpu.memory_space<vmem>>) offsets(%dma_start3A_106 : memref<128xi32, #tpu.memory_space<vmem>>) semaphore(%arg14 : memref<!tpu.dma_semaphore, #tpu.memory_space<semaphore_mem>>)
      } else {
      }
    }
    %scan3A_33 = arith.constant 28 : i32
    return
  }
}

module attributes {stable_mosaic.version = 14 : i64} {
  func.func @_ka2_body(%arg0: i32, %arg1: memref<2000x128xf32, #tpu.memory_space<vmem>>, %arg2: memref<2000x128xf32, #tpu.memory_space<vmem>>, %arg3: memref<2000x128xf32, #tpu.memory_space<vmem>>, %arg4: memref<2000x128xf32, #tpu.memory_space<vmem>>) attributes {dimension_semantics = [#tpu.dimension_semantics<arbitrary>], iteration_bounds = array<i64: 5>, scalar_prefetch = 0 : i64, scratch_operands = 0 : i64, tpu.core_type = #tpu.core_type<tc>, window_params = [{transform_indices = @transform_0, window_bounds = array<i64: 2000, 128>}, {transform_indices = @transform_1, window_bounds = array<i64: 2000, 128>}, {transform_indices = @transform_2, window_bounds = array<i64: 2000, 128>}, {transform_indices = @transform_3, window_bounds = array<i64: 2000, 128>}]} {
    %get3A = arith.constant 0 : index
    %get3A_0 = arith.constant 0 : index
    %get3A_1 = vector.load %arg2[%get3A, %get3A_0] : memref<2000x128xf32, #tpu.memory_space<vmem>>, vector<2000x1xf32>
    %get3A_2 = arith.constant 0 : index
    %get3A_3 = arith.constant 0 : index
    %get3A_4 = vector.load %arg3[%get3A_2, %get3A_3] : memref<2000x128xf32, #tpu.memory_space<vmem>>, vector<2000x1xf32>
    %add3A = arith.addf %get3A_1, %get3A_4 : vector<2000x1xf32>
    %add3A_5 = arith.constant 1.000000e+00 : f32
    %add3A_6 = vector.broadcast %add3A_5 : f32 to vector<2000x1xf32>
    %add3A_7 = arith.addf %add3A, %add3A_6 : vector<2000x1xf32>
    %get3A_8 = arith.constant 0 : index
    %get3A_9 = arith.constant 0 : index
    %get3A_10 = vector.load %arg1[%get3A_8, %get3A_9] : memref<2000x128xf32, #tpu.memory_space<vmem>>, vector<2000x128xf32>
    %rsqrt3A = math.rsqrt %add3A_7 : vector<2000x1xf32>
    %mul3A = vector.broadcast %rsqrt3A : vector<2000x1xf32> to vector<2000x128xf32>
    %mul3A_11 = arith.mulf %get3A_10, %mul3A : vector<2000x128xf32>
    %swap3A = arith.constant 0 : index
    %swap3A_12 = arith.constant 0 : index
    %swap3A_13 = vector.load %arg4[%swap3A, %swap3A_12] : memref<2000x128xf32, #tpu.memory_space<vmem>>, vector<2000x128xf32>
    tpu.vector_store %arg4[%swap3A, %swap3A_12], %mul3A_11 {strides = array<i32>} : memref<2000x128xf32, #tpu.memory_space<vmem>>, vector<2000x128xf32>,
    return
  }
  func.func @transform_0(%arg0: i32) -> (i32, i32) {
    %c0_i32 = arith.constant 0 : i32
    %c0_i32_0 = arith.constant 0 : i32
    return %arg0, %c0_i32 : i32, i32
  }
  func.func @transform_1(%arg0: i32) -> (i32, i32) {
    %c0_i32 = arith.constant 0 : i32
    %c0_i32_0 = arith.constant 0 : i32
    return %arg0, %c0_i32 : i32, i32
  }
  func.func @transform_2(%arg0: i32) -> (i32, i32) {
    %add3A = arith.constant 5 : i32
    %add3A_0 = arith.addi %arg0, %add3A : i32
    %c0_i32 = arith.constant 0 : i32
    %c0_i32_1 = arith.constant 0 : i32
    return %add3A_0, %c0_i32 : i32, i32
  }
  func.func @transform_3(%arg0: i32) -> (i32, i32) {
    %c0_i32 = arith.constant 0 : i32
    %c0_i32_0 = arith.constant 0 : i32
    return %arg0, %c0_i32 : i32, i32
  }
}

module attributes {stable_mosaic.version = 14 : i64} {
  func.func @_ka1_body(%arg0: i32, %arg1: memref<2000x128xf32, #tpu.memory_space<vmem>>, %arg2: memref<128x128xf32, #tpu.memory_space<vmem>>, %arg3: memref<2000x128xf32, #tpu.memory_space<vmem>>) attributes {dimension_semantics = [#tpu.dimension_semantics<arbitrary>], iteration_bounds = array<i64: 5>, scalar_prefetch = 0 : i64, scratch_operands = 0 : i64, tpu.core_type = #tpu.core_type<tc>, window_params = [{transform_indices = @transform_0, window_bounds = array<i64: 2000, 128>}, {pipeline_mode = #tpu.pipeline_mode<synchronous>, transform_indices = @transform_1, window_bounds = array<i64: 128, 128>}, {transform_indices = @transform_2, window_bounds = array<i64: 2000, 128>}]} {
    %get3A = arith.constant 0 : index
    %get3A_0 = arith.constant 0 : index
    %get3A_1 = vector.load %arg1[%get3A, %get3A_0] : memref<2000x128xf32, #tpu.memory_space<vmem>>, vector<2000x128xf32>
    %get3A_2 = arith.constant 0 : index
    %get3A_3 = arith.constant 0 : index
    %get3A_4 = vector.load %arg2[%get3A_2, %get3A_3] : memref<128x128xf32, #tpu.memory_space<vmem>>, vector<128x128xf32>
    %dot_general3A = arith.constant dense<0.000000e+00> : vector<2000x128xf32>
    %dot_general3A_5 = tpu.matmul %get3A_1, %get3A_4, %dot_general3A {dimension_numbers = #tpu.dot_dimension_numbers<[1], [0], [0], [1], [0, 0, 1, 1], [], []>, transpose_lhs_hint = false} : vector<2000x128xf32>, vector<128x128xf32>, vector<2000x128xf32> -> vector<2000x128xf32>
    %swap3A = arith.constant 0 : index
    %swap3A_6 = arith.constant 0 : index
    %swap3A_7 = vector.load %arg3[%swap3A, %swap3A_6] : memref<2000x128xf32, #tpu.memory_space<vmem>>, vector<2000x128xf32>
    tpu.vector_store %arg3[%swap3A, %swap3A_6], %dot_general3A_5 {strides = array<i32>} : memref<2000x128xf32, #tpu.memory_space<vmem>>, vector<2000x128xf32>,
    return
  }
  func.func @transform_0(%arg0: i32) -> (i32, i32) {
    %c0_i32 = arith.constant 0 : i32
    %c0_i32_0 = arith.constant 0 : i32
    return %arg0, %c0_i32 : i32, i32
  }
  func.func @transform_1(%arg0: i32) -> (i32, i32) {
    %c0_i32 = arith.constant 0 : i32
    %c0_i32_0 = arith.constant 0 : i32
    %c0_i32_1 = arith.constant 0 : i32
    return %c0_i32, %c0_i32_0 : i32, i32
  }
  func.func @transform_2(%arg0: i32) -> (i32, i32) {
    %c0_i32 = arith.constant 0 : i32
    %c0_i32_0 = arith.constant 0 : i32
    return %arg0, %c0_i32 : i32, i32
  }
}

module attributes {stable_mosaic.version = 14 : i64} {
  func.func @_kb_body(%arg0: i32, %arg1: memref<2000x128xf32, #tpu.memory_space<vmem>>, %arg2: memref<2000x128xf32, #tpu.memory_space<vmem>>, %arg3: memref<2000x128xf32, #tpu.memory_space<vmem>>, %arg4: memref<2000x128xf32, #tpu.memory_space<vmem>>, %arg5: memref<1x128xf32, #tpu.memory_space<vmem>>, %arg6: memref<128x128xf32, #tpu.memory_space<vmem>>, %arg7: memref<2000x128xf32, #tpu.memory_space<vmem>>) attributes {dimension_semantics = [#tpu.dimension_semantics<arbitrary>], iteration_bounds = array<i64: 5>, scalar_prefetch = 0 : i64, scratch_operands = 0 : i64, tpu.core_type = #tpu.core_type<tc>, window_params = [{transform_indices = @transform_0, window_bounds = array<i64: 2000, 128>}, {transform_indices = @transform_1, window_bounds = array<i64: 2000, 128>}, {transform_indices = @transform_2, window_bounds = array<i64: 2000, 128>}, {transform_indices = @transform_3, window_bounds = array<i64: 2000, 128>}, {pipeline_mode = #tpu.pipeline_mode<synchronous>, transform_indices = @transform_4, window_bounds = array<i64: 1, 128>}, {pipeline_mode = #tpu.pipeline_mode<synchronous>, transform_indices = @transform_5, window_bounds = array<i64: 128, 128>}, {transform_indices = @transform_6, window_bounds = array<i64: 2000, 128>}]} {
    %get3A = arith.constant 0 : index
    %get3A_0 = arith.constant 0 : index
    %get3A_1 = vector.load %arg3[%get3A, %get3A_0] : memref<2000x128xf32, #tpu.memory_space<vmem>>, vector<2000x1xf32>
    %get3A_2 = arith.constant 0 : index
    %get3A_3 = arith.constant 0 : index
    %get3A_4 = vector.load %arg4[%get3A_2, %get3A_3] : memref<2000x128xf32, #tpu.memory_space<vmem>>, vector<2000x1xf32>
    %add3A = arith.addf %get3A_1, %get3A_4 : vector<2000x1xf32>
    %add3A_5 = arith.constant 1.000000e+00 : f32
    %add3A_6 = vector.broadcast %add3A_5 : f32 to vector<2000x1xf32>
    %add3A_7 = arith.addf %add3A, %add3A_6 : vector<2000x1xf32>
    %rsqrt3A = math.rsqrt %add3A_7 : vector<2000x1xf32>
    %get3A_8 = arith.constant 0 : index
    %get3A_9 = arith.constant 0 : index
    %get3A_10 = vector.load %arg1[%get3A_8, %get3A_9] : memref<2000x128xf32, #tpu.memory_space<vmem>>, vector<2000x128xf32>
    %get3A_11 = arith.constant 0 : index
    %get3A_12 = arith.constant 0 : index
    %get3A_13 = vector.load %arg2[%get3A_11, %get3A_12] : memref<2000x128xf32, #tpu.memory_space<vmem>>, vector<2000x128xf32>
    %add3A_14 = arith.addf %get3A_10, %get3A_13 : vector<2000x128xf32>
    %mul3A = vector.broadcast %rsqrt3A : vector<2000x1xf32> to vector<2000x128xf32>
    %mul3A_15 = arith.mulf %add3A_14, %mul3A : vector<2000x128xf32>
    %get3A_16 = arith.constant 0 : index
    %get3A_17 = arith.constant 0 : index
    %get3A_18 = vector.load %arg5[%get3A_16, %get3A_17] : memref<1x128xf32, #tpu.memory_space<vmem>>, vector<1x128xf32>
    %add3A_19 = vector.broadcast %get3A_18 : vector<1x128xf32> to vector<2000x128xf32>
    %add3A_20 = arith.addf %mul3A_15, %add3A_19 : vector<2000x128xf32>
    %max3A = arith.constant 0.000000e+00 : f32
    %max3A_21 = vector.broadcast %max3A : f32 to vector<2000x128xf32>
    %max3A_22 = arith.maximumf %add3A_20, %max3A_21 : vector<2000x128xf32>
    %get3A_23 = arith.constant 0 : index
    %get3A_24 = arith.constant 0 : index
    %get3A_25 = vector.load %arg6[%get3A_23, %get3A_24] : memref<128x128xf32, #tpu.memory_space<vmem>>, vector<128x128xf32>
    %dot_general3A = arith.constant dense<0.000000e+00> : vector<2000x128xf32>
    %dot_general3A_26 = tpu.matmul %max3A_22, %get3A_25, %dot_general3A {dimension_numbers = #tpu.dot_dimension_numbers<[1], [0], [0], [1], [0, 0, 1, 1], [], []>, transpose_lhs_hint = false} : vector<2000x128xf32>, vector<128x128xf32>, vector<2000x128xf32> -> vector<2000x128xf32>
    %mul3A_27 = vector.broadcast %rsqrt3A : vector<2000x1xf32> to vector<2000x128xf32>
    %mul3A_28 = arith.mulf %dot_general3A_26, %mul3A_27 : vector<2000x128xf32>
    %swap3A = arith.constant 0 : index
    %swap3A_29 = arith.constant 0 : index
    %swap3A_30 = vector.load %arg7[%swap3A, %swap3A_29] : memref<2000x128xf32, #tpu.memory_space<vmem>>, vector<2000x128xf32>
    tpu.vector_store %arg7[%swap3A, %swap3A_29], %mul3A_28 {strides = array<i32>} : memref<2000x128xf32, #tpu.memory_space<vmem>>, vector<2000x128xf32>,
    return
  }
  func.func @transform_0(%arg0: i32) -> (i32, i32) {
    %c0_i32 = arith.constant 0 : i32
    %c0_i32_0 = arith.constant 0 : i32
    return %arg0, %c0_i32 : i32, i32
  }
  func.func @transform_1(%arg0: i32) -> (i32, i32) {
    %add3A = arith.constant 5 : i32
    %add3A_0 = arith.addi %arg0, %add3A : i32
    %c0_i32 = arith.constant 0 : i32
    %c0_i32_1 = arith.constant 0 : i32
    return %add3A_0, %c0_i32 : i32, i32
  }
  func.func @transform_2(%arg0: i32) -> (i32, i32) {
    %c0_i32 = arith.constant 0 : i32
    %c0_i32_0 = arith.constant 0 : i32
    return %arg0, %c0_i32 : i32, i32
  }
  func.func @transform_3(%arg0: i32) -> (i32, i32) {
    %add3A = arith.constant 5 : i32
    %add3A_0 = arith.addi %arg0, %add3A : i32
    %c0_i32 = arith.constant 0 : i32
    %c0_i32_1 = arith.constant 0 : i32
    return %add3A_0, %c0_i32 : i32, i32
  }
  func.func @transform_4(%arg0: i32) -> (i32, i32) {
    %c0_i32 = arith.constant 0 : i32
    %c0_i32_0 = arith.constant 0 : i32
    %c0_i32_1 = arith.constant 0 : i32
    return %c0_i32, %c0_i32_0 : i32, i32
  }
  func.func @transform_5(%arg0: i32) -> (i32, i32) {
    %c0_i32 = arith.constant 0 : i32
    %c0_i32_0 = arith.constant 0 : i32
    %c0_i32_1 = arith.constant 0 : i32
    return %c0_i32, %c0_i32_0 : i32, i32
  }
  func.func @transform_6(%arg0: i32) -> (i32, i32) {
    %c0_i32 = arith.constant 0 : i32
    %c0_i32_0 = arith.constant 0 : i32
    return %arg0, %c0_i32 : i32, i32
  }
}

module attributes {stable_mosaic.version = 14 : i64} {
  func.func @_kc_body(%arg0: i32, %arg1: memref<2000x128xf32, #tpu.memory_space<vmem>>, %arg2: memref<2000x128xf32, #tpu.memory_space<vmem>>, %arg3: memref<2000x128xf32, #tpu.memory_space<vmem>>, %arg4: memref<2000x128xf32, #tpu.memory_space<vmem>>, %arg5: memref<1x128xf32, #tpu.memory_space<vmem>>, %arg6: memref<2000x128xf32, #tpu.memory_space<vmem>>) attributes {dimension_semantics = [#tpu.dimension_semantics<arbitrary>], iteration_bounds = array<i64: 5>, scalar_prefetch = 0 : i64, scratch_operands = 0 : i64, tpu.core_type = #tpu.core_type<tc>, window_params = [{transform_indices = @transform_0, window_bounds = array<i64: 2000, 128>}, {transform_indices = @transform_1, window_bounds = array<i64: 2000, 128>}, {transform_indices = @transform_2, window_bounds = array<i64: 2000, 128>}, {transform_indices = @transform_3, window_bounds = array<i64: 2000, 128>}, {pipeline_mode = #tpu.pipeline_mode<synchronous>, transform_indices = @transform_4, window_bounds = array<i64: 1, 128>}, {transform_indices = @transform_5, window_bounds = array<i64: 2000, 128>}]} {
    %get3A = arith.constant 0 : index
    %get3A_0 = arith.constant 0 : index
    %get3A_1 = vector.load %arg3[%get3A, %get3A_0] : memref<2000x128xf32, #tpu.memory_space<vmem>>, vector<2000x1xf32>
    %get3A_2 = arith.constant 0 : index
    %get3A_3 = arith.constant 0 : index
    %get3A_4 = vector.load %arg4[%get3A_2, %get3A_3] : memref<2000x128xf32, #tpu.memory_space<vmem>>, vector<2000x1xf32>
    %add3A = arith.addf %get3A_1, %get3A_4 : vector<2000x1xf32>
    %add3A_5 = arith.constant 1.000000e+00 : f32
    %add3A_6 = vector.broadcast %add3A_5 : f32 to vector<2000x1xf32>
    %add3A_7 = arith.addf %add3A, %add3A_6 : vector<2000x1xf32>
    %rsqrt3A = math.rsqrt %add3A_7 : vector<2000x1xf32>
    %get3A_8 = arith.constant 0 : index
    %get3A_9 = arith.constant 0 : index
    %get3A_10 = vector.load %arg1[%get3A_8, %get3A_9] : memref<2000x128xf32, #tpu.memory_space<vmem>>, vector<2000x128xf32>
    %get3A_11 = arith.constant 0 : index
    %get3A_12 = arith.constant 0 : index
    %get3A_13 = vector.load %arg2[%get3A_11, %get3A_12] : memref<2000x128xf32, #tpu.memory_space<vmem>>, vector<2000x128xf32>
    %add3A_14 = arith.addf %get3A_10, %get3A_13 : vector<2000x128xf32>
    %mul3A = vector.broadcast %rsqrt3A : vector<2000x1xf32> to vector<2000x128xf32>
    %mul3A_15 = arith.mulf %add3A_14, %mul3A : vector<2000x128xf32>
    %get3A_16 = arith.constant 0 : index
    %get3A_17 = arith.constant 0 : index
    %get3A_18 = vector.load %arg5[%get3A_16, %get3A_17] : memref<1x128xf32, #tpu.memory_space<vmem>>, vector<1x128xf32>
    %add3A_19 = vector.broadcast %get3A_18 : vector<1x128xf32> to vector<2000x128xf32>
    %add3A_20 = arith.addf %mul3A_15, %add3A_19 : vector<2000x128xf32>
    %swap3A = arith.constant 0 : index
    %swap3A_21 = arith.constant 0 : index
    %swap3A_22 = vector.load %arg6[%swap3A, %swap3A_21] : memref<2000x128xf32, #tpu.memory_space<vmem>>, vector<2000x128xf32>
    tpu.vector_store %arg6[%swap3A, %swap3A_21], %add3A_20 {strides = array<i32>} : memref<2000x128xf32, #tpu.memory_space<vmem>>, vector<2000x128xf32>,
    return
  }
  func.func @transform_0(%arg0: i32) -> (i32, i32) {
    %c0_i32 = arith.constant 0 : i32
    %c0_i32_0 = arith.constant 0 : i32
    return %arg0, %c0_i32 : i32, i32
  }
  func.func @transform_1(%arg0: i32) -> (i32, i32) {
    %add3A = arith.constant 5 : i32
    %add3A_0 = arith.addi %arg0, %add3A : i32
    %c0_i32 = arith.constant 0 : i32
    %c0_i32_1 = arith.constant 0 : i32
    return %add3A_0, %c0_i32 : i32, i32
  }
  func.func @transform_2(%arg0: i32) -> (i32, i32) {
    %c0_i32 = arith.constant 0 : i32
    %c0_i32_0 = arith.constant 0 : i32
    return %arg0, %c0_i32 : i32, i32
  }
  func.func @transform_3(%arg0: i32) -> (i32, i32) {
    %add3A = arith.constant 5 : i32
    %add3A_0 = arith.addi %arg0, %add3A : i32
    %c0_i32 = arith.constant 0 : i32
    %c0_i32_1 = arith.constant 0 : i32
    return %add3A_0, %c0_i32 : i32, i32
  }
  func.func @transform_4(%arg0: i32) -> (i32, i32) {
    %c0_i32 = arith.constant 0 : i32
    %c0_i32_0 = arith.constant 0 : i32
    %c0_i32_1 = arith.constant 0 : i32
    return %c0_i32, %c0_i32_0 : i32, i32
  }
  func.func @transform_5(%arg0: i32) -> (i32, i32) {
    %c0_i32 = arith.constant 0 : i32
    %c0_i32_0 = arith.constant 0 : i32
    return %arg0, %c0_i32 : i32, i32
  }
}

module attributes {stable_mosaic.version = 14 : i64} {
  func.func @_kd_body(%arg0: i32, %arg1: memref<7168x16xf32, #tpu.memory_space<vmem>>, %arg2: memref<7168x1xf32, #tpu.memory_space<vmem>>) attributes {dimension_semantics = [#tpu.dimension_semantics<arbitrary>], iteration_bounds = array<i64: 32>, scalar_prefetch = 0 : i64, scratch_operands = 0 : i64, tpu.core_type = #tpu.core_type<tc>, window_params = [{transform_indices = @transform_0, window_bounds = array<i64: 7168, 16>}, {transform_indices = @transform_1, window_bounds = array<i64: 7168, 1>}]} {
    %get3A = arith.constant 0 : index
    %get3A_0 = arith.constant 0 : index
    %get3A_1 = vector.load %arg1[%get3A, %get3A_0] : memref<7168x16xf32, #tpu.memory_space<vmem>>, vector<7168x16xf32>
    %reduce_sum3A = arith.constant dense<0.000000e+00> : vector<7168xf32>
    %reduce_sum3A_2 = vector.multi_reduction <add>, %get3A_1, %reduce_sum3A [1] : vector<7168x16xf32> to vector<7168xf32>
    %broadcast_in_dim3A = vector.shape_cast %reduce_sum3A_2 : vector<7168xf32> to vector<7168x1xf32>
    %swap3A = arith.constant 0 : index
    %swap3A_3 = arith.constant 0 : index
    %swap3A_4 = vector.load %arg2[%swap3A, %swap3A_3] : memref<7168x1xf32, #tpu.memory_space<vmem>>, vector<7168x1xf32>
    tpu.vector_store %arg2[%swap3A, %swap3A_3], %broadcast_in_dim3A {strides = array<i32>} : memref<7168x1xf32, #tpu.memory_space<vmem>>, vector<7168x1xf32>,
    return
  }
  func.func @transform_0(%arg0: i32) -> (i32, i32) {
    %c0_i32 = arith.constant 0 : i32
    %c0_i32_0 = arith.constant 0 : i32
    return %arg0, %c0_i32 : i32, i32
  }
  func.func @transform_1(%arg0: i32) -> (i32, i32) {
    %c0_i32 = arith.constant 0 : i32
    %c0_i32_0 = arith.constant 0 : i32
    return %arg0, %c0_i32 : i32, i32
  }
}

</mosaic_0001>

<sc_bundles>
// kernel: kernel.11.cloned.1.call-start
scs
__scs_entry_jumppad:
0x0: {  	(pc) =	sbr.rel $0x88, $3  }
0x1: {  	(tag) =	ssettag $0x0;
	lr =	simm.s32 $0x1  }
0x2: {  	[smem:$0x3F9A] =	sst lr;
	_ =	strace $0xD0000000  }
0x3: {  	_ = 	snop  }
0x4: {  	_ = 	snop  }
0x5: {  	_ = 	snop  }
0x6: {  	_ = 	snop  }
0x7: {  	_ = 	snop  }
__scs_overlays_trampoline_lowered:
0x8: {  	[smem:$0x3FA9] =	sst s0  }
0x9: {  	[smem:$0x3FAA] =	sst s1  }
0xa: {  	[smem:$0x3FAB] =	sst s2  }
0xb: {  	[smem:$0x3FAC] =	sst s3  }
0xc: {  	[smem:$0x3FAD] =	sst s4  }
0xd: {  	[smem:$0x3FAE] =	sst s5  }
0xe: {  	[smem:$0x3FAF] =	sst s6  }
0xf: {  	[smem:$0x3FB0] =	sst s7  }
0x10: {  	[smem:$0x3FB1] =	sst s8  }
0x11: {  	[smem:$0x3FB2] =	sst s9;
	s0 =	simm.s32 @!p0 $0x0  }
0x12: {  	s1 =	sld [smem:$0x3F98];
	s0 =	simm.s32 @p0 $0x1  }
0x13: {  	[smem:$0x3FB3] =	sst s0;
	s0 =	simm.s32 @!p1 $0x0  }
0x14: {  	s2 =	sld [smem:$0x3F97];
	s0 =	simm.s32 @p1 $0x1  }
0x15: {  	[smem:$0x3FB4] =	sst s0;
	s0 =	simm.s32 @!p2 $0x0  }
0x16: {  	s3 =	sld [smem:$0x3FDB];
	s0 =	simm.s32 @p2 $0x1  }
0x17: {  	s4 =	simm.s32 $0x1BF5;
	[smem:$0x3FB6] =	sst s0  }
0x18: {  	s0 =	sld [smem:$0x3F99];
	_ =	swait.ge [sflag:s4], $0x0  }
0x19: {  	s7 =	sld [smem:$0x3F9A]  }
0x1a: {  	s8 =	sadd.s32 $0xFFFFE003, lr  }
0x1b: {  	s9 =	sadd.s32 $0xFFFFFEF7, lr;
	s5 =	simm.s32 $0xFFFFFFFF;
	p2 =	slt.u32 s8, $0xFFFFF086  }
0x1c: {  	p1 =	slt.u32 s9, $0xF7A;
	s5 =	simm.s32 @!p2 $0x0  }
0x1d: {  	s5 =	simm.s32 @p1 $0x1;
	p0 =	seq.s32 s7, s2  }
0x1e: {  	s7 =	smul.u32 @!p0 $0xF7A, s2;
	p2 =	seq.s32 @!p0 s5, $0x0  }
0x1f: {  	s9 =	smul.u32 $0xF7A, s1;
	s8 =	simm.s32 @!p0 $0x1BF5;
	p2 =	por !p2, p0  }
0x20: {  	[sflag:s8] =	ssyncset.s32 @!p0 $0xFFFFF086;
	s6 =	sadd.s32 @!p0 s3, s7;
	s7 =	simm.s32 @!p0 $0x108  }
0x21: {  	s3 =	sadd.s32 s3, s9;
	s6 =	sadd.s32 @!p0 $0x88, s6;
	s7 =	simm.s32 @p2 $0x1082  }
0x22: {  	[simem:s7], [sflag:s8] =	dma.local @!p0 [hbm:s6], $0xF7A  }
0x23: {  	s9 =	sor.u32 $0xD0000000, s2;
	s6 =	simm.s32 $0x108;
	_ =	swait.ge @!p0 [sflag:s8], $0x0  }
0x24: {  	s3 =	sadd.s32 $0x88, s3;
	s6 =	simm.s32 @!p1 $0x1082;
	[sflag:s4] =	ssyncset.s32 $0xFFFFF086  }
0x25: {  	[simem:s6], [sflag:s4] =	dma.local [hbm:s3], $0xF7A  }
0x26: {  	[smem:$0x3F9A] =	sst s1;
	(tag) =	ssettag s2;
	_ =	strace s9  }
0x27: {  	s1 =	sld [smem:$0x3FAA]  }
0x28: {  	s2 =	sld [smem:$0x3FAB]  }
0x29: {  	s4 =	sld [smem:$0x3FAD]  }
0x2a: {  	p0 =	seq.s32 s5, $0x0;
	s5 =	sld [smem:$0x3FAE]  }
0x2b: {  	s6 =	sld [smem:$0x3FAF]  }
0x2c: {  	s7 =	sld [smem:$0x3FB0]  }
0x2d: {  	s3 =	simm.s32 $0x108;
	s8 =	sld [smem:$0x3FB1]  }
0x2e: {  	s3 =	simm.s32 @!p0 $0x1082;
	s9 =	sld [smem:$0x3FB2]  }
0x2f: {  	lr =	sadd.s32 s0, s3;
	s0 =	sld [smem:$0x3FA9]  }
0x30: {  	s3 =	sld [smem:$0x3FAC]  }
0x31: {  	[smem:$0x3FB5] =	sst s10  }
0x32: {  	s10 =	sld [smem:$0x3FB3];
	_ =	sdelay $0x3  }
0x33: {  	p0 =	seq.s32 s10, $0x1;
	s10 =	sld [smem:$0x3FB5];
	_ =	sdelay $0x3  }
0x34: {  	[smem:$0x3FB5] =	sst s10  }
0x35: {  	s10 =	sld [smem:$0x3FB4];
	_ =	sdelay $0x3  }
0x36: {  	p1 =	seq.s32 s10, $0x1;
	s10 =	sld [smem:$0x3FB5];
	_ =	sdelay $0x3  }
0x37: {  	[smem:$0x3FB5] =	sst s10  }
0x38: {  	s10 =	sld [smem:$0x3FB6]  }
0x39: {  	_ = 	snop;
	(pc) =	sbr.ind lr, $3  }
0x3a: {  	_ = 	snop  }
0x3b: {  	_ = 	snop  }
0x3c: {  	p2 =	seq.s32 s10, $0x1;
	s10 =	sld [smem:$0x3FB5]  }
0x3d: {  	_ =	shalt  }
0x3e: {  	_ =	shalt  }
0x3f: {  	_ =	shalt  }
0x40: {  	_ =	shalt  }
0x41: {  	_ =	shalt  }
0x42: {  	_ =	shalt  }
0x43: {  	_ =	shalt  }
0x44: {  	_ =	shalt  }
0x45: {  	_ =	shalt  }
0x46: {  	_ =	shalt  }
0x47: {  	_ =	shalt  }
0x48: {  	_ =	shalt  }
0x49: {  	_ =	shalt  }
0x4a: {  	_ =	shalt  }
0x4b: {  	_ =	shalt  }
0x4c: {  	_ =	shalt  }
0x4d: {  	_ =	shalt  }
0x4e: {  	_ =	shalt  }
0x4f: {  	_ =	shalt  }
0x50: {  	_ =	shalt  }
0x51: {  	_ =	shalt  }
0x52: {  	_ =	shalt  }
0x53: {  	_ =	shalt  }
0x54: {  	_ =	shalt  }
0x55: {  	_ =	shalt  }
0x56: {  	_ =	shalt  }
0x57: {  	_ =	shalt  }
0x58: {  	_ =	shalt  }
0x59: {  	_ =	shalt  }
0x5a: {  	_ =	shalt  }
0x5b: {  	_ =	shalt  }
0x5c: {  	_ =	shalt  }
0x5d: {  	_ =	shalt  }
0x5e: {  	_ =	shalt  }
0x5f: {  	_ =	shalt  }
0x60: {  	_ =	shalt  }
0x61: {  	_ =	shalt  }
0x62: {  	_ =	shalt  }
0x63: {  	_ =	shalt  }
0x64: {  	_ =	shalt  }
0x65: {  	_ =	shalt  }
0x66: {  	_ =	shalt  }
0x67: {  	_ =	shalt  }
0x68: {  	_ =	shalt  }
0x69: {  	_ =	shalt  }
0x6a: {  	_ =	shalt  }
0x6b: {  	_ =	shalt  }
0x6c: {  	_ =	shalt  }
0x6d: {  	_ =	shalt  }
0x6e: {  	_ =	shalt  }
0x6f: {  	_ =	shalt  }
0x70: {  	_ =	shalt  }
0x71: {  	_ =	shalt  }
0x72: {  	_ =	shalt  }
0x73: {  	_ =	shalt  }
0x74: {  	_ =	shalt  }
0x75: {  	_ =	shalt  }
0x76: {  	_ =	shalt  }
0x77: {  	_ =	shalt  }
0x78: {  	_ =	shalt  }
0x79: {  	_ =	shalt  }
0x7a: {  	_ =	shalt  }
0x7b: {  	_ =	shalt  }
0x7c: {  	_ =	shalt  }
0x7d: {  	_ =	shalt  }
0x7e: {  	_ =	shalt  }
0x7f: {  	_ =	shalt  }
0x80: {  	_ =	shalt  }
0x81: {  	_ =	shalt  }
0x82: {  	_ =	shalt  }
0x83: {  	_ =	shalt  }
0x84: {  	_ =	shalt  }
0x85: {  	_ =	shalt  }
0x86: {  	_ =	shalt  }
0x87: {  	_ =	shalt  }
.Lfunc_end0:
.L_simem_size_0:
called_computation_lowered:
.L_overlay_start_0:
0x88: {  	s2 =	sld [smem:$0x3FD9]  }
0x89: {  	s3 =	sld [smem:$0x3FFE];
	_ =	sdelay $0x1  }
0x8a: {  	s1 =	srdreg.scid  }
0x8b: {  	s0 =	sand.u32 $0x1, s1  }
0x8c: {  	s17 =	sshll.u32 s0, $0xA;
	s2 =	sadd.s32 s3, s2  }
0x8d: {  	s2 =	sadd.s32 s2, s17  }
0x8e: {  	[smem:$0x3FC1] =	sst s2  }
0x8f: {  	_ = 	snop  }
0x90: {  	s2 =	sld [smem:$0x3FD0];
	(tm) =	ssettm $0x1  }
0x91: {  	s18 =	sld [smem:$0x3FFB];
	_ =	sdelay $0x3  }
0x92: {  	_ =	strace s18  }
0x93: {  	s3 =	sld [smem:$0x3FFC];
	_ =	sdelay $0x3  }
0x94: {  	_ =	strace s3  }
0x95: {  	s3 =	sld [smem:$0x3FFD];
	_ =	sdelay $0x3  }
0x96: {  	_ =	strace s3  }
0x97: {  	_ =	strace $0x8FFFFFFF  }
0x98: {  	s19 =	sld [smem:$0x3FDB];
	_ =	sdelay $0x1  }
0x99: {  	s4 =	simm.s32 $_scs_section_size  }
0x9a: {  	s5 =	simm.s32 $_size__tile_overlayer_lowered;
	s6 =	simm.s32 $_tile_overlayer_lowered  }
0x9b: {  	s22 =	simm.s32 $0x1BFF;
	s21 =	sshll.u32 s6, $0x1;
	s3 =	sadd.s32 s4, s19  }
0x9c: {  	s7 =	simm.s32 $0x0;
	s20 =	sshll.u32 s5, $0x1;
	s5 =	sadd.s32 s21, s3  }
0x9d: {  	[timem:s7], [sflag:s22] =	dma.local [hbm:s5], s20  }
0x9e: {  	_ =	swait.ge [sflag:s22], s20  }
0x9f: {  	s4 =	ssub.s32 $0x0, s20;
	[sflag:s22] =	ssyncset.done $0x0  }
0xa0: {  	[sflag:s22] =	ssyncadd.s32 s4;
	_ =	sdelay $0x1  }
0xa1: {  	s23 =	simm.s32 $0x1B8B  }
0xa2: {  	_ =	swait.ge [sflag:s23], $0x1  }
0xa3: {  	[sflag:s23] =	ssyncset.done $0x0  }
0xa4: {  	s25 =	simm.s32 $0x1B8E;
	s24 =	sld [smem:$0x3FFE];
	[sflag:s23] =	ssyncadd.s32 $0xFFFFFFFF  }
0xa5: {  	s26 =	simm.s32 $execute0_lowered;
	[smem:$0x3FD2] =	sst s25  }
0xa6: {  	s5 =	sshll.u32 s26, $0x1;
	_ =	strace $0x80000046;
	[dreg:$0x1] =	wrdreg $0xFFFFFFFF  }
0xa7: {  	s28 =	simm.s32 $_size_execute0_lowered;
	s3 =	sadd.s32 s3, s5;
	[dreg:$0x0] =	wrdreg $0x0  }
0xa8: {  	s5 =	sshll.u32 s28, $0x1;
	[dreg:$0x2] =	wrdreg s3  }
0xa9: {  	[dreg:$0x3] =	wrdreg s5  }
0xaa: {  	[dreg:$0x4] =	wrdreg $0xC0  }
0xab: {  	_ =	task [dreg:s7], $0x5FFFF  }
0xac: {  	[dreg:$0x1] =	wrdreg $0xFFFFFFFF  }
0xad: {  	[dreg:$0x0] =	wrdreg $0x60  }
0xae: {  	[dreg:$0x2] =	wrdreg s24  }
0xaf: {  	[dreg:$0x3] =	wrdreg s2  }
0xb0: {  	[dreg:$0x4] =	wrdreg $0x68000  }
0xb1: {  	[dreg:$0x5] =	wrdreg $0x9  }
0xb2: {  	_ =	task.clear_ibuf [dreg:s7], $0x6FFFF;
	_ =	strace $0x90000046  }
0xb3: {  	s29 =	simm.s32 $0x9;
	_ =	strace $0x80000048  }
0xb4: {  	_ =	swait.ge [sflag:s29], $0x1  }
0xb5: {  	[sflag:s29] =	ssyncadd.s32 $0xFFFFFFFF  }
0xb6: {  	_ =	strace $0x90000048  }
0xb7: {  	_ =	sfence  }
0xb8: {  	s30 =	sld [smem:$0x0];
	_ =	sdelay $0x2  }
0xb9: {  	s31 =	sshll.u32 s1, $0xD;
	s1 =	sshrl.u32 s1, $0x2  }
0xba: {  	s3 =	sand.u32 $0x4000, s31;
	s1 =	sadd.s32 s1, s30  }
0xbb: {  	s0 =	sor.u32 s3, s0;
	s1 =	sshll.u32 s1, $0x11  }
0xbc: {  	s0 =	sor.u32 s1, s0  }
0xbd: {  	s0 =	sadd.s32 $0x8F2B, s0  }
0xbe: {  	[sflag:s0] =	ssyncadd.remote.s32 $0x1  }
0xbf: {  	_ =	sfence.sel $0xFFFF  }
0xc0: {  	[dreg:$0x0] =	wrdreg $0xFFFFFFFF;
	(pc) =	sbr.abs _section_cstart, $3  }
0xc1: {  	[dreg:$0x1] =	wrdreg $0xFFFFFFFF  }
0xc2: {  	_ =	task.clear_ibuf [dreg:s7], $0x2FFFF;
	_ =	strace $0x9FFFFFFF  }
0xc3: {  	(tm) =	ssettm $0x7FFFFFFF  }
tec
execute0_lowered:
.L_overlay_start_1:
0x0: {  	(tag) =	ssettag $0x1  }
0x1: {  	s8 =	rddreg [dreg:$0x0]  }
0x2: {  	s1 =	srdreg.scid;
	s2 =	rddreg [dreg:$0x1]  }
0x3: {  	s0 =	stileid.u32;
	s3 =	rddreg [dreg:$0x2];
	s4 =	simm.s32 $0x0  }
0x4: {  	s18 =	simm.s32 $0x80;
	s19 =	simm.s32 $0x100;
	s20 =	simm.s32 $0x180  }
0x5: {  	s21 =	simm.s32 $0x1;
	s22 =	simm.s32 $0x2;
	s23 =	simm.s32 $0x3  }
0x6: {  	s24 =	simm.s32 $0x4;
	s9 =	sand.u32 $0x1, s1;
	s1 =	rddreg [dreg:$0x3]  }
0x7: {  	s25 =	simm.s32 $0x0;
	s26 =	sshll.u32 s0, $0x1;
	[smem:$0x7FF] =	sst s4  }
0x8: {  	s11 =	smul.u32 $0x4E000, s0;
	s12 =	sadd.s32 $0x3CC00, s8;
	s17 =	sadd.s32 $0x138800, s3  }
0x9: {  	s28 =	smul.u32 $0x2700, s0;
	s14 =	sadd.s32 $0x124800, s3;
	p0 =	seq.s32 s0, $0xF  }
0xa: {  	s5 =	sor.u32 s9, s26;
	_ =	strace $0x80000047;
	s30 =	smul.u32 $0x138800, s9  }
0xb: {  	s7 =	ssub.s32 $0x2, s9;
	s9 =	smul.u32 $0x27100, s9;
	s14 =	sshrl.u32 @p0 s14, $0x3  }
0xc: {  	p1 =	seq.s32 @!p0 s0, $0x0;
	s15 =	sshll.u32 @!p0 s0, $0x6;
	s5 =	smul.u32 $0x500, s5  }
0xd: {  	s10 =	sshrl.u32 s7, $0x1;
	s29 =	sshrl.u32 s11, $0x2;
	s15 =	sor.u32 @!p0 $0x1C05, s15  }
0xe: {  	p1 =	por !p1, p0;
	s13 =	ssub.s32 s7, s10;
	s16 =	sadd.s32 s29, s3  }
0xf: {  	s11 =	sshrl.u32 s30, $0x3;
	s9 =	sadd.s32 s28, s9;
	s17 =	sshrl.u32 @!p1 s17, $0x3  }
0x10: {  	s6 =	sadd.s32 s5, s8;
	s5 =	sadd.s32 $0x15A00, s8;
	s8 =	sadd.s32 $0x3A300, s8  }
0x11: {  	s31 =	sadd.s32 s12, s11;
	s9 =	sadd.s32 s12, s9;
	s11 =	smax.u32 s13, $0x1  }
0x12: {  	s12 =	simm.s32 $0x5;
	s13 =	simm.s32 $0x2800;
	s16 =	sshrl.u32 @!p0 s16, $0x3  }
0x13: {  	s6 =	sadd.s32 $0x1A00, s6;
	s7 =	sadd.s32 s5, s28;
	s10 =	sadd.s32 $0x24900, s31  }
.LBB2_1:
0x14: {  	[tilespmem:s4], [sflag:$0x5] =	stream.linear.gather [hbm4b:s6+s4], $0x2800, $0x38;
	[tilespmem:$0x1B080] =	vst v63  }
0x15: {  	_ =	swait.ge [sflag:s12], $0x2800  }
0x16: {  	[sflag:s12] =	ssyncset.done $0x0  }
0x17: {  	[sflag:s12] =	ssyncadd.s32 $0xFFFFD800  }
0x18: {  	[tilespmem:s13], [sflag:$0x5] =	stream.linear.gather [hbm4b:s2+s4], $0x4000, $0x38;
	[tilespmem:$0x1B080] =	vst v63  }
0x19: {  	_ =	swait.ge [sflag:s12], $0x4000  }
0x1a: {  	[sflag:s12] =	ssyncset.done $0x0  }
0x1b: {  	s26 =	simm.s32 @p0 $0x1FC5;
	[sflag:s12] =	ssyncadd.s32 $0xFFFFC000  }
0x1c: {  	[spmem:s14], [sflag:s26] =	dma.local @p0 [hbm:s8], $0x2800  }
0x1d: {  	s26 =	simm.s32 @p0 $0x5  }
0x1e: {  	_ =	swait.ge @p0 [sflag:s26], $0x2800  }
0x1f: {  	[sflag:s26] =	ssyncset.done @p0 $0x0  }
0x20: {  	[sflag:s26] =	ssyncadd.s32 @p0 $0xFFFFD800;
	s26 =	simm.s32 @!p0 $0x5  }
0x21: {  	[spmem:s16], [sflag:s15] =	dma.local @!p0 [hbm:s7], $0x2700  }
0x22: {  	_ =	swait.ge @!p0 [sflag:s26], $0x2700  }
0x23: {  	[sflag:s26] =	ssyncset.done @!p0 $0x0  }
0x24: {  	[sflag:s26] =	ssyncadd.s32 @!p0 $0xFFFFD900;
	s26 =	simm.s32 @!p1 $0x1C05  }
0x25: {  	[spmem:s17], [sflag:s26] =	dma.local @!p1 [hbm:s5], $0x2000  }
0x26: {  	s26 =	simm.s32 @!p1 $0x5  }
0x27: {  	_ =	swait.ge @!p1 [sflag:s26], $0x2000  }
0x28: {  	[sflag:s26] =	ssyncset.done @!p1 $0x0  }
0x29: {  	[sflag:s26] =	ssyncadd.s32 @!p1 $0xFFFFE000  }
0x2a: {  	[bflag:$0x0] =	sbarrier.arrive $0xFFFF  }
0x2b: {  	[spmem:s3] =	stream.indirect.scatter.add.f32 [tilespmem:s13], [sflag:$0x1], $0x80, s4, s18, $0xb8;
	[tilespmem:$0x1B080] =	vst v63  }
0x2c: {  	_ = 	snop  }
0x2d: {  	[spmem:s3] =	stream.indirect.scatter.add.f32 [tilespmem:s13], [sflag:$0x2], $0x80, s18, s18, $0xb8;
	[tilespmem:$0x1B080] =	vst v63  }
0x2e: {  	_ = 	snop  }
0x2f: {  	[spmem:s3] =	stream.indirect.scatter.add.f32 [tilespmem:s13], [sflag:$0x3], $0x80, s19, s18, $0xb8;
	[tilespmem:$0x1B080] =	vst v63  }
0x30: {  	_ = 	snop  }
0x31: {  	[spmem:s3] =	stream.indirect.scatter.add.f32 [tilespmem:s13], [sflag:$0x4], $0x80, s20, s18, $0xb8;
	[tilespmem:$0x1B080] =	vst v63  }
0x32: {  	_ =	swait.ge [sflag:s21], $0x4000  }
0x33: {  	[sflag:s21] =	ssyncset.done $0x0  }
0x34: {  	s29 =	simm.s32 $0x200;
	[sflag:s21] =	ssyncadd.s32 $0xFFFFC000  }
0x35: {  	[spmem:s3] =	stream.indirect.scatter.add.f32 [tilespmem:s13], [sflag:$0x1], $0x80, s29, s18, $0xb8;
	[tilespmem:$0x1B080] =	vst v63  }
0x36: {  	_ =	swait.ge [sflag:s22], $0x4000  }
0x37: {  	[sflag:s22] =	ssyncset.done $0x0  }
0x38: {  	s30 =	simm.s32 $0x280;
	[sflag:s22] =	ssyncadd.s32 $0xFFFFC000  }
0x39: {  	[spmem:s3] =	stream.indirect.scatter.add.f32 [tilespmem:s13], [sflag:$0x2], $0x80, s30, s18, $0xb8;
	[tilespmem:$0x1B080] =	vst v63  }
0x3a: {  	_ =	swait.ge [sflag:s23], $0x4000  }
0x3b: {  	[sflag:s23] =	ssyncset.done $0x0  }
0x3c: {  	s31 =	simm.s32 $0x300;
	[sflag:s23] =	ssyncadd.s32 $0xFFFFC000  }
0x3d: {  	[spmem:s3] =	stream.indirect.scatter.add.f32 [tilespmem:s13], [sflag:$0x3], $0x80, s31, s18, $0xb8;
	[tilespmem:$0x1B080] =	vst v63  }
0x3e: {  	_ =	swait.ge [sflag:s24], $0x4000  }
0x3f: {  	[sflag:s24] =	ssyncset.done $0x0  }
0x40: {  	s28 =	simm.s32 $0x380;
	s26 =	simm.s32 $0xFFFF7000;
	[sflag:s24] =	ssyncadd.s32 $0xFFFFC000  }
.LBB2_2:
0x41: {  	[spmem:s3] =	stream.indirect.scatter.add.f32 [tilespmem:s13], [sflag:$0x4], $0x80, s28, s18, $0xb8;
	[tilespmem:$0x1B080] =	vst v63  }
0x42: {  	s28 =	smov.u32 s26  }
0x43: {  	p2 =	sne.s32 s26, $0xFFFFF800;
	s26 =	sadd.s32 $0x800, s26;
	_ =	swait.ge [sflag:s21], $0x4000  }
0x44: {  	s28 =	sshra.s32 s28, $0x2;
	[sflag:s21] =	ssyncset.done $0x0  }
0x45: {  	s29 =	sadd.s32 $0x2800, s28;
	[sflag:s21] =	ssyncadd.s32 $0xFFFFC000  }
0x46: {  	[spmem:s3] =	stream.indirect.scatter.add.f32 [tilespmem:s13], [sflag:$0x1], $0x80, s29, s18, $0xb8;
	[tilespmem:$0x1B080] =	vst v63  }
0x47: {  	_ =	swait.ge [sflag:s22], $0x4000  }
0x48: {  	[sflag:s22] =	ssyncset.done $0x0  }
0x49: {  	s29 =	sadd.s32 $0x2880, s28;
	[sflag:s22] =	ssyncadd.s32 $0xFFFFC000  }
0x4a: {  	[spmem:s3] =	stream.indirect.scatter.add.f32 [tilespmem:s13], [sflag:$0x2], $0x80, s29, s18, $0xb8;
	[tilespmem:$0x1B080] =	vst v63  }
0x4b: {  	_ =	swait.ge [sflag:s23], $0x4000  }
0x4c: {  	[sflag:s23] =	ssyncset.done $0x0  }
.Ltmp0:
0x4d: {  	s29 =	sadd.s32 $0x2900, s28;
	[sflag:s23] =	ssyncadd.s32 $0xFFFFC000;
	(pc) =	sbr.rel @p2 .LBB2_2-.Ltmp0, $4  }
0x4e: {  	[spmem:s3] =	stream.indirect.scatter.add.f32 [tilespmem:s13], [sflag:$0x3], $0x80, s29, s18, $0xb8;
	[tilespmem:$0x1B080] =	vst v63  }
0x4f: {  	_ =	swait.ge [sflag:s24], $0x4000  }
0x50: {  	[sflag:s24] =	ssyncset.done $0x0  }
0x51: {  	s28 =	sadd.s32 $0x2980, s28;
	[sflag:s24] =	ssyncadd.s32 $0xFFFFC000  }
0x52: {  	[spmem:s3] =	stream.indirect.scatter.add.f32 [tilespmem:s13], [sflag:$0x4], $0x80, s28, s18, $0xb8;
	[tilespmem:$0x1B080] =	vst v63  }
0x53: {  	_ =	swait.ge [sflag:s21], $0x4000  }
0x54: {  	[sflag:s21] =	ssyncset.done $0x0  }
0x55: {  	[sflag:s21] =	ssyncadd.s32 $0xFFFFC000  }
0x56: {  	_ =	swait.ge [sflag:s22], $0x4000  }
0x57: {  	[sflag:s22] =	ssyncset.done $0x0  }
0x58: {  	[sflag:s22] =	ssyncadd.s32 $0xFFFFC000  }
0x59: {  	_ =	swait.ge [sflag:s23], $0x4000  }
0x5a: {  	[sflag:s23] =	ssyncset.done $0x0  }
0x5b: {  	[sflag:s23] =	ssyncadd.s32 $0xFFFFC000  }
0x5c: {  	_ =	swait.ge [sflag:s24], $0x4000  }
0x5d: {  	[sflag:s24] =	ssyncset.done $0x0  }
0x5e: {  	[sflag:s24] =	ssyncadd.s32 $0xFFFFC000  }
0x5f: {  	s26 =	simm.s32 @p0 $0x1FC5;
	[bflag:$0x0] =	sbarrier.arrive $0xFFFF  }
0x60: {  	[hbm:s10], [sflag:s26] =	dma.local @p0 [spmem:s14], $0x2800  }
0x61: {  	s26 =	simm.s32 @p0 $0x5  }
0x62: {  	s25 =	sadd.s32 $0x1, s25;
	_ =	swait.ge @p0 [sflag:s26], $0x2800  }
0x63: {  	p2 =	sne.s32 s25, s11;
	[sflag:s26] =	ssyncset.done @p0 $0x0  }
.Ltmp1:
0x64: {  	[sflag:s26] =	ssyncadd.s32 @p0 $0xFFFFD800;
	s26 =	simm.s32 @!p0 $0x5;
	(pc) =	sbr.rel @p2 .LBB2_1-.Ltmp1, $4  }
0x65: {  	[hbm:s9], [sflag:s15] =	dma.local @!p0 [spmem:s16], $0x2700  }
0x66: {  	_ =	swait.ge @!p0 [sflag:s26], $0x2700  }
0x67: {  	[sflag:s26] =	ssyncset.done @!p0 $0x0  }
0x68: {  	[sflag:s26] =	ssyncadd.s32 @!p0 $0xFFFFD900  }
0x69: {  	_ =	sfence.sel $0x180000  }
0x6a: {  	[bflag:$0x0] =	sbarrier.arrive $0xFFFF  }
0x6b: {  	p0 =	sne.s32 s0, $0x0;
	_ =	strace $0x90000047  }
0x6c: {  	s0 =	sadd.s32 @!p0 $0x100000, s1;
	[bflag:$0x2] =	sbarrier.arrive $0xFFFF  }
0x6d: {  	[sflag:s0] =	ssyncadd.tile.s32 @!p0 $0x1;
	_ =	shalt  }
.Lfunc_end2:
_tile_overlayer_lowered:
.L_overlay_start_2:
0x6e: {  	(tag) =	ssettag $0x2  }
0x6f: {  	s0 =	rddreg [dreg:$0x0];
	s2 =	stileid.u32  }
0x70: {  	s1 =	rddreg [dreg:$0x1];
	p0 =	sne.s32 s2, $0x0  }
0x71: {  	s3 =	rddreg [dreg:$0x2];
	[bflag:$0x3] =	sbarrier.arrive $0xFFFF;
	s2 =	simm.s32 @!p0 $0x1C05  }
0x72: {  	[timem:s3], [sflag:s2] =	dma.local @!p0 [hbm:s0], s1  }
0x73: {  	s0 =	simm.s32 @!p0 $0x5  }
0x74: {  	_ =	swait.ge @!p0 [sflag:s0], s1  }
0x75: {  	s1 =	ssub.s32 @!p0 $0x0, s1;
	[sflag:s0] =	ssyncset.done @!p0 $0x0  }
0x76: {  	[sflag:s0] =	ssyncadd.s32 @!p0 s1  }
0x77: {  	[bflag:$0x3] =	sbarrier.arrive $0xFFFF  }
0x78: {  	_ =	shalt  }

// kernel: kernel.14.cloned.1.call-start
scs
__scs_entry_jumppad:
0x0: {  	(pc) =	sbr.rel $0x88, $3  }
0x1: {  	(tag) =	ssettag $0x0;
	lr =	simm.s32 $0x1  }
0x2: {  	[smem:$0x3F9A] =	sst lr;
	_ =	strace $0xD0000000  }
0x3: {  	_ = 	snop  }
0x4: {  	_ = 	snop  }
0x5: {  	_ = 	snop  }
0x6: {  	_ = 	snop  }
0x7: {  	_ = 	snop  }
__scs_overlays_trampoline_lowered:
0x8: {  	[smem:$0x3FA9] =	sst s0  }
0x9: {  	[smem:$0x3FAA] =	sst s1  }
0xa: {  	[smem:$0x3FAB] =	sst s2  }
0xb: {  	[smem:$0x3FAC] =	sst s3  }
0xc: {  	[smem:$0x3FAD] =	sst s4  }
0xd: {  	[smem:$0x3FAE] =	sst s5  }
0xe: {  	[smem:$0x3FAF] =	sst s6  }
0xf: {  	[smem:$0x3FB0] =	sst s7  }
0x10: {  	[smem:$0x3FB1] =	sst s8  }
0x11: {  	[smem:$0x3FB2] =	sst s9;
	s0 =	simm.s32 @!p0 $0x0  }
0x12: {  	s1 =	sld [smem:$0x3F98];
	s0 =	simm.s32 @p0 $0x1  }
0x13: {  	[smem:$0x3FB3] =	sst s0;
	s0 =	simm.s32 @!p1 $0x0  }
0x14: {  	s2 =	sld [smem:$0x3F97];
	s0 =	simm.s32 @p1 $0x1  }
0x15: {  	[smem:$0x3FB4] =	sst s0;
	s0 =	simm.s32 @!p2 $0x0  }
0x16: {  	s3 =	sld [smem:$0x3FDB];
	s0 =	simm.s32 @p2 $0x1  }
0x17: {  	s4 =	simm.s32 $0x1BF5;
	[smem:$0x3FB6] =	sst s0  }
0x18: {  	s0 =	sld [smem:$0x3F99];
	_ =	swait.ge [sflag:s4], $0x0  }
0x19: {  	s7 =	sld [smem:$0x3F9A]  }
0x1a: {  	s8 =	sadd.s32 $0xFFFFE003, lr  }
0x1b: {  	s9 =	sadd.s32 $0xFFFFFEF7, lr;
	s5 =	simm.s32 $0xFFFFFFFF;
	p2 =	slt.u32 s8, $0xFFFFF086  }
0x1c: {  	p1 =	slt.u32 s9, $0xF7A;
	s5 =	simm.s32 @!p2 $0x0  }
0x1d: {  	s5 =	simm.s32 @p1 $0x1;
	p0 =	seq.s32 s7, s2  }
0x1e: {  	s7 =	smul.u32 @!p0 $0xF7A, s2;
	p2 =	seq.s32 @!p0 s5, $0x0  }
0x1f: {  	s9 =	smul.u32 $0xF7A, s1;
	s8 =	simm.s32 @!p0 $0x1BF5;
	p2 =	por !p2, p0  }
0x20: {  	[sflag:s8] =	ssyncset.s32 @!p0 $0xFFFFF086;
	s6 =	sadd.s32 @!p0 s3, s7;
	s7 =	simm.s32 @!p0 $0x108  }
0x21: {  	s3 =	sadd.s32 s3, s9;
	s6 =	sadd.s32 @!p0 $0x88, s6;
	s7 =	simm.s32 @p2 $0x1082  }
0x22: {  	[simem:s7], [sflag:s8] =	dma.local @!p0 [hbm:s6], $0xF7A  }
0x23: {  	s9 =	sor.u32 $0xD0000000, s2;
	s6 =	simm.s32 $0x108;
	_ =	swait.ge @!p0 [sflag:s8], $0x0  }
0x24: {  	s3 =	sadd.s32 $0x88, s3;
	s6 =	simm.s32 @!p1 $0x1082;
	[sflag:s4] =	ssyncset.s32 $0xFFFFF086  }
0x25: {  	[simem:s6], [sflag:s4] =	dma.local [hbm:s3], $0xF7A  }
0x26: {  	[smem:$0x3F9A] =	sst s1;
	(tag) =	ssettag s2;
	_ =	strace s9  }
0x27: {  	s1 =	sld [smem:$0x3FAA]  }
0x28: {  	s2 =	sld [smem:$0x3FAB]  }
0x29: {  	s4 =	sld [smem:$0x3FAD]  }
0x2a: {  	p0 =	seq.s32 s5, $0x0;
	s5 =	sld [smem:$0x3FAE]  }
0x2b: {  	s6 =	sld [smem:$0x3FAF]  }
0x2c: {  	s7 =	sld [smem:$0x3FB0]  }
0x2d: {  	s3 =	simm.s32 $0x108;
	s8 =	sld [smem:$0x3FB1]  }
0x2e: {  	s3 =	simm.s32 @!p0 $0x1082;
	s9 =	sld [smem:$0x3FB2]  }
0x2f: {  	lr =	sadd.s32 s0, s3;
	s0 =	sld [smem:$0x3FA9]  }
0x30: {  	s3 =	sld [smem:$0x3FAC]  }
0x31: {  	[smem:$0x3FB5] =	sst s10  }
0x32: {  	s10 =	sld [smem:$0x3FB3];
	_ =	sdelay $0x3  }
0x33: {  	p0 =	seq.s32 s10, $0x1;
	s10 =	sld [smem:$0x3FB5];
	_ =	sdelay $0x3  }
0x34: {  	[smem:$0x3FB5] =	sst s10  }
0x35: {  	s10 =	sld [smem:$0x3FB4];
	_ =	sdelay $0x3  }
0x36: {  	p1 =	seq.s32 s10, $0x1;
	s10 =	sld [smem:$0x3FB5];
	_ =	sdelay $0x3  }
0x37: {  	[smem:$0x3FB5] =	sst s10  }
0x38: {  	s10 =	sld [smem:$0x3FB6]  }
0x39: {  	_ = 	snop;
	(pc) =	sbr.ind lr, $3  }
0x3a: {  	_ = 	snop  }
0x3b: {  	_ = 	snop  }
0x3c: {  	p2 =	seq.s32 s10, $0x1;
	s10 =	sld [smem:$0x3FB5]  }
0x3d: {  	_ =	shalt  }
0x3e: {  	_ =	shalt  }
0x3f: {  	_ =	shalt  }
0x40: {  	_ =	shalt  }
0x41: {  	_ =	shalt  }
0x42: {  	_ =	shalt  }
0x43: {  	_ =	shalt  }
0x44: {  	_ =	shalt  }
0x45: {  	_ =	shalt  }
0x46: {  	_ =	shalt  }
0x47: {  	_ =	shalt  }
0x48: {  	_ =	shalt  }
0x49: {  	_ =	shalt  }
0x4a: {  	_ =	shalt  }
0x4b: {  	_ =	shalt  }
0x4c: {  	_ =	shalt  }
0x4d: {  	_ =	shalt  }
0x4e: {  	_ =	shalt  }
0x4f: {  	_ =	shalt  }
0x50: {  	_ =	shalt  }
0x51: {  	_ =	shalt  }
0x52: {  	_ =	shalt  }
0x53: {  	_ =	shalt  }
0x54: {  	_ =	shalt  }
0x55: {  	_ =	shalt  }
0x56: {  	_ =	shalt  }
0x57: {  	_ =	shalt  }
0x58: {  	_ =	shalt  }
0x59: {  	_ =	shalt  }
0x5a: {  	_ =	shalt  }
0x5b: {  	_ =	shalt  }
0x5c: {  	_ =	shalt  }
0x5d: {  	_ =	shalt  }
0x5e: {  	_ =	shalt  }
0x5f: {  	_ =	shalt  }
0x60: {  	_ =	shalt  }
0x61: {  	_ =	shalt  }
0x62: {  	_ =	shalt  }
0x63: {  	_ =	shalt  }
0x64: {  	_ =	shalt  }
0x65: {  	_ =	shalt  }
0x66: {  	_ =	shalt  }
0x67: {  	_ =	shalt  }
0x68: {  	_ =	shalt  }
0x69: {  	_ =	shalt  }
0x6a: {  	_ =	shalt  }
0x6b: {  	_ =	shalt  }
0x6c: {  	_ =	shalt  }
0x6d: {  	_ =	shalt  }
0x6e: {  	_ =	shalt  }
0x6f: {  	_ =	shalt  }
0x70: {  	_ =	shalt  }
0x71: {  	_ =	shalt  }
0x72: {  	_ =	shalt  }
0x73: {  	_ =	shalt  }
0x74: {  	_ =	shalt  }
0x75: {  	_ =	shalt  }
0x76: {  	_ =	shalt  }
0x77: {  	_ =	shalt  }
0x78: {  	_ =	shalt  }
0x79: {  	_ =	shalt  }
0x7a: {  	_ =	shalt  }
0x7b: {  	_ =	shalt  }
0x7c: {  	_ =	shalt  }
0x7d: {  	_ =	shalt  }
0x7e: {  	_ =	shalt  }
0x7f: {  	_ =	shalt  }
0x80: {  	_ =	shalt  }
0x81: {  	_ =	shalt  }
0x82: {  	_ =	shalt  }
0x83: {  	_ =	shalt  }
0x84: {  	_ =	shalt  }
0x85: {  	_ =	shalt  }
0x86: {  	_ =	shalt  }
0x87: {  	_ =	shalt  }
.Lfunc_end0:
.L_simem_size_0:
called_computation.1_lowered:
.L_overlay_start_0:
0x88: {  	s2 =	sld [smem:$0x3FD9]  }
0x89: {  	s3 =	sld [smem:$0x3FFE];
	_ =	sdelay $0x1  }
0x8a: {  	s1 =	srdreg.scid  }
0x8b: {  	s0 =	sand.u32 $0x1, s1  }
0x8c: {  	s16 =	sshll.u32 s0, $0xA;
	s2 =	sadd.s32 s3, s2  }
0x8d: {  	s2 =	sadd.s32 s2, s16  }
0x8e: {  	[smem:$0x3FC1] =	sst s2  }
0x8f: {  	_ = 	snop  }
0x90: {  	(tm) =	ssettm $0x1  }
0x91: {  	s17 =	sld [smem:$0x3FFB];
	_ =	sdelay $0x3  }
0x92: {  	_ =	strace s17  }
0x93: {  	s2 =	sld [smem:$0x3FFC];
	_ =	sdelay $0x3  }
0x94: {  	_ =	strace s2  }
0x95: {  	s2 =	sld [smem:$0x3FFD];
	_ =	sdelay $0x3  }
0x96: {  	_ =	strace s2  }
0x97: {  	_ =	strace $0x8FFFFFFF  }
0x98: {  	s18 =	sld [smem:$0x3FDB];
	_ =	sdelay $0x1  }
0x99: {  	s19 =	simm.s32 $_scs_section_size  }
0x9a: {  	s4 =	simm.s32 $_size__tile_overlayer_lowered;
	s5 =	simm.s32 $_tile_overlayer_lowered  }
0x9b: {  	s22 =	simm.s32 $0x1BFF;
	s21 =	sshll.u32 s5, $0x1;
	s2 =	sadd.s32 s19, s18  }
0x9c: {  	s6 =	simm.s32 $0x0;
	s20 =	sshll.u32 s4, $0x1;
	s4 =	sadd.s32 s21, s2  }
0x9d: {  	[timem:s6], [sflag:s22] =	dma.local [hbm:s4], s20  }
0x9e: {  	_ =	swait.ge [sflag:s22], s20  }
0x9f: {  	s3 =	ssub.s32 $0x0, s20;
	[sflag:s22] =	ssyncset.done $0x0  }
0xa0: {  	[sflag:s22] =	ssyncadd.s32 s3;
	_ =	sdelay $0x1  }
0xa1: {  	s23 =	simm.s32 $0x1B8B  }
0xa2: {  	_ =	swait.ge [sflag:s23], $0x1  }
0xa3: {  	[sflag:s23] =	ssyncset.done $0x0  }
0xa4: {  	s25 =	simm.s32 $0x1B8E;
	s24 =	sld [smem:$0x3FFE];
	[sflag:s23] =	ssyncadd.s32 $0xFFFFFFFF  }
0xa5: {  	s26 =	simm.s32 $execute0_lowered;
	[smem:$0x3FD2] =	sst s25  }
0xa6: {  	s4 =	sshll.u32 s26, $0x1;
	_ =	strace $0x80000049;
	[dreg:$0x1] =	wrdreg $0xFFFFFFFF  }
0xa7: {  	s28 =	simm.s32 $_size_execute0_lowered;
	s2 =	sadd.s32 s2, s4;
	[dreg:$0x0] =	wrdreg $0x0  }
0xa8: {  	s4 =	sshll.u32 s28, $0x1;
	[dreg:$0x2] =	wrdreg s2  }
0xa9: {  	[dreg:$0x3] =	wrdreg s4  }
0xaa: {  	[dreg:$0x4] =	wrdreg $0xC0  }
0xab: {  	_ =	task [dreg:s6], $0x5FFFF  }
0xac: {  	[dreg:$0x1] =	wrdreg $0xFFFFFFFF  }
0xad: {  	[dreg:$0x0] =	wrdreg $0x60  }
0xae: {  	[dreg:$0x2] =	wrdreg s24  }
0xaf: {  	[dreg:$0x3] =	wrdreg $0xB0000  }
0xb0: {  	[dreg:$0x4] =	wrdreg $0x9  }
0xb1: {  	_ =	task.clear_ibuf [dreg:s6], $0x5FFFF;
	_ =	strace $0x90000049  }
0xb2: {  	s29 =	simm.s32 $0x9;
	_ =	strace $0x8000004B  }
0xb3: {  	_ =	swait.ge [sflag:s29], $0x1  }
0xb4: {  	[sflag:s29] =	ssyncadd.s32 $0xFFFFFFFF  }
0xb5: {  	_ =	strace $0x9000004B  }
0xb6: {  	_ =	sfence  }
0xb7: {  	s30 =	sld [smem:$0x0];
	_ =	sdelay $0x2  }
0xb8: {  	s31 =	sshll.u32 s1, $0xD;
	s1 =	sshrl.u32 s1, $0x2  }
0xb9: {  	s3 =	sand.u32 $0x4000, s31;
	s1 =	sadd.s32 s1, s30  }
0xba: {  	s0 =	sor.u32 s3, s0;
	s1 =	sshll.u32 s1, $0x11  }
0xbb: {  	s0 =	sor.u32 s1, s0  }
0xbc: {  	s0 =	sadd.s32 $0x8F2B, s0  }
0xbd: {  	[sflag:s0] =	ssyncadd.remote.s32 $0x1  }
0xbe: {  	_ =	sfence.sel $0xFFFF  }
0xbf: {  	[dreg:$0x0] =	wrdreg $0xFFFFFFFF;
	(pc) =	sbr.abs _section_cstart, $3  }
0xc0: {  	[dreg:$0x1] =	wrdreg $0xFFFFFFFF  }
0xc1: {  	_ =	task.clear_ibuf [dreg:s6], $0x2FFFF;
	_ =	strace $0x9FFFFFFF  }
0xc2: {  	(tm) =	ssettm $0x7FFFFFFF  }
0xc3: {  	_ =	shalt  }
tec
execute0_lowered:
.L_overlay_start_1:
0x0: {  	(tag) =	ssettag $0x1  }
0x1: {  	s0 =	rddreg [dreg:$0x0]  }
0x2: {  	s1 =	srdreg.scid;
	s13 =	stileid.u32  }
0x3: {  	s2 =	rddreg [dreg:$0x1];
	s3 =	simm.s32 $0x0;
	s28 =	simm.s32 $0x2  }
0x4: {  	s29 =	simm.s32 $0x2880;
	s30 =	simm.s32 $0x2900;
	s31 =	simm.s32 $0x2980  }
0x5: {  	s1 =	sand.u32 $0x1, s1;
	s4 =	sshll.u32 s13, $0x1;
	s26 =	smul.u32 $0x4E000, s13  }
0x6: {  	[smem:$0x7FF] =	sst s3;
	s7 =	sadd.s32 $0x1A00, s0;
	s15 =	smul.u32 $0x2700, s13  }
0x7: {  	s14 =	sadd.s32 $0x15A00, s0;
	s8 =	sadd.s32 $0xB2000, s0;
	s21 =	smul.u32 $0x14, s13  }
0x8: {  	s18 =	sadd.s32 $0x124800, s2;
	s17 =	sadd.s32 $0x3A300, s0;
	s22 =	smul.u32 $0xA00, s13  }
0x9: {  	s4 =	sor.u32 s1, s4;
	_ =	strace $0x8000004A;
	s16 =	smul.u32 $0x138800, s1  }
0xa: {  	s9 =	ssub.s32 $0x2, s1;
	[dreg:$0x9] =	wrdreg s17;
	s19 =	smul.u32 $0x27100, s1  }
0xb: {  	p0 =	seq.s32 s1, $0x0;
	[dreg:$0x3] =	wrdreg s14;
	s24 =	smul.u32 $0x500, s1  }
0xc: {  	s17 =	simm.s32 $0x0;
	s5 =	smul.u32 $0x500, s4;
	s10 =	sshrl.u32 s9, $0x1  }
0xd: {  	[dreg:$0x8] =	wrdreg s18;
	s4 =	sadd.s32 $0x8AE00, s0;
	s9 =	ssub.s32 s9, s10  }
0xe: {  	s20 =	sshrl.u32 s16, $0x3;
	s6 =	sadd.s32 s5, s0;
	s11 =	sadd.s32 s7, s5  }
0xf: {  	s5 =	sshrl.u32 s26, $0x2;
	s0 =	sadd.s32 $0xAF700, s0;
	[dreg:$0x4] =	wrdreg s11  }
0x10: {  	s23 =	smax.u32 s9, $0x1;
	s9 =	simm.s32 $0x2C80;
	[dreg:$0xa] =	wrdreg s0  }
0x11: {  	s6 =	sadd.s32 $0xBA00, s6;
	s12 =	sadd.s32 $0x80, s11;
	[dreg:$0xd] =	wrdreg s23  }
0x12: {  	s5 =	sadd.s32 s5, s2;
	s11 =	sadd.s32 s15, s19;
	[dreg:$0x5] =	wrdreg s6  }
0x13: {  	s0 =	sadd.s32 s8, s20;
	s20 =	simm.s32 $0x2800;
	[dreg:$0x6] =	wrdreg s12  }
0x14: {  	s23 =	simm.s32 $0x3000;
	[dreg:$0x7] =	wrdreg s5;
	s8 =	sadd.s32 s8, s11  }
0x15: {  	s5 =	sadd.s32 $0x138800, s2;
	s0 =	sadd.s32 $0x24900, s0;
	[dreg:$0xb] =	wrdreg s8  }
0x16: {  	s12 =	smul.u32 $0xA, s1;
	s11 =	simm.s32 $0x2E00;
	[dreg:$0xc] =	wrdreg s0  }
0x17: {  	s8 =	smov.u32 s14;
	s0 =	sadd.s32 s22, s7;
	s22 =	simm.s32 $0x80  }
0x18: {  	s14 =	simm.s32 $0x2F80;
	s10 =	sadd.s32 s12, s21;
	s8 =	smov.u32 @p0 s4  }
0x19: {  	s0 =	sadd.s32 s24, s0;
	p0 =	seq.s32 s13, $0xF;
	s21 =	simm.s32 $0x2C00  }
0x1a: {  	s24 =	simm.s32 $0x7000;
	s12 =	simm.s32 $0x2E80;
	s10 =	sshll.u32 s10, $0x7  }
0x1b: {  	s6 =	sadd.s32 s8, s15;
	s0 =	sadd.s32 $0x180, s0;
	p1 =	seq.s32 @!p0 s13, $0x0  }
0x1c: {  	p3 =	sne.s32 @p0 s1, $0x0;
	s1 =	simm.s32 $0x2A00;
	s8 =	simm.s32 $0x2B80  }
0x1d: {  	s13 =	simm.s32 $0x2F00;
	s15 =	simm.s32 $0x4;
	[dreg:$0xe] =	wrdreg s6  }
.Ltmp0:
0x1e: {  	s25 =	sadd.s32 s7, s10;
	[dreg:$0xf] =	wrdreg s0;
	(pc) =	sbr.rel .LBB2_1-.Ltmp0, $4  }
0x1f: {  	p1 =	por !p1, p0;
	p2 =	por !p3, !p0;
	p3 =	por p3, !p0  }
0x20: {  	s7 =	simm.s32 $0x2B00;
	s6 =	simm.s32 $0x2D80;
	s26 =	sadd.s32 $0x100, s25  }
0x21: {  	s0 =	sshrl.u32 @!p1 s5, $0x3;
	s5 =	simm.s32 $0x2D00;
	[dreg:$0x10] =	wrdreg s26  }
0x22: {  	[dreg:$0x11] =	wrdreg s0;
	s26 =	simm.s32 $0x1;
	s0 =	simm.s32 $0x2A80  }
.LBB2_4:
0x23: {  	_ =	swait.ge [sflag:s28], $0x4000  }
0x24: {  	[sflag:s28] =	ssyncset.done $0x0  }
0x25: {  	[sflag:s28] =	ssyncadd.s32 $0xFFFFC000  }
0x26: {  	[spmem:s2] =	stream.indirect.scatter.add.f32 [tilespmem:s24], [sflag:$0x2], $0x80, s14, s22, $0xb8;
	[tilespmem:$0x1F880] =	vst v63  }
0x27: {  	_ =	swait.ge [sflag:s28], $0x4000  }
0x28: {  	[sflag:s28] =	ssyncset.done $0x0  }
0x29: {  	[sflag:s28] =	ssyncadd.s32 $0xFFFFC000  }
0x2a: {  	[bflag:$0x0] =	sbarrier.arrive $0xFFFF  }
0x2b: {  	s18 =	rddreg [dreg:$0x8]  }
0x2c: {  	s16 =	simm.s32 @p0 $0x1FC5;
	s17 =	rddreg [dreg:$0xc];
	s10 =	sshrl.u32 @p0 s18, $0x3  }
0x2d: {  	[hbm:s17], [sflag:s16] =	dma.local @p0 [spmem:s10], $0x2800  }
0x2e: {  	s10 =	simm.s32 @p0 $0x5  }
0x2f: {  	_ =	swait.ge @p0 [sflag:s10], $0x2800  }
0x30: {  	s16 =	rddreg [dreg:$0x13]  }
0x31: {  	[sflag:s10] =	ssyncset.done @p0 $0x0;
	s17 =	rddreg [dreg:$0x14]  }
0x32: {  	[sflag:s10] =	ssyncadd.s32 @p0 $0xFFFFD800;
	s10 =	rddreg [dreg:$0xb]  }
0x33: {  	[hbm:s10], [sflag:s16] =	dma.local @!p0 [spmem:s17], $0x2700  }
0x34: {  	s10 =	simm.s32 @!p0 $0x5  }
0x35: {  	_ =	swait.ge @!p0 [sflag:s10], $0x2700  }
0x36: {  	s19 =	rddreg [dreg:$0x12]  }
0x37: {  	s25 =	rddreg [dreg:$0xd];
	s17 =	sadd.s32 $0x1, s19  }
0x38: {  	p4 =	sne.s32 s17, s25  }
.Ltmp1:
0x39: {  	_ = 	snop;
	(pc) =	sbr.rel @!p4 .LBB2_5-.Ltmp1, $3  }
0x3a: {  	_ =	sdelay $0x1  }
0x3b: {  	[sflag:s10] =	ssyncset.done @!p0 $0x0  }
0x3c: {  	[sflag:s10] =	ssyncadd.s32 @!p0 $0xFFFFD900  }
.LBB2_1:
0x3d: {  	[dreg:$0x12] =	wrdreg s17  }
0x3e: {  	s10 =	rddreg [dreg:$0x5];
	s16 =	simm.s32 $0x5  }
0x3f: {  	[tilespmem:s3], [sflag:$0x5] =	stream.linear.gather [hbm4b:s10+s3], $0x2800, $0x38;
	[tilespmem:$0x1F880] =	vst v63  }
0x40: {  	_ =	swait.ge [sflag:s16], $0x2800  }
0x41: {  	[sflag:s16] =	ssyncset.done $0x0  }
0x42: {  	s19 =	rddreg [dreg:$0x4];
	[sflag:s16] =	ssyncadd.s32 $0xFFFFD800  }
0x43: {  	[tilespmem:s20], [sflag:$0x5] =	stream.linear.gather [hbm4b:s19+s3], $0x400, $0x38;
	[tilespmem:$0x1F880] =	vst v63  }
0x44: {  	_ =	swait.ge [sflag:s16], $0x400  }
0x45: {  	[sflag:s16] =	ssyncset.done $0x0  }
0x46: {  	s25 =	rddreg [dreg:$0x6];
	[sflag:s16] =	ssyncadd.s32 $0xFFFFFC00  }
0x47: {  	[tilespmem:s21], [sflag:$0x5] =	stream.linear.gather [hbm4b:s25+s3], $0x400, $0x38;
	[tilespmem:$0x1F880] =	vst v63  }
0x48: {  	_ =	swait.ge [sflag:s16], $0x400  }
0x49: {  	[sflag:s16] =	ssyncset.done $0x0  }
0x4a: {  	[sflag:s16] =	ssyncadd.s32 $0xFFFFFC00  }
0x4b: {  	[tilespmem:s23], [sflag:$0x1] =	stream.indirect.gather [hbm4b:s4+s22], $0x80, s3, s22, $0xb8;
	[tilespmem:$0x1F880] =	vst v63  }
0x4c: {  	s17 =	simm.s32 @!p2 $0x1FC5;
	s10 =	sshrl.u32 @!p2 s18, $0x3;
	s16 =	rddreg [dreg:$0x9]  }
0x4d: {  	[tilespmem:s24], [sflag:$0x2] =	stream.indirect.gather [hbm4b:s4+s22], $0x80, s22, s22, $0xb8;
	[tilespmem:$0x1F880] =	vst v63  }
0x4e: {  	[spmem:s10], [sflag:s17] =	dma.local @!p2 [hbm:s16], $0x2800  }
0x4f: {  	s10 =	simm.s32 @!p2 $0x5  }
0x50: {  	_ =	swait.ge @!p2 [sflag:s10], $0x2800  }
0x51: {  	s17 =	simm.s32 @!p3 $0x1FC5;
	[sflag:s10] =	ssyncset.done @!p2 $0x0  }
0x52: {  	s16 =	rddreg [dreg:$0xa];
	[sflag:s10] =	ssyncadd.s32 @!p2 $0xFFFFD800;
	s10 =	sshrl.u32 @!p3 s18, $0x3  }
0x53: {  	[spmem:s10], [sflag:s17] =	dma.local @!p3 [hbm:s16], $0x2800  }
0x54: {  	s10 =	simm.s32 @!p3 $0x5  }
0x55: {  	s16 =	stileid.u32;
	_ =	swait.ge @!p3 [sflag:s10], $0x2800  }
0x56: {  	s17 =	sshll.u32 @!p0 s16, $0x6;
	[sflag:s10] =	ssyncset.done @!p3 $0x0  }
0x57: {  	s16 =	sor.u32 @!p0 $0x1C05, s17;
	[sflag:s10] =	ssyncadd.s32 @!p3 $0xFFFFD800;
	s10 =	rddreg [dreg:$0x7]  }
0x58: {  	[dreg:$0x13] =	wrdreg s16  }
0x59: {  	s17 =	sshrl.u32 @!p0 s10, $0x3;
	s10 =	rddreg [dreg:$0xe]  }
0x5a: {  	[dreg:$0x14] =	wrdreg s17  }
0x5b: {  	[spmem:s17], [sflag:s16] =	dma.local @!p0 [hbm:s10], $0x2700  }
0x5c: {  	s10 =	simm.s32 @!p0 $0x5  }
0x5d: {  	_ =	swait.ge @!p0 [sflag:s10], $0x2700  }
0x5e: {  	[sflag:s10] =	ssyncset.done @!p0 $0x0;
	s16 =	rddreg [dreg:$0x3]  }
0x5f: {  	s17 =	rddreg [dreg:$0x11];
	[sflag:s10] =	ssyncadd.s32 @!p0 $0xFFFFD900;
	s10 =	simm.s32 @!p1 $0x1C05  }
0x60: {  	[spmem:s17], [sflag:s10] =	dma.local @!p1 [hbm:s16], $0x2000  }
0x61: {  	s10 =	simm.s32 @!p1 $0x5  }
0x62: {  	_ =	swait.ge @!p1 [sflag:s10], $0x2000  }
0x63: {  	[sflag:s10] =	ssyncset.done @!p1 $0x0  }
0x64: {  	[sflag:s10] =	ssyncadd.s32 @!p1 $0xFFFFE000  }
0x65: {  	[bflag:$0x0] =	sbarrier.arrive $0xFFFF  }
0x66: {  	s25 =	rddreg [dreg:$0x10]  }
0x67: {  	s17 =	simm.s32 $0x0;
	s10 =	rddreg [dreg:$0xf]  }
.LBB2_2:
0x68: {  	p4 =	seq.s32 s17, $0x0  }
0x69: {  	s18 =	simm.s32 @!p4 $0x3  }
0x6a: {  	_ =	swait.ge @!p4 [sflag:s18], $0x400  }
0x6b: {  	[sflag:s18] =	ssyncset.done @!p4 $0x0  }
0x6c: {  	[sflag:s18] =	ssyncadd.s32 @!p4 $0xFFFFFC00  }
0x6d: {  	_ =	swait.ge [sflag:s26], $0x4000  }
0x6e: {  	[sflag:s26] =	ssyncset.done $0x0  }
0x6f: {  	[sflag:s26] =	ssyncadd.s32 $0xFFFFC000  }
0x70: {  	[spmem:s2] =	stream.indirect.scatter.add.f32 [tilespmem:s23], [sflag:$0x1], $0x80, s20, s22, $0xb8;
	[tilespmem:$0x1F880] =	vst v63  }
0x71: {  	_ =	swait.ge [sflag:s26], $0x4000  }
0x72: {  	s18 =	sshra.s32 s17, $0x2;
	[sflag:s26] =	ssyncset.done $0x0  }
0x73: {  	s19 =	sadd.s32 $0x100, s18;
	[sflag:s26] =	ssyncadd.s32 $0xFFFFC000  }
0x74: {  	[tilespmem:s23], [sflag:$0x1] =	stream.indirect.gather [hbm4b:s4+s22], $0x80, s19, s22, $0xb8;
	[tilespmem:$0x1F880] =	vst v63  }
0x75: {  	_ =	swait.ge [sflag:s28], $0x4000  }
0x76: {  	[sflag:s28] =	ssyncset.done $0x0  }
0x77: {  	[sflag:s28] =	ssyncadd.s32 $0xFFFFC000  }
0x78: {  	[spmem:s2] =	stream.indirect.scatter.add.f32 [tilespmem:s24], [sflag:$0x2], $0x80, s29, s22, $0xb8;
	[tilespmem:$0x1F880] =	vst v63  }
0x79: {  	_ =	swait.ge [sflag:s28], $0x4000  }
0x7a: {  	[sflag:s28] =	ssyncset.done $0x0  }
0x7b: {  	s16 =	sadd.s32 $0x180, s18;
	[sflag:s28] =	ssyncadd.s32 $0xFFFFC000  }
0x7c: {  	[tilespmem:s24], [sflag:$0x2] =	stream.indirect.gather [hbm4b:s4+s22], $0x80, s16, s22, $0xb8;
	[tilespmem:$0x1F880] =	vst v63  }
0x7d: {  	_ =	swait.ge [sflag:s26], $0x4000  }
0x7e: {  	[sflag:s26] =	ssyncset.done $0x0  }
0x7f: {  	[sflag:s26] =	ssyncadd.s32 $0xFFFFC000  }
0x80: {  	[spmem:s2] =	stream.indirect.scatter.add.f32 [tilespmem:s23], [sflag:$0x1], $0x80, s30, s22, $0xb8;
	[tilespmem:$0x1F880] =	vst v63  }
0x81: {  	_ =	swait.ge [sflag:s26], $0x4000  }
0x82: {  	[sflag:s26] =	ssyncset.done $0x0  }
0x83: {  	s16 =	sadd.s32 $0x200, s18;
	[sflag:s26] =	ssyncadd.s32 $0xFFFFC000  }
0x84: {  	[tilespmem:s23], [sflag:$0x1] =	stream.indirect.gather [hbm4b:s4+s22], $0x80, s16, s22, $0xb8;
	[tilespmem:$0x1F880] =	vst v63  }
0x85: {  	_ =	swait.ge [sflag:s28], $0x4000  }
0x86: {  	[sflag:s28] =	ssyncset.done $0x0  }
0x87: {  	[sflag:s28] =	ssyncadd.s32 $0xFFFFC000  }
0x88: {  	[spmem:s2] =	stream.indirect.scatter.add.f32 [tilespmem:s24], [sflag:$0x2], $0x80, s31, s22, $0xb8;
	[tilespmem:$0x1F880] =	vst v63  }
0x89: {  	_ =	swait.ge [sflag:s28], $0x4000  }
0x8a: {  	[sflag:s28] =	ssyncset.done $0x0  }
0x8b: {  	s16 =	sadd.s32 $0x280, s18;
	[sflag:s28] =	ssyncadd.s32 $0xFFFFC000  }
0x8c: {  	[tilespmem:s24], [sflag:$0x2] =	stream.indirect.gather [hbm4b:s4+s22], $0x80, s16, s22, $0xb8;
	[tilespmem:$0x1F880] =	vst v63  }
0x8d: {  	_ =	swait.ge [sflag:s26], $0x4000  }
0x8e: {  	[sflag:s26] =	ssyncset.done $0x0  }
0x8f: {  	[sflag:s26] =	ssyncadd.s32 $0xFFFFC000  }
0x90: {  	[spmem:s2] =	stream.indirect.scatter.add.f32 [tilespmem:s23], [sflag:$0x1], $0x80, s1, s22, $0xb8;
	[tilespmem:$0x1F880] =	vst v63  }
0x91: {  	_ =	swait.ge [sflag:s26], $0x4000  }
0x92: {  	[sflag:s26] =	ssyncset.done $0x0  }
0x93: {  	s16 =	sadd.s32 $0x300, s18;
	[sflag:s26] =	ssyncadd.s32 $0xFFFFC000  }
0x94: {  	[tilespmem:s23], [sflag:$0x1] =	stream.indirect.gather [hbm4b:s4+s22], $0x80, s16, s22, $0xb8;
	[tilespmem:$0x1F880] =	vst v63  }
0x95: {  	_ =	swait.ge [sflag:s28], $0x4000  }
0x96: {  	[sflag:s28] =	ssyncset.done $0x0  }
0x97: {  	[sflag:s28] =	ssyncadd.s32 $0xFFFFC000  }
0x98: {  	[spmem:s2] =	stream.indirect.scatter.add.f32 [tilespmem:s24], [sflag:$0x2], $0x80, s0, s22, $0xb8;
	[tilespmem:$0x1F880] =	vst v63  }
0x99: {  	_ =	swait.ge [sflag:s28], $0x4000  }
0x9a: {  	[sflag:s28] =	ssyncset.done $0x0  }
0x9b: {  	s16 =	sadd.s32 $0x380, s18;
	[sflag:s28] =	ssyncadd.s32 $0xFFFFC000  }
0x9c: {  	[tilespmem:s24], [sflag:$0x2] =	stream.indirect.gather [hbm4b:s4+s22], $0x80, s16, s22, $0xb8;
	[tilespmem:$0x1F880] =	vst v63  }
0x9d: {  	_ =	swait.ge [sflag:s26], $0x4000  }
0x9e: {  	[sflag:s26] =	ssyncset.done $0x0  }
0x9f: {  	[sflag:s26] =	ssyncadd.s32 $0xFFFFC000  }
0xa0: {  	[spmem:s2] =	stream.indirect.scatter.add.f32 [tilespmem:s23], [sflag:$0x1], $0x80, s7, s22, $0xb8;
	[tilespmem:$0x1F880] =	vst v63  }
0xa1: {  	_ =	swait.ge [sflag:s26], $0x4000  }
0xa2: {  	[sflag:s26] =	ssyncset.done $0x0  }
0xa3: {  	s16 =	sadd.s32 $0x400, s18;
	[sflag:s26] =	ssyncadd.s32 $0xFFFFC000  }
0xa4: {  	[tilespmem:s23], [sflag:$0x1] =	stream.indirect.gather [hbm4b:s4+s22], $0x80, s16, s22, $0xb8;
	[tilespmem:$0x1F880] =	vst v63  }
0xa5: {  	_ =	swait.ge [sflag:s28], $0x4000  }
0xa6: {  	[sflag:s28] =	ssyncset.done $0x0  }
0xa7: {  	[sflag:s28] =	ssyncadd.s32 $0xFFFFC000  }
0xa8: {  	[spmem:s2] =	stream.indirect.scatter.add.f32 [tilespmem:s24], [sflag:$0x2], $0x80, s8, s22, $0xb8;
	[tilespmem:$0x1F880] =	vst v63  }
0xa9: {  	_ =	swait.ge [sflag:s28], $0x4000  }
0xaa: {  	p4 =	seq.s32 s17, $0x8000;
	[sflag:s28] =	ssyncset.done $0x0  }
0xab: {  	p5 =	seq.s32 @!p4 s17, $0x0;
	s16 =	sadd.s32 $0x480, s18;
	[sflag:s28] =	ssyncadd.s32 $0xFFFFC000  }
0xac: {  	[tilespmem:s24], [sflag:$0x2] =	stream.indirect.gather [hbm4b:s4+s22], $0x80, s16, s22, $0xb8;
	[tilespmem:$0x1F880] =	vst v63  }
0xad: {  	p5 =	por p4, !p5;
	s19 =	simm.s32 @!p4 $0x0;
	s16 =	simm.s32 @!p4 $0x2800  }
0xae: {  	[tilespmem:s16], [sflag:$0x3] =	stream.linear.gather @!p4 [hbm4b:s25+s19], $0x400, $0x38;
	[tilespmem:$0x1F880] =	vst v63  }
0xaf: {  	_ =	swait.ge @p5 [sflag:s15], $0x400  }
0xb0: {  	[sflag:s15] =	ssyncset.done @p5 $0x0  }
0xb1: {  	[sflag:s15] =	ssyncadd.s32 @p5 $0xFFFFFC00  }
0xb2: {  	_ =	swait.ge [sflag:s26], $0x4000  }
0xb3: {  	[sflag:s26] =	ssyncset.done $0x0  }
0xb4: {  	[sflag:s26] =	ssyncadd.s32 $0xFFFFC000  }
0xb5: {  	[spmem:s2] =	stream.indirect.scatter.add.f32 [tilespmem:s23], [sflag:$0x1], $0x80, s21, s22, $0xb8;
	[tilespmem:$0x1F880] =	vst v63  }
0xb6: {  	_ =	swait.ge [sflag:s26], $0x4000  }
0xb7: {  	[sflag:s26] =	ssyncset.done $0x0  }
0xb8: {  	s19 =	sadd.s32 $0x500, s18;
	[sflag:s26] =	ssyncadd.s32 $0xFFFFC000  }
0xb9: {  	[tilespmem:s23], [sflag:$0x1] =	stream.indirect.gather [hbm4b:s4+s22], $0x80, s19, s22, $0xb8;
	[tilespmem:$0x1F880] =	vst v63  }
0xba: {  	_ =	swait.ge [sflag:s28], $0x4000  }
0xbb: {  	[sflag:s28] =	ssyncset.done $0x0  }
0xbc: {  	[sflag:s28] =	ssyncadd.s32 $0xFFFFC000  }
0xbd: {  	[spmem:s2] =	stream.indirect.scatter.add.f32 [tilespmem:s24], [sflag:$0x2], $0x80, s9, s22, $0xb8;
	[tilespmem:$0x1F880] =	vst v63  }
0xbe: {  	_ =	swait.ge [sflag:s28], $0x4000  }
0xbf: {  	[sflag:s28] =	ssyncset.done $0x0  }
0xc0: {  	s19 =	sadd.s32 $0x580, s18;
	[sflag:s28] =	ssyncadd.s32 $0xFFFFC000  }
0xc1: {  	[tilespmem:s24], [sflag:$0x2] =	stream.indirect.gather [hbm4b:s4+s22], $0x80, s19, s22, $0xb8;
	[tilespmem:$0x1F880] =	vst v63  }
0xc2: {  	_ =	swait.ge [sflag:s26], $0x4000  }
0xc3: {  	[sflag:s26] =	ssyncset.done $0x0  }
0xc4: {  	[sflag:s26] =	ssyncadd.s32 $0xFFFFC000  }
0xc5: {  	[spmem:s2] =	stream.indirect.scatter.add.f32 [tilespmem:s23], [sflag:$0x1], $0x80, s5, s22, $0xb8;
	[tilespmem:$0x1F880] =	vst v63  }
0xc6: {  	_ =	swait.ge [sflag:s26], $0x4000  }
0xc7: {  	[sflag:s26] =	ssyncset.done $0x0  }
0xc8: {  	s19 =	sadd.s32 $0x600, s18;
	[sflag:s26] =	ssyncadd.s32 $0xFFFFC000  }
0xc9: {  	[tilespmem:s23], [sflag:$0x1] =	stream.indirect.gather [hbm4b:s4+s22], $0x80, s19, s22, $0xb8;
	[tilespmem:$0x1F880] =	vst v63  }
0xca: {  	_ =	swait.ge [sflag:s28], $0x4000  }
0xcb: {  	[sflag:s28] =	ssyncset.done $0x0  }
0xcc: {  	[sflag:s28] =	ssyncadd.s32 $0xFFFFC000  }
0xcd: {  	[spmem:s2] =	stream.indirect.scatter.add.f32 [tilespmem:s24], [sflag:$0x2], $0x80, s6, s22, $0xb8;
	[tilespmem:$0x1F880] =	vst v63  }
0xce: {  	_ =	swait.ge [sflag:s28], $0x4000  }
0xcf: {  	[sflag:s28] =	ssyncset.done $0x0  }
0xd0: {  	s19 =	sadd.s32 $0x680, s18;
	[sflag:s28] =	ssyncadd.s32 $0xFFFFC000  }
0xd1: {  	[tilespmem:s24], [sflag:$0x2] =	stream.indirect.gather [hbm4b:s4+s22], $0x80, s19, s22, $0xb8;
	[tilespmem:$0x1F880] =	vst v63  }
0xd2: {  	_ =	swait.ge [sflag:s26], $0x4000  }
0xd3: {  	[sflag:s26] =	ssyncset.done $0x0  }
0xd4: {  	[sflag:s26] =	ssyncadd.s32 $0xFFFFC000  }
0xd5: {  	[spmem:s2] =	stream.indirect.scatter.add.f32 [tilespmem:s23], [sflag:$0x1], $0x80, s11, s22, $0xb8;
	[tilespmem:$0x1F880] =	vst v63  }
0xd6: {  	_ =	swait.ge [sflag:s26], $0x4000  }
0xd7: {  	[sflag:s26] =	ssyncset.done $0x0  }
0xd8: {  	s19 =	sadd.s32 $0x700, s18;
	[sflag:s26] =	ssyncadd.s32 $0xFFFFC000  }
0xd9: {  	[tilespmem:s23], [sflag:$0x1] =	stream.indirect.gather [hbm4b:s4+s22], $0x80, s19, s22, $0xb8;
	[tilespmem:$0x1F880] =	vst v63  }
0xda: {  	_ =	swait.ge [sflag:s28], $0x4000  }
0xdb: {  	[sflag:s28] =	ssyncset.done $0x0  }
0xdc: {  	[sflag:s28] =	ssyncadd.s32 $0xFFFFC000  }
0xdd: {  	[spmem:s2] =	stream.indirect.scatter.add.f32 [tilespmem:s24], [sflag:$0x2], $0x80, s12, s22, $0xb8;
	[tilespmem:$0x1F880] =	vst v63  }
0xde: {  	_ =	swait.ge [sflag:s28], $0x4000  }
0xdf: {  	[sflag:s28] =	ssyncset.done $0x0  }
0xe0: {  	s19 =	sadd.s32 $0x780, s18;
	[sflag:s28] =	ssyncadd.s32 $0xFFFFC000  }
0xe1: {  	[tilespmem:s24], [sflag:$0x2] =	stream.indirect.gather [hbm4b:s4+s22], $0x80, s19, s22, $0xb8;
	[tilespmem:$0x1F880] =	vst v63  }
0xe2: {  	_ =	swait.ge [sflag:s26], $0x4000  }
0xe3: {  	[sflag:s26] =	ssyncset.done $0x0  }
.Ltmp2:
0xe4: {  	[sflag:s26] =	ssyncadd.s32 $0xFFFFC000;
	(pc) =	sbr.rel @p4 .LBB2_4-.Ltmp2, $4  }
0xe5: {  	[spmem:s2] =	stream.indirect.scatter.add.f32 [tilespmem:s23], [sflag:$0x1], $0x80, s13, s22, $0xb8;
	[tilespmem:$0x1F880] =	vst v63  }
0xe6: {  	_ =	swait.ge [sflag:s26], $0x4000  }
0xe7: {  	[sflag:s26] =	ssyncset.done $0x0  }
0xe8: {  	[sflag:s26] =	ssyncadd.s32 $0xFFFFC000  }
0xe9: {  	s16 =	sadd.s32 $0x800, s18  }
0xea: {  	[tilespmem:s23], [sflag:$0x1] =	stream.indirect.gather [hbm4b:s4+s22], $0x80, s16, s22, $0xb8;
	[tilespmem:$0x1F880] =	vst v63  }
0xeb: {  	_ =	swait.ge [sflag:s28], $0x4000  }
0xec: {  	[sflag:s28] =	ssyncset.done $0x0  }
0xed: {  	[sflag:s28] =	ssyncadd.s32 $0xFFFFC000  }
0xee: {  	[spmem:s2] =	stream.indirect.scatter.add.f32 [tilespmem:s24], [sflag:$0x2], $0x80, s14, s22, $0xb8;
	[tilespmem:$0x1F880] =	vst v63  }
0xef: {  	_ =	swait.ge [sflag:s28], $0x4000  }
0xf0: {  	[sflag:s28] =	ssyncset.done $0x0  }
.Ltmp3:
0xf1: {  	s19 =	sadd.s32 $0x880, s18;
	[sflag:s28] =	ssyncadd.s32 $0xFFFFC000;
	(pc) =	sbr.rel .LBB2_2-.Ltmp3, $4  }
0xf2: {  	[tilespmem:s24], [sflag:$0x2] =	stream.indirect.gather [hbm4b:s4+s22], $0x80, s19, s22, $0xb8;
	[tilespmem:$0x1F880] =	vst v63  }
0xf3: {  	_ = 	snop  }
0xf4: {  	[tilespmem:s21], [sflag:$0x4] =	stream.linear.gather [hbm4b:s10+s3], $0x400, $0x38;
	[tilespmem:$0x1F880] =	vst v63  }
0xf5: {  	s17 =	sadd.s32 $0x2000, s17;
	s25 =	sadd.s32 $0x100, s25;
	s10 =	sadd.s32 $0x100, s10  }
.LBB2_5:
0xf6: {  	_ =	sfence.sel $0x180000  }
0xf7: {  	[bflag:$0x0] =	sbarrier.arrive $0xFFFF  }
0xf8: {  	_ =	strace $0x9000004A  }
0xf9: {  	s0 =	stileid.u32;
	[bflag:$0x2] =	sbarrier.arrive $0xFFFF  }
0xfa: {  	p0 =	sne.s32 s0, $0x0;
	s0 =	rddreg [dreg:$0x2]  }
0xfb: {  	s0 =	sadd.s32 @!p0 $0x100000, s0  }
0xfc: {  	[sflag:s0] =	ssyncadd.tile.s32 @!p0 $0x1;
	_ =	shalt  }
.Lfunc_end2:
_tile_overlayer_lowered:
.L_overlay_start_2:
0xfd: {  	(tag) =	ssettag $0x2  }
0xfe: {  	s0 =	rddreg [dreg:$0x0];
	s2 =	stileid.u32  }
0xff: {  	s1 =	rddreg [dreg:$0x1];
	p0 =	sne.s32 s2, $0x0  }
0x100: {  	s3 =	rddreg [dreg:$0x2];
	[bflag:$0x3] =	sbarrier.arrive $0xFFFF;
	s2 =	simm.s32 @!p0 $0x1C05  }
0x101: {  	[timem:s3], [sflag:s2] =	dma.local @!p0 [hbm:s0], s1  }
0x102: {  	s0 =	simm.s32 @!p0 $0x5  }
0x103: {  	_ =	swait.ge @!p0 [sflag:s0], s1  }
0x104: {  	s1 =	ssub.s32 @!p0 $0x0, s1;
	[sflag:s0] =	ssyncset.done @!p0 $0x0  }
0x105: {  	[sflag:s0] =	ssyncadd.s32 @!p0 s1  }
0x106: {  	[bflag:$0x3] =	sbarrier.arrive $0xFFFF  }
0x107: {  	_ =	shalt  }

// kernel: kernel.17.cloned.1.call-start
scs
__scs_entry_jumppad:
0x0: {  	(pc) =	sbr.rel $0x88, $3  }
0x1: {  	(tag) =	ssettag $0x0;
	lr =	simm.s32 $0x1  }
0x2: {  	[smem:$0x3F9A] =	sst lr;
	_ =	strace $0xD0000000  }
0x3: {  	_ = 	snop  }
0x4: {  	_ = 	snop  }
0x5: {  	_ = 	snop  }
0x6: {  	_ = 	snop  }
0x7: {  	_ = 	snop  }
__scs_overlays_trampoline_lowered:
0x8: {  	[smem:$0x3FA9] =	sst s0  }
0x9: {  	[smem:$0x3FAA] =	sst s1  }
0xa: {  	[smem:$0x3FAB] =	sst s2  }
0xb: {  	[smem:$0x3FAC] =	sst s3  }
0xc: {  	[smem:$0x3FAD] =	sst s4  }
0xd: {  	[smem:$0x3FAE] =	sst s5  }
0xe: {  	[smem:$0x3FAF] =	sst s6  }
0xf: {  	[smem:$0x3FB0] =	sst s7  }
0x10: {  	[smem:$0x3FB1] =	sst s8  }
0x11: {  	[smem:$0x3FB2] =	sst s9;
	s0 =	simm.s32 @!p0 $0x0  }
0x12: {  	s1 =	sld [smem:$0x3F98];
	s0 =	simm.s32 @p0 $0x1  }
0x13: {  	[smem:$0x3FB3] =	sst s0;
	s0 =	simm.s32 @!p1 $0x0  }
0x14: {  	s2 =	sld [smem:$0x3F97];
	s0 =	simm.s32 @p1 $0x1  }
0x15: {  	[smem:$0x3FB4] =	sst s0;
	s0 =	simm.s32 @!p2 $0x0  }
0x16: {  	s3 =	sld [smem:$0x3FDB];
	s0 =	simm.s32 @p2 $0x1  }
0x17: {  	s4 =	simm.s32 $0x1BF5;
	[smem:$0x3FB6] =	sst s0  }
0x18: {  	s0 =	sld [smem:$0x3F99];
	_ =	swait.ge [sflag:s4], $0x0  }
0x19: {  	s7 =	sld [smem:$0x3F9A]  }
0x1a: {  	s8 =	sadd.s32 $0xFFFFE003, lr  }
0x1b: {  	s9 =	sadd.s32 $0xFFFFFEF7, lr;
	s5 =	simm.s32 $0xFFFFFFFF;
	p2 =	slt.u32 s8, $0xFFFFF086  }
0x1c: {  	p1 =	slt.u32 s9, $0xF7A;
	s5 =	simm.s32 @!p2 $0x0  }
0x1d: {  	s5 =	simm.s32 @p1 $0x1;
	p0 =	seq.s32 s7, s2  }
0x1e: {  	s7 =	smul.u32 @!p0 $0xF7A, s2;
	p2 =	seq.s32 @!p0 s5, $0x0  }
0x1f: {  	s9 =	smul.u32 $0xF7A, s1;
	s8 =	simm.s32 @!p0 $0x1BF5;
	p2 =	por !p2, p0  }
0x20: {  	[sflag:s8] =	ssyncset.s32 @!p0 $0xFFFFF086;
	s6 =	sadd.s32 @!p0 s3, s7;
	s7 =	simm.s32 @!p0 $0x108  }
0x21: {  	s3 =	sadd.s32 s3, s9;
	s6 =	sadd.s32 @!p0 $0x88, s6;
	s7 =	simm.s32 @p2 $0x1082  }
0x22: {  	[simem:s7], [sflag:s8] =	dma.local @!p0 [hbm:s6], $0xF7A  }
0x23: {  	s9 =	sor.u32 $0xD0000000, s2;
	s6 =	simm.s32 $0x108;
	_ =	swait.ge @!p0 [sflag:s8], $0x0  }
0x24: {  	s3 =	sadd.s32 $0x88, s3;
	s6 =	simm.s32 @!p1 $0x1082;
	[sflag:s4] =	ssyncset.s32 $0xFFFFF086  }
0x25: {  	[simem:s6], [sflag:s4] =	dma.local [hbm:s3], $0xF7A  }
0x26: {  	[smem:$0x3F9A] =	sst s1;
	(tag) =	ssettag s2;
	_ =	strace s9  }
0x27: {  	s1 =	sld [smem:$0x3FAA]  }
0x28: {  	s2 =	sld [smem:$0x3FAB]  }
0x29: {  	s4 =	sld [smem:$0x3FAD]  }
0x2a: {  	p0 =	seq.s32 s5, $0x0;
	s5 =	sld [smem:$0x3FAE]  }
0x2b: {  	s6 =	sld [smem:$0x3FAF]  }
0x2c: {  	s7 =	sld [smem:$0x3FB0]  }
0x2d: {  	s3 =	simm.s32 $0x108;
	s8 =	sld [smem:$0x3FB1]  }
0x2e: {  	s3 =	simm.s32 @!p0 $0x1082;
	s9 =	sld [smem:$0x3FB2]  }
0x2f: {  	lr =	sadd.s32 s0, s3;
	s0 =	sld [smem:$0x3FA9]  }
0x30: {  	s3 =	sld [smem:$0x3FAC]  }
0x31: {  	[smem:$0x3FB5] =	sst s10  }
0x32: {  	s10 =	sld [smem:$0x3FB3];
	_ =	sdelay $0x3  }
0x33: {  	p0 =	seq.s32 s10, $0x1;
	s10 =	sld [smem:$0x3FB5];
	_ =	sdelay $0x3  }
0x34: {  	[smem:$0x3FB5] =	sst s10  }
0x35: {  	s10 =	sld [smem:$0x3FB4];
	_ =	sdelay $0x3  }
0x36: {  	p1 =	seq.s32 s10, $0x1;
	s10 =	sld [smem:$0x3FB5];
	_ =	sdelay $0x3  }
0x37: {  	[smem:$0x3FB5] =	sst s10  }
0x38: {  	s10 =	sld [smem:$0x3FB6]  }
0x39: {  	_ = 	snop;
	(pc) =	sbr.ind lr, $3  }
0x3a: {  	_ = 	snop  }
0x3b: {  	_ = 	snop  }
0x3c: {  	p2 =	seq.s32 s10, $0x1;
	s10 =	sld [smem:$0x3FB5]  }
0x3d: {  	_ =	shalt  }
0x3e: {  	_ =	shalt  }
0x3f: {  	_ =	shalt  }
0x40: {  	_ =	shalt  }
0x41: {  	_ =	shalt  }
0x42: {  	_ =	shalt  }
0x43: {  	_ =	shalt  }
0x44: {  	_ =	shalt  }
0x45: {  	_ =	shalt  }
0x46: {  	_ =	shalt  }
0x47: {  	_ =	shalt  }
0x48: {  	_ =	shalt  }
0x49: {  	_ =	shalt  }
0x4a: {  	_ =	shalt  }
0x4b: {  	_ =	shalt  }
0x4c: {  	_ =	shalt  }
0x4d: {  	_ =	shalt  }
0x4e: {  	_ =	shalt  }
0x4f: {  	_ =	shalt  }
0x50: {  	_ =	shalt  }
0x51: {  	_ =	shalt  }
0x52: {  	_ =	shalt  }
0x53: {  	_ =	shalt  }
0x54: {  	_ =	shalt  }
0x55: {  	_ =	shalt  }
0x56: {  	_ =	shalt  }
0x57: {  	_ =	shalt  }
0x58: {  	_ =	shalt  }
0x59: {  	_ =	shalt  }
0x5a: {  	_ =	shalt  }
0x5b: {  	_ =	shalt  }
0x5c: {  	_ =	shalt  }
0x5d: {  	_ =	shalt  }
0x5e: {  	_ =	shalt  }
0x5f: {  	_ =	shalt  }
0x60: {  	_ =	shalt  }
0x61: {  	_ =	shalt  }
0x62: {  	_ =	shalt  }
0x63: {  	_ =	shalt  }
0x64: {  	_ =	shalt  }
0x65: {  	_ =	shalt  }
0x66: {  	_ =	shalt  }
0x67: {  	_ =	shalt  }
0x68: {  	_ =	shalt  }
0x69: {  	_ =	shalt  }
0x6a: {  	_ =	shalt  }
0x6b: {  	_ =	shalt  }
0x6c: {  	_ =	shalt  }
0x6d: {  	_ =	shalt  }
0x6e: {  	_ =	shalt  }
0x6f: {  	_ =	shalt  }
0x70: {  	_ =	shalt  }
0x71: {  	_ =	shalt  }
0x72: {  	_ =	shalt  }
0x73: {  	_ =	shalt  }
0x74: {  	_ =	shalt  }
0x75: {  	_ =	shalt  }
0x76: {  	_ =	shalt  }
0x77: {  	_ =	shalt  }
0x78: {  	_ =	shalt  }
0x79: {  	_ =	shalt  }
0x7a: {  	_ =	shalt  }
0x7b: {  	_ =	shalt  }
0x7c: {  	_ =	shalt  }
0x7d: {  	_ =	shalt  }
0x7e: {  	_ =	shalt  }
0x7f: {  	_ =	shalt  }
0x80: {  	_ =	shalt  }
0x81: {  	_ =	shalt  }
0x82: {  	_ =	shalt  }
0x83: {  	_ =	shalt  }
0x84: {  	_ =	shalt  }
0x85: {  	_ =	shalt  }
0x86: {  	_ =	shalt  }
0x87: {  	_ =	shalt  }
.Lfunc_end0:
.L_simem_size_0:
called_computation.2_lowered:
.L_overlay_start_0:
0x88: {  	s2 =	sld [smem:$0x3FD9]  }
0x89: {  	s3 =	sld [smem:$0x3FFE];
	_ =	sdelay $0x1  }
0x8a: {  	s1 =	srdreg.scid  }
0x8b: {  	s0 =	sand.u32 $0x1, s1  }
0x8c: {  	s16 =	sshll.u32 s0, $0xA;
	s2 =	sadd.s32 s3, s2  }
0x8d: {  	s2 =	sadd.s32 s2, s16  }
0x8e: {  	[smem:$0x3FC1] =	sst s2  }
0x8f: {  	_ = 	snop  }
0x90: {  	(tm) =	ssettm $0x1  }
0x91: {  	s17 =	sld [smem:$0x3FFB];
	_ =	sdelay $0x3  }
0x92: {  	_ =	strace s17  }
0x93: {  	s2 =	sld [smem:$0x3FFC];
	_ =	sdelay $0x3  }
0x94: {  	_ =	strace s2  }
0x95: {  	s2 =	sld [smem:$0x3FFD];
	_ =	sdelay $0x3  }
0x96: {  	_ =	strace s2  }
0x97: {  	_ =	strace $0x8FFFFFFF  }
0x98: {  	s18 =	sld [smem:$0x3FDB];
	_ =	sdelay $0x1  }
0x99: {  	s19 =	simm.s32 $_scs_section_size  }
0x9a: {  	s4 =	simm.s32 $_size__tile_overlayer_lowered;
	s5 =	simm.s32 $_tile_overlayer_lowered  }
0x9b: {  	s22 =	simm.s32 $0x1BFF;
	s21 =	sshll.u32 s5, $0x1;
	s2 =	sadd.s32 s19, s18  }
0x9c: {  	s6 =	simm.s32 $0x0;
	s20 =	sshll.u32 s4, $0x1;
	s4 =	sadd.s32 s21, s2  }
0x9d: {  	[timem:s6], [sflag:s22] =	dma.local [hbm:s4], s20  }
0x9e: {  	_ =	swait.ge [sflag:s22], s20  }
0x9f: {  	s3 =	ssub.s32 $0x0, s20;
	[sflag:s22] =	ssyncset.done $0x0  }
0xa0: {  	[sflag:s22] =	ssyncadd.s32 s3;
	_ =	sdelay $0x1  }
0xa1: {  	s23 =	simm.s32 $0x1B8B  }
0xa2: {  	_ =	swait.ge [sflag:s23], $0x1  }
0xa3: {  	[sflag:s23] =	ssyncset.done $0x0  }
0xa4: {  	s25 =	simm.s32 $0x1B8E;
	s24 =	sld [smem:$0x3FFE];
	[sflag:s23] =	ssyncadd.s32 $0xFFFFFFFF  }
0xa5: {  	s26 =	simm.s32 $execute0_lowered;
	[smem:$0x3FD2] =	sst s25  }
0xa6: {  	s4 =	sshll.u32 s26, $0x1;
	_ =	strace $0x8000004C;
	[dreg:$0x1] =	wrdreg $0xFFFFFFFF  }
0xa7: {  	s28 =	simm.s32 $_size_execute0_lowered;
	s2 =	sadd.s32 s2, s4;
	[dreg:$0x0] =	wrdreg $0x0  }
0xa8: {  	s4 =	sshll.u32 s28, $0x1;
	[dreg:$0x2] =	wrdreg s2  }
0xa9: {  	[dreg:$0x3] =	wrdreg s4  }
0xaa: {  	[dreg:$0x4] =	wrdreg $0xC0  }
0xab: {  	_ =	task [dreg:s6], $0x5FFFF  }
0xac: {  	[dreg:$0x1] =	wrdreg $0xFFFFFFFF  }
0xad: {  	[dreg:$0x0] =	wrdreg $0x60  }
0xae: {  	[dreg:$0x2] =	wrdreg s24  }
0xaf: {  	[dreg:$0x3] =	wrdreg $0xB0000  }
0xb0: {  	[dreg:$0x4] =	wrdreg $0x9  }
0xb1: {  	_ =	task.clear_ibuf [dreg:s6], $0x5FFFF;
	_ =	strace $0x9000004C  }
0xb2: {  	s29 =	simm.s32 $0x9;
	_ =	strace $0x8000004E  }
0xb3: {  	_ =	swait.ge [sflag:s29], $0x1  }
0xb4: {  	[sflag:s29] =	ssyncadd.s32 $0xFFFFFFFF  }
0xb5: {  	_ =	strace $0x9000004E  }
0xb6: {  	_ =	sfence  }
0xb7: {  	s30 =	sld [smem:$0x0];
	_ =	sdelay $0x2  }
0xb8: {  	s31 =	sshll.u32 s1, $0xD;
	s1 =	sshrl.u32 s1, $0x2  }
0xb9: {  	s3 =	sand.u32 $0x4000, s31;
	s1 =	sadd.s32 s1, s30  }
0xba: {  	s0 =	sor.u32 s3, s0;
	s1 =	sshll.u32 s1, $0x11  }
0xbb: {  	s0 =	sor.u32 s1, s0  }
0xbc: {  	s0 =	sadd.s32 $0x8F2B, s0  }
0xbd: {  	[sflag:s0] =	ssyncadd.remote.s32 $0x1  }
0xbe: {  	_ =	sfence.sel $0xFFFF  }
0xbf: {  	[dreg:$0x0] =	wrdreg $0xFFFFFFFF;
	(pc) =	sbr.abs _section_cstart, $3  }
0xc0: {  	[dreg:$0x1] =	wrdreg $0xFFFFFFFF  }
0xc1: {  	_ =	task.clear_ibuf [dreg:s6], $0x2FFFF;
	_ =	strace $0x9FFFFFFF  }
0xc2: {  	(tm) =	ssettm $0x7FFFFFFF  }
0xc3: {  	_ =	shalt  }
tec
execute0_lowered:
.L_overlay_start_1:
0x0: {  	(tag) =	ssettag $0x1  }
0x1: {  	s0 =	rddreg [dreg:$0x0]  }
0x2: {  	s1 =	srdreg.scid;
	s13 =	stileid.u32  }
0x3: {  	s2 =	rddreg [dreg:$0x1];
	s3 =	simm.s32 $0x0;
	s28 =	simm.s32 $0x2  }
0x4: {  	s29 =	simm.s32 $0x2880;
	s30 =	simm.s32 $0x2900;
	s31 =	simm.s32 $0x2980  }
0x5: {  	s1 =	sand.u32 $0x1, s1;
	s4 =	sshll.u32 s13, $0x1;
	s26 =	smul.u32 $0x4E000, s13  }
0x6: {  	[smem:$0x7FF] =	sst s3;
	s7 =	sadd.s32 $0x1A00, s0;
	s15 =	smul.u32 $0x2700, s13  }
0x7: {  	s14 =	sadd.s32 $0x15A00, s0;
	s8 =	sadd.s32 $0xB2000, s0;
	s21 =	smul.u32 $0x14, s13  }
0x8: {  	s18 =	sadd.s32 $0x124800, s2;
	s17 =	sadd.s32 $0x3A300, s0;
	s22 =	smul.u32 $0xA00, s13  }
0x9: {  	s4 =	sor.u32 s1, s4;
	_ =	strace $0x8000004D;
	s16 =	smul.u32 $0x138800, s1  }
0xa: {  	s9 =	ssub.s32 $0x2, s1;
	[dreg:$0x9] =	wrdreg s17;
	s19 =	smul.u32 $0x27100, s1  }
0xb: {  	p0 =	seq.s32 s1, $0x0;
	[dreg:$0x3] =	wrdreg s14;
	s24 =	smul.u32 $0x500, s1  }
0xc: {  	s17 =	simm.s32 $0x0;
	s5 =	smul.u32 $0x500, s4;
	s10 =	sshrl.u32 s9, $0x1  }
0xd: {  	[dreg:$0x8] =	wrdreg s18;
	s4 =	sadd.s32 $0x8AE00, s0;
	s9 =	ssub.s32 s9, s10  }
0xe: {  	s20 =	sshrl.u32 s16, $0x3;
	s6 =	sadd.s32 s5, s0;
	s11 =	sadd.s32 s7, s5  }
0xf: {  	s5 =	sshrl.u32 s26, $0x2;
	s0 =	sadd.s32 $0xAF700, s0;
	[dreg:$0x4] =	wrdreg s11  }
0x10: {  	s23 =	smax.u32 s9, $0x1;
	s9 =	simm.s32 $0x2C80;
	[dreg:$0xa] =	wrdreg s0  }
0x11: {  	s6 =	sadd.s32 $0xBA00, s6;
	s12 =	sadd.s32 $0x80, s11;
	[dreg:$0xd] =	wrdreg s23  }
0x12: {  	s5 =	sadd.s32 s5, s2;
	s11 =	sadd.s32 s15, s19;
	[dreg:$0x5] =	wrdreg s6  }
0x13: {  	s0 =	sadd.s32 s8, s20;
	s20 =	simm.s32 $0x2800;
	[dreg:$0x6] =	wrdreg s12  }
0x14: {  	s23 =	simm.s32 $0x3000;
	[dreg:$0x7] =	wrdreg s5;
	s8 =	sadd.s32 s8, s11  }
0x15: {  	s5 =	sadd.s32 $0x138800, s2;
	s0 =	sadd.s32 $0x24900, s0;
	[dreg:$0xb] =	wrdreg s8  }
0x16: {  	s12 =	smul.u32 $0xA, s1;
	s11 =	simm.s32 $0x2E00;
	[dreg:$0xc] =	wrdreg s0  }
0x17: {  	s8 =	smov.u32 s14;
	s0 =	sadd.s32 s22, s7;
	s22 =	simm.s32 $0x80  }
0x18: {  	s14 =	simm.s32 $0x2F80;
	s10 =	sadd.s32 s12, s21;
	s8 =	smov.u32 @p0 s4  }
0x19: {  	s0 =	sadd.s32 s24, s0;
	p0 =	seq.s32 s13, $0xF;
	s21 =	simm.s32 $0x2C00  }
0x1a: {  	s24 =	simm.s32 $0x7000;
	s12 =	simm.s32 $0x2E80;
	s10 =	sshll.u32 s10, $0x7  }
0x1b: {  	s6 =	sadd.s32 s8, s15;
	s0 =	sadd.s32 $0x180, s0;
	p1 =	seq.s32 @!p0 s13, $0x0  }
0x1c: {  	p3 =	sne.s32 @p0 s1, $0x0;
	s1 =	simm.s32 $0x2A00;
	s8 =	simm.s32 $0x2B80  }
0x1d: {  	s13 =	simm.s32 $0x2F00;
	s15 =	simm.s32 $0x4;
	[dreg:$0xe] =	wrdreg s6  }
.Ltmp0:
0x1e: {  	s25 =	sadd.s32 s7, s10;
	[dreg:$0xf] =	wrdreg s0;
	(pc) =	sbr.rel .LBB2_1-.Ltmp0, $4  }
0x1f: {  	p1 =	por !p1, p0;
	p2 =	por !p3, !p0;
	p3 =	por p3, !p0  }
0x20: {  	s7 =	simm.s32 $0x2B00;
	s6 =	simm.s32 $0x2D80;
	s26 =	sadd.s32 $0x100, s25  }
0x21: {  	s0 =	sshrl.u32 @!p1 s5, $0x3;
	s5 =	simm.s32 $0x2D00;
	[dreg:$0x10] =	wrdreg s26  }
0x22: {  	[dreg:$0x11] =	wrdreg s0;
	s26 =	simm.s32 $0x1;
	s0 =	simm.s32 $0x2A80  }
.LBB2_4:
0x23: {  	_ =	swait.ge [sflag:s28], $0x4000  }
0x24: {  	[sflag:s28] =	ssyncset.done $0x0  }
0x25: {  	[sflag:s28] =	ssyncadd.s32 $0xFFFFC000  }
0x26: {  	[spmem:s2] =	stream.indirect.scatter.add.f32 [tilespmem:s24], [sflag:$0x2], $0x80, s14, s22, $0xb8;
	[tilespmem:$0x1F880] =	vst v63  }
0x27: {  	_ =	swait.ge [sflag:s28], $0x4000  }
0x28: {  	[sflag:s28] =	ssyncset.done $0x0  }
0x29: {  	[sflag:s28] =	ssyncadd.s32 $0xFFFFC000  }
0x2a: {  	[bflag:$0x0] =	sbarrier.arrive $0xFFFF  }
0x2b: {  	s18 =	rddreg [dreg:$0x8]  }
0x2c: {  	s16 =	simm.s32 @p0 $0x1FC5;
	s17 =	rddreg [dreg:$0xc];
	s10 =	sshrl.u32 @p0 s18, $0x3  }
0x2d: {  	[hbm:s17], [sflag:s16] =	dma.local @p0 [spmem:s10], $0x2800  }
0x2e: {  	s10 =	simm.s32 @p0 $0x5  }
0x2f: {  	_ =	swait.ge @p0 [sflag:s10], $0x2800  }
0x30: {  	s16 =	rddreg [dreg:$0x13]  }
0x31: {  	[sflag:s10] =	ssyncset.done @p0 $0x0;
	s17 =	rddreg [dreg:$0x14]  }
0x32: {  	[sflag:s10] =	ssyncadd.s32 @p0 $0xFFFFD800;
	s10 =	rddreg [dreg:$0xb]  }
0x33: {  	[hbm:s10], [sflag:s16] =	dma.local @!p0 [spmem:s17], $0x2700  }
0x34: {  	s10 =	simm.s32 @!p0 $0x5  }
0x35: {  	_ =	swait.ge @!p0 [sflag:s10], $0x2700  }
0x36: {  	s19 =	rddreg [dreg:$0x12]  }
0x37: {  	s25 =	rddreg [dreg:$0xd];
	s17 =	sadd.s32 $0x1, s19  }
0x38: {  	p4 =	sne.s32 s17, s25  }
.Ltmp1:
0x39: {  	_ = 	snop;
	(pc) =	sbr.rel @!p4 .LBB2_5-.Ltmp1, $3  }
0x3a: {  	_ =	sdelay $0x1  }
0x3b: {  	[sflag:s10] =	ssyncset.done @!p0 $0x0  }
0x3c: {  	[sflag:s10] =	ssyncadd.s32 @!p0 $0xFFFFD900  }
.LBB2_1:
0x3d: {  	[dreg:$0x12] =	wrdreg s17  }
0x3e: {  	s10 =	rddreg [dreg:$0x5];
	s16 =	simm.s32 $0x5  }
0x3f: {  	[tilespmem:s3], [sflag:$0x5] =	stream.linear.gather [hbm4b:s10+s3], $0x2800, $0x38;
	[tilespmem:$0x1F880] =	vst v63  }
0x40: {  	_ =	swait.ge [sflag:s16], $0x2800  }
0x41: {  	[sflag:s16] =	ssyncset.done $0x0  }
0x42: {  	s19 =	rddreg [dreg:$0x4];
	[sflag:s16] =	ssyncadd.s32 $0xFFFFD800  }
0x43: {  	[tilespmem:s20], [sflag:$0x5] =	stream.linear.gather [hbm4b:s19+s3], $0x400, $0x38;
	[tilespmem:$0x1F880] =	vst v63  }
0x44: {  	_ =	swait.ge [sflag:s16], $0x400  }
0x45: {  	[sflag:s16] =	ssyncset.done $0x0  }
0x46: {  	s25 =	rddreg [dreg:$0x6];
	[sflag:s16] =	ssyncadd.s32 $0xFFFFFC00  }
0x47: {  	[tilespmem:s21], [sflag:$0x5] =	stream.linear.gather [hbm4b:s25+s3], $0x400, $0x38;
	[tilespmem:$0x1F880] =	vst v63  }
0x48: {  	_ =	swait.ge [sflag:s16], $0x400  }
0x49: {  	[sflag:s16] =	ssyncset.done $0x0  }
0x4a: {  	[sflag:s16] =	ssyncadd.s32 $0xFFFFFC00  }
0x4b: {  	[tilespmem:s23], [sflag:$0x1] =	stream.indirect.gather [hbm4b:s4+s22], $0x80, s3, s22, $0xb8;
	[tilespmem:$0x1F880] =	vst v63  }
0x4c: {  	s17 =	simm.s32 @!p2 $0x1FC5;
	s10 =	sshrl.u32 @!p2 s18, $0x3;
	s16 =	rddreg [dreg:$0x9]  }
0x4d: {  	[tilespmem:s24], [sflag:$0x2] =	stream.indirect.gather [hbm4b:s4+s22], $0x80, s22, s22, $0xb8;
	[tilespmem:$0x1F880] =	vst v63  }
0x4e: {  	[spmem:s10], [sflag:s17] =	dma.local @!p2 [hbm:s16], $0x2800  }
0x4f: {  	s10 =	simm.s32 @!p2 $0x5  }
0x50: {  	_ =	swait.ge @!p2 [sflag:s10], $0x2800  }
0x51: {  	s17 =	simm.s32 @!p3 $0x1FC5;
	[sflag:s10] =	ssyncset.done @!p2 $0x0  }
0x52: {  	s16 =	rddreg [dreg:$0xa];
	[sflag:s10] =	ssyncadd.s32 @!p2 $0xFFFFD800;
	s10 =	sshrl.u32 @!p3 s18, $0x3  }
0x53: {  	[spmem:s10], [sflag:s17] =	dma.local @!p3 [hbm:s16], $0x2800  }
0x54: {  	s10 =	simm.s32 @!p3 $0x5  }
0x55: {  	s16 =	stileid.u32;
	_ =	swait.ge @!p3 [sflag:s10], $0x2800  }
0x56: {  	s17 =	sshll.u32 @!p0 s16, $0x6;
	[sflag:s10] =	ssyncset.done @!p3 $0x0  }
0x57: {  	s16 =	sor.u32 @!p0 $0x1C05, s17;
	[sflag:s10] =	ssyncadd.s32 @!p3 $0xFFFFD800;
	s10 =	rddreg [dreg:$0x7]  }
0x58: {  	[dreg:$0x13] =	wrdreg s16  }
0x59: {  	s17 =	sshrl.u32 @!p0 s10, $0x3;
	s10 =	rddreg [dreg:$0xe]  }
0x5a: {  	[dreg:$0x14] =	wrdreg s17  }
0x5b: {  	[spmem:s17], [sflag:s16] =	dma.local @!p0 [hbm:s10], $0x2700  }
0x5c: {  	s10 =	simm.s32 @!p0 $0x5  }
0x5d: {  	_ =	swait.ge @!p0 [sflag:s10], $0x2700  }
0x5e: {  	[sflag:s10] =	ssyncset.done @!p0 $0x0;
	s16 =	rddreg [dreg:$0x3]  }
0x5f: {  	s17 =	rddreg [dreg:$0x11];
	[sflag:s10] =	ssyncadd.s32 @!p0 $0xFFFFD900;
	s10 =	simm.s32 @!p1 $0x1C05  }
0x60: {  	[spmem:s17], [sflag:s10] =	dma.local @!p1 [hbm:s16], $0x2000  }
0x61: {  	s10 =	simm.s32 @!p1 $0x5  }
0x62: {  	_ =	swait.ge @!p1 [sflag:s10], $0x2000  }
0x63: {  	[sflag:s10] =	ssyncset.done @!p1 $0x0  }
0x64: {  	[sflag:s10] =	ssyncadd.s32 @!p1 $0xFFFFE000  }
0x65: {  	[bflag:$0x0] =	sbarrier.arrive $0xFFFF  }
0x66: {  	s25 =	rddreg [dreg:$0x10]  }
0x67: {  	s17 =	simm.s32 $0x0;
	s10 =	rddreg [dreg:$0xf]  }
.LBB2_2:
0x68: {  	p4 =	seq.s32 s17, $0x0  }
0x69: {  	s18 =	simm.s32 @!p4 $0x3  }
0x6a: {  	_ =	swait.ge @!p4 [sflag:s18], $0x400  }
0x6b: {  	[sflag:s18] =	ssyncset.done @!p4 $0x0  }
0x6c: {  	[sflag:s18] =	ssyncadd.s32 @!p4 $0xFFFFFC00  }
0x6d: {  	_ =	swait.ge [sflag:s26], $0x4000  }
0x6e: {  	[sflag:s26] =	ssyncset.done $0x0  }
0x6f: {  	[sflag:s26] =	ssyncadd.s32 $0xFFFFC000  }
0x70: {  	[spmem:s2] =	stream.indirect.scatter.add.f32 [tilespmem:s23], [sflag:$0x1], $0x80, s20, s22, $0xb8;
	[tilespmem:$0x1F880] =	vst v63  }
0x71: {  	_ =	swait.ge [sflag:s26], $0x4000  }
0x72: {  	s18 =	sshra.s32 s17, $0x2;
	[sflag:s26] =	ssyncset.done $0x0  }
0x73: {  	s19 =	sadd.s32 $0x100, s18;
	[sflag:s26] =	ssyncadd.s32 $0xFFFFC000  }
0x74: {  	[tilespmem:s23], [sflag:$0x1] =	stream.indirect.gather [hbm4b:s4+s22], $0x80, s19, s22, $0xb8;
	[tilespmem:$0x1F880] =	vst v63  }
0x75: {  	_ =	swait.ge [sflag:s28], $0x4000  }
0x76: {  	[sflag:s28] =	ssyncset.done $0x0  }
0x77: {  	[sflag:s28] =	ssyncadd.s32 $0xFFFFC000  }
0x78: {  	[spmem:s2] =	stream.indirect.scatter.add.f32 [tilespmem:s24], [sflag:$0x2], $0x80, s29, s22, $0xb8;
	[tilespmem:$0x1F880] =	vst v63  }
0x79: {  	_ =	swait.ge [sflag:s28], $0x4000  }
0x7a: {  	[sflag:s28] =	ssyncset.done $0x0  }
0x7b: {  	s16 =	sadd.s32 $0x180, s18;
	[sflag:s28] =	ssyncadd.s32 $0xFFFFC000  }
0x7c: {  	[tilespmem:s24], [sflag:$0x2] =	stream.indirect.gather [hbm4b:s4+s22], $0x80, s16, s22, $0xb8;
	[tilespmem:$0x1F880] =	vst v63  }
0x7d: {  	_ =	swait.ge [sflag:s26], $0x4000  }
0x7e: {  	[sflag:s26] =	ssyncset.done $0x0  }
0x7f: {  	[sflag:s26] =	ssyncadd.s32 $0xFFFFC000  }
0x80: {  	[spmem:s2] =	stream.indirect.scatter.add.f32 [tilespmem:s23], [sflag:$0x1], $0x80, s30, s22, $0xb8;
	[tilespmem:$0x1F880] =	vst v63  }
0x81: {  	_ =	swait.ge [sflag:s26], $0x4000  }
0x82: {  	[sflag:s26] =	ssyncset.done $0x0  }
0x83: {  	s16 =	sadd.s32 $0x200, s18;
	[sflag:s26] =	ssyncadd.s32 $0xFFFFC000  }
0x84: {  	[tilespmem:s23], [sflag:$0x1] =	stream.indirect.gather [hbm4b:s4+s22], $0x80, s16, s22, $0xb8;
	[tilespmem:$0x1F880] =	vst v63  }
0x85: {  	_ =	swait.ge [sflag:s28], $0x4000  }
0x86: {  	[sflag:s28] =	ssyncset.done $0x0  }
0x87: {  	[sflag:s28] =	ssyncadd.s32 $0xFFFFC000  }
0x88: {  	[spmem:s2] =	stream.indirect.scatter.add.f32 [tilespmem:s24], [sflag:$0x2], $0x80, s31, s22, $0xb8;
	[tilespmem:$0x1F880] =	vst v63  }
0x89: {  	_ =	swait.ge [sflag:s28], $0x4000  }
0x8a: {  	[sflag:s28] =	ssyncset.done $0x0  }
0x8b: {  	s16 =	sadd.s32 $0x280, s18;
	[sflag:s28] =	ssyncadd.s32 $0xFFFFC000  }
0x8c: {  	[tilespmem:s24], [sflag:$0x2] =	stream.indirect.gather [hbm4b:s4+s22], $0x80, s16, s22, $0xb8;
	[tilespmem:$0x1F880] =	vst v63  }
0x8d: {  	_ =	swait.ge [sflag:s26], $0x4000  }
0x8e: {  	[sflag:s26] =	ssyncset.done $0x0  }
0x8f: {  	[sflag:s26] =	ssyncadd.s32 $0xFFFFC000  }
0x90: {  	[spmem:s2] =	stream.indirect.scatter.add.f32 [tilespmem:s23], [sflag:$0x1], $0x80, s1, s22, $0xb8;
	[tilespmem:$0x1F880] =	vst v63  }
0x91: {  	_ =	swait.ge [sflag:s26], $0x4000  }
0x92: {  	[sflag:s26] =	ssyncset.done $0x0  }
0x93: {  	s16 =	sadd.s32 $0x300, s18;
	[sflag:s26] =	ssyncadd.s32 $0xFFFFC000  }
0x94: {  	[tilespmem:s23], [sflag:$0x1] =	stream.indirect.gather [hbm4b:s4+s22], $0x80, s16, s22, $0xb8;
	[tilespmem:$0x1F880] =	vst v63  }
0x95: {  	_ =	swait.ge [sflag:s28], $0x4000  }
0x96: {  	[sflag:s28] =	ssyncset.done $0x0  }
0x97: {  	[sflag:s28] =	ssyncadd.s32 $0xFFFFC000  }
0x98: {  	[spmem:s2] =	stream.indirect.scatter.add.f32 [tilespmem:s24], [sflag:$0x2], $0x80, s0, s22, $0xb8;
	[tilespmem:$0x1F880] =	vst v63  }
0x99: {  	_ =	swait.ge [sflag:s28], $0x4000  }
0x9a: {  	[sflag:s28] =	ssyncset.done $0x0  }
0x9b: {  	s16 =	sadd.s32 $0x380, s18;
	[sflag:s28] =	ssyncadd.s32 $0xFFFFC000  }
0x9c: {  	[tilespmem:s24], [sflag:$0x2] =	stream.indirect.gather [hbm4b:s4+s22], $0x80, s16, s22, $0xb8;
	[tilespmem:$0x1F880] =	vst v63  }
0x9d: {  	_ =	swait.ge [sflag:s26], $0x4000  }
0x9e: {  	[sflag:s26] =	ssyncset.done $0x0  }
0x9f: {  	[sflag:s26] =	ssyncadd.s32 $0xFFFFC000  }
0xa0: {  	[spmem:s2] =	stream.indirect.scatter.add.f32 [tilespmem:s23], [sflag:$0x1], $0x80, s7, s22, $0xb8;
	[tilespmem:$0x1F880] =	vst v63  }
0xa1: {  	_ =	swait.ge [sflag:s26], $0x4000  }
0xa2: {  	[sflag:s26] =	ssyncset.done $0x0  }
0xa3: {  	s16 =	sadd.s32 $0x400, s18;
	[sflag:s26] =	ssyncadd.s32 $0xFFFFC000  }
0xa4: {  	[tilespmem:s23], [sflag:$0x1] =	stream.indirect.gather [hbm4b:s4+s22], $0x80, s16, s22, $0xb8;
	[tilespmem:$0x1F880] =	vst v63  }
0xa5: {  	_ =	swait.ge [sflag:s28], $0x4000  }
0xa6: {  	[sflag:s28] =	ssyncset.done $0x0  }
0xa7: {  	[sflag:s28] =	ssyncadd.s32 $0xFFFFC000  }
0xa8: {  	[spmem:s2] =	stream.indirect.scatter.add.f32 [tilespmem:s24], [sflag:$0x2], $0x80, s8, s22, $0xb8;
	[tilespmem:$0x1F880] =	vst v63  }
0xa9: {  	_ =	swait.ge [sflag:s28], $0x4000  }
0xaa: {  	p4 =	seq.s32 s17, $0x8000;
	[sflag:s28] =	ssyncset.done $0x0  }
0xab: {  	p5 =	seq.s32 @!p4 s17, $0x0;
	s16 =	sadd.s32 $0x480, s18;
	[sflag:s28] =	ssyncadd.s32 $0xFFFFC000  }
0xac: {  	[tilespmem:s24], [sflag:$0x2] =	stream.indirect.gather [hbm4b:s4+s22], $0x80, s16, s22, $0xb8;
	[tilespmem:$0x1F880] =	vst v63  }
0xad: {  	p5 =	por p4, !p5;
	s19 =	simm.s32 @!p4 $0x0;
	s16 =	simm.s32 @!p4 $0x2800  }
0xae: {  	[tilespmem:s16], [sflag:$0x3] =	stream.linear.gather @!p4 [hbm4b:s25+s19], $0x400, $0x38;
	[tilespmem:$0x1F880] =	vst v63  }
0xaf: {  	_ =	swait.ge @p5 [sflag:s15], $0x400  }
0xb0: {  	[sflag:s15] =	ssyncset.done @p5 $0x0  }
0xb1: {  	[sflag:s15] =	ssyncadd.s32 @p5 $0xFFFFFC00  }
0xb2: {  	_ =	swait.ge [sflag:s26], $0x4000  }
0xb3: {  	[sflag:s26] =	ssyncset.done $0x0  }
0xb4: {  	[sflag:s26] =	ssyncadd.s32 $0xFFFFC000  }
0xb5: {  	[spmem:s2] =	stream.indirect.scatter.add.f32 [tilespmem:s23], [sflag:$0x1], $0x80, s21, s22, $0xb8;
	[tilespmem:$0x1F880] =	vst v63  }
0xb6: {  	_ =	swait.ge [sflag:s26], $0x4000  }
0xb7: {  	[sflag:s26] =	ssyncset.done $0x0  }
0xb8: {  	s19 =	sadd.s32 $0x500, s18;
	[sflag:s26] =	ssyncadd.s32 $0xFFFFC000  }
0xb9: {  	[tilespmem:s23], [sflag:$0x1] =	stream.indirect.gather [hbm4b:s4+s22], $0x80, s19, s22, $0xb8;
	[tilespmem:$0x1F880] =	vst v63  }
0xba: {  	_ =	swait.ge [sflag:s28], $0x4000  }
0xbb: {  	[sflag:s28] =	ssyncset.done $0x0  }
0xbc: {  	[sflag:s28] =	ssyncadd.s32 $0xFFFFC000  }
0xbd: {  	[spmem:s2] =	stream.indirect.scatter.add.f32 [tilespmem:s24], [sflag:$0x2], $0x80, s9, s22, $0xb8;
	[tilespmem:$0x1F880] =	vst v63  }
0xbe: {  	_ =	swait.ge [sflag:s28], $0x4000  }
0xbf: {  	[sflag:s28] =	ssyncset.done $0x0  }
0xc0: {  	s19 =	sadd.s32 $0x580, s18;
	[sflag:s28] =	ssyncadd.s32 $0xFFFFC000  }
0xc1: {  	[tilespmem:s24], [sflag:$0x2] =	stream.indirect.gather [hbm4b:s4+s22], $0x80, s19, s22, $0xb8;
	[tilespmem:$0x1F880] =	vst v63  }
0xc2: {  	_ =	swait.ge [sflag:s26], $0x4000  }
0xc3: {  	[sflag:s26] =	ssyncset.done $0x0  }
0xc4: {  	[sflag:s26] =	ssyncadd.s32 $0xFFFFC000  }
0xc5: {  	[spmem:s2] =	stream.indirect.scatter.add.f32 [tilespmem:s23], [sflag:$0x1], $0x80, s5, s22, $0xb8;
	[tilespmem:$0x1F880] =	vst v63  }
0xc6: {  	_ =	swait.ge [sflag:s26], $0x4000  }
0xc7: {  	[sflag:s26] =	ssyncset.done $0x0  }
0xc8: {  	s19 =	sadd.s32 $0x600, s18;
	[sflag:s26] =	ssyncadd.s32 $0xFFFFC000  }
0xc9: {  	[tilespmem:s23], [sflag:$0x1] =	stream.indirect.gather [hbm4b:s4+s22], $0x80, s19, s22, $0xb8;
	[tilespmem:$0x1F880] =	vst v63  }
0xca: {  	_ =	swait.ge [sflag:s28], $0x4000  }
0xcb: {  	[sflag:s28] =	ssyncset.done $0x0  }
0xcc: {  	[sflag:s28] =	ssyncadd.s32 $0xFFFFC000  }
0xcd: {  	[spmem:s2] =	stream.indirect.scatter.add.f32 [tilespmem:s24], [sflag:$0x2], $0x80, s6, s22, $0xb8;
	[tilespmem:$0x1F880] =	vst v63  }
0xce: {  	_ =	swait.ge [sflag:s28], $0x4000  }
0xcf: {  	[sflag:s28] =	ssyncset.done $0x0  }
0xd0: {  	s19 =	sadd.s32 $0x680, s18;
	[sflag:s28] =	ssyncadd.s32 $0xFFFFC000  }
0xd1: {  	[tilespmem:s24], [sflag:$0x2] =	stream.indirect.gather [hbm4b:s4+s22], $0x80, s19, s22, $0xb8;
	[tilespmem:$0x1F880] =	vst v63  }
0xd2: {  	_ =	swait.ge [sflag:s26], $0x4000  }
0xd3: {  	[sflag:s26] =	ssyncset.done $0x0  }
0xd4: {  	[sflag:s26] =	ssyncadd.s32 $0xFFFFC000  }
0xd5: {  	[spmem:s2] =	stream.indirect.scatter.add.f32 [tilespmem:s23], [sflag:$0x1], $0x80, s11, s22, $0xb8;
	[tilespmem:$0x1F880] =	vst v63  }
0xd6: {  	_ =	swait.ge [sflag:s26], $0x4000  }
0xd7: {  	[sflag:s26] =	ssyncset.done $0x0  }
0xd8: {  	s19 =	sadd.s32 $0x700, s18;
	[sflag:s26] =	ssyncadd.s32 $0xFFFFC000  }
0xd9: {  	[tilespmem:s23], [sflag:$0x1] =	stream.indirect.gather [hbm4b:s4+s22], $0x80, s19, s22, $0xb8;
	[tilespmem:$0x1F880] =	vst v63  }
0xda: {  	_ =	swait.ge [sflag:s28], $0x4000  }
0xdb: {  	[sflag:s28] =	ssyncset.done $0x0  }
0xdc: {  	[sflag:s28] =	ssyncadd.s32 $0xFFFFC000  }
0xdd: {  	[spmem:s2] =	stream.indirect.scatter.add.f32 [tilespmem:s24], [sflag:$0x2], $0x80, s12, s22, $0xb8;
	[tilespmem:$0x1F880] =	vst v63  }
0xde: {  	_ =	swait.ge [sflag:s28], $0x4000  }
0xdf: {  	[sflag:s28] =	ssyncset.done $0x0  }
0xe0: {  	s19 =	sadd.s32 $0x780, s18;
	[sflag:s28] =	ssyncadd.s32 $0xFFFFC000  }
0xe1: {  	[tilespmem:s24], [sflag:$0x2] =	stream.indirect.gather [hbm4b:s4+s22], $0x80, s19, s22, $0xb8;
	[tilespmem:$0x1F880] =	vst v63  }
0xe2: {  	_ =	swait.ge [sflag:s26], $0x4000  }
0xe3: {  	[sflag:s26] =	ssyncset.done $0x0  }
.Ltmp2:
0xe4: {  	[sflag:s26] =	ssyncadd.s32 $0xFFFFC000;
	(pc) =	sbr.rel @p4 .LBB2_4-.Ltmp2, $4  }
0xe5: {  	[spmem:s2] =	stream.indirect.scatter.add.f32 [tilespmem:s23], [sflag:$0x1], $0x80, s13, s22, $0xb8;
	[tilespmem:$0x1F880] =	vst v63  }
0xe6: {  	_ =	swait.ge [sflag:s26], $0x4000  }
0xe7: {  	[sflag:s26] =	ssyncset.done $0x0  }
0xe8: {  	[sflag:s26] =	ssyncadd.s32 $0xFFFFC000  }
0xe9: {  	s16 =	sadd.s32 $0x800, s18  }
0xea: {  	[tilespmem:s23], [sflag:$0x1] =	stream.indirect.gather [hbm4b:s4+s22], $0x80, s16, s22, $0xb8;
	[tilespmem:$0x1F880] =	vst v63  }
0xeb: {  	_ =	swait.ge [sflag:s28], $0x4000  }
0xec: {  	[sflag:s28] =	ssyncset.done $0x0  }
0xed: {  	[sflag:s28] =	ssyncadd.s32 $0xFFFFC000  }
0xee: {  	[spmem:s2] =	stream.indirect.scatter.add.f32 [tilespmem:s24], [sflag:$0x2], $0x80, s14, s22, $0xb8;
	[tilespmem:$0x1F880] =	vst v63  }
0xef: {  	_ =	swait.ge [sflag:s28], $0x4000  }
0xf0: {  	[sflag:s28] =	ssyncset.done $0x0  }
.Ltmp3:
0xf1: {  	s19 =	sadd.s32 $0x880, s18;
	[sflag:s28] =	ssyncadd.s32 $0xFFFFC000;
	(pc) =	sbr.rel .LBB2_2-.Ltmp3, $4  }
0xf2: {  	[tilespmem:s24], [sflag:$0x2] =	stream.indirect.gather [hbm4b:s4+s22], $0x80, s19, s22, $0xb8;
	[tilespmem:$0x1F880] =	vst v63  }
0xf3: {  	_ = 	snop  }
0xf4: {  	[tilespmem:s21], [sflag:$0x4] =	stream.linear.gather [hbm4b:s10+s3], $0x400, $0x38;
	[tilespmem:$0x1F880] =	vst v63  }
0xf5: {  	s17 =	sadd.s32 $0x2000, s17;
	s25 =	sadd.s32 $0x100, s25;
	s10 =	sadd.s32 $0x100, s10  }
.LBB2_5:
0xf6: {  	_ =	sfence.sel $0x180000  }
0xf7: {  	[bflag:$0x0] =	sbarrier.arrive $0xFFFF  }
0xf8: {  	_ =	strace $0x9000004D  }
0xf9: {  	s0 =	stileid.u32;
	[bflag:$0x2] =	sbarrier.arrive $0xFFFF  }
0xfa: {  	p0 =	sne.s32 s0, $0x0;
	s0 =	rddreg [dreg:$0x2]  }
0xfb: {  	s0 =	sadd.s32 @!p0 $0x100000, s0  }
0xfc: {  	[sflag:s0] =	ssyncadd.tile.s32 @!p0 $0x1;
	_ =	shalt  }
.Lfunc_end2:
_tile_overlayer_lowered:
.L_overlay_start_2:
0xfd: {  	(tag) =	ssettag $0x2  }
0xfe: {  	s0 =	rddreg [dreg:$0x0];
	s2 =	stileid.u32  }
0xff: {  	s1 =	rddreg [dreg:$0x1];
	p0 =	sne.s32 s2, $0x0  }
0x100: {  	s3 =	rddreg [dreg:$0x2];
	[bflag:$0x3] =	sbarrier.arrive $0xFFFF;
	s2 =	simm.s32 @!p0 $0x1C05  }
0x101: {  	[timem:s3], [sflag:s2] =	dma.local @!p0 [hbm:s0], s1  }
0x102: {  	s0 =	simm.s32 @!p0 $0x5  }
0x103: {  	_ =	swait.ge @!p0 [sflag:s0], s1  }
0x104: {  	s1 =	ssub.s32 @!p0 $0x0, s1;
	[sflag:s0] =	ssyncset.done @!p0 $0x0  }
0x105: {  	[sflag:s0] =	ssyncadd.s32 @!p0 s1  }
0x106: {  	[bflag:$0x3] =	sbarrier.arrive $0xFFFF  }
0x107: {  	_ =	shalt  }

// kernel: kernel.20.cloned.1.call-start
scs
__scs_entry_jumppad:
0x0: {  	(pc) =	sbr.rel $0x88, $3  }
0x1: {  	(tag) =	ssettag $0x0;
	lr =	simm.s32 $0x1  }
0x2: {  	[smem:$0x3F9A] =	sst lr;
	_ =	strace $0xD0000000  }
0x3: {  	_ = 	snop  }
0x4: {  	_ = 	snop  }
0x5: {  	_ = 	snop  }
0x6: {  	_ = 	snop  }
0x7: {  	_ = 	snop  }
__scs_overlays_trampoline_lowered:
0x8: {  	[smem:$0x3FA9] =	sst s0  }
0x9: {  	[smem:$0x3FAA] =	sst s1  }
0xa: {  	[smem:$0x3FAB] =	sst s2  }
0xb: {  	[smem:$0x3FAC] =	sst s3  }
0xc: {  	[smem:$0x3FAD] =	sst s4  }
0xd: {  	[smem:$0x3FAE] =	sst s5  }
0xe: {  	[smem:$0x3FAF] =	sst s6  }
0xf: {  	[smem:$0x3FB0] =	sst s7  }
0x10: {  	[smem:$0x3FB1] =	sst s8  }
0x11: {  	[smem:$0x3FB2] =	sst s9;
	s0 =	simm.s32 @!p0 $0x0  }
0x12: {  	s1 =	sld [smem:$0x3F98];
	s0 =	simm.s32 @p0 $0x1  }
0x13: {  	[smem:$0x3FB3] =	sst s0;
	s0 =	simm.s32 @!p1 $0x0  }
0x14: {  	s2 =	sld [smem:$0x3F97];
	s0 =	simm.s32 @p1 $0x1  }
0x15: {  	[smem:$0x3FB4] =	sst s0;
	s0 =	simm.s32 @!p2 $0x0  }
0x16: {  	s3 =	sld [smem:$0x3FDB];
	s0 =	simm.s32 @p2 $0x1  }
0x17: {  	s4 =	simm.s32 $0x1BF5;
	[smem:$0x3FB6] =	sst s0  }
0x18: {  	s0 =	sld [smem:$0x3F99];
	_ =	swait.ge [sflag:s4], $0x0  }
0x19: {  	s7 =	sld [smem:$0x3F9A]  }
0x1a: {  	s8 =	sadd.s32 $0xFFFFE003, lr  }
0x1b: {  	s9 =	sadd.s32 $0xFFFFFEF7, lr;
	s5 =	simm.s32 $0xFFFFFFFF;
	p2 =	slt.u32 s8, $0xFFFFF086  }
0x1c: {  	p1 =	slt.u32 s9, $0xF7A;
	s5 =	simm.s32 @!p2 $0x0  }
0x1d: {  	s5 =	simm.s32 @p1 $0x1;
	p0 =	seq.s32 s7, s2  }
0x1e: {  	s7 =	smul.u32 @!p0 $0xF7A, s2;
	p2 =	seq.s32 @!p0 s5, $0x0  }
0x1f: {  	s9 =	smul.u32 $0xF7A, s1;
	s8 =	simm.s32 @!p0 $0x1BF5;
	p2 =	por !p2, p0  }
0x20: {  	[sflag:s8] =	ssyncset.s32 @!p0 $0xFFFFF086;
	s6 =	sadd.s32 @!p0 s3, s7;
	s7 =	simm.s32 @!p0 $0x108  }
0x21: {  	s3 =	sadd.s32 s3, s9;
	s6 =	sadd.s32 @!p0 $0x88, s6;
	s7 =	simm.s32 @p2 $0x1082  }
0x22: {  	[simem:s7], [sflag:s8] =	dma.local @!p0 [hbm:s6], $0xF7A  }
0x23: {  	s9 =	sor.u32 $0xD0000000, s2;
	s6 =	simm.s32 $0x108;
	_ =	swait.ge @!p0 [sflag:s8], $0x0  }
0x24: {  	s3 =	sadd.s32 $0x88, s3;
	s6 =	simm.s32 @!p1 $0x1082;
	[sflag:s4] =	ssyncset.s32 $0xFFFFF086  }
0x25: {  	[simem:s6], [sflag:s4] =	dma.local [hbm:s3], $0xF7A  }
0x26: {  	[smem:$0x3F9A] =	sst s1;
	(tag) =	ssettag s2;
	_ =	strace s9  }
0x27: {  	s1 =	sld [smem:$0x3FAA]  }
0x28: {  	s2 =	sld [smem:$0x3FAB]  }
0x29: {  	s4 =	sld [smem:$0x3FAD]  }
0x2a: {  	p0 =	seq.s32 s5, $0x0;
	s5 =	sld [smem:$0x3FAE]  }
0x2b: {  	s6 =	sld [smem:$0x3FAF]  }
0x2c: {  	s7 =	sld [smem:$0x3FB0]  }
0x2d: {  	s3 =	simm.s32 $0x108;
	s8 =	sld [smem:$0x3FB1]  }
0x2e: {  	s3 =	simm.s32 @!p0 $0x1082;
	s9 =	sld [smem:$0x3FB2]  }
0x2f: {  	lr =	sadd.s32 s0, s3;
	s0 =	sld [smem:$0x3FA9]  }
0x30: {  	s3 =	sld [smem:$0x3FAC]  }
0x31: {  	[smem:$0x3FB5] =	sst s10  }
0x32: {  	s10 =	sld [smem:$0x3FB3];
	_ =	sdelay $0x3  }
0x33: {  	p0 =	seq.s32 s10, $0x1;
	s10 =	sld [smem:$0x3FB5];
	_ =	sdelay $0x3  }
0x34: {  	[smem:$0x3FB5] =	sst s10  }
0x35: {  	s10 =	sld [smem:$0x3FB4];
	_ =	sdelay $0x3  }
0x36: {  	p1 =	seq.s32 s10, $0x1;
	s10 =	sld [smem:$0x3FB5];
	_ =	sdelay $0x3  }
0x37: {  	[smem:$0x3FB5] =	sst s10  }
0x38: {  	s10 =	sld [smem:$0x3FB6]  }
0x39: {  	_ = 	snop;
	(pc) =	sbr.ind lr, $3  }
0x3a: {  	_ = 	snop  }
0x3b: {  	_ = 	snop  }
0x3c: {  	p2 =	seq.s32 s10, $0x1;
	s10 =	sld [smem:$0x3FB5]  }
0x3d: {  	_ =	shalt  }
0x3e: {  	_ =	shalt  }
0x3f: {  	_ =	shalt  }
0x40: {  	_ =	shalt  }
0x41: {  	_ =	shalt  }
0x42: {  	_ =	shalt  }
0x43: {  	_ =	shalt  }
0x44: {  	_ =	shalt  }
0x45: {  	_ =	shalt  }
0x46: {  	_ =	shalt  }
0x47: {  	_ =	shalt  }
0x48: {  	_ =	shalt  }
0x49: {  	_ =	shalt  }
0x4a: {  	_ =	shalt  }
0x4b: {  	_ =	shalt  }
0x4c: {  	_ =	shalt  }
0x4d: {  	_ =	shalt  }
0x4e: {  	_ =	shalt  }
0x4f: {  	_ =	shalt  }
0x50: {  	_ =	shalt  }
0x51: {  	_ =	shalt  }
0x52: {  	_ =	shalt  }
0x53: {  	_ =	shalt  }
0x54: {  	_ =	shalt  }
0x55: {  	_ =	shalt  }
0x56: {  	_ =	shalt  }
0x57: {  	_ =	shalt  }
0x58: {  	_ =	shalt  }
0x59: {  	_ =	shalt  }
0x5a: {  	_ =	shalt  }
0x5b: {  	_ =	shalt  }
0x5c: {  	_ =	shalt  }
0x5d: {  	_ =	shalt  }
0x5e: {  	_ =	shalt  }
0x5f: {  	_ =	shalt  }
0x60: {  	_ =	shalt  }
0x61: {  	_ =	shalt  }
0x62: {  	_ =	shalt  }
0x63: {  	_ =	shalt  }
0x64: {  	_ =	shalt  }
0x65: {  	_ =	shalt  }
0x66: {  	_ =	shalt  }
0x67: {  	_ =	shalt  }
0x68: {  	_ =	shalt  }
0x69: {  	_ =	shalt  }
0x6a: {  	_ =	shalt  }
0x6b: {  	_ =	shalt  }
0x6c: {  	_ =	shalt  }
0x6d: {  	_ =	shalt  }
0x6e: {  	_ =	shalt  }
0x6f: {  	_ =	shalt  }
0x70: {  	_ =	shalt  }
0x71: {  	_ =	shalt  }
0x72: {  	_ =	shalt  }
0x73: {  	_ =	shalt  }
0x74: {  	_ =	shalt  }
0x75: {  	_ =	shalt  }
0x76: {  	_ =	shalt  }
0x77: {  	_ =	shalt  }
0x78: {  	_ =	shalt  }
0x79: {  	_ =	shalt  }
0x7a: {  	_ =	shalt  }
0x7b: {  	_ =	shalt  }
0x7c: {  	_ =	shalt  }
0x7d: {  	_ =	shalt  }
0x7e: {  	_ =	shalt  }
0x7f: {  	_ =	shalt  }
0x80: {  	_ =	shalt  }
0x81: {  	_ =	shalt  }
0x82: {  	_ =	shalt  }
0x83: {  	_ =	shalt  }
0x84: {  	_ =	shalt  }
0x85: {  	_ =	shalt  }
0x86: {  	_ =	shalt  }
0x87: {  	_ =	shalt  }
.Lfunc_end0:
.L_simem_size_0:
called_computation.3_lowered:
.L_overlay_start_0:
0x88: {  	s2 =	sld [smem:$0x3FD9]  }
0x89: {  	s3 =	sld [smem:$0x3FFE];
	_ =	sdelay $0x1  }
0x8a: {  	s1 =	srdreg.scid  }
0x8b: {  	s0 =	sand.u32 $0x1, s1  }
0x8c: {  	s16 =	sshll.u32 s0, $0xA;
	s2 =	sadd.s32 s3, s2  }
0x8d: {  	s2 =	sadd.s32 s2, s16  }
0x8e: {  	[smem:$0x3FC1] =	sst s2  }
0x8f: {  	_ = 	snop  }
0x90: {  	(tm) =	ssettm $0x1  }
0x91: {  	s17 =	sld [smem:$0x3FFB];
	_ =	sdelay $0x3  }
0x92: {  	_ =	strace s17  }
0x93: {  	s2 =	sld [smem:$0x3FFC];
	_ =	sdelay $0x3  }
0x94: {  	_ =	strace s2  }
0x95: {  	s2 =	sld [smem:$0x3FFD];
	_ =	sdelay $0x3  }
0x96: {  	_ =	strace s2  }
0x97: {  	_ =	strace $0x8FFFFFFF  }
0x98: {  	s18 =	sld [smem:$0x3FDB];
	_ =	sdelay $0x1  }
0x99: {  	s19 =	simm.s32 $_scs_section_size  }
0x9a: {  	s4 =	simm.s32 $_size__tile_overlayer_lowered;
	s5 =	simm.s32 $_tile_overlayer_lowered  }
0x9b: {  	s22 =	simm.s32 $0x1BFF;
	s21 =	sshll.u32 s5, $0x1;
	s2 =	sadd.s32 s19, s18  }
0x9c: {  	s6 =	simm.s32 $0x0;
	s20 =	sshll.u32 s4, $0x1;
	s4 =	sadd.s32 s21, s2  }
0x9d: {  	[timem:s6], [sflag:s22] =	dma.local [hbm:s4], s20  }
0x9e: {  	_ =	swait.ge [sflag:s22], s20  }
0x9f: {  	s3 =	ssub.s32 $0x0, s20;
	[sflag:s22] =	ssyncset.done $0x0  }
0xa0: {  	[sflag:s22] =	ssyncadd.s32 s3;
	_ =	sdelay $0x1  }
0xa1: {  	s23 =	simm.s32 $0x1B8B  }
0xa2: {  	_ =	swait.ge [sflag:s23], $0x1  }
0xa3: {  	[sflag:s23] =	ssyncset.done $0x0  }
0xa4: {  	s25 =	simm.s32 $0x1B8E;
	s24 =	sld [smem:$0x3FFE];
	[sflag:s23] =	ssyncadd.s32 $0xFFFFFFFF  }
0xa5: {  	s26 =	simm.s32 $execute0_lowered;
	[smem:$0x3FD2] =	sst s25  }
0xa6: {  	s4 =	sshll.u32 s26, $0x1;
	_ =	strace $0x8000004F;
	[dreg:$0x1] =	wrdreg $0xFFFFFFFF  }
0xa7: {  	s28 =	simm.s32 $_size_execute0_lowered;
	s2 =	sadd.s32 s2, s4;
	[dreg:$0x0] =	wrdreg $0x0  }
0xa8: {  	s4 =	sshll.u32 s28, $0x1;
	[dreg:$0x2] =	wrdreg s2  }
0xa9: {  	[dreg:$0x3] =	wrdreg s4  }
0xaa: {  	[dreg:$0x4] =	wrdreg $0xC0  }
0xab: {  	_ =	task [dreg:s6], $0x5FFFF  }
0xac: {  	[dreg:$0x1] =	wrdreg $0xFFFFFFFF  }
0xad: {  	[dreg:$0x0] =	wrdreg $0x60  }
0xae: {  	[dreg:$0x2] =	wrdreg s24  }
0xaf: {  	[dreg:$0x3] =	wrdreg $0x9  }
0xb0: {  	_ =	task.clear_ibuf [dreg:s6], $0x4FFFF;
	_ =	strace $0x9000004F  }
0xb1: {  	s29 =	simm.s32 $0x9;
	_ =	strace $0x80000051  }
0xb2: {  	_ =	swait.ge [sflag:s29], $0x1  }
0xb3: {  	[sflag:s29] =	ssyncadd.s32 $0xFFFFFFFF  }
0xb4: {  	_ =	strace $0x90000051  }
0xb5: {  	_ =	sfence  }
0xb6: {  	s30 =	sld [smem:$0x0];
	_ =	sdelay $0x2  }
0xb7: {  	s31 =	sshll.u32 s1, $0xD;
	s1 =	sshrl.u32 s1, $0x2  }
0xb8: {  	s3 =	sand.u32 $0x4000, s31;
	s1 =	sadd.s32 s1, s30  }
0xb9: {  	s0 =	sor.u32 s3, s0;
	s1 =	sshll.u32 s1, $0x11  }
0xba: {  	s0 =	sor.u32 s1, s0  }
0xbb: {  	s0 =	sadd.s32 $0x8F2B, s0  }
0xbc: {  	[sflag:s0] =	ssyncadd.remote.s32 $0x1  }
0xbd: {  	_ =	sfence.sel $0xFFFF  }
0xbe: {  	[dreg:$0x0] =	wrdreg $0xFFFFFFFF;
	(pc) =	sbr.abs _section_cstart, $3  }
0xbf: {  	[dreg:$0x1] =	wrdreg $0xFFFFFFFF  }
0xc0: {  	_ =	task.clear_ibuf [dreg:s6], $0x2FFFF;
	_ =	strace $0x9FFFFFFF  }
0xc1: {  	(tm) =	ssettm $0x7FFFFFFF  }
tec
execute0_lowered:
.L_overlay_start_1:
0x0: {  	(tag) =	ssettag $0x1  }
0x1: {  	s1 =	srdreg.scid;
	s0 =	stileid.u32  }
0x2: {  	s5 =	rddreg [dreg:$0x0];
	s2 =	simm.s32 $0x0;
	s10 =	simm.s32 $0x3  }
0x3: {  	s11 =	simm.s32 $0x1C00;
	s12 =	simm.s32 $0x80;
	s13 =	simm.s32 $0x3800  }
0x4: {  	s14 =	simm.s32 $0xB800;
	s15 =	simm.s32 $0x7800;
	s16 =	simm.s32 $0x1C80  }
0x5: {  	s17 =	simm.s32 $0xF800;
	s4 =	sand.u32 $0x1, s1;
	s3 =	sshll.u32 s0, $0x1  }
0x6: {  	s18 =	simm.s32 $0x1;
	s19 =	simm.s32 $0x13800;
	s6 =	sor.u32 s4, s3  }
0x7: {  	s20 =	simm.s32 $0x2;
	s21 =	simm.s32 $0x0;
	s7 =	smul.u32 $0x380, s6  }
.Ltmp0:
0x8: {  	s1 =	rddreg [dreg:$0x1];
	s8 =	ssub.s32 $0x2, s4;
	(pc) =	sbr.rel .LBB2_1-.Ltmp0, $4  }
0x9: {  	[smem:$0x7FF] =	sst s2;
	s9 =	sshrl.u32 s8, $0x1;
	s4 =	smul.u32 $0x38, s6  }
0xa: {  	_ =	strace $0x80000050;
	s3 =	sadd.s32 $0x1A00, s5;
	s9 =	ssub.s32 s8, s9  }
0xb: {  	s7 =	sadd.s32 s7, s5;
	s5 =	sadd.s32 $0x10E200, s5;
	s8 =	sor.u32 $0x1, s4  }
0xc: {  	s9 =	smax.u32 s9, $0x1;
	s6 =	sadd.s32 $0x100200, s7;
	s7 =	sadd.s32 $0x107200, s7  }
.LBB2_8:
0xd: {  	s21 =	sadd.s32 $0x1, s21  }
0xe: {  	p0 =	sne.s32 s21, s9  }
.Ltmp1:
0xf: {  	_ = 	snop;
	(pc) =	sbr.rel @!p0 .LBB2_9-.Ltmp1, $1  }
0x10: {  	_ =	sdelay $0x3  }
.LBB2_1:
0x11: {  	[tilespmem:s2], [sflag:$0x3] =	stream.linear.gather [hbm4b:s6+s2], $0x1C00, $0x38;
	[tilespmem:$0x17800] =	vst v63  }
0x12: {  	_ =	swait.ge [sflag:s10], $0x1C00  }
0x13: {  	[sflag:s10] =	ssyncset.done $0x0  }
0x14: {  	[sflag:s10] =	ssyncadd.s32 $0xFFFFE400  }
0x15: {  	[tilespmem:s11], [sflag:$0x3] =	stream.linear.gather [hbm4b:s7+s2], $0x1C00, $0x38;
	[tilespmem:$0x17800] =	vst v63  }
0x16: {  	_ =	swait.ge [sflag:s10], $0x1C00  }
0x17: {  	[sflag:s10] =	ssyncset.done $0x0  }
0x18: {  	[sflag:s10] =	ssyncadd.s32 $0xFFFFE400  }
0x19: {  	[tilespmem:s13], [sflag:$0x1] =	stream.indirect.gather [hbm4b:s3+s12], $0x80, s2, s12, $0xb8;
	[tilespmem:$0x17800] =	vst v63  }
0x1a: {  	_ = 	snop  }
0x1b: {  	[tilespmem:s14], [sflag:$0x1] =	stream.indirect.gather [hbm4b:s3+s12], $0x80, s11, s12, $0xb8;
	[tilespmem:$0x17800] =	vst v63  }
0x1c: {  	_ = 	snop  }
0x1d: {  	[tilespmem:s15], [sflag:$0x2] =	stream.indirect.gather [hbm4b:s3+s12], $0x80, s12, s12, $0xb8;
	[tilespmem:$0x17800] =	vst v63  }
0x1e: {  	s22 =	simm.s32 $0x0  }
0x1f: {  	[tilespmem:s17], [sflag:$0x2] =	stream.indirect.gather [hbm4b:s3+s12], $0x80, s16, s12, $0xb8;
	[tilespmem:$0x17800] =	vst v63  }
.LBB2_2:
0x20: {  	_ =	swait.ge [sflag:s18], $0x4000  }
0x21: {  	[sflag:s18] =	ssyncset.done $0x0  }
0x22: {  	[sflag:s18] =	ssyncadd.s32 $0xFFFFC000  }
0x23: {  	_ =	swait.ge [sflag:s18], $0x4000  }
0x24: {  	[sflag:s18] =	ssyncset.done $0x0  }
0x25: {  	s23 =	simm.s32 $0x0;
	[sflag:s18] =	ssyncadd.s32 $0xFFFFC000  }
0x26: {  	v0 =	vld [tilespmem:s23+$0x3800]  }
0x27: {  	v1 =	vld [tilespmem:s23+$0xB800]  }
0x28: {  	v2 =	vld [tilespmem:s23+$0x3810]  }
0x29: {  	v3 =	vld [tilespmem:s23+$0xB810]  }
0x2a: {  	v4 =	vld [tilespmem:s23+$0x3820]  }
0x2b: {  	v5 =	vld [tilespmem:s23+$0xB820]  }
0x2c: {  	v6 =	vld [tilespmem:s23+$0x3830]  }
0x2d: {  	v7 =	vld [tilespmem:s23+$0xB830]  }
0x2e: {  	v0 =	vmul.f32 v1, v0;
	v1 =	vmul.f32 v3, v2;
	v2 =	vld [tilespmem:s23+$0x3840]  }
0x2f: {  	v3 =	vld [tilespmem:s23+$0xB840]  }
0x30: {  	v8 =	vld [tilespmem:s23+$0xB850];
	v0 =	vadd.f32 v1, v0;
	v1 =	vmul.f32 v5, v4  }
0x31: {  	v5 =	vld [tilespmem:s23+$0x3850]  }
0x32: {  	v0 =	vadd.f32 v1, v0;
	v1 =	vmul.f32 v7, v6;
	v6 =	vld [tilespmem:s23+$0x3860]  }
0x33: {  	v7 =	vld [tilespmem:s23+$0xB860]  }
0x34: {  	v4 =	vld [tilespmem:s23+$0xB870];
	v2 =	vmul.f32 v3, v2;
	v9 =	vadd.f32 v1, v0  }
0x35: {  	s24 =	simm.s32 $0x80;
	v1 =	vld [tilespmem:s23+$0x3870]  }
0x36: {  	v3 =	vld [tilespmem:s24+$0x3810];
	v5 =	vmul.f32 v8, v5;
	v9 =	vadd.f32 v2, v9  }
0x37: {  	v0 =	vld [tilespmem:s24+$0x3800]  }
0x38: {  	s25 =	simm.s32 $0x400;
	v2 =	vld [tilespmem:s24+$0xB800];
	v6 =	vmul.f32 v7, v6;
	v5 =	vadd.f32 v5, v9  }
.LBB2_3:
0x39: {  	p0 =	sne.s32 s25, $0xFE00;
	v7 =	vld [tilespmem:s24+$0xB810]  }
0x3a: {  	v8 =	vld [tilespmem:s24+$0x3820];
	v5 =	vadd.f32 v6, v5;
	v1 =	vmul.f32 v4, v1  }
0x3b: {  	v4 =	vld [tilespmem:s24+$0xB820]  }
0x3c: {  	v6 =	vld [tilespmem:s24+$0x3830];
	v1 =	vadd.f32 v1, v5  }
0x3d: {  	v5 =	vld [tilespmem:s24+$0xB830]  }
0x3e: {  	v0 =	vmul.f32 v2, v0;
	v2 =	vmul.f32 v7, v3;
	v3 =	vld [tilespmem:s24+$0x3840];
	[tilespmem:s23+$0x13800] =	vst v1;
	s23 =	smov.u32 s24  }
0x3f: {  	v1 =	vld [tilespmem:s23+$0xB840]  }
0x40: {  	v0 =	vadd.f32 v2, v0;
	v2 =	vmul.f32 v4, v8;
	v7 =	vld [tilespmem:s23+$0x3850]  }
0x41: {  	v8 =	vld [tilespmem:s23+$0xB850]  }
0x42: {  	v0 =	vadd.f32 v2, v0;
	v2 =	vmul.f32 v5, v6;
	v6 =	vld [tilespmem:s23+$0x3860]  }
0x43: {  	v9 =	vld [tilespmem:s23+$0xB860]  }
.Ltmp2:
0x44: {  	v2 =	vadd.f32 v2, v0;
	v3 =	vmul.f32 v1, v3;
	v1 =	vld [tilespmem:s23+$0x3870];
	(pc) =	sbr.rel @p0 .LBB2_3-.Ltmp2, $4  }
0x45: {  	s24 =	sshra.s32 s25, $0x2;
	v4 =	vld [tilespmem:s23+$0xB870]  }
0x46: {  	v0 =	vld [tilespmem:s24+$0x3800];
	v5 =	vadd.f32 v3, v2;
	v7 =	vmul.f32 v8, v7  }
0x47: {  	v2 =	vld [tilespmem:s24+$0xB800]  }
0x48: {  	s25 =	sadd.s32 $0x200, s25;
	v3 =	vld [tilespmem:s24+$0x3810];
	v5 =	vadd.f32 v7, v5;
	v6 =	vmul.f32 v9, v6  }
0x49: {  	v7 =	vld [tilespmem:s24+$0xB810]  }
0x4a: {  	v8 =	vld [tilespmem:s24+$0x3820];
	v5 =	vadd.f32 v6, v5;
	v1 =	vmul.f32 v4, v1  }
0x4b: {  	v4 =	vld [tilespmem:s24+$0xB820]  }
0x4c: {  	v6 =	vld [tilespmem:s24+$0x3830];
	v1 =	vadd.f32 v1, v5  }
0x4d: {  	v5 =	vld [tilespmem:s24+$0xB830]  }
0x4e: {  	v9 =	vld [tilespmem:s24+$0x3840];
	v0 =	vmul.f32 v2, v0;
	v2 =	vmul.f32 v7, v3;
	[tilespmem:s23+$0x13800] =	vst v1  }
0x4f: {  	v1 =	vld [tilespmem:s24+$0xB840]  }
0x50: {  	v3 =	vld [tilespmem:s24+$0x3850];
	v0 =	vadd.f32 v2, v0;
	v2 =	vmul.f32 v4, v8  }
0x51: {  	v4 =	vld [tilespmem:s24+$0xB850]  }
0x52: {  	v0 =	vadd.f32 v2, v0;
	v2 =	vmul.f32 v5, v6;
	v5 =	vld [tilespmem:s24+$0x3860]  }
0x53: {  	v6 =	vld [tilespmem:s24+$0xB860]  }
0x54: {  	v7 =	vld [tilespmem:s24+$0xB870];
	v0 =	vadd.f32 v2, v0;
	v1 =	vmul.f32 v1, v9  }
0x55: {  	v2 =	vld [tilespmem:s24+$0x3870]  }
0x56: {  	v0 =	vadd.f32 v1, v0;
	v1 =	vmul.f32 v4, v3;
	_ =	sdelay $0x1  }
0x57: {  	v0 =	vadd.f32 v1, v0;
	v1 =	vmul.f32 v6, v5;
	_ =	sdelay $0x1  }
0x58: {  	v0 =	vadd.f32 v1, v0;
	v1 =	vmul.f32 v7, v2  }
0x59: {  	s23 =	sshll.u32 s22, $0x1  }
0x5a: {  	s25 =	sadd.s32 s4, s23;
	v0 =	vadd.f32 v1, v0  }
0x5b: {  	s25 =	sshll.u32 s25, $0xB  }
0x5c: {  	s31 =	sadd.s32 s5, s25;
	[tilespmem:s24+$0x13800] =	vst v0  }
0x5d: {  	[hbm4b:s31+s2] =	stream.linear.scatter [tilespmem:s19], [sflag:$0x3], $0x4000, $0x38;
	[tilespmem:$0x17800] =	vst v63  }
0x5e: {  	p0 =	seq.s32 s22, $0x1B;
	_ =	swait.ge [sflag:s10], $0x4000  }
0x5f: {  	s26 =	simm.s32 @!p0 $0x80;
	s24 =	sshll.u32 @!p0 s22, $0x8;
	[sflag:s10] =	ssyncset.done $0x0  }
0x60: {  	s28 =	simm.s32 @!p0 $0x3800;
	s25 =	sadd.s32 @!p0 $0x100, s24;
	[sflag:s10] =	ssyncadd.s32 $0xFFFFC000  }
0x61: {  	[tilespmem:s28], [sflag:$0x1] =	stream.indirect.gather @!p0 [hbm4b:s3+s26], $0x80, s25, s26, $0xb8;
	[tilespmem:$0x17800] =	vst v63  }
0x62: {  	s24 =	sadd.s32 @!p0 $0x1D00, s24;
	s25 =	simm.s32 @!p0 $0xB800  }
0x63: {  	[tilespmem:s25], [sflag:$0x1] =	stream.indirect.gather @!p0 [hbm4b:s3+s26], $0x80, s24, s26, $0xb8;
	[tilespmem:$0x17800] =	vst v63  }
0x64: {  	_ =	swait.ge [sflag:s20], $0x4000  }
0x65: {  	[sflag:s20] =	ssyncset.done $0x0  }
0x66: {  	[sflag:s20] =	ssyncadd.s32 $0xFFFFC000  }
0x67: {  	_ =	swait.ge [sflag:s20], $0x4000  }
0x68: {  	[sflag:s20] =	ssyncset.done $0x0  }
0x69: {  	s24 =	simm.s32 $0x0;
	[sflag:s20] =	ssyncadd.s32 $0xFFFFC000  }
0x6a: {  	v0 =	vld [tilespmem:s24+$0x7800]  }
0x6b: {  	v1 =	vld [tilespmem:s24+$0xF800]  }
0x6c: {  	v2 =	vld [tilespmem:s24+$0x7810]  }
0x6d: {  	v3 =	vld [tilespmem:s24+$0xF810]  }
0x6e: {  	v4 =	vld [tilespmem:s24+$0x7820]  }
0x6f: {  	v5 =	vld [tilespmem:s24+$0xF820]  }
0x70: {  	v6 =	vld [tilespmem:s24+$0x7830]  }
0x71: {  	v7 =	vld [tilespmem:s24+$0xF830]  }
0x72: {  	v0 =	vmul.f32 v1, v0;
	v1 =	vmul.f32 v3, v2;
	v2 =	vld [tilespmem:s24+$0x7840]  }
0x73: {  	v3 =	vld [tilespmem:s24+$0xF840]  }
0x74: {  	v8 =	vld [tilespmem:s24+$0xF850];
	v0 =	vadd.f32 v1, v0;
	v1 =	vmul.f32 v5, v4  }
0x75: {  	v5 =	vld [tilespmem:s24+$0x7850]  }
0x76: {  	v0 =	vadd.f32 v1, v0;
	v1 =	vmul.f32 v7, v6;
	v6 =	vld [tilespmem:s24+$0x7860]  }
0x77: {  	v7 =	vld [tilespmem:s24+$0xF860]  }
0x78: {  	v4 =	vld [tilespmem:s24+$0xF870];
	v2 =	vmul.f32 v3, v2;
	v63 =	vadd.f32 v1, v0  }
0x79: {  	s25 =	simm.s32 $0x80;
	v1 =	vld [tilespmem:s24+$0x7870]  }
0x7a: {  	v3 =	vld [tilespmem:s25+$0x7810];
	v5 =	vmul.f32 v8, v5;
	v9 =	vadd.f32 v2, v63  }
0x7b: {  	v0 =	vld [tilespmem:s25+$0x7800]  }
0x7c: {  	s26 =	simm.s32 $0x400;
	v2 =	vld [tilespmem:s25+$0xF800];
	v6 =	vmul.f32 v7, v6;
	v5 =	vadd.f32 v5, v9  }
.LBB2_5:
0x7d: {  	p1 =	sne.s32 s26, $0xFE00;
	v7 =	vld [tilespmem:s25+$0xF810]  }
0x7e: {  	v8 =	vld [tilespmem:s25+$0x7820];
	v5 =	vadd.f32 v6, v5;
	v1 =	vmul.f32 v4, v1  }
0x7f: {  	v4 =	vld [tilespmem:s25+$0xF820]  }
0x80: {  	v6 =	vld [tilespmem:s25+$0x7830];
	v1 =	vadd.f32 v1, v5  }
0x81: {  	v5 =	vld [tilespmem:s25+$0xF830]  }
0x82: {  	v0 =	vmul.f32 v2, v0;
	v2 =	vmul.f32 v7, v3;
	v3 =	vld [tilespmem:s25+$0x7840];
	[tilespmem:s24+$0x13800] =	vst v1;
	s24 =	smov.u32 s25  }
0x83: {  	v1 =	vld [tilespmem:s24+$0xF840]  }
0x84: {  	v0 =	vadd.f32 v2, v0;
	v2 =	vmul.f32 v4, v8;
	v7 =	vld [tilespmem:s24+$0x7850]  }
0x85: {  	v8 =	vld [tilespmem:s24+$0xF850]  }
0x86: {  	v0 =	vadd.f32 v2, v0;
	v2 =	vmul.f32 v5, v6;
	v6 =	vld [tilespmem:s24+$0x7860]  }
0x87: {  	v9 =	vld [tilespmem:s24+$0xF860]  }
.Ltmp3:
0x88: {  	v2 =	vadd.f32 v2, v0;
	v3 =	vmul.f32 v1, v3;
	v1 =	vld [tilespmem:s24+$0x7870];
	(pc) =	sbr.rel @p1 .LBB2_5-.Ltmp3, $4  }
0x89: {  	s25 =	sshra.s32 s26, $0x2;
	v4 =	vld [tilespmem:s24+$0xF870]  }
0x8a: {  	v0 =	vld [tilespmem:s25+$0x7800];
	v5 =	vadd.f32 v3, v2;
	v7 =	vmul.f32 v8, v7  }
0x8b: {  	v2 =	vld [tilespmem:s25+$0xF800]  }
0x8c: {  	s26 =	sadd.s32 $0x200, s26;
	v3 =	vld [tilespmem:s25+$0x7810];
	v5 =	vadd.f32 v7, v5;
	v6 =	vmul.f32 v9, v6  }
0x8d: {  	v7 =	vld [tilespmem:s25+$0xF810]  }
0x8e: {  	v8 =	vld [tilespmem:s25+$0x7820];
	v5 =	vadd.f32 v6, v5;
	v1 =	vmul.f32 v4, v1  }
0x8f: {  	v49 =	vld [tilespmem:s25+$0xF820]  }
0x90: {  	v50 =	vld [tilespmem:s25+$0x7830];
	v1 =	vadd.f32 v1, v5  }
0x91: {  	v51 =	vld [tilespmem:s25+$0xF830]  }
0x92: {  	v9 =	vld [tilespmem:s25+$0x7840];
	v0 =	vmul.f32 v2, v0;
	v52 =	vmul.f32 v7, v3;
	[tilespmem:s24+$0x13800] =	vst v1  }
0x93: {  	v1 =	vld [tilespmem:s25+$0xF840]  }
0x94: {  	v53 =	vmul.f32 v49, v8;
	v54 =	vld [tilespmem:s25+$0x7850];
	v0 =	vadd.f32 v52, v0  }
0x95: {  	v55 =	vld [tilespmem:s25+$0xF850]  }
0x96: {  	v56 =	vmul.f32 v51, v50;
	v57 =	vld [tilespmem:s25+$0x7860];
	v0 =	vadd.f32 v53, v0  }
0x97: {  	v58 =	vld [tilespmem:s25+$0xF860]  }
0x98: {  	v59 =	vld [tilespmem:s25+$0x7870];
	v0 =	vadd.f32 v56, v0;
	v1 =	vmul.f32 v1, v9  }
0x99: {  	v60 =	vld [tilespmem:s25+$0xF870]  }
0x9a: {  	v61 =	vmul.f32 v55, v54;
	v0 =	vadd.f32 v1, v0;
	_ =	sdelay $0x1  }
0x9b: {  	v62 =	vmul.f32 v58, v57;
	v0 =	vadd.f32 v61, v0;
	_ =	sdelay $0x1  }
0x9c: {  	v63 =	vmul.f32 v60, v59;
	v0 =	vadd.f32 v62, v0  }
0x9d: {  	s23 =	sadd.s32 s23, s8  }
0x9e: {  	s23 =	sshll.u32 s23, $0xB;
	v0 =	vadd.f32 v63, v0  }
0x9f: {  	s23 =	sand.u32 $0x1FFFF800, s23  }
.Ltmp4:
0xa0: {  	s23 =	sadd.s32 s5, s23;
	[tilespmem:s25+$0x13800] =	vst v0;
	(pc) =	sbr.rel @p0 .LBB2_8-.Ltmp4, $4  }
0xa1: {  	[hbm4b:s23+s2] =	stream.linear.scatter [tilespmem:s19], [sflag:$0x3], $0x4000, $0x38;
	[tilespmem:$0x17800] =	vst v63  }
0xa2: {  	_ =	swait.ge [sflag:s10], $0x4000  }
0xa3: {  	[sflag:s10] =	ssyncset.done $0x0  }
0xa4: {  	[sflag:s10] =	ssyncadd.s32 $0xFFFFC000  }
.Ltmp5:
0xa5: {  	s23 =	sshll.u32 s22, $0x8;
	(pc) =	sbr.rel .LBB2_2-.Ltmp5, $4  }
0xa6: {  	s24 =	sadd.s32 $0x180, s23  }
0xa7: {  	[tilespmem:s15], [sflag:$0x2] =	stream.indirect.gather [hbm4b:s3+s12], $0x80, s24, s12, $0xb8;
	[tilespmem:$0x17800] =	vst v63  }
0xa8: {  	s22 =	sadd.s32 $0x1, s22;
	s23 =	sadd.s32 $0x1D80, s23  }
0xa9: {  	[tilespmem:s17], [sflag:$0x2] =	stream.indirect.gather [hbm4b:s3+s12], $0x80, s23, s12, $0xb8;
	[tilespmem:$0x17800] =	vst v63  }
.LBB2_9:
0xaa: {  	_ =	sfence.sel $0x180000  }
0xab: {  	[bflag:$0x0] =	sbarrier.arrive $0xFFFF  }
0xac: {  	p0 =	sne.s32 s0, $0x0;
	_ =	strace $0x90000050  }
0xad: {  	s0 =	sadd.s32 @!p0 $0x100000, s1;
	[bflag:$0x2] =	sbarrier.arrive $0xFFFF  }
0xae: {  	[sflag:s0] =	ssyncadd.tile.s32 @!p0 $0x1;
	_ =	shalt  }
.Lfunc_end2:
_tile_overlayer_lowered:
.L_overlay_start_2:
0xaf: {  	(tag) =	ssettag $0x2  }
0xb0: {  	s0 =	rddreg [dreg:$0x0];
	s2 =	stileid.u32  }
0xb1: {  	s1 =	rddreg [dreg:$0x1];
	p0 =	sne.s32 s2, $0x0  }
0xb2: {  	s3 =	rddreg [dreg:$0x2];
	[bflag:$0x3] =	sbarrier.arrive $0xFFFF;
	s2 =	simm.s32 @!p0 $0x1C03  }
0xb3: {  	[timem:s3], [sflag:s2] =	dma.local @!p0 [hbm:s0], s1  }
0xb4: {  	s0 =	simm.s32 @!p0 $0x3  }
0xb5: {  	_ =	swait.ge @!p0 [sflag:s0], s1  }
0xb6: {  	s1 =	ssub.s32 @!p0 $0x0, s1;
	[sflag:s0] =	ssyncset.done @!p0 $0x0  }
0xb7: {  	[sflag:s0] =	ssyncadd.s32 @!p0 s1  }
0xb8: {  	[bflag:$0x3] =	sbarrier.arrive $0xFFFF  }
0xb9: {  	_ =	shalt  }

</sc_bundles>
